<compile_context>
chip_gen: v7x
topology: tpu7x:2x2x1
jax: 0.10.2.dev20260603
libtpu: 0.0.44.dev20260713+nightly
codegen_flags: <defaults>
</compile_context>

<pallas_src>
import functools

import jax
import jax.numpy as jnp
from jax import lax
from jax.experimental import pallas as pl
from jax.experimental.pallas import tpu as pltpu
from jax.experimental.pallas import tpu_sc as plsc

_N = 10000
_E = 320000
_IN = 226
_H = 64
_G = 16
_NP = 10240

_NC = 2
_NS = 16
_NW = _NC * _NS
_EW = _E // _NW
_CH = 80
_GB = 5
_NCH = _EW // _CH

_RB = 2000


def _sc_mesh():
    return plsc.VectorSubcoreMesh(core_axis_name="c", subcore_axis_name="s")


@functools.partial(
    pl.kernel,
    out_type=jax.ShapeDtypeStruct((_NC, _NP), jnp.float32),
    mesh=_sc_mesh(),
    scratch_types=[
        pltpu.VMEM((_NCH, _CH), jnp.int32),
        pltpu.VMEM((_CH,), jnp.float32),
        pltpu.VMEM_SHARED((_NP,), jnp.float32),
        pltpu.SemaphoreType.DMA,
        pltpu.SemaphoreType.DMA,
    ],
    compiler_params=pltpu.CompilerParams(use_tc_tiling_on_sc=False),
)
def _deg_kernel(dst_hbm, zeros_hbm, out_hbm, dstv, onesv, acc, csem, ssem):
    c = lax.axis_index("c")
    s = lax.axis_index("s")
    wid = s * _NC + c
    ones16 = jnp.full((16,), 1.0, dtype=jnp.float32)
    for i in range(_CH // 16):
        onesv[pl.ds(i * 16, 16)] = ones16
    rows = _NP // _NS
    pltpu.async_copy(zeros_hbm.at[pl.ds(s * rows, rows)],
                     acc.at[pl.ds(s * rows, rows)], csem)
    pltpu.async_copy(dst_hbm.at[wid], dstv, csem)
    pltpu.make_async_copy(zeros_hbm.at[pl.ds(s * rows, rows)],
                          acc.at[pl.ds(s * rows, rows)], csem).wait()
    pltpu.make_async_copy(dst_hbm.at[wid], dstv, csem).wait()
    plsc.subcore_barrier()

    def body(j, carry):
        pltpu.async_copy(onesv, acc.at[dstv.at[j]], ssem, add=True)
        return carry

    lax.fori_loop(0, _NCH, body, 0)

    def bwait(j, carry):
        pltpu.make_async_copy(onesv, acc.at[dstv.at[j]], ssem).wait()
        return carry

    lax.fori_loop(0, _NCH, bwait, 0)
    plsc.subcore_barrier()
    pltpu.sync_copy(acc.at[pl.ds(s * rows, rows)],
                    out_hbm.at[c, pl.ds(s * rows, rows)])


@functools.partial(
    pl.kernel,
    out_type=jax.ShapeDtypeStruct((_NC, _NP, _H), jnp.float32),
    mesh=_sc_mesh(),
    scratch_types=[
        pltpu.VMEM((_NCH, _CH), jnp.int32),
        pltpu.VMEM((_NCH, _CH), jnp.int32),
        pltpu.VMEM((_CH, _H), jnp.float32),
        pltpu.VMEM((2 * _GB, _CH, _H), jnp.float32),
        pltpu.VMEM_SHARED((_NP, _H), jnp.float32),
        pltpu.SemaphoreType.DMA,
        pltpu.SemaphoreType.DMA,
    ],
    compiler_params=pltpu.CompilerParams(use_tc_tiling_on_sc=False),
)
def _prop_kernel(y_hbm, src_hbm, dst_hbm, zeros_hbm, out_hbm,
                 srcv, dstv, zbuf, rowsv, acc, gsem, ssem):
    c = lax.axis_index("c")
    s = lax.axis_index("s")
    wid = s * _NC + c
    nrows = _NP // _NS
    pltpu.async_copy(zeros_hbm, zbuf, gsem)
    pltpu.async_copy(src_hbm.at[wid], srcv, gsem)
    pltpu.async_copy(dst_hbm.at[wid], dstv, gsem)
    pltpu.make_async_copy(zeros_hbm, zbuf, gsem).wait()
    for k in range(nrows // _CH):
        pltpu.async_copy(zbuf, acc.at[pl.ds(s * nrows + k * _CH, _CH)], ssem)
    pltpu.make_async_copy(src_hbm.at[wid], srcv, gsem).wait()
    pltpu.make_async_copy(dst_hbm.at[wid], dstv, gsem).wait()
    for k in range(nrows // _CH):
        pltpu.make_async_copy(zbuf, acc.at[pl.ds(s * nrows + k * _CH, _CH)],
                              ssem).wait()
    plsc.subcore_barrier()

    ng = _NCH // _GB
    for b in range(_GB):
        pltpu.async_copy(y_hbm.at[srcv.at[b]], rowsv.at[b], gsem)

    def gbody(g, carry):
        p = lax.rem(g, 2)
        for b in range(_GB):
            j = g * _GB + b
            buf = p * _GB + b
            pltpu.make_async_copy(y_hbm.at[srcv.at[j]], rowsv.at[buf],
                                  gsem).wait()
            pltpu.async_copy(rowsv.at[buf], acc.at[dstv.at[j]], ssem,
                             add=True)

        @pl.when(g < ng - 1)
        def _next_gathers():
            for b in range(_GB):
                j2 = (g + 1) * _GB + b
                pltpu.async_copy(y_hbm.at[srcv.at[j2]],
                                 rowsv.at[(1 - p) * _GB + b], gsem)

        for b in range(_GB):
            pltpu.make_async_copy(rowsv.at[p * _GB + b],
                                  acc.at[dstv.at[g * _GB + b]], ssem).wait()
        return carry

    lax.fori_loop(0, ng, gbody, 0)
    plsc.subcore_barrier()
    pltpu.sync_copy(acc.at[pl.ds(s * nrows, nrows)],
                    out_hbm.at[c, pl.ds(s * nrows, nrows)])


def _tc1_body(x_ref, w_ref, d0_ref, d1_ref, y_ref):
    dinv = lax.rsqrt(1.0 + d0_ref[...] + d1_ref[...])
    xw = jnp.dot(x_ref[...], w_ref[...], preferred_element_type=jnp.float32)
    y_ref[...] = xw * dinv


def _tcl_body(y_ref, pa_ref, pb_ref, d0_ref, d1_ref, b_ref, w_ref, yn_ref):
    dinv = lax.rsqrt(1.0 + d0_ref[...] + d1_ref[...])
    h = dinv * (y_ref[...] + pa_ref[0] + pb_ref[0]) + b_ref[...]
    h = jnp.maximum(h, 0.0)
    yn_ref[...] = jnp.dot(h, w_ref[...], preferred_element_type=jnp.float32) * dinv


def _final_body(y_ref, pa_ref, pb_ref, d0_ref, d1_ref, b_ref, batch_ref,
                wlin_ref, blin_ref, out_ref, sums_ref, cnts_ref):
    i = pl.program_id(0)

    @pl.when(i == 0)
    def _init():
        sums_ref[...] = jnp.zeros_like(sums_ref)
        cnts_ref[...] = jnp.zeros_like(cnts_ref)

    dinv = lax.rsqrt(1.0 + d0_ref[...] + d1_ref[...])
    h = dinv * (y_ref[...] + pa_ref[0] + pb_ref[0]) + b_ref[...]
    h = jnp.maximum(h, 0.0)
    g = lax.broadcasted_iota(jnp.int32, (1, _G), 1)
    mask = (batch_ref[...] == g).astype(jnp.float32)
    sums_ref[...] += lax.dot_general(
        mask, h, (((0,), (0,)), ((), ())), preferred_element_type=jnp.float32)
    ones = jnp.ones((_RB, 1), jnp.float32)
    cnts_ref[...] += lax.dot_general(
        mask, ones, (((0,), (0,)), ((), ())), preferred_element_type=jnp.float32)

    @pl.when(i == pl.num_programs(0) - 1)
    def _fin():
        pooled = sums_ref[...] / jnp.maximum(cnts_ref[...], 1.0)
        out_ref[...] = (jnp.dot(pooled, wlin_ref[...],
                                preferred_element_type=jnp.float32)
                        + blin_ref[...])


def _row_spec(i_dim):
    return pl.BlockSpec((_RB, i_dim), lambda i: (i, 0))


def _part_spec(core):
    return pl.BlockSpec((1, _RB, _H), lambda i, c=core: (c, i, 0))


def _const_spec(shape):
    nd = len(shape)
    return pl.BlockSpec(shape, lambda i: (0,) * nd)


def kernel(x, edge_index, batch, W1, b1, W2, b2, W3, b3, Wlin, blin):
    src2d = edge_index[0].reshape(_NW, _NCH, _CH)
    dst2d = edge_index[1].reshape(_NW, _NCH, _CH)
    zeros1 = jnp.zeros((_NP,), jnp.float32)
    zeros2 = jnp.zeros((_CH, _H), jnp.float32)

    degp = _deg_kernel(dst2d, zeros1)
    deg0 = degp[0, :_N, None]
    deg1 = degp[1, :_N, None]

    grid = (_N // _RB,)

    y1 = pl.pallas_call(
        _tc1_body,
        grid=grid,
        in_specs=[
            _row_spec(_IN),
            _const_spec((_IN, _H)),
            _row_spec(1),
            _row_spec(1),
        ],
        out_specs=_row_spec(_H),
        out_shape=jax.ShapeDtypeStruct((_N, _H), jnp.float32),
    )(x, W1, deg0, deg1)

    def layer(y, b, w):
        p = _prop_kernel(y, src2d, dst2d, zeros2)
        return pl.pallas_call(
            _tcl_body,
            grid=grid,
            in_specs=[
                _row_spec(_H), _part_spec(0), _part_spec(1),
                _row_spec(1), _row_spec(1),
                _const_spec((1, _H)), _const_spec((_H, _H)),
            ],
            out_specs=_row_spec(_H),
            out_shape=jax.ShapeDtypeStruct((_N, _H), jnp.float32),
        )(y, p, p, deg0, deg1, b.reshape(1, _H), w)

    y2 = layer(y1, b1, W2)
    y3 = layer(y2, b2, W3)

    p3 = _prop_kernel(y3, src2d, dst2d, zeros2)
    out = pl.pallas_call(
        _final_body,
        grid=grid,
        in_specs=[
            _row_spec(_H), _part_spec(0), _part_spec(1),
            _row_spec(1), _row_spec(1),
            _const_spec((1, _H)),
            _row_spec(1),
            _const_spec((_H, 1)), _const_spec((1, 1)),
        ],
        out_specs=_const_spec((_G, 1)),
        out_shape=jax.ShapeDtypeStruct((_G, 1), jnp.float32),
        scratch_shapes=[
            pltpu.VMEM((_G, _H), jnp.float32),
            pltpu.VMEM((_G, 1), jnp.float32),
        ],
    )(y3, p3, p3, deg0, deg1, b3.reshape(1, _H),
      batch[:, None], Wlin, blin.reshape(1, 1))
    return out

# --- scband reference (transcript-rebuilt; emitter-appended) ---
"""Pipeline reference for scband-gcn-12292196401223 (READ-ONLY COPY).

The authoritative reference and input builder live on the scoring server;
editing this copy changes nothing except your own understanding.
"""

import jax, jax.numpy as jnp
import numpy as np

N = 10000
E = 320000
IN_DIM = 226
H = 64
G = 16


def setup_inputs(seed: int = 0) -> dict:
    key = jax.random.key(seed)
    ks = jax.random.split(key, 12)
    x = jax.random.normal(ks[0], (N, IN_DIM), dtype=jnp.float32)
    edge_index = jax.random.randint(ks[1], (2, E), 0, N, dtype=jnp.int32)
    batch = jnp.sort(jax.random.randint(ks[2], (N,), 0, G, dtype=jnp.int32))
    W1 = jax.random.normal(ks[3], (IN_DIM, H), dtype=jnp.float32) * (1.0 / np.sqrt(IN_DIM))
    b1 = jnp.zeros((H,), dtype=jnp.float32)
    W2 = jax.random.normal(ks[4], (H, H), dtype=jnp.float32) * (1.0 / np.sqrt(H))
    b2 = jnp.zeros((H,), dtype=jnp.float32)
    W3 = jax.random.normal(ks[5], (H, H), dtype=jnp.float32) * (1.0 / np.sqrt(H))
    b3 = jnp.zeros((H,), dtype=jnp.float32)
    Wlin = jax.random.normal(ks[6], (H, 1), dtype=jnp.float32) * (1.0 / np.sqrt(H))
    blin = jnp.zeros((1,), dtype=jnp.float32)
    return {"x": x, "edge_index": edge_index, "batch": batch,
            "W1": W1, "b1": b1, "W2": W2, "b2": b2, "W3": W3, "b3": b3,
            "Wlin": Wlin, "blin": blin}


def _gcn_conv(x, src, dst, W, b):
    n = x.shape[0]
    xw = x @ W
    deg = jnp.zeros((n,), dtype=x.dtype).at[dst].add(1.0)
    dinv = jnp.where(deg > 0, jax.lax.rsqrt(jnp.maximum(deg, 1e-12)), 0.0)
    norm = dinv[src] * dinv[dst]
    msg = xw[src] * norm[:, None]
    out = jnp.zeros((n, xw.shape[1]), dtype=x.dtype).at[dst].add(msg)
    return out + b


def reference(x, edge_index, batch, W1, b1, W2, b2, W3, b3, Wlin, blin):
    n = x.shape[0]
    loops = jnp.arange(n, dtype=edge_index.dtype)
    src = jnp.concatenate([edge_index[0], loops])
    dst = jnp.concatenate([edge_index[1], loops])
    h = jax.nn.relu(_gcn_conv(x, src, dst, W1, b1))
    h = jax.nn.relu(_gcn_conv(h, src, dst, W2, b2))
    h = jax.nn.relu(_gcn_conv(h, src, dst, W3, b3))
    sums = jax.ops.segment_sum(h, batch, num_segments=G)
    cnts = jax.ops.segment_sum(jnp.ones((n,), dtype=h.dtype), batch, num_segments=G)
    pooled = sums / jnp.maximum(cnts, 1.0)[:, None]
    return pooled @ Wlin + blin

if __name__ == "__main__":
    import jax
    _d = setup_inputs()
    print(jax.jit(kernel)(*tuple(_d.values())))

</pallas_src>

<mosaic_0001>
#map = affine_map<(d0, d1) -> (0, 0)>
#map1 = affine_map<(d0, d1) -> (0, 0, 0)>
module attributes {stable_mosaic.version = 14 : i64} {
  func.func @_prop_kernel(%arg0: i32, %arg1: i32, %arg2: memref<10000x64xf32, #tpu.memory_space<hbm>>, %arg3: memref<32x125x80xi32, #tpu.memory_space<hbm>>, %arg4: memref<32x125x80xi32, #tpu.memory_space<hbm>>, %arg5: memref<80x64xf32, #tpu.memory_space<hbm>>, %arg6: memref<2x10240x64xf32, #tpu.memory_space<hbm>>, %arg7: memref<125x80xi32, #tpu.memory_space<vmem>>, %arg8: memref<125x80xi32, #tpu.memory_space<vmem>>, %arg9: memref<80x64xf32, #tpu.memory_space<vmem>>, %arg10: memref<10x80x64xf32, #tpu.memory_space<vmem>>, %arg11: memref<10240x64xf32, #tpu.memory_space<vmem_shared>>, %arg12: memref<!tpu.dma_semaphore, #tpu.memory_space<semaphore_mem>>, %arg13: memref<!tpu.dma_semaphore, #tpu.memory_space<semaphore_mem>>) attributes {dimension_semantics = [#tpu.dimension_semantics<core_parallel>, #tpu.dimension_semantics<subcore_parallel>], iteration_bounds = array<i64: 2, 16>, scalar_prefetch = 0 : i64, scratch_operands = 7 : i64, tpu.core_type = #tpu.core_type<sc_vector_subcore>, window_params = [{transform_indices = #map}, {transform_indices = #map1}, {transform_indices = #map1}, {transform_indices = #map}, {transform_indices = #map1}]} {
    %mul3A = arith.constant 2 : i32
    %mul3A_0 = arith.muli %arg1, %mul3A : i32
    %add3A = arith.addi %mul3A_0, %arg0 : i32
    tpu.enqueue_dma source(%arg5 : memref<80x64xf32, #tpu.memory_space<hbm>>) target(%arg9 : memref<80x64xf32, #tpu.memory_space<vmem>>) target_semaphore(%arg12 : memref<!tpu.dma_semaphore, #tpu.memory_space<semaphore_mem>>)
    %dma_start3A = arith.constant 0 : i32
    %dma_start3A_1 = arith.constant 0 : i32
    %dma_start3A_2 = tpu.memref_slice %arg3[%add3A, %dma_start3A, %dma_start3A_1] : memref<32x125x80xi32, #tpu.memory_space<hbm>> -> memref<1x125x80xi32, #tpu.memory_space<hbm>>
    %dma_start3A_3 = tpu.memref_squeeze %dma_start3A_2 : memref<1x125x80xi32, #tpu.memory_space<hbm>> -> memref<125x80xi32, #tpu.memory_space<hbm>>
    %dma_start3A_4 = arith.constant 0 : i32
    %dma_start3A_5 = arith.constant 0 : i32
    %dma_start3A_6 = tpu.memref_slice %arg3[%add3A, %dma_start3A_4, %dma_start3A_5] : memref<32x125x80xi32, #tpu.memory_space<hbm>> -> memref<1x125x80xi32, #tpu.memory_space<hbm>>
    %dma_start3A_7 = tpu.memref_squeeze %dma_start3A_6 : memref<1x125x80xi32, #tpu.memory_space<hbm>> -> memref<125x80xi32, #tpu.memory_space<hbm>>
    tpu.enqueue_dma source(%dma_start3A_7 : memref<125x80xi32, #tpu.memory_space<hbm>>) target(%arg7 : memref<125x80xi32, #tpu.memory_space<vmem>>) target_semaphore(%arg12 : memref<!tpu.dma_semaphore, #tpu.memory_space<semaphore_mem>>)
    %dma_start3A_8 = arith.constant 0 : i32
    %dma_start3A_9 = arith.constant 0 : i32
    %dma_start3A_10 = tpu.memref_slice %arg4[%add3A, %dma_start3A_8, %dma_start3A_9] : memref<32x125x80xi32, #tpu.memory_space<hbm>> -> memref<1x125x80xi32, #tpu.memory_space<hbm>>
    %dma_start3A_11 = tpu.memref_squeeze %dma_start3A_10 : memref<1x125x80xi32, #tpu.memory_space<hbm>> -> memref<125x80xi32, #tpu.memory_space<hbm>>
    %dma_start3A_12 = arith.constant 0 : i32
    %dma_start3A_13 = arith.constant 0 : i32
    %dma_start3A_14 = tpu.memref_slice %arg4[%add3A, %dma_start3A_12, %dma_start3A_13] : memref<32x125x80xi32, #tpu.memory_space<hbm>> -> memref<1x125x80xi32, #tpu.memory_space<hbm>>
    %dma_start3A_15 = tpu.memref_squeeze %dma_start3A_14 : memref<1x125x80xi32, #tpu.memory_space<hbm>> -> memref<125x80xi32, #tpu.memory_space<hbm>>
    tpu.enqueue_dma source(%dma_start3A_15 : memref<125x80xi32, #tpu.memory_space<hbm>>) target(%arg8 : memref<125x80xi32, #tpu.memory_space<vmem>>) target_semaphore(%arg12 : memref<!tpu.dma_semaphore, #tpu.memory_space<semaphore_mem>>)
    tpu.wait_dma2 semaphore(%arg12 : memref<!tpu.dma_semaphore, #tpu.memory_space<semaphore_mem>>) src(%arg5 : memref<80x64xf32, #tpu.memory_space<hbm>>) dst(%arg9 : memref<80x64xf32, #tpu.memory_space<vmem>>)
    %mul3A_16 = arith.constant 640 : i32
    %mul3A_17 = arith.muli %arg1, %mul3A_16 : i32
    %add3A_18 = arith.constant 0 : i32
    %add3A_19 = arith.addi %mul3A_17, %add3A_18 : i32
    %dma_start3A_20 = arith.constant 0 : i32
    %dma_start3A_21 = tpu.memref_slice %arg11[%add3A_19, %dma_start3A_20] : memref<10240x64xf32, #tpu.memory_space<vmem_shared>> -> memref<80x64xf32, #tpu.memory_space<vmem_shared>>
    %dma_start3A_22 = arith.constant 0 : i32
    %dma_start3A_23 = tpu.memref_slice %arg11[%add3A_19, %dma_start3A_22] : memref<10240x64xf32, #tpu.memory_space<vmem_shared>> -> memref<80x64xf32, #tpu.memory_space<vmem_shared>>
    tpu.enqueue_dma source(%arg9 : memref<80x64xf32, #tpu.memory_space<vmem>>) target(%dma_start3A_23 : memref<80x64xf32, #tpu.memory_space<vmem_shared>>) target_semaphore(%arg13 : memref<!tpu.dma_semaphore, #tpu.memory_space<semaphore_mem>>)
    %mul3A_24 = arith.constant 640 : i32
    %mul3A_25 = arith.muli %arg1, %mul3A_24 : i32
    %add3A_26 = arith.constant 80 : i32
    %add3A_27 = arith.addi %mul3A_25, %add3A_26 : i32
    %dma_start3A_28 = arith.constant 0 : i32
    %dma_start3A_29 = tpu.memref_slice %arg11[%add3A_27, %dma_start3A_28] : memref<10240x64xf32, #tpu.memory_space<vmem_shared>> -> memref<80x64xf32, #tpu.memory_space<vmem_shared>>
    %dma_start3A_30 = arith.constant 0 : i32
    %dma_start3A_31 = tpu.memref_slice %arg11[%add3A_27, %dma_start3A_30] : memref<10240x64xf32, #tpu.memory_space<vmem_shared>> -> memref<80x64xf32, #tpu.memory_space<vmem_shared>>
    tpu.enqueue_dma source(%arg9 : memref<80x64xf32, #tpu.memory_space<vmem>>) target(%dma_start3A_31 : memref<80x64xf32, #tpu.memory_space<vmem_shared>>) target_semaphore(%arg13 : memref<!tpu.dma_semaphore, #tpu.memory_space<semaphore_mem>>)
    %mul3A_32 = arith.constant 640 : i32
    %mul3A_33 = arith.muli %arg1, %mul3A_32 : i32
    %add3A_34 = arith.constant 160 : i32
    %add3A_35 = arith.addi %mul3A_33, %add3A_34 : i32
    %dma_start3A_36 = arith.constant 0 : i32
    %dma_start3A_37 = tpu.memref_slice %arg11[%add3A_35, %dma_start3A_36] : memref<10240x64xf32, #tpu.memory_space<vmem_shared>> -> memref<80x64xf32, #tpu.memory_space<vmem_shared>>
    %dma_start3A_38 = arith.constant 0 : i32
    %dma_start3A_39 = tpu.memref_slice %arg11[%add3A_35, %dma_start3A_38] : memref<10240x64xf32, #tpu.memory_space<vmem_shared>> -> memref<80x64xf32, #tpu.memory_space<vmem_shared>>
    tpu.enqueue_dma source(%arg9 : memref<80x64xf32, #tpu.memory_space<vmem>>) target(%dma_start3A_39 : memref<80x64xf32, #tpu.memory_space<vmem_shared>>) target_semaphore(%arg13 : memref<!tpu.dma_semaphore, #tpu.memory_space<semaphore_mem>>)
    %mul3A_40 = arith.constant 640 : i32
    %mul3A_41 = arith.muli %arg1, %mul3A_40 : i32
    %add3A_42 = arith.constant 240 : i32
    %add3A_43 = arith.addi %mul3A_41, %add3A_42 : i32
    %dma_start3A_44 = arith.constant 0 : i32
    %dma_start3A_45 = tpu.memref_slice %arg11[%add3A_43, %dma_start3A_44] : memref<10240x64xf32, #tpu.memory_space<vmem_shared>> -> memref<80x64xf32, #tpu.memory_space<vmem_shared>>
    %dma_start3A_46 = arith.constant 0 : i32
    %dma_start3A_47 = tpu.memref_slice %arg11[%add3A_43, %dma_start3A_46] : memref<10240x64xf32, #tpu.memory_space<vmem_shared>> -> memref<80x64xf32, #tpu.memory_space<vmem_shared>>
    tpu.enqueue_dma source(%arg9 : memref<80x64xf32, #tpu.memory_space<vmem>>) target(%dma_start3A_47 : memref<80x64xf32, #tpu.memory_space<vmem_shared>>) target_semaphore(%arg13 : memref<!tpu.dma_semaphore, #tpu.memory_space<semaphore_mem>>)
    %mul3A_48 = arith.constant 640 : i32
    %mul3A_49 = arith.muli %arg1, %mul3A_48 : i32
    %add3A_50 = arith.constant 320 : i32
    %add3A_51 = arith.addi %mul3A_49, %add3A_50 : i32
    %dma_start3A_52 = arith.constant 0 : i32
    %dma_start3A_53 = tpu.memref_slice %arg11[%add3A_51, %dma_start3A_52] : memref<10240x64xf32, #tpu.memory_space<vmem_shared>> -> memref<80x64xf32, #tpu.memory_space<vmem_shared>>
    %dma_start3A_54 = arith.constant 0 : i32
    %dma_start3A_55 = tpu.memref_slice %arg11[%add3A_51, %dma_start3A_54] : memref<10240x64xf32, #tpu.memory_space<vmem_shared>> -> memref<80x64xf32, #tpu.memory_space<vmem_shared>>
    tpu.enqueue_dma source(%arg9 : memref<80x64xf32, #tpu.memory_space<vmem>>) target(%dma_start3A_55 : memref<80x64xf32, #tpu.memory_space<vmem_shared>>) target_semaphore(%arg13 : memref<!tpu.dma_semaphore, #tpu.memory_space<semaphore_mem>>)
    %mul3A_56 = arith.constant 640 : i32
    %mul3A_57 = arith.muli %arg1, %mul3A_56 : i32
    %add3A_58 = arith.constant 400 : i32
    %add3A_59 = arith.addi %mul3A_57, %add3A_58 : i32
    %dma_start3A_60 = arith.constant 0 : i32
    %dma_start3A_61 = tpu.memref_slice %arg11[%add3A_59, %dma_start3A_60] : memref<10240x64xf32, #tpu.memory_space<vmem_shared>> -> memref<80x64xf32, #tpu.memory_space<vmem_shared>>
    %dma_start3A_62 = arith.constant 0 : i32
    %dma_start3A_63 = tpu.memref_slice %arg11[%add3A_59, %dma_start3A_62] : memref<10240x64xf32, #tpu.memory_space<vmem_shared>> -> memref<80x64xf32, #tpu.memory_space<vmem_shared>>
    tpu.enqueue_dma source(%arg9 : memref<80x64xf32, #tpu.memory_space<vmem>>) target(%dma_start3A_63 : memref<80x64xf32, #tpu.memory_space<vmem_shared>>) target_semaphore(%arg13 : memref<!tpu.dma_semaphore, #tpu.memory_space<semaphore_mem>>)
    %mul3A_64 = arith.constant 640 : i32
    %mul3A_65 = arith.muli %arg1, %mul3A_64 : i32
    %add3A_66 = arith.constant 480 : i32
    %add3A_67 = arith.addi %mul3A_65, %add3A_66 : i32
    %dma_start3A_68 = arith.constant 0 : i32
    %dma_start3A_69 = tpu.memref_slice %arg11[%add3A_67, %dma_start3A_68] : memref<10240x64xf32, #tpu.memory_space<vmem_shared>> -> memref<80x64xf32, #tpu.memory_space<vmem_shared>>
    %dma_start3A_70 = arith.constant 0 : i32
    %dma_start3A_71 = tpu.memref_slice %arg11[%add3A_67, %dma_start3A_70] : memref<10240x64xf32, #tpu.memory_space<vmem_shared>> -> memref<80x64xf32, #tpu.memory_space<vmem_shared>>
    tpu.enqueue_dma source(%arg9 : memref<80x64xf32, #tpu.memory_space<vmem>>) target(%dma_start3A_71 : memref<80x64xf32, #tpu.memory_space<vmem_shared>>) target_semaphore(%arg13 : memref<!tpu.dma_semaphore, #tpu.memory_space<semaphore_mem>>)
    %mul3A_72 = arith.constant 640 : i32
    %mul3A_73 = arith.muli %arg1, %mul3A_72 : i32
    %add3A_74 = arith.constant 560 : i32
    %add3A_75 = arith.addi %mul3A_73, %add3A_74 : i32
    %dma_start3A_76 = arith.constant 0 : i32
    %dma_start3A_77 = tpu.memref_slice %arg11[%add3A_75, %dma_start3A_76] : memref<10240x64xf32, #tpu.memory_space<vmem_shared>> -> memref<80x64xf32, #tpu.memory_space<vmem_shared>>
    %dma_start3A_78 = arith.constant 0 : i32
    %dma_start3A_79 = tpu.memref_slice %arg11[%add3A_75, %dma_start3A_78] : memref<10240x64xf32, #tpu.memory_space<vmem_shared>> -> memref<80x64xf32, #tpu.memory_space<vmem_shared>>
    tpu.enqueue_dma source(%arg9 : memref<80x64xf32, #tpu.memory_space<vmem>>) target(%dma_start3A_79 : memref<80x64xf32, #tpu.memory_space<vmem_shared>>) target_semaphore(%arg13 : memref<!tpu.dma_semaphore, #tpu.memory_space<semaphore_mem>>)
    %dma_wait3A = arith.constant 0 : i32
    %dma_wait3A_80 = arith.constant 0 : i32
    %dma_wait3A_81 = tpu.memref_slice %arg3[%add3A, %dma_wait3A, %dma_wait3A_80] : memref<32x125x80xi32, #tpu.memory_space<hbm>> -> memref<1x125x80xi32, #tpu.memory_space<hbm>>
    %dma_wait3A_82 = tpu.memref_squeeze %dma_wait3A_81 : memref<1x125x80xi32, #tpu.memory_space<hbm>> -> memref<125x80xi32, #tpu.memory_space<hbm>>
    %dma_wait3A_83 = arith.constant 0 : i32
    %dma_wait3A_84 = arith.constant 0 : i32
    %dma_wait3A_85 = tpu.memref_slice %arg3[%add3A, %dma_wait3A_83, %dma_wait3A_84] : memref<32x125x80xi32, #tpu.memory_space<hbm>> -> memref<1x125x80xi32, #tpu.memory_space<hbm>>
    %dma_wait3A_86 = tpu.memref_squeeze %dma_wait3A_85 : memref<1x125x80xi32, #tpu.memory_space<hbm>> -> memref<125x80xi32, #tpu.memory_space<hbm>>
    tpu.wait_dma2 semaphore(%arg12 : memref<!tpu.dma_semaphore, #tpu.memory_space<semaphore_mem>>) src(%dma_wait3A_86 : memref<125x80xi32, #tpu.memory_space<hbm>>) dst(%arg7 : memref<125x80xi32, #tpu.memory_space<vmem>>)
    %dma_wait3A_87 = arith.constant 0 : i32
    %dma_wait3A_88 = arith.constant 0 : i32
    %dma_wait3A_89 = tpu.memref_slice %arg4[%add3A, %dma_wait3A_87, %dma_wait3A_88] : memref<32x125x80xi32, #tpu.memory_space<hbm>> -> memref<1x125x80xi32, #tpu.memory_space<hbm>>
    %dma_wait3A_90 = tpu.memref_squeeze %dma_wait3A_89 : memref<1x125x80xi32, #tpu.memory_space<hbm>> -> memref<125x80xi32, #tpu.memory_space<hbm>>
    %dma_wait3A_91 = arith.constant 0 : i32
    %dma_wait3A_92 = arith.constant 0 : i32
    %dma_wait3A_93 = tpu.memref_slice %arg4[%add3A, %dma_wait3A_91, %dma_wait3A_92] : memref<32x125x80xi32, #tpu.memory_space<hbm>> -> memref<1x125x80xi32, #tpu.memory_space<hbm>>
    %dma_wait3A_94 = tpu.memref_squeeze %dma_wait3A_93 : memref<1x125x80xi32, #tpu.memory_space<hbm>> -> memref<125x80xi32, #tpu.memory_space<hbm>>
    tpu.wait_dma2 semaphore(%arg12 : memref<!tpu.dma_semaphore, #tpu.memory_space<semaphore_mem>>) src(%dma_wait3A_94 : memref<125x80xi32, #tpu.memory_space<hbm>>) dst(%arg8 : memref<125x80xi32, #tpu.memory_space<vmem>>)
    %mul3A_95 = arith.constant 640 : i32
    %mul3A_96 = arith.muli %arg1, %mul3A_95 : i32
    %add3A_97 = arith.constant 0 : i32
    %add3A_98 = arith.addi %mul3A_96, %add3A_97 : i32
    %dma_wait3A_99 = arith.constant 0 : i32
    %dma_wait3A_100 = tpu.memref_slice %arg11[%add3A_98, %dma_wait3A_99] : memref<10240x64xf32, #tpu.memory_space<vmem_shared>> -> memref<80x64xf32, #tpu.memory_space<vmem_shared>>
    %dma_wait3A_101 = arith.constant 0 : i32
    %dma_wait3A_102 = tpu.memref_slice %arg11[%add3A_98, %dma_wait3A_101] : memref<10240x64xf32, #tpu.memory_space<vmem_shared>> -> memref<80x64xf32, #tpu.memory_space<vmem_shared>>
    tpu.wait_dma2 semaphore(%arg13 : memref<!tpu.dma_semaphore, #tpu.memory_space<semaphore_mem>>) src(%arg9 : memref<80x64xf32, #tpu.memory_space<vmem>>) dst(%dma_wait3A_102 : memref<80x64xf32, #tpu.memory_space<vmem_shared>>)
    %mul3A_103 = arith.constant 640 : i32
    %mul3A_104 = arith.muli %arg1, %mul3A_103 : i32
    %add3A_105 = arith.constant 80 : i32
    %add3A_106 = arith.addi %mul3A_104, %add3A_105 : i32
    %dma_wait3A_107 = arith.constant 0 : i32
    %dma_wait3A_108 = tpu.memref_slice %arg11[%add3A_106, %dma_wait3A_107] : memref<10240x64xf32, #tpu.memory_space<vmem_shared>> -> memref<80x64xf32, #tpu.memory_space<vmem_shared>>
    %dma_wait3A_109 = arith.constant 0 : i32
    %dma_wait3A_110 = tpu.memref_slice %arg11[%add3A_106, %dma_wait3A_109] : memref<10240x64xf32, #tpu.memory_space<vmem_shared>> -> memref<80x64xf32, #tpu.memory_space<vmem_shared>>
    tpu.wait_dma2 semaphore(%arg13 : memref<!tpu.dma_semaphore, #tpu.memory_space<semaphore_mem>>) src(%arg9 : memref<80x64xf32, #tpu.memory_space<vmem>>) dst(%dma_wait3A_110 : memref<80x64xf32, #tpu.memory_space<vmem_shared>>)
    %mul3A_111 = arith.constant 640 : i32
    %mul3A_112 = arith.muli %arg1, %mul3A_111 : i32
    %add3A_113 = arith.constant 160 : i32
    %add3A_114 = arith.addi %mul3A_112, %add3A_113 : i32
    %dma_wait3A_115 = arith.constant 0 : i32
    %dma_wait3A_116 = tpu.memref_slice %arg11[%add3A_114, %dma_wait3A_115] : memref<10240x64xf32, #tpu.memory_space<vmem_shared>> -> memref<80x64xf32, #tpu.memory_space<vmem_shared>>
    %dma_wait3A_117 = arith.constant 0 : i32
    %dma_wait3A_118 = tpu.memref_slice %arg11[%add3A_114, %dma_wait3A_117] : memref<10240x64xf32, #tpu.memory_space<vmem_shared>> -> memref<80x64xf32, #tpu.memory_space<vmem_shared>>
    tpu.wait_dma2 semaphore(%arg13 : memref<!tpu.dma_semaphore, #tpu.memory_space<semaphore_mem>>) src(%arg9 : memref<80x64xf32, #tpu.memory_space<vmem>>) dst(%dma_wait3A_118 : memref<80x64xf32, #tpu.memory_space<vmem_shared>>)
    %mul3A_119 = arith.constant 640 : i32
    %mul3A_120 = arith.muli %arg1, %mul3A_119 : i32
    %add3A_121 = arith.constant 240 : i32
    %add3A_122 = arith.addi %mul3A_120, %add3A_121 : i32
    %dma_wait3A_123 = arith.constant 0 : i32
    %dma_wait3A_124 = tpu.memref_slice %arg11[%add3A_122, %dma_wait3A_123] : memref<10240x64xf32, #tpu.memory_space<vmem_shared>> -> memref<80x64xf32, #tpu.memory_space<vmem_shared>>
    %dma_wait3A_125 = arith.constant 0 : i32
    %dma_wait3A_126 = tpu.memref_slice %arg11[%add3A_122, %dma_wait3A_125] : memref<10240x64xf32, #tpu.memory_space<vmem_shared>> -> memref<80x64xf32, #tpu.memory_space<vmem_shared>>
    tpu.wait_dma2 semaphore(%arg13 : memref<!tpu.dma_semaphore, #tpu.memory_space<semaphore_mem>>) src(%arg9 : memref<80x64xf32, #tpu.memory_space<vmem>>) dst(%dma_wait3A_126 : memref<80x64xf32, #tpu.memory_space<vmem_shared>>)
    %mul3A_127 = arith.constant 640 : i32
    %mul3A_128 = arith.muli %arg1, %mul3A_127 : i32
    %add3A_129 = arith.constant 320 : i32
    %add3A_130 = arith.addi %mul3A_128, %add3A_129 : i32
    %dma_wait3A_131 = arith.constant 0 : i32
    %dma_wait3A_132 = tpu.memref_slice %arg11[%add3A_130, %dma_wait3A_131] : memref<10240x64xf32, #tpu.memory_space<vmem_shared>> -> memref<80x64xf32, #tpu.memory_space<vmem_shared>>
    %dma_wait3A_133 = arith.constant 0 : i32
    %dma_wait3A_134 = tpu.memref_slice %arg11[%add3A_130, %dma_wait3A_133] : memref<10240x64xf32, #tpu.memory_space<vmem_shared>> -> memref<80x64xf32, #tpu.memory_space<vmem_shared>>
    tpu.wait_dma2 semaphore(%arg13 : memref<!tpu.dma_semaphore, #tpu.memory_space<semaphore_mem>>) src(%arg9 : memref<80x64xf32, #tpu.memory_space<vmem>>) dst(%dma_wait3A_134 : memref<80x64xf32, #tpu.memory_space<vmem_shared>>)
    %mul3A_135 = arith.constant 640 : i32
    %mul3A_136 = arith.muli %arg1, %mul3A_135 : i32
    %add3A_137 = arith.constant 400 : i32
    %add3A_138 = arith.addi %mul3A_136, %add3A_137 : i32
    %dma_wait3A_139 = arith.constant 0 : i32
    %dma_wait3A_140 = tpu.memref_slice %arg11[%add3A_138, %dma_wait3A_139] : memref<10240x64xf32, #tpu.memory_space<vmem_shared>> -> memref<80x64xf32, #tpu.memory_space<vmem_shared>>
    %dma_wait3A_141 = arith.constant 0 : i32
    %dma_wait3A_142 = tpu.memref_slice %arg11[%add3A_138, %dma_wait3A_141] : memref<10240x64xf32, #tpu.memory_space<vmem_shared>> -> memref<80x64xf32, #tpu.memory_space<vmem_shared>>
    tpu.wait_dma2 semaphore(%arg13 : memref<!tpu.dma_semaphore, #tpu.memory_space<semaphore_mem>>) src(%arg9 : memref<80x64xf32, #tpu.memory_space<vmem>>) dst(%dma_wait3A_142 : memref<80x64xf32, #tpu.memory_space<vmem_shared>>)
    %mul3A_143 = arith.constant 640 : i32
    %mul3A_144 = arith.muli %arg1, %mul3A_143 : i32
    %add3A_145 = arith.constant 480 : i32
    %add3A_146 = arith.addi %mul3A_144, %add3A_145 : i32
    %dma_wait3A_147 = arith.constant 0 : i32
    %dma_wait3A_148 = tpu.memref_slice %arg11[%add3A_146, %dma_wait3A_147] : memref<10240x64xf32, #tpu.memory_space<vmem_shared>> -> memref<80x64xf32, #tpu.memory_space<vmem_shared>>
    %dma_wait3A_149 = arith.constant 0 : i32
    %dma_wait3A_150 = tpu.memref_slice %arg11[%add3A_146, %dma_wait3A_149] : memref<10240x64xf32, #tpu.memory_space<vmem_shared>> -> memref<80x64xf32, #tpu.memory_space<vmem_shared>>
    tpu.wait_dma2 semaphore(%arg13 : memref<!tpu.dma_semaphore, #tpu.memory_space<semaphore_mem>>) src(%arg9 : memref<80x64xf32, #tpu.memory_space<vmem>>) dst(%dma_wait3A_150 : memref<80x64xf32, #tpu.memory_space<vmem_shared>>)
    %mul3A_151 = arith.constant 640 : i32
    %mul3A_152 = arith.muli %arg1, %mul3A_151 : i32
    %add3A_153 = arith.constant 560 : i32
    %add3A_154 = arith.addi %mul3A_152, %add3A_153 : i32
    %dma_wait3A_155 = arith.constant 0 : i32
    %dma_wait3A_156 = tpu.memref_slice %arg11[%add3A_154, %dma_wait3A_155] : memref<10240x64xf32, #tpu.memory_space<vmem_shared>> -> memref<80x64xf32, #tpu.memory_space<vmem_shared>>
    %dma_wait3A_157 = arith.constant 0 : i32
    %dma_wait3A_158 = tpu.memref_slice %arg11[%add3A_154, %dma_wait3A_157] : memref<10240x64xf32, #tpu.memory_space<vmem_shared>> -> memref<80x64xf32, #tpu.memory_space<vmem_shared>>
    tpu.wait_dma2 semaphore(%arg13 : memref<!tpu.dma_semaphore, #tpu.memory_space<semaphore_mem>>) src(%arg9 : memref<80x64xf32, #tpu.memory_space<vmem>>) dst(%dma_wait3A_158 : memref<80x64xf32, #tpu.memory_space<vmem_shared>>)
    %barrier3A = arith.constant 0 : index
    tpu.barrier barrier_id(%barrier3A)
    %dma_start3A_159 = arith.constant 0 : i32
    %dma_start3A_160 = arith.constant 0 : i32
    %dma_start3A_161 = arith.constant 0 : i32
    %dma_start3A_162 = arith.constant 0 : i32
    %dma_start3A_163 = tpu.memref_slice %arg10[%dma_start3A_160, %dma_start3A_161, %dma_start3A_162] : memref<10x80x64xf32, #tpu.memory_space<vmem>> -> memref<1x80x64xf32, #tpu.memory_space<vmem>>
    %dma_start3A_164 = tpu.memref_squeeze %dma_start3A_163 : memref<1x80x64xf32, #tpu.memory_space<vmem>> -> memref<80x64xf32, #tpu.memory_space<vmem>>
    %dma_start3A_165 = arith.constant 0 : i32
    %dma_start3A_166 = tpu.memref_slice %arg7[%dma_start3A_159, %dma_start3A_165] : memref<125x80xi32, #tpu.memory_space<vmem>> -> memref<1x80xi32, #tpu.memory_space<vmem>>
    %dma_start3A_167 = tpu.memref_squeeze %dma_start3A_166 : memref<1x80xi32, #tpu.memory_space<vmem>> -> memref<80xi32, #tpu.memory_space<vmem>>
    %dma_start3A_168 = arith.constant 0 : i32
    %dma_start3A_169 = arith.constant 0 : i32
    %dma_start3A_170 = tpu.memref_slice %arg2[%dma_start3A_168, %dma_start3A_169] : memref<10000x64xf32, #tpu.memory_space<hbm>> -> memref<10000x64xf32, #tpu.memory_space<hbm>>
    tpu.enqueue_indirect_dma source(%dma_start3A_170 : memref<10000x64xf32, #tpu.memory_space<hbm>>) target(%dma_start3A_164 : memref<80x64xf32, #tpu.memory_space<vmem>>) offsets(%dma_start3A_167 : memref<80xi32, #tpu.memory_space<vmem>>) semaphore(%arg12 : memref<!tpu.dma_semaphore, #tpu.memory_space<semaphore_mem>>)
    %dma_start3A_171 = arith.constant 1 : i32
    %dma_start3A_172 = arith.constant 1 : i32
    %dma_start3A_173 = arith.constant 0 : i32
    %dma_start3A_174 = arith.constant 0 : i32
    %dma_start3A_175 = tpu.memref_slice %arg10[%dma_start3A_172, %dma_start3A_173, %dma_start3A_174] : memref<10x80x64xf32, #tpu.memory_space<vmem>> -> memref<1x80x64xf32, #tpu.memory_space<vmem>>
    %dma_start3A_176 = tpu.memref_squeeze %dma_start3A_175 : memref<1x80x64xf32, #tpu.memory_space<vmem>> -> memref<80x64xf32, #tpu.memory_space<vmem>>
    %dma_start3A_177 = arith.constant 0 : i32
    %dma_start3A_178 = tpu.memref_slice %arg7[%dma_start3A_171, %dma_start3A_177] : memref<125x80xi32, #tpu.memory_space<vmem>> -> memref<1x80xi32, #tpu.memory_space<vmem>>
    %dma_start3A_179 = tpu.memref_squeeze %dma_start3A_178 : memref<1x80xi32, #tpu.memory_space<vmem>> -> memref<80xi32, #tpu.memory_space<vmem>>
    %dma_start3A_180 = arith.constant 0 : i32
    %dma_start3A_181 = arith.constant 0 : i32
    %dma_start3A_182 = tpu.memref_slice %arg2[%dma_start3A_180, %dma_start3A_181] : memref<10000x64xf32, #tpu.memory_space<hbm>> -> memref<10000x64xf32, #tpu.memory_space<hbm>>
    tpu.enqueue_indirect_dma source(%dma_start3A_182 : memref<10000x64xf32, #tpu.memory_space<hbm>>) target(%dma_start3A_176 : memref<80x64xf32, #tpu.memory_space<vmem>>) offsets(%dma_start3A_179 : memref<80xi32, #tpu.memory_space<vmem>>) semaphore(%arg12 : memref<!tpu.dma_semaphore, #tpu.memory_space<semaphore_mem>>)
    %dma_start3A_183 = arith.constant 2 : i32
    %dma_start3A_184 = arith.constant 2 : i32
    %dma_start3A_185 = arith.constant 0 : i32
    %dma_start3A_186 = arith.constant 0 : i32
    %dma_start3A_187 = tpu.memref_slice %arg10[%dma_start3A_184, %dma_start3A_185, %dma_start3A_186] : memref<10x80x64xf32, #tpu.memory_space<vmem>> -> memref<1x80x64xf32, #tpu.memory_space<vmem>>
    %dma_start3A_188 = tpu.memref_squeeze %dma_start3A_187 : memref<1x80x64xf32, #tpu.memory_space<vmem>> -> memref<80x64xf32, #tpu.memory_space<vmem>>
    %dma_start3A_189 = arith.constant 0 : i32
    %dma_start3A_190 = tpu.memref_slice %arg7[%dma_start3A_183, %dma_start3A_189] : memref<125x80xi32, #tpu.memory_space<vmem>> -> memref<1x80xi32, #tpu.memory_space<vmem>>
    %dma_start3A_191 = tpu.memref_squeeze %dma_start3A_190 : memref<1x80xi32, #tpu.memory_space<vmem>> -> memref<80xi32, #tpu.memory_space<vmem>>
    %dma_start3A_192 = arith.constant 0 : i32
    %dma_start3A_193 = arith.constant 0 : i32
    %dma_start3A_194 = tpu.memref_slice %arg2[%dma_start3A_192, %dma_start3A_193] : memref<10000x64xf32, #tpu.memory_space<hbm>> -> memref<10000x64xf32, #tpu.memory_space<hbm>>
    tpu.enqueue_indirect_dma source(%dma_start3A_194 : memref<10000x64xf32, #tpu.memory_space<hbm>>) target(%dma_start3A_188 : memref<80x64xf32, #tpu.memory_space<vmem>>) offsets(%dma_start3A_191 : memref<80xi32, #tpu.memory_space<vmem>>) semaphore(%arg12 : memref<!tpu.dma_semaphore, #tpu.memory_space<semaphore_mem>>)
    %dma_start3A_195 = arith.constant 3 : i32
    %dma_start3A_196 = arith.constant 3 : i32
    %dma_start3A_197 = arith.constant 0 : i32
    %dma_start3A_198 = arith.constant 0 : i32
    %dma_start3A_199 = tpu.memref_slice %arg10[%dma_start3A_196, %dma_start3A_197, %dma_start3A_198] : memref<10x80x64xf32, #tpu.memory_space<vmem>> -> memref<1x80x64xf32, #tpu.memory_space<vmem>>
    %dma_start3A_200 = tpu.memref_squeeze %dma_start3A_199 : memref<1x80x64xf32, #tpu.memory_space<vmem>> -> memref<80x64xf32, #tpu.memory_space<vmem>>
    %dma_start3A_201 = arith.constant 0 : i32
    %dma_start3A_202 = tpu.memref_slice %arg7[%dma_start3A_195, %dma_start3A_201] : memref<125x80xi32, #tpu.memory_space<vmem>> -> memref<1x80xi32, #tpu.memory_space<vmem>>
    %dma_start3A_203 = tpu.memref_squeeze %dma_start3A_202 : memref<1x80xi32, #tpu.memory_space<vmem>> -> memref<80xi32, #tpu.memory_space<vmem>>
    %dma_start3A_204 = arith.constant 0 : i32
    %dma_start3A_205 = arith.constant 0 : i32
    %dma_start3A_206 = tpu.memref_slice %arg2[%dma_start3A_204, %dma_start3A_205] : memref<10000x64xf32, #tpu.memory_space<hbm>> -> memref<10000x64xf32, #tpu.memory_space<hbm>>
    tpu.enqueue_indirect_dma source(%dma_start3A_206 : memref<10000x64xf32, #tpu.memory_space<hbm>>) target(%dma_start3A_200 : memref<80x64xf32, #tpu.memory_space<vmem>>) offsets(%dma_start3A_203 : memref<80xi32, #tpu.memory_space<vmem>>) semaphore(%arg12 : memref<!tpu.dma_semaphore, #tpu.memory_space<semaphore_mem>>)
    %dma_start3A_207 = arith.constant 4 : i32
    %dma_start3A_208 = arith.constant 4 : i32
    %dma_start3A_209 = arith.constant 0 : i32
    %dma_start3A_210 = arith.constant 0 : i32
    %dma_start3A_211 = tpu.memref_slice %arg10[%dma_start3A_208, %dma_start3A_209, %dma_start3A_210] : memref<10x80x64xf32, #tpu.memory_space<vmem>> -> memref<1x80x64xf32, #tpu.memory_space<vmem>>
    %dma_start3A_212 = tpu.memref_squeeze %dma_start3A_211 : memref<1x80x64xf32, #tpu.memory_space<vmem>> -> memref<80x64xf32, #tpu.memory_space<vmem>>
    %dma_start3A_213 = arith.constant 0 : i32
    %dma_start3A_214 = tpu.memref_slice %arg7[%dma_start3A_207, %dma_start3A_213] : memref<125x80xi32, #tpu.memory_space<vmem>> -> memref<1x80xi32, #tpu.memory_space<vmem>>
    %dma_start3A_215 = tpu.memref_squeeze %dma_start3A_214 : memref<1x80xi32, #tpu.memory_space<vmem>> -> memref<80xi32, #tpu.memory_space<vmem>>
    %dma_start3A_216 = arith.constant 0 : i32
    %dma_start3A_217 = arith.constant 0 : i32
    %dma_start3A_218 = tpu.memref_slice %arg2[%dma_start3A_216, %dma_start3A_217] : memref<10000x64xf32, #tpu.memory_space<hbm>> -> memref<10000x64xf32, #tpu.memory_space<hbm>>
    tpu.enqueue_indirect_dma source(%dma_start3A_218 : memref<10000x64xf32, #tpu.memory_space<hbm>>) target(%dma_start3A_212 : memref<80x64xf32, #tpu.memory_space<vmem>>) offsets(%dma_start3A_215 : memref<80xi32, #tpu.memory_space<vmem>>) semaphore(%arg12 : memref<!tpu.dma_semaphore, #tpu.memory_space<semaphore_mem>>)
    %scan3A = arith.constant 0 : i32
    %scan3A_219 = arith.constant 0 : i32
    %scan3A_220 = arith.constant 25 : i32
    %scan3A_221 = arith.addi %scan3A_219, %scan3A_220 : i32
    %scan3A_222 = arith.constant 1 : i32
    scf.for %scan3A_229 = %scan3A_219 to %scan3A_221 step %scan3A_222  : i32 {
      %rem3A = arith.constant 2 : i32
      %rem3A_230 = arith.remsi %scan3A_229, %rem3A : i32
      %mul3A_231 = arith.constant 5 : i32
      %mul3A_232 = arith.muli %scan3A_229, %mul3A_231 : i32
      %add3A_233 = arith.constant 0 : i32
      %add3A_234 = arith.addi %mul3A_232, %add3A_233 : i32
      %mul3A_235 = arith.constant 5 : i32
      %mul3A_236 = arith.muli %rem3A_230, %mul3A_235 : i32
      %add3A_237 = arith.constant 0 : i32
      %add3A_238 = arith.addi %mul3A_236, %add3A_237 : i32
      %dma_wait3A_239 = arith.constant 0 : i32
      %dma_wait3A_240 = arith.constant 0 : i32
      %dma_wait3A_241 = tpu.memref_slice %arg10[%add3A_238, %dma_wait3A_239, %dma_wait3A_240] : memref<10x80x64xf32, #tpu.memory_space<vmem>> -> memref<1x80x64xf32, #tpu.memory_space<vmem>>
      %dma_wait3A_242 = tpu.memref_squeeze %dma_wait3A_241 : memref<1x80x64xf32, #tpu.memory_space<vmem>> -> memref<80x64xf32, #tpu.memory_space<vmem>>
      %dma_wait3A_243 = arith.constant 0 : i32
      %dma_wait3A_244 = tpu.memref_slice %arg7[%add3A_234, %dma_wait3A_243] : memref<125x80xi32, #tpu.memory_space<vmem>> -> memref<1x80xi32, #tpu.memory_space<vmem>>
      %dma_wait3A_245 = tpu.memref_squeeze %dma_wait3A_244 : memref<1x80xi32, #tpu.memory_space<vmem>> -> memref<80xi32, #tpu.memory_space<vmem>>
      %dma_wait3A_246 = arith.constant 0 : i32
      %dma_wait3A_247 = arith.constant 0 : i32
      %dma_wait3A_248 = tpu.memref_slice %arg2[%dma_wait3A_246, %dma_wait3A_247] : memref<10000x64xf32, #tpu.memory_space<hbm>> -> memref<10000x64xf32, #tpu.memory_space<hbm>>
      tpu.wait_indirect_dma semaphore(%arg12 : memref<!tpu.dma_semaphore, #tpu.memory_space<semaphore_mem>>) src(%dma_wait3A_248 : memref<10000x64xf32, #tpu.memory_space<hbm>>) dst(%dma_wait3A_242 : memref<80x64xf32, #tpu.memory_space<vmem>>)
      %dma_start3A_249 = arith.constant 0 : i32
      %dma_start3A_250 = arith.constant 0 : i32
      %dma_start3A_251 = tpu.memref_slice %arg10[%add3A_238, %dma_start3A_249, %dma_start3A_250] : memref<10x80x64xf32, #tpu.memory_space<vmem>> -> memref<1x80x64xf32, #tpu.memory_space<vmem>>
      %dma_start3A_252 = tpu.memref_squeeze %dma_start3A_251 : memref<1x80x64xf32, #tpu.memory_space<vmem>> -> memref<80x64xf32, #tpu.memory_space<vmem>>
      %dma_start3A_253 = arith.constant 0 : i32
      %dma_start3A_254 = tpu.memref_slice %arg8[%add3A_234, %dma_start3A_253] : memref<125x80xi32, #tpu.memory_space<vmem>> -> memref<1x80xi32, #tpu.memory_space<vmem>>
      %dma_start3A_255 = tpu.memref_squeeze %dma_start3A_254 : memref<1x80xi32, #tpu.memory_space<vmem>> -> memref<80xi32, #tpu.memory_space<vmem>>
      %dma_start3A_256 = arith.constant 0 : i32
      %dma_start3A_257 = arith.constant 0 : i32
      %dma_start3A_258 = tpu.memref_slice %arg11[%dma_start3A_256, %dma_start3A_257] : memref<10240x64xf32, #tpu.memory_space<vmem_shared>> -> memref<10240x64xf32, #tpu.memory_space<vmem_shared>>
      tpu.enqueue_indirect_dma source(%dma_start3A_252 : memref<80x64xf32, #tpu.memory_space<vmem>>) target(%dma_start3A_258 : memref<10240x64xf32, #tpu.memory_space<vmem_shared>>) offsets(%dma_start3A_255 : memref<80xi32, #tpu.memory_space<vmem>>) semaphore(%arg13 : memref<!tpu.dma_semaphore, #tpu.memory_space<semaphore_mem>>) {add = true}
      %mul3A_259 = arith.constant 5 : i32
      %mul3A_260 = arith.muli %scan3A_229, %mul3A_259 : i32
      %add3A_261 = arith.constant 1 : i32
      %add3A_262 = arith.addi %mul3A_260, %add3A_261 : i32
      %mul3A_263 = arith.constant 5 : i32
      %mul3A_264 = arith.muli %rem3A_230, %mul3A_263 : i32
      %add3A_265 = arith.constant 1 : i32
      %add3A_266 = arith.addi %mul3A_264, %add3A_265 : i32
      %dma_wait3A_267 = arith.constant 0 : i32
      %dma_wait3A_268 = arith.constant 0 : i32
      %dma_wait3A_269 = tpu.memref_slice %arg10[%add3A_266, %dma_wait3A_267, %dma_wait3A_268] : memref<10x80x64xf32, #tpu.memory_space<vmem>> -> memref<1x80x64xf32, #tpu.memory_space<vmem>>
      %dma_wait3A_270 = tpu.memref_squeeze %dma_wait3A_269 : memref<1x80x64xf32, #tpu.memory_space<vmem>> -> memref<80x64xf32, #tpu.memory_space<vmem>>
      %dma_wait3A_271 = arith.constant 0 : i32
      %dma_wait3A_272 = tpu.memref_slice %arg7[%add3A_262, %dma_wait3A_271] : memref<125x80xi32, #tpu.memory_space<vmem>> -> memref<1x80xi32, #tpu.memory_space<vmem>>
      %dma_wait3A_273 = tpu.memref_squeeze %dma_wait3A_272 : memref<1x80xi32, #tpu.memory_space<vmem>> -> memref<80xi32, #tpu.memory_space<vmem>>
      %dma_wait3A_274 = arith.constant 0 : i32
      %dma_wait3A_275 = arith.constant 0 : i32
      %dma_wait3A_276 = tpu.memref_slice %arg2[%dma_wait3A_274, %dma_wait3A_275] : memref<10000x64xf32, #tpu.memory_space<hbm>> -> memref<10000x64xf32, #tpu.memory_space<hbm>>
      tpu.wait_indirect_dma semaphore(%arg12 : memref<!tpu.dma_semaphore, #tpu.memory_space<semaphore_mem>>) src(%dma_wait3A_276 : memref<10000x64xf32, #tpu.memory_space<hbm>>) dst(%dma_wait3A_270 : memref<80x64xf32, #tpu.memory_space<vmem>>)
      %dma_start3A_277 = arith.constant 0 : i32
      %dma_start3A_278 = arith.constant 0 : i32
      %dma_start3A_279 = tpu.memref_slice %arg10[%add3A_266, %dma_start3A_277, %dma_start3A_278] : memref<10x80x64xf32, #tpu.memory_space<vmem>> -> memref<1x80x64xf32, #tpu.memory_space<vmem>>
      %dma_start3A_280 = tpu.memref_squeeze %dma_start3A_279 : memref<1x80x64xf32, #tpu.memory_space<vmem>> -> memref<80x64xf32, #tpu.memory_space<vmem>>
      %dma_start3A_281 = arith.constant 0 : i32
      %dma_start3A_282 = tpu.memref_slice %arg8[%add3A_262, %dma_start3A_281] : memref<125x80xi32, #tpu.memory_space<vmem>> -> memref<1x80xi32, #tpu.memory_space<vmem>>
      %dma_start3A_283 = tpu.memref_squeeze %dma_start3A_282 : memref<1x80xi32, #tpu.memory_space<vmem>> -> memref<80xi32, #tpu.memory_space<vmem>>
      %dma_start3A_284 = arith.constant 0 : i32
      %dma_start3A_285 = arith.constant 0 : i32
      %dma_start3A_286 = tpu.memref_slice %arg11[%dma_start3A_284, %dma_start3A_285] : memref<10240x64xf32, #tpu.memory_space<vmem_shared>> -> memref<10240x64xf32, #tpu.memory_space<vmem_shared>>
      tpu.enqueue_indirect_dma source(%dma_start3A_280 : memref<80x64xf32, #tpu.memory_space<vmem>>) target(%dma_start3A_286 : memref<10240x64xf32, #tpu.memory_space<vmem_shared>>) offsets(%dma_start3A_283 : memref<80xi32, #tpu.memory_space<vmem>>) semaphore(%arg13 : memref<!tpu.dma_semaphore, #tpu.memory_space<semaphore_mem>>) {add = true}
      %mul3A_287 = arith.constant 5 : i32
      %mul3A_288 = arith.muli %scan3A_229, %mul3A_287 : i32
      %add3A_289 = arith.constant 2 : i32
      %add3A_290 = arith.addi %mul3A_288, %add3A_289 : i32
      %mul3A_291 = arith.constant 5 : i32
      %mul3A_292 = arith.muli %rem3A_230, %mul3A_291 : i32
      %add3A_293 = arith.constant 2 : i32
      %add3A_294 = arith.addi %mul3A_292, %add3A_293 : i32
      %dma_wait3A_295 = arith.constant 0 : i32
      %dma_wait3A_296 = arith.constant 0 : i32
      %dma_wait3A_297 = tpu.memref_slice %arg10[%add3A_294, %dma_wait3A_295, %dma_wait3A_296] : memref<10x80x64xf32, #tpu.memory_space<vmem>> -> memref<1x80x64xf32, #tpu.memory_space<vmem>>
      %dma_wait3A_298 = tpu.memref_squeeze %dma_wait3A_297 : memref<1x80x64xf32, #tpu.memory_space<vmem>> -> memref<80x64xf32, #tpu.memory_space<vmem>>
      %dma_wait3A_299 = arith.constant 0 : i32
      %dma_wait3A_300 = tpu.memref_slice %arg7[%add3A_290, %dma_wait3A_299] : memref<125x80xi32, #tpu.memory_space<vmem>> -> memref<1x80xi32, #tpu.memory_space<vmem>>
      %dma_wait3A_301 = tpu.memref_squeeze %dma_wait3A_300 : memref<1x80xi32, #tpu.memory_space<vmem>> -> memref<80xi32, #tpu.memory_space<vmem>>
      %dma_wait3A_302 = arith.constant 0 : i32
      %dma_wait3A_303 = arith.constant 0 : i32
      %dma_wait3A_304 = tpu.memref_slice %arg2[%dma_wait3A_302, %dma_wait3A_303] : memref<10000x64xf32, #tpu.memory_space<hbm>> -> memref<10000x64xf32, #tpu.memory_space<hbm>>
      tpu.wait_indirect_dma semaphore(%arg12 : memref<!tpu.dma_semaphore, #tpu.memory_space<semaphore_mem>>) src(%dma_wait3A_304 : memref<10000x64xf32, #tpu.memory_space<hbm>>) dst(%dma_wait3A_298 : memref<80x64xf32, #tpu.memory_space<vmem>>)
      %dma_start3A_305 = arith.constant 0 : i32
      %dma_start3A_306 = arith.constant 0 : i32
      %dma_start3A_307 = tpu.memref_slice %arg10[%add3A_294, %dma_start3A_305, %dma_start3A_306] : memref<10x80x64xf32, #tpu.memory_space<vmem>> -> memref<1x80x64xf32, #tpu.memory_space<vmem>>
      %dma_start3A_308 = tpu.memref_squeeze %dma_start3A_307 : memref<1x80x64xf32, #tpu.memory_space<vmem>> -> memref<80x64xf32, #tpu.memory_space<vmem>>
      %dma_start3A_309 = arith.constant 0 : i32
      %dma_start3A_310 = tpu.memref_slice %arg8[%add3A_290, %dma_start3A_309] : memref<125x80xi32, #tpu.memory_space<vmem>> -> memref<1x80xi32, #tpu.memory_space<vmem>>
      %dma_start3A_311 = tpu.memref_squeeze %dma_start3A_310 : memref<1x80xi32, #tpu.memory_space<vmem>> -> memref<80xi32, #tpu.memory_space<vmem>>
      %dma_start3A_312 = arith.constant 0 : i32
      %dma_start3A_313 = arith.constant 0 : i32
      %dma_start3A_314 = tpu.memref_slice %arg11[%dma_start3A_312, %dma_start3A_313] : memref<10240x64xf32, #tpu.memory_space<vmem_shared>> -> memref<10240x64xf32, #tpu.memory_space<vmem_shared>>
      tpu.enqueue_indirect_dma source(%dma_start3A_308 : memref<80x64xf32, #tpu.memory_space<vmem>>) target(%dma_start3A_314 : memref<10240x64xf32, #tpu.memory_space<vmem_shared>>) offsets(%dma_start3A_311 : memref<80xi32, #tpu.memory_space<vmem>>) semaphore(%arg13 : memref<!tpu.dma_semaphore, #tpu.memory_space<semaphore_mem>>) {add = true}
      %mul3A_315 = arith.constant 5 : i32
      %mul3A_316 = arith.muli %scan3A_229, %mul3A_315 : i32
      %add3A_317 = arith.constant 3 : i32
      %add3A_318 = arith.addi %mul3A_316, %add3A_317 : i32
      %mul3A_319 = arith.constant 5 : i32
      %mul3A_320 = arith.muli %rem3A_230, %mul3A_319 : i32
      %add3A_321 = arith.constant 3 : i32
      %add3A_322 = arith.addi %mul3A_320, %add3A_321 : i32
      %dma_wait3A_323 = arith.constant 0 : i32
      %dma_wait3A_324 = arith.constant 0 : i32
      %dma_wait3A_325 = tpu.memref_slice %arg10[%add3A_322, %dma_wait3A_323, %dma_wait3A_324] : memref<10x80x64xf32, #tpu.memory_space<vmem>> -> memref<1x80x64xf32, #tpu.memory_space<vmem>>
      %dma_wait3A_326 = tpu.memref_squeeze %dma_wait3A_325 : memref<1x80x64xf32, #tpu.memory_space<vmem>> -> memref<80x64xf32, #tpu.memory_space<vmem>>
      %dma_wait3A_327 = arith.constant 0 : i32
      %dma_wait3A_328 = tpu.memref_slice %arg7[%add3A_318, %dma_wait3A_327] : memref<125x80xi32, #tpu.memory_space<vmem>> -> memref<1x80xi32, #tpu.memory_space<vmem>>
      %dma_wait3A_329 = tpu.memref_squeeze %dma_wait3A_328 : memref<1x80xi32, #tpu.memory_space<vmem>> -> memref<80xi32, #tpu.memory_space<vmem>>
      %dma_wait3A_330 = arith.constant 0 : i32
      %dma_wait3A_331 = arith.constant 0 : i32
      %dma_wait3A_332 = tpu.memref_slice %arg2[%dma_wait3A_330, %dma_wait3A_331] : memref<10000x64xf32, #tpu.memory_space<hbm>> -> memref<10000x64xf32, #tpu.memory_space<hbm>>
      tpu.wait_indirect_dma semaphore(%arg12 : memref<!tpu.dma_semaphore, #tpu.memory_space<semaphore_mem>>) src(%dma_wait3A_332 : memref<10000x64xf32, #tpu.memory_space<hbm>>) dst(%dma_wait3A_326 : memref<80x64xf32, #tpu.memory_space<vmem>>)
      %dma_start3A_333 = arith.constant 0 : i32
      %dma_start3A_334 = arith.constant 0 : i32
      %dma_start3A_335 = tpu.memref_slice %arg10[%add3A_322, %dma_start3A_333, %dma_start3A_334] : memref<10x80x64xf32, #tpu.memory_space<vmem>> -> memref<1x80x64xf32, #tpu.memory_space<vmem>>
      %dma_start3A_336 = tpu.memref_squeeze %dma_start3A_335 : memref<1x80x64xf32, #tpu.memory_space<vmem>> -> memref<80x64xf32, #tpu.memory_space<vmem>>
      %dma_start3A_337 = arith.constant 0 : i32
      %dma_start3A_338 = tpu.memref_slice %arg8[%add3A_318, %dma_start3A_337] : memref<125x80xi32, #tpu.memory_space<vmem>> -> memref<1x80xi32, #tpu.memory_space<vmem>>
      %dma_start3A_339 = tpu.memref_squeeze %dma_start3A_338 : memref<1x80xi32, #tpu.memory_space<vmem>> -> memref<80xi32, #tpu.memory_space<vmem>>
      %dma_start3A_340 = arith.constant 0 : i32
      %dma_start3A_341 = arith.constant 0 : i32
      %dma_start3A_342 = tpu.memref_slice %arg11[%dma_start3A_340, %dma_start3A_341] : memref<10240x64xf32, #tpu.memory_space<vmem_shared>> -> memref<10240x64xf32, #tpu.memory_space<vmem_shared>>
      tpu.enqueue_indirect_dma source(%dma_start3A_336 : memref<80x64xf32, #tpu.memory_space<vmem>>) target(%dma_start3A_342 : memref<10240x64xf32, #tpu.memory_space<vmem_shared>>) offsets(%dma_start3A_339 : memref<80xi32, #tpu.memory_space<vmem>>) semaphore(%arg13 : memref<!tpu.dma_semaphore, #tpu.memory_space<semaphore_mem>>) {add = true}
      %mul3A_343 = arith.constant 5 : i32
      %mul3A_344 = arith.muli %scan3A_229, %mul3A_343 : i32
      %add3A_345 = arith.constant 4 : i32
      %add3A_346 = arith.addi %mul3A_344, %add3A_345 : i32
      %mul3A_347 = arith.constant 5 : i32
      %mul3A_348 = arith.muli %rem3A_230, %mul3A_347 : i32
      %add3A_349 = arith.constant 4 : i32
      %add3A_350 = arith.addi %mul3A_348, %add3A_349 : i32
      %dma_wait3A_351 = arith.constant 0 : i32
      %dma_wait3A_352 = arith.constant 0 : i32
      %dma_wait3A_353 = tpu.memref_slice %arg10[%add3A_350, %dma_wait3A_351, %dma_wait3A_352] : memref<10x80x64xf32, #tpu.memory_space<vmem>> -> memref<1x80x64xf32, #tpu.memory_space<vmem>>
      %dma_wait3A_354 = tpu.memref_squeeze %dma_wait3A_353 : memref<1x80x64xf32, #tpu.memory_space<vmem>> -> memref<80x64xf32, #tpu.memory_space<vmem>>
      %dma_wait3A_355 = arith.constant 0 : i32
      %dma_wait3A_356 = tpu.memref_slice %arg7[%add3A_346, %dma_wait3A_355] : memref<125x80xi32, #tpu.memory_space<vmem>> -> memref<1x80xi32, #tpu.memory_space<vmem>>
      %dma_wait3A_357 = tpu.memref_squeeze %dma_wait3A_356 : memref<1x80xi32, #tpu.memory_space<vmem>> -> memref<80xi32, #tpu.memory_space<vmem>>
      %dma_wait3A_358 = arith.constant 0 : i32
      %dma_wait3A_359 = arith.constant 0 : i32
      %dma_wait3A_360 = tpu.memref_slice %arg2[%dma_wait3A_358, %dma_wait3A_359] : memref<10000x64xf32, #tpu.memory_space<hbm>> -> memref<10000x64xf32, #tpu.memory_space<hbm>>
      tpu.wait_indirect_dma semaphore(%arg12 : memref<!tpu.dma_semaphore, #tpu.memory_space<semaphore_mem>>) src(%dma_wait3A_360 : memref<10000x64xf32, #tpu.memory_space<hbm>>) dst(%dma_wait3A_354 : memref<80x64xf32, #tpu.memory_space<vmem>>)
      %dma_start3A_361 = arith.constant 0 : i32
      %dma_start3A_362 = arith.constant 0 : i32
      %dma_start3A_363 = tpu.memref_slice %arg10[%add3A_350, %dma_start3A_361, %dma_start3A_362] : memref<10x80x64xf32, #tpu.memory_space<vmem>> -> memref<1x80x64xf32, #tpu.memory_space<vmem>>
      %dma_start3A_364 = tpu.memref_squeeze %dma_start3A_363 : memref<1x80x64xf32, #tpu.memory_space<vmem>> -> memref<80x64xf32, #tpu.memory_space<vmem>>
      %dma_start3A_365 = arith.constant 0 : i32
      %dma_start3A_366 = tpu.memref_slice %arg8[%add3A_346, %dma_start3A_365] : memref<125x80xi32, #tpu.memory_space<vmem>> -> memref<1x80xi32, #tpu.memory_space<vmem>>
      %dma_start3A_367 = tpu.memref_squeeze %dma_start3A_366 : memref<1x80xi32, #tpu.memory_space<vmem>> -> memref<80xi32, #tpu.memory_space<vmem>>
      %dma_start3A_368 = arith.constant 0 : i32
      %dma_start3A_369 = arith.constant 0 : i32
      %dma_start3A_370 = tpu.memref_slice %arg11[%dma_start3A_368, %dma_start3A_369] : memref<10240x64xf32, #tpu.memory_space<vmem_shared>> -> memref<10240x64xf32, #tpu.memory_space<vmem_shared>>
      tpu.enqueue_indirect_dma source(%dma_start3A_364 : memref<80x64xf32, #tpu.memory_space<vmem>>) target(%dma_start3A_370 : memref<10240x64xf32, #tpu.memory_space<vmem_shared>>) offsets(%dma_start3A_367 : memref<80xi32, #tpu.memory_space<vmem>>) semaphore(%arg13 : memref<!tpu.dma_semaphore, #tpu.memory_space<semaphore_mem>>) {add = true}
      %lt3A = arith.constant 24 : i32
      %lt3A_371 = arith.cmpi slt, %scan3A_229, %lt3A : i32
      %convert_element_type3A = arith.extui %lt3A_371 : i1 to i32
      %cond3A = arith.constant 0 : i32
      %cond3A_372 = arith.cmpi ne, %convert_element_type3A, %cond3A : i32
      scf.if %cond3A_372 {
        %add3A_463 = arith.constant 1 : i32
        %add3A_464 = arith.addi %scan3A_229, %add3A_463 : i32
        %mul3A_465 = arith.constant 5 : i32
        %mul3A_466 = arith.muli %add3A_464, %mul3A_465 : i32
        %add3A_467 = arith.constant 0 : i32
        %add3A_468 = arith.addi %mul3A_466, %add3A_467 : i32
        %sub3A = arith.constant 1 : i32
        %sub3A_469 = arith.subi %sub3A, %rem3A_230 : i32
        %mul3A_470 = arith.constant 5 : i32
        %mul3A_471 = arith.muli %sub3A_469, %mul3A_470 : i32
        %add3A_472 = arith.constant 0 : i32
        %add3A_473 = arith.addi %mul3A_471, %add3A_472 : i32
        %dma_start3A_474 = arith.constant 0 : i32
        %dma_start3A_475 = arith.constant 0 : i32
        %dma_start3A_476 = tpu.memref_slice %arg10[%add3A_473, %dma_start3A_474, %dma_start3A_475] : memref<10x80x64xf32, #tpu.memory_space<vmem>> -> memref<1x80x64xf32, #tpu.memory_space<vmem>>
        %dma_start3A_477 = tpu.memref_squeeze %dma_start3A_476 : memref<1x80x64xf32, #tpu.memory_space<vmem>> -> memref<80x64xf32, #tpu.memory_space<vmem>>
        %dma_start3A_478 = arith.constant 0 : i32
        %dma_start3A_479 = tpu.memref_slice %arg7[%add3A_468, %dma_start3A_478] : memref<125x80xi32, #tpu.memory_space<vmem>> -> memref<1x80xi32, #tpu.memory_space<vmem>>
        %dma_start3A_480 = tpu.memref_squeeze %dma_start3A_479 : memref<1x80xi32, #tpu.memory_space<vmem>> -> memref<80xi32, #tpu.memory_space<vmem>>
        %dma_start3A_481 = arith.constant 0 : i32
        %dma_start3A_482 = arith.constant 0 : i32
        %dma_start3A_483 = tpu.memref_slice %arg2[%dma_start3A_481, %dma_start3A_482] : memref<10000x64xf32, #tpu.memory_space<hbm>> -> memref<10000x64xf32, #tpu.memory_space<hbm>>
        tpu.enqueue_indirect_dma source(%dma_start3A_483 : memref<10000x64xf32, #tpu.memory_space<hbm>>) target(%dma_start3A_477 : memref<80x64xf32, #tpu.memory_space<vmem>>) offsets(%dma_start3A_480 : memref<80xi32, #tpu.memory_space<vmem>>) semaphore(%arg12 : memref<!tpu.dma_semaphore, #tpu.memory_space<semaphore_mem>>)
        %add3A_484 = arith.constant 1 : i32
        %add3A_485 = arith.addi %scan3A_229, %add3A_484 : i32
        %mul3A_486 = arith.constant 5 : i32
        %mul3A_487 = arith.muli %add3A_485, %mul3A_486 : i32
        %add3A_488 = arith.constant 1 : i32
        %add3A_489 = arith.addi %mul3A_487, %add3A_488 : i32
        %sub3A_490 = arith.constant 1 : i32
        %sub3A_491 = arith.subi %sub3A_490, %rem3A_230 : i32
        %mul3A_492 = arith.constant 5 : i32
        %mul3A_493 = arith.muli %sub3A_491, %mul3A_492 : i32
        %add3A_494 = arith.constant 1 : i32
        %add3A_495 = arith.addi %mul3A_493, %add3A_494 : i32
        %dma_start3A_496 = arith.constant 0 : i32
        %dma_start3A_497 = arith.constant 0 : i32
        %dma_start3A_498 = tpu.memref_slice %arg10[%add3A_495, %dma_start3A_496, %dma_start3A_497] : memref<10x80x64xf32, #tpu.memory_space<vmem>> -> memref<1x80x64xf32, #tpu.memory_space<vmem>>
        %dma_start3A_499 = tpu.memref_squeeze %dma_start3A_498 : memref<1x80x64xf32, #tpu.memory_space<vmem>> -> memref<80x64xf32, #tpu.memory_space<vmem>>
        %dma_start3A_500 = arith.constant 0 : i32
        %dma_start3A_501 = tpu.memref_slice %arg7[%add3A_489, %dma_start3A_500] : memref<125x80xi32, #tpu.memory_space<vmem>> -> memref<1x80xi32, #tpu.memory_space<vmem>>
        %dma_start3A_502 = tpu.memref_squeeze %dma_start3A_501 : memref<1x80xi32, #tpu.memory_space<vmem>> -> memref<80xi32, #tpu.memory_space<vmem>>
        %dma_start3A_503 = arith.constant 0 : i32
        %dma_start3A_504 = arith.constant 0 : i32
        %dma_start3A_505 = tpu.memref_slice %arg2[%dma_start3A_503, %dma_start3A_504] : memref<10000x64xf32, #tpu.memory_space<hbm>> -> memref<10000x64xf32, #tpu.memory_space<hbm>>
        tpu.enqueue_indirect_dma source(%dma_start3A_505 : memref<10000x64xf32, #tpu.memory_space<hbm>>) target(%dma_start3A_499 : memref<80x64xf32, #tpu.memory_space<vmem>>) offsets(%dma_start3A_502 : memref<80xi32, #tpu.memory_space<vmem>>) semaphore(%arg12 : memref<!tpu.dma_semaphore, #tpu.memory_space<semaphore_mem>>)
        %add3A_506 = arith.constant 1 : i32
        %add3A_507 = arith.addi %scan3A_229, %add3A_506 : i32
        %mul3A_508 = arith.constant 5 : i32
        %mul3A_509 = arith.muli %add3A_507, %mul3A_508 : i32
        %add3A_510 = arith.constant 2 : i32
        %add3A_511 = arith.addi %mul3A_509, %add3A_510 : i32
        %sub3A_512 = arith.constant 1 : i32
        %sub3A_513 = arith.subi %sub3A_512, %rem3A_230 : i32
        %mul3A_514 = arith.constant 5 : i32
        %mul3A_515 = arith.muli %sub3A_513, %mul3A_514 : i32
        %add3A_516 = arith.constant 2 : i32
        %add3A_517 = arith.addi %mul3A_515, %add3A_516 : i32
        %dma_start3A_518 = arith.constant 0 : i32
        %dma_start3A_519 = arith.constant 0 : i32
        %dma_start3A_520 = tpu.memref_slice %arg10[%add3A_517, %dma_start3A_518, %dma_start3A_519] : memref<10x80x64xf32, #tpu.memory_space<vmem>> -> memref<1x80x64xf32, #tpu.memory_space<vmem>>
        %dma_start3A_521 = tpu.memref_squeeze %dma_start3A_520 : memref<1x80x64xf32, #tpu.memory_space<vmem>> -> memref<80x64xf32, #tpu.memory_space<vmem>>
        %dma_start3A_522 = arith.constant 0 : i32
        %dma_start3A_523 = tpu.memref_slice %arg7[%add3A_511, %dma_start3A_522] : memref<125x80xi32, #tpu.memory_space<vmem>> -> memref<1x80xi32, #tpu.memory_space<vmem>>
        %dma_start3A_524 = tpu.memref_squeeze %dma_start3A_523 : memref<1x80xi32, #tpu.memory_space<vmem>> -> memref<80xi32, #tpu.memory_space<vmem>>
        %dma_start3A_525 = arith.constant 0 : i32
        %dma_start3A_526 = arith.constant 0 : i32
        %dma_start3A_527 = tpu.memref_slice %arg2[%dma_start3A_525, %dma_start3A_526] : memref<10000x64xf32, #tpu.memory_space<hbm>> -> memref<10000x64xf32, #tpu.memory_space<hbm>>
        tpu.enqueue_indirect_dma source(%dma_start3A_527 : memref<10000x64xf32, #tpu.memory_space<hbm>>) target(%dma_start3A_521 : memref<80x64xf32, #tpu.memory_space<vmem>>) offsets(%dma_start3A_524 : memref<80xi32, #tpu.memory_space<vmem>>) semaphore(%arg12 : memref<!tpu.dma_semaphore, #tpu.memory_space<semaphore_mem>>)
        %add3A_528 = arith.constant 1 : i32
        %add3A_529 = arith.addi %scan3A_229, %add3A_528 : i32
        %mul3A_530 = arith.constant 5 : i32
        %mul3A_531 = arith.muli %add3A_529, %mul3A_530 : i32
        %add3A_532 = arith.constant 3 : i32
        %add3A_533 = arith.addi %mul3A_531, %add3A_532 : i32
        %sub3A_534 = arith.constant 1 : i32
        %sub3A_535 = arith.subi %sub3A_534, %rem3A_230 : i32
        %mul3A_536 = arith.constant 5 : i32
        %mul3A_537 = arith.muli %sub3A_535, %mul3A_536 : i32
        %add3A_538 = arith.constant 3 : i32
        %add3A_539 = arith.addi %mul3A_537, %add3A_538 : i32
        %dma_start3A_540 = arith.constant 0 : i32
        %dma_start3A_541 = arith.constant 0 : i32
        %dma_start3A_542 = tpu.memref_slice %arg10[%add3A_539, %dma_start3A_540, %dma_start3A_541] : memref<10x80x64xf32, #tpu.memory_space<vmem>> -> memref<1x80x64xf32, #tpu.memory_space<vmem>>
        %dma_start3A_543 = tpu.memref_squeeze %dma_start3A_542 : memref<1x80x64xf32, #tpu.memory_space<vmem>> -> memref<80x64xf32, #tpu.memory_space<vmem>>
        %dma_start3A_544 = arith.constant 0 : i32
        %dma_start3A_545 = tpu.memref_slice %arg7[%add3A_533, %dma_start3A_544] : memref<125x80xi32, #tpu.memory_space<vmem>> -> memref<1x80xi32, #tpu.memory_space<vmem>>
        %dma_start3A_546 = tpu.memref_squeeze %dma_start3A_545 : memref<1x80xi32, #tpu.memory_space<vmem>> -> memref<80xi32, #tpu.memory_space<vmem>>
        %dma_start3A_547 = arith.constant 0 : i32
        %dma_start3A_548 = arith.constant 0 : i32
        %dma_start3A_549 = tpu.memref_slice %arg2[%dma_start3A_547, %dma_start3A_548] : memref<10000x64xf32, #tpu.memory_space<hbm>> -> memref<10000x64xf32, #tpu.memory_space<hbm>>
        tpu.enqueue_indirect_dma source(%dma_start3A_549 : memref<10000x64xf32, #tpu.memory_space<hbm>>) target(%dma_start3A_543 : memref<80x64xf32, #tpu.memory_space<vmem>>) offsets(%dma_start3A_546 : memref<80xi32, #tpu.memory_space<vmem>>) semaphore(%arg12 : memref<!tpu.dma_semaphore, #tpu.memory_space<semaphore_mem>>)
        %add3A_550 = arith.constant 1 : i32
        %add3A_551 = arith.addi %scan3A_229, %add3A_550 : i32
        %mul3A_552 = arith.constant 5 : i32
        %mul3A_553 = arith.muli %add3A_551, %mul3A_552 : i32
        %add3A_554 = arith.constant 4 : i32
        %add3A_555 = arith.addi %mul3A_553, %add3A_554 : i32
        %sub3A_556 = arith.constant 1 : i32
        %sub3A_557 = arith.subi %sub3A_556, %rem3A_230 : i32
        %mul3A_558 = arith.constant 5 : i32
        %mul3A_559 = arith.muli %sub3A_557, %mul3A_558 : i32
        %add3A_560 = arith.constant 4 : i32
        %add3A_561 = arith.addi %mul3A_559, %add3A_560 : i32
        %dma_start3A_562 = arith.constant 0 : i32
        %dma_start3A_563 = arith.constant 0 : i32
        %dma_start3A_564 = tpu.memref_slice %arg10[%add3A_561, %dma_start3A_562, %dma_start3A_563] : memref<10x80x64xf32, #tpu.memory_space<vmem>> -> memref<1x80x64xf32, #tpu.memory_space<vmem>>
        %dma_start3A_565 = tpu.memref_squeeze %dma_start3A_564 : memref<1x80x64xf32, #tpu.memory_space<vmem>> -> memref<80x64xf32, #tpu.memory_space<vmem>>
        %dma_start3A_566 = arith.constant 0 : i32
        %dma_start3A_567 = tpu.memref_slice %arg7[%add3A_555, %dma_start3A_566] : memref<125x80xi32, #tpu.memory_space<vmem>> -> memref<1x80xi32, #tpu.memory_space<vmem>>
        %dma_start3A_568 = tpu.memref_squeeze %dma_start3A_567 : memref<1x80xi32, #tpu.memory_space<vmem>> -> memref<80xi32, #tpu.memory_space<vmem>>
        %dma_start3A_569 = arith.constant 0 : i32
        %dma_start3A_570 = arith.constant 0 : i32
        %dma_start3A_571 = tpu.memref_slice %arg2[%dma_start3A_569, %dma_start3A_570] : memref<10000x64xf32, #tpu.memory_space<hbm>> -> memref<10000x64xf32, #tpu.memory_space<hbm>>
        tpu.enqueue_indirect_dma source(%dma_start3A_571 : memref<10000x64xf32, #tpu.memory_space<hbm>>) target(%dma_start3A_565 : memref<80x64xf32, #tpu.memory_space<vmem>>) offsets(%dma_start3A_568 : memref<80xi32, #tpu.memory_space<vmem>>) semaphore(%arg12 : memref<!tpu.dma_semaphore, #tpu.memory_space<semaphore_mem>>)
      } else {
      }
      %mul3A_373 = arith.constant 5 : i32
      %mul3A_374 = arith.muli %rem3A_230, %mul3A_373 : i32
      %add3A_375 = arith.constant 0 : i32
      %add3A_376 = arith.addi %mul3A_374, %add3A_375 : i32
      %mul3A_377 = arith.constant 5 : i32
      %mul3A_378 = arith.muli %scan3A_229, %mul3A_377 : i32
      %add3A_379 = arith.constant 0 : i32
      %add3A_380 = arith.addi %mul3A_378, %add3A_379 : i32
      %dma_wait3A_381 = arith.constant 0 : i32
      %dma_wait3A_382 = arith.constant 0 : i32
      %dma_wait3A_383 = tpu.memref_slice %arg10[%add3A_376, %dma_wait3A_381, %dma_wait3A_382] : memref<10x80x64xf32, #tpu.memory_space<vmem>> -> memref<1x80x64xf32, #tpu.memory_space<vmem>>
      %dma_wait3A_384 = tpu.memref_squeeze %dma_wait3A_383 : memref<1x80x64xf32, #tpu.memory_space<vmem>> -> memref<80x64xf32, #tpu.memory_space<vmem>>
      %dma_wait3A_385 = arith.constant 0 : i32
      %dma_wait3A_386 = tpu.memref_slice %arg8[%add3A_380, %dma_wait3A_385] : memref<125x80xi32, #tpu.memory_space<vmem>> -> memref<1x80xi32, #tpu.memory_space<vmem>>
      %dma_wait3A_387 = tpu.memref_squeeze %dma_wait3A_386 : memref<1x80xi32, #tpu.memory_space<vmem>> -> memref<80xi32, #tpu.memory_space<vmem>>
      %dma_wait3A_388 = arith.constant 0 : i32
      %dma_wait3A_389 = arith.constant 0 : i32
      %dma_wait3A_390 = tpu.memref_slice %arg11[%dma_wait3A_388, %dma_wait3A_389] : memref<10240x64xf32, #tpu.memory_space<vmem_shared>> -> memref<10240x64xf32, #tpu.memory_space<vmem_shared>>
      tpu.wait_indirect_dma semaphore(%arg13 : memref<!tpu.dma_semaphore, #tpu.memory_space<semaphore_mem>>) src(%dma_wait3A_384 : memref<80x64xf32, #tpu.memory_space<vmem>>) dst(%dma_wait3A_390 : memref<10240x64xf32, #tpu.memory_space<vmem_shared>>)
      %mul3A_391 = arith.constant 5 : i32
      %mul3A_392 = arith.muli %rem3A_230, %mul3A_391 : i32
      %add3A_393 = arith.constant 1 : i32
      %add3A_394 = arith.addi %mul3A_392, %add3A_393 : i32
      %mul3A_395 = arith.constant 5 : i32
      %mul3A_396 = arith.muli %scan3A_229, %mul3A_395 : i32
      %add3A_397 = arith.constant 1 : i32
      %add3A_398 = arith.addi %mul3A_396, %add3A_397 : i32
      %dma_wait3A_399 = arith.constant 0 : i32
      %dma_wait3A_400 = arith.constant 0 : i32
      %dma_wait3A_401 = tpu.memref_slice %arg10[%add3A_394, %dma_wait3A_399, %dma_wait3A_400] : memref<10x80x64xf32, #tpu.memory_space<vmem>> -> memref<1x80x64xf32, #tpu.memory_space<vmem>>
      %dma_wait3A_402 = tpu.memref_squeeze %dma_wait3A_401 : memref<1x80x64xf32, #tpu.memory_space<vmem>> -> memref<80x64xf32, #tpu.memory_space<vmem>>
      %dma_wait3A_403 = arith.constant 0 : i32
      %dma_wait3A_404 = tpu.memref_slice %arg8[%add3A_398, %dma_wait3A_403] : memref<125x80xi32, #tpu.memory_space<vmem>> -> memref<1x80xi32, #tpu.memory_space<vmem>>
      %dma_wait3A_405 = tpu.memref_squeeze %dma_wait3A_404 : memref<1x80xi32, #tpu.memory_space<vmem>> -> memref<80xi32, #tpu.memory_space<vmem>>
      %dma_wait3A_406 = arith.constant 0 : i32
      %dma_wait3A_407 = arith.constant 0 : i32
      %dma_wait3A_408 = tpu.memref_slice %arg11[%dma_wait3A_406, %dma_wait3A_407] : memref<10240x64xf32, #tpu.memory_space<vmem_shared>> -> memref<10240x64xf32, #tpu.memory_space<vmem_shared>>
      tpu.wait_indirect_dma semaphore(%arg13 : memref<!tpu.dma_semaphore, #tpu.memory_space<semaphore_mem>>) src(%dma_wait3A_402 : memref<80x64xf32, #tpu.memory_space<vmem>>) dst(%dma_wait3A_408 : memref<10240x64xf32, #tpu.memory_space<vmem_shared>>)
      %mul3A_409 = arith.constant 5 : i32
      %mul3A_410 = arith.muli %rem3A_230, %mul3A_409 : i32
      %add3A_411 = arith.constant 2 : i32
      %add3A_412 = arith.addi %mul3A_410, %add3A_411 : i32
      %mul3A_413 = arith.constant 5 : i32
      %mul3A_414 = arith.muli %scan3A_229, %mul3A_413 : i32
      %add3A_415 = arith.constant 2 : i32
      %add3A_416 = arith.addi %mul3A_414, %add3A_415 : i32
      %dma_wait3A_417 = arith.constant 0 : i32
      %dma_wait3A_418 = arith.constant 0 : i32
      %dma_wait3A_419 = tpu.memref_slice %arg10[%add3A_412, %dma_wait3A_417, %dma_wait3A_418] : memref<10x80x64xf32, #tpu.memory_space<vmem>> -> memref<1x80x64xf32, #tpu.memory_space<vmem>>
      %dma_wait3A_420 = tpu.memref_squeeze %dma_wait3A_419 : memref<1x80x64xf32, #tpu.memory_space<vmem>> -> memref<80x64xf32, #tpu.memory_space<vmem>>
      %dma_wait3A_421 = arith.constant 0 : i32
      %dma_wait3A_422 = tpu.memref_slice %arg8[%add3A_416, %dma_wait3A_421] : memref<125x80xi32, #tpu.memory_space<vmem>> -> memref<1x80xi32, #tpu.memory_space<vmem>>
      %dma_wait3A_423 = tpu.memref_squeeze %dma_wait3A_422 : memref<1x80xi32, #tpu.memory_space<vmem>> -> memref<80xi32, #tpu.memory_space<vmem>>
      %dma_wait3A_424 = arith.constant 0 : i32
      %dma_wait3A_425 = arith.constant 0 : i32
      %dma_wait3A_426 = tpu.memref_slice %arg11[%dma_wait3A_424, %dma_wait3A_425] : memref<10240x64xf32, #tpu.memory_space<vmem_shared>> -> memref<10240x64xf32, #tpu.memory_space<vmem_shared>>
      tpu.wait_indirect_dma semaphore(%arg13 : memref<!tpu.dma_semaphore, #tpu.memory_space<semaphore_mem>>) src(%dma_wait3A_420 : memref<80x64xf32, #tpu.memory_space<vmem>>) dst(%dma_wait3A_426 : memref<10240x64xf32, #tpu.memory_space<vmem_shared>>)
      %mul3A_427 = arith.constant 5 : i32
      %mul3A_428 = arith.muli %rem3A_230, %mul3A_427 : i32
      %add3A_429 = arith.constant 3 : i32
      %add3A_430 = arith.addi %mul3A_428, %add3A_429 : i32
      %mul3A_431 = arith.constant 5 : i32
      %mul3A_432 = arith.muli %scan3A_229, %mul3A_431 : i32
      %add3A_433 = arith.constant 3 : i32
      %add3A_434 = arith.addi %mul3A_432, %add3A_433 : i32
      %dma_wait3A_435 = arith.constant 0 : i32
      %dma_wait3A_436 = arith.constant 0 : i32
      %dma_wait3A_437 = tpu.memref_slice %arg10[%add3A_430, %dma_wait3A_435, %dma_wait3A_436] : memref<10x80x64xf32, #tpu.memory_space<vmem>> -> memref<1x80x64xf32, #tpu.memory_space<vmem>>
      %dma_wait3A_438 = tpu.memref_squeeze %dma_wait3A_437 : memref<1x80x64xf32, #tpu.memory_space<vmem>> -> memref<80x64xf32, #tpu.memory_space<vmem>>
      %dma_wait3A_439 = arith.constant 0 : i32
      %dma_wait3A_440 = tpu.memref_slice %arg8[%add3A_434, %dma_wait3A_439] : memref<125x80xi32, #tpu.memory_space<vmem>> -> memref<1x80xi32, #tpu.memory_space<vmem>>
      %dma_wait3A_441 = tpu.memref_squeeze %dma_wait3A_440 : memref<1x80xi32, #tpu.memory_space<vmem>> -> memref<80xi32, #tpu.memory_space<vmem>>
      %dma_wait3A_442 = arith.constant 0 : i32
      %dma_wait3A_443 = arith.constant 0 : i32
      %dma_wait3A_444 = tpu.memref_slice %arg11[%dma_wait3A_442, %dma_wait3A_443] : memref<10240x64xf32, #tpu.memory_space<vmem_shared>> -> memref<10240x64xf32, #tpu.memory_space<vmem_shared>>
      tpu.wait_indirect_dma semaphore(%arg13 : memref<!tpu.dma_semaphore, #tpu.memory_space<semaphore_mem>>) src(%dma_wait3A_438 : memref<80x64xf32, #tpu.memory_space<vmem>>) dst(%dma_wait3A_444 : memref<10240x64xf32, #tpu.memory_space<vmem_shared>>)
      %mul3A_445 = arith.constant 5 : i32
      %mul3A_446 = arith.muli %rem3A_230, %mul3A_445 : i32
      %add3A_447 = arith.constant 4 : i32
      %add3A_448 = arith.addi %mul3A_446, %add3A_447 : i32
      %mul3A_449 = arith.constant 5 : i32
      %mul3A_450 = arith.muli %scan3A_229, %mul3A_449 : i32
      %add3A_451 = arith.constant 4 : i32
      %add3A_452 = arith.addi %mul3A_450, %add3A_451 : i32
      %dma_wait3A_453 = arith.constant 0 : i32
      %dma_wait3A_454 = arith.constant 0 : i32
      %dma_wait3A_455 = tpu.memref_slice %arg10[%add3A_448, %dma_wait3A_453, %dma_wait3A_454] : memref<10x80x64xf32, #tpu.memory_space<vmem>> -> memref<1x80x64xf32, #tpu.memory_space<vmem>>
      %dma_wait3A_456 = tpu.memref_squeeze %dma_wait3A_455 : memref<1x80x64xf32, #tpu.memory_space<vmem>> -> memref<80x64xf32, #tpu.memory_space<vmem>>
      %dma_wait3A_457 = arith.constant 0 : i32
      %dma_wait3A_458 = tpu.memref_slice %arg8[%add3A_452, %dma_wait3A_457] : memref<125x80xi32, #tpu.memory_space<vmem>> -> memref<1x80xi32, #tpu.memory_space<vmem>>
      %dma_wait3A_459 = tpu.memref_squeeze %dma_wait3A_458 : memref<1x80xi32, #tpu.memory_space<vmem>> -> memref<80xi32, #tpu.memory_space<vmem>>
      %dma_wait3A_460 = arith.constant 0 : i32
      %dma_wait3A_461 = arith.constant 0 : i32
      %dma_wait3A_462 = tpu.memref_slice %arg11[%dma_wait3A_460, %dma_wait3A_461] : memref<10240x64xf32, #tpu.memory_space<vmem_shared>> -> memref<10240x64xf32, #tpu.memory_space<vmem_shared>>
      tpu.wait_indirect_dma semaphore(%arg13 : memref<!tpu.dma_semaphore, #tpu.memory_space<semaphore_mem>>) src(%dma_wait3A_456 : memref<80x64xf32, #tpu.memory_space<vmem>>) dst(%dma_wait3A_462 : memref<10240x64xf32, #tpu.memory_space<vmem_shared>>)
    }
    %scan3A_223 = arith.constant 25 : i32
    %barrier3A_224 = arith.constant 0 : index
    tpu.barrier barrier_id(%barrier3A_224)
    %mul3A_225 = arith.constant 640 : i32
    %mul3A_226 = arith.muli %arg1, %mul3A_225 : i32
    %mul3A_227 = arith.constant 640 : i32
    %mul3A_228 = arith.muli %arg1, %mul3A_227 : i32
    "tpu.region"() ({
      %run_scoped3A = tpu.sem_alloc : memref<!tpu.dma_semaphore, #tpu.memory_space<semaphore_mem>>
      %dma_start3A_229 = arith.constant 0 : i32
      %dma_start3A_230 = tpu.memref_slice %arg6[%arg0, %mul3A_228, %dma_start3A_229] : memref<2x10240x64xf32, #tpu.memory_space<hbm>> -> memref<1x640x64xf32, #tpu.memory_space<hbm>>
      %dma_start3A_231 = tpu.memref_squeeze %dma_start3A_230 : memref<1x640x64xf32, #tpu.memory_space<hbm>> -> memref<640x64xf32, #tpu.memory_space<hbm>>
      %dma_start3A_232 = arith.constant 0 : i32
      %dma_start3A_233 = tpu.memref_slice %arg11[%mul3A_226, %dma_start3A_232] : memref<10240x64xf32, #tpu.memory_space<vmem_shared>> -> memref<640x64xf32, #tpu.memory_space<vmem_shared>>
      tpu.enqueue_dma source(%dma_start3A_233 : memref<640x64xf32, #tpu.memory_space<vmem_shared>>) target(%dma_start3A_231 : memref<640x64xf32, #tpu.memory_space<hbm>>) target_semaphore(%run_scoped3A : memref<!tpu.dma_semaphore, #tpu.memory_space<semaphore_mem>>)
      %dma_wait3A_234 = arith.constant 0 : i32
      %dma_wait3A_235 = tpu.memref_slice %arg6[%arg0, %mul3A_228, %dma_wait3A_234] : memref<2x10240x64xf32, #tpu.memory_space<hbm>> -> memref<1x640x64xf32, #tpu.memory_space<hbm>>
      %dma_wait3A_236 = tpu.memref_squeeze %dma_wait3A_235 : memref<1x640x64xf32, #tpu.memory_space<hbm>> -> memref<640x64xf32, #tpu.memory_space<hbm>>
      %dma_wait3A_237 = arith.constant 0 : i32
      %dma_wait3A_238 = tpu.memref_slice %arg11[%mul3A_226, %dma_wait3A_237] : memref<10240x64xf32, #tpu.memory_space<vmem_shared>> -> memref<640x64xf32, #tpu.memory_space<vmem_shared>>
      tpu.wait_dma2 semaphore(%run_scoped3A : memref<!tpu.dma_semaphore, #tpu.memory_space<semaphore_mem>>) src(%dma_wait3A_238 : memref<640x64xf32, #tpu.memory_space<vmem_shared>>) dst(%dma_wait3A_236 : memref<640x64xf32, #tpu.memory_space<hbm>>)
      tpu.yield
    }) : () -> ()
    return
  }
}

#map = affine_map<(d0, d1) -> (0, 0)>
#map1 = affine_map<(d0, d1) -> (0, 0, 0)>
module attributes {stable_mosaic.version = 14 : i64} {
  func.func @_prop_kernel(%arg0: i32, %arg1: i32, %arg2: memref<10000x64xf32, #tpu.memory_space<hbm>>, %arg3: memref<32x125x80xi32, #tpu.memory_space<hbm>>, %arg4: memref<32x125x80xi32, #tpu.memory_space<hbm>>, %arg5: memref<80x64xf32, #tpu.memory_space<hbm>>, %arg6: memref<2x10240x64xf32, #tpu.memory_space<hbm>>, %arg7: memref<125x80xi32, #tpu.memory_space<vmem>>, %arg8: memref<125x80xi32, #tpu.memory_space<vmem>>, %arg9: memref<80x64xf32, #tpu.memory_space<vmem>>, %arg10: memref<10x80x64xf32, #tpu.memory_space<vmem>>, %arg11: memref<10240x64xf32, #tpu.memory_space<vmem_shared>>, %arg12: memref<!tpu.dma_semaphore, #tpu.memory_space<semaphore_mem>>, %arg13: memref<!tpu.dma_semaphore, #tpu.memory_space<semaphore_mem>>) attributes {dimension_semantics = [#tpu.dimension_semantics<core_parallel>, #tpu.dimension_semantics<subcore_parallel>], iteration_bounds = array<i64: 2, 16>, scalar_prefetch = 0 : i64, scratch_operands = 7 : i64, tpu.core_type = #tpu.core_type<sc_vector_subcore>, window_params = [{transform_indices = #map}, {transform_indices = #map1}, {transform_indices = #map1}, {transform_indices = #map}, {transform_indices = #map1}]} {
    %mul3A = arith.constant 2 : i32
    %mul3A_0 = arith.muli %arg1, %mul3A : i32
    %add3A = arith.addi %mul3A_0, %arg0 : i32
    tpu.enqueue_dma source(%arg5 : memref<80x64xf32, #tpu.memory_space<hbm>>) target(%arg9 : memref<80x64xf32, #tpu.memory_space<vmem>>) target_semaphore(%arg12 : memref<!tpu.dma_semaphore, #tpu.memory_space<semaphore_mem>>)
    %dma_start3A = arith.constant 0 : i32
    %dma_start3A_1 = arith.constant 0 : i32
    %dma_start3A_2 = tpu.memref_slice %arg3[%add3A, %dma_start3A, %dma_start3A_1] : memref<32x125x80xi32, #tpu.memory_space<hbm>> -> memref<1x125x80xi32, #tpu.memory_space<hbm>>
    %dma_start3A_3 = tpu.memref_squeeze %dma_start3A_2 : memref<1x125x80xi32, #tpu.memory_space<hbm>> -> memref<125x80xi32, #tpu.memory_space<hbm>>
    %dma_start3A_4 = arith.constant 0 : i32
    %dma_start3A_5 = arith.constant 0 : i32
    %dma_start3A_6 = tpu.memref_slice %arg3[%add3A, %dma_start3A_4, %dma_start3A_5] : memref<32x125x80xi32, #tpu.memory_space<hbm>> -> memref<1x125x80xi32, #tpu.memory_space<hbm>>
    %dma_start3A_7 = tpu.memref_squeeze %dma_start3A_6 : memref<1x125x80xi32, #tpu.memory_space<hbm>> -> memref<125x80xi32, #tpu.memory_space<hbm>>
    tpu.enqueue_dma source(%dma_start3A_7 : memref<125x80xi32, #tpu.memory_space<hbm>>) target(%arg7 : memref<125x80xi32, #tpu.memory_space<vmem>>) target_semaphore(%arg12 : memref<!tpu.dma_semaphore, #tpu.memory_space<semaphore_mem>>)
    %dma_start3A_8 = arith.constant 0 : i32
    %dma_start3A_9 = arith.constant 0 : i32
    %dma_start3A_10 = tpu.memref_slice %arg4[%add3A, %dma_start3A_8, %dma_start3A_9] : memref<32x125x80xi32, #tpu.memory_space<hbm>> -> memref<1x125x80xi32, #tpu.memory_space<hbm>>
    %dma_start3A_11 = tpu.memref_squeeze %dma_start3A_10 : memref<1x125x80xi32, #tpu.memory_space<hbm>> -> memref<125x80xi32, #tpu.memory_space<hbm>>
    %dma_start3A_12 = arith.constant 0 : i32
    %dma_start3A_13 = arith.constant 0 : i32
    %dma_start3A_14 = tpu.memref_slice %arg4[%add3A, %dma_start3A_12, %dma_start3A_13] : memref<32x125x80xi32, #tpu.memory_space<hbm>> -> memref<1x125x80xi32, #tpu.memory_space<hbm>>
    %dma_start3A_15 = tpu.memref_squeeze %dma_start3A_14 : memref<1x125x80xi32, #tpu.memory_space<hbm>> -> memref<125x80xi32, #tpu.memory_space<hbm>>
    tpu.enqueue_dma source(%dma_start3A_15 : memref<125x80xi32, #tpu.memory_space<hbm>>) target(%arg8 : memref<125x80xi32, #tpu.memory_space<vmem>>) target_semaphore(%arg12 : memref<!tpu.dma_semaphore, #tpu.memory_space<semaphore_mem>>)
    tpu.wait_dma2 semaphore(%arg12 : memref<!tpu.dma_semaphore, #tpu.memory_space<semaphore_mem>>) src(%arg5 : memref<80x64xf32, #tpu.memory_space<hbm>>) dst(%arg9 : memref<80x64xf32, #tpu.memory_space<vmem>>)
    %mul3A_16 = arith.constant 640 : i32
    %mul3A_17 = arith.muli %arg1, %mul3A_16 : i32
    %add3A_18 = arith.constant 0 : i32
    %add3A_19 = arith.addi %mul3A_17, %add3A_18 : i32
    %dma_start3A_20 = arith.constant 0 : i32
    %dma_start3A_21 = tpu.memref_slice %arg11[%add3A_19, %dma_start3A_20] : memref<10240x64xf32, #tpu.memory_space<vmem_shared>> -> memref<80x64xf32, #tpu.memory_space<vmem_shared>>
    %dma_start3A_22 = arith.constant 0 : i32
    %dma_start3A_23 = tpu.memref_slice %arg11[%add3A_19, %dma_start3A_22] : memref<10240x64xf32, #tpu.memory_space<vmem_shared>> -> memref<80x64xf32, #tpu.memory_space<vmem_shared>>
    tpu.enqueue_dma source(%arg9 : memref<80x64xf32, #tpu.memory_space<vmem>>) target(%dma_start3A_23 : memref<80x64xf32, #tpu.memory_space<vmem_shared>>) target_semaphore(%arg13 : memref<!tpu.dma_semaphore, #tpu.memory_space<semaphore_mem>>)
    %mul3A_24 = arith.constant 640 : i32
    %mul3A_25 = arith.muli %arg1, %mul3A_24 : i32
    %add3A_26 = arith.constant 80 : i32
    %add3A_27 = arith.addi %mul3A_25, %add3A_26 : i32
    %dma_start3A_28 = arith.constant 0 : i32
    %dma_start3A_29 = tpu.memref_slice %arg11[%add3A_27, %dma_start3A_28] : memref<10240x64xf32, #tpu.memory_space<vmem_shared>> -> memref<80x64xf32, #tpu.memory_space<vmem_shared>>
    %dma_start3A_30 = arith.constant 0 : i32
    %dma_start3A_31 = tpu.memref_slice %arg11[%add3A_27, %dma_start3A_30] : memref<10240x64xf32, #tpu.memory_space<vmem_shared>> -> memref<80x64xf32, #tpu.memory_space<vmem_shared>>
    tpu.enqueue_dma source(%arg9 : memref<80x64xf32, #tpu.memory_space<vmem>>) target(%dma_start3A_31 : memref<80x64xf32, #tpu.memory_space<vmem_shared>>) target_semaphore(%arg13 : memref<!tpu.dma_semaphore, #tpu.memory_space<semaphore_mem>>)
    %mul3A_32 = arith.constant 640 : i32
    %mul3A_33 = arith.muli %arg1, %mul3A_32 : i32
    %add3A_34 = arith.constant 160 : i32
    %add3A_35 = arith.addi %mul3A_33, %add3A_34 : i32
    %dma_start3A_36 = arith.constant 0 : i32
    %dma_start3A_37 = tpu.memref_slice %arg11[%add3A_35, %dma_start3A_36] : memref<10240x64xf32, #tpu.memory_space<vmem_shared>> -> memref<80x64xf32, #tpu.memory_space<vmem_shared>>
    %dma_start3A_38 = arith.constant 0 : i32
    %dma_start3A_39 = tpu.memref_slice %arg11[%add3A_35, %dma_start3A_38] : memref<10240x64xf32, #tpu.memory_space<vmem_shared>> -> memref<80x64xf32, #tpu.memory_space<vmem_shared>>
    tpu.enqueue_dma source(%arg9 : memref<80x64xf32, #tpu.memory_space<vmem>>) target(%dma_start3A_39 : memref<80x64xf32, #tpu.memory_space<vmem_shared>>) target_semaphore(%arg13 : memref<!tpu.dma_semaphore, #tpu.memory_space<semaphore_mem>>)
    %mul3A_40 = arith.constant 640 : i32
    %mul3A_41 = arith.muli %arg1, %mul3A_40 : i32
    %add3A_42 = arith.constant 240 : i32
    %add3A_43 = arith.addi %mul3A_41, %add3A_42 : i32
    %dma_start3A_44 = arith.constant 0 : i32
    %dma_start3A_45 = tpu.memref_slice %arg11[%add3A_43, %dma_start3A_44] : memref<10240x64xf32, #tpu.memory_space<vmem_shared>> -> memref<80x64xf32, #tpu.memory_space<vmem_shared>>
    %dma_start3A_46 = arith.constant 0 : i32
    %dma_start3A_47 = tpu.memref_slice %arg11[%add3A_43, %dma_start3A_46] : memref<10240x64xf32, #tpu.memory_space<vmem_shared>> -> memref<80x64xf32, #tpu.memory_space<vmem_shared>>
    tpu.enqueue_dma source(%arg9 : memref<80x64xf32, #tpu.memory_space<vmem>>) target(%dma_start3A_47 : memref<80x64xf32, #tpu.memory_space<vmem_shared>>) target_semaphore(%arg13 : memref<!tpu.dma_semaphore, #tpu.memory_space<semaphore_mem>>)
    %mul3A_48 = arith.constant 640 : i32
    %mul3A_49 = arith.muli %arg1, %mul3A_48 : i32
    %add3A_50 = arith.constant 320 : i32
    %add3A_51 = arith.addi %mul3A_49, %add3A_50 : i32
    %dma_start3A_52 = arith.constant 0 : i32
    %dma_start3A_53 = tpu.memref_slice %arg11[%add3A_51, %dma_start3A_52] : memref<10240x64xf32, #tpu.memory_space<vmem_shared>> -> memref<80x64xf32, #tpu.memory_space<vmem_shared>>
    %dma_start3A_54 = arith.constant 0 : i32
    %dma_start3A_55 = tpu.memref_slice %arg11[%add3A_51, %dma_start3A_54] : memref<10240x64xf32, #tpu.memory_space<vmem_shared>> -> memref<80x64xf32, #tpu.memory_space<vmem_shared>>
    tpu.enqueue_dma source(%arg9 : memref<80x64xf32, #tpu.memory_space<vmem>>) target(%dma_start3A_55 : memref<80x64xf32, #tpu.memory_space<vmem_shared>>) target_semaphore(%arg13 : memref<!tpu.dma_semaphore, #tpu.memory_space<semaphore_mem>>)
    %mul3A_56 = arith.constant 640 : i32
    %mul3A_57 = arith.muli %arg1, %mul3A_56 : i32
    %add3A_58 = arith.constant 400 : i32
    %add3A_59 = arith.addi %mul3A_57, %add3A_58 : i32
    %dma_start3A_60 = arith.constant 0 : i32
    %dma_start3A_61 = tpu.memref_slice %arg11[%add3A_59, %dma_start3A_60] : memref<10240x64xf32, #tpu.memory_space<vmem_shared>> -> memref<80x64xf32, #tpu.memory_space<vmem_shared>>
    %dma_start3A_62 = arith.constant 0 : i32
    %dma_start3A_63 = tpu.memref_slice %arg11[%add3A_59, %dma_start3A_62] : memref<10240x64xf32, #tpu.memory_space<vmem_shared>> -> memref<80x64xf32, #tpu.memory_space<vmem_shared>>
    tpu.enqueue_dma source(%arg9 : memref<80x64xf32, #tpu.memory_space<vmem>>) target(%dma_start3A_63 : memref<80x64xf32, #tpu.memory_space<vmem_shared>>) target_semaphore(%arg13 : memref<!tpu.dma_semaphore, #tpu.memory_space<semaphore_mem>>)
    %mul3A_64 = arith.constant 640 : i32
    %mul3A_65 = arith.muli %arg1, %mul3A_64 : i32
    %add3A_66 = arith.constant 480 : i32
    %add3A_67 = arith.addi %mul3A_65, %add3A_66 : i32
    %dma_start3A_68 = arith.constant 0 : i32
    %dma_start3A_69 = tpu.memref_slice %arg11[%add3A_67, %dma_start3A_68] : memref<10240x64xf32, #tpu.memory_space<vmem_shared>> -> memref<80x64xf32, #tpu.memory_space<vmem_shared>>
    %dma_start3A_70 = arith.constant 0 : i32
    %dma_start3A_71 = tpu.memref_slice %arg11[%add3A_67, %dma_start3A_70] : memref<10240x64xf32, #tpu.memory_space<vmem_shared>> -> memref<80x64xf32, #tpu.memory_space<vmem_shared>>
    tpu.enqueue_dma source(%arg9 : memref<80x64xf32, #tpu.memory_space<vmem>>) target(%dma_start3A_71 : memref<80x64xf32, #tpu.memory_space<vmem_shared>>) target_semaphore(%arg13 : memref<!tpu.dma_semaphore, #tpu.memory_space<semaphore_mem>>)
    %mul3A_72 = arith.constant 640 : i32
    %mul3A_73 = arith.muli %arg1, %mul3A_72 : i32
    %add3A_74 = arith.constant 560 : i32
    %add3A_75 = arith.addi %mul3A_73, %add3A_74 : i32
    %dma_start3A_76 = arith.constant 0 : i32
    %dma_start3A_77 = tpu.memref_slice %arg11[%add3A_75, %dma_start3A_76] : memref<10240x64xf32, #tpu.memory_space<vmem_shared>> -> memref<80x64xf32, #tpu.memory_space<vmem_shared>>
    %dma_start3A_78 = arith.constant 0 : i32
    %dma_start3A_79 = tpu.memref_slice %arg11[%add3A_75, %dma_start3A_78] : memref<10240x64xf32, #tpu.memory_space<vmem_shared>> -> memref<80x64xf32, #tpu.memory_space<vmem_shared>>
    tpu.enqueue_dma source(%arg9 : memref<80x64xf32, #tpu.memory_space<vmem>>) target(%dma_start3A_79 : memref<80x64xf32, #tpu.memory_space<vmem_shared>>) target_semaphore(%arg13 : memref<!tpu.dma_semaphore, #tpu.memory_space<semaphore_mem>>)
    %dma_wait3A = arith.constant 0 : i32
    %dma_wait3A_80 = arith.constant 0 : i32
    %dma_wait3A_81 = tpu.memref_slice %arg3[%add3A, %dma_wait3A, %dma_wait3A_80] : memref<32x125x80xi32, #tpu.memory_space<hbm>> -> memref<1x125x80xi32, #tpu.memory_space<hbm>>
    %dma_wait3A_82 = tpu.memref_squeeze %dma_wait3A_81 : memref<1x125x80xi32, #tpu.memory_space<hbm>> -> memref<125x80xi32, #tpu.memory_space<hbm>>
    %dma_wait3A_83 = arith.constant 0 : i32
    %dma_wait3A_84 = arith.constant 0 : i32
    %dma_wait3A_85 = tpu.memref_slice %arg3[%add3A, %dma_wait3A_83, %dma_wait3A_84] : memref<32x125x80xi32, #tpu.memory_space<hbm>> -> memref<1x125x80xi32, #tpu.memory_space<hbm>>
    %dma_wait3A_86 = tpu.memref_squeeze %dma_wait3A_85 : memref<1x125x80xi32, #tpu.memory_space<hbm>> -> memref<125x80xi32, #tpu.memory_space<hbm>>
    tpu.wait_dma2 semaphore(%arg12 : memref<!tpu.dma_semaphore, #tpu.memory_space<semaphore_mem>>) src(%dma_wait3A_86 : memref<125x80xi32, #tpu.memory_space<hbm>>) dst(%arg7 : memref<125x80xi32, #tpu.memory_space<vmem>>)
    %dma_wait3A_87 = arith.constant 0 : i32
    %dma_wait3A_88 = arith.constant 0 : i32
    %dma_wait3A_89 = tpu.memref_slice %arg4[%add3A, %dma_wait3A_87, %dma_wait3A_88] : memref<32x125x80xi32, #tpu.memory_space<hbm>> -> memref<1x125x80xi32, #tpu.memory_space<hbm>>
    %dma_wait3A_90 = tpu.memref_squeeze %dma_wait3A_89 : memref<1x125x80xi32, #tpu.memory_space<hbm>> -> memref<125x80xi32, #tpu.memory_space<hbm>>
    %dma_wait3A_91 = arith.constant 0 : i32
    %dma_wait3A_92 = arith.constant 0 : i32
    %dma_wait3A_93 = tpu.memref_slice %arg4[%add3A, %dma_wait3A_91, %dma_wait3A_92] : memref<32x125x80xi32, #tpu.memory_space<hbm>> -> memref<1x125x80xi32, #tpu.memory_space<hbm>>
    %dma_wait3A_94 = tpu.memref_squeeze %dma_wait3A_93 : memref<1x125x80xi32, #tpu.memory_space<hbm>> -> memref<125x80xi32, #tpu.memory_space<hbm>>
    tpu.wait_dma2 semaphore(%arg12 : memref<!tpu.dma_semaphore, #tpu.memory_space<semaphore_mem>>) src(%dma_wait3A_94 : memref<125x80xi32, #tpu.memory_space<hbm>>) dst(%arg8 : memref<125x80xi32, #tpu.memory_space<vmem>>)
    %mul3A_95 = arith.constant 640 : i32
    %mul3A_96 = arith.muli %arg1, %mul3A_95 : i32
    %add3A_97 = arith.constant 0 : i32
    %add3A_98 = arith.addi %mul3A_96, %add3A_97 : i32
    %dma_wait3A_99 = arith.constant 0 : i32
    %dma_wait3A_100 = tpu.memref_slice %arg11[%add3A_98, %dma_wait3A_99] : memref<10240x64xf32, #tpu.memory_space<vmem_shared>> -> memref<80x64xf32, #tpu.memory_space<vmem_shared>>
    %dma_wait3A_101 = arith.constant 0 : i32
    %dma_wait3A_102 = tpu.memref_slice %arg11[%add3A_98, %dma_wait3A_101] : memref<10240x64xf32, #tpu.memory_space<vmem_shared>> -> memref<80x64xf32, #tpu.memory_space<vmem_shared>>
    tpu.wait_dma2 semaphore(%arg13 : memref<!tpu.dma_semaphore, #tpu.memory_space<semaphore_mem>>) src(%arg9 : memref<80x64xf32, #tpu.memory_space<vmem>>) dst(%dma_wait3A_102 : memref<80x64xf32, #tpu.memory_space<vmem_shared>>)
    %mul3A_103 = arith.constant 640 : i32
    %mul3A_104 = arith.muli %arg1, %mul3A_103 : i32
    %add3A_105 = arith.constant 80 : i32
    %add3A_106 = arith.addi %mul3A_104, %add3A_105 : i32
    %dma_wait3A_107 = arith.constant 0 : i32
    %dma_wait3A_108 = tpu.memref_slice %arg11[%add3A_106, %dma_wait3A_107] : memref<10240x64xf32, #tpu.memory_space<vmem_shared>> -> memref<80x64xf32, #tpu.memory_space<vmem_shared>>
    %dma_wait3A_109 = arith.constant 0 : i32
    %dma_wait3A_110 = tpu.memref_slice %arg11[%add3A_106, %dma_wait3A_109] : memref<10240x64xf32, #tpu.memory_space<vmem_shared>> -> memref<80x64xf32, #tpu.memory_space<vmem_shared>>
    tpu.wait_dma2 semaphore(%arg13 : memref<!tpu.dma_semaphore, #tpu.memory_space<semaphore_mem>>) src(%arg9 : memref<80x64xf32, #tpu.memory_space<vmem>>) dst(%dma_wait3A_110 : memref<80x64xf32, #tpu.memory_space<vmem_shared>>)
    %mul3A_111 = arith.constant 640 : i32
    %mul3A_112 = arith.muli %arg1, %mul3A_111 : i32
    %add3A_113 = arith.constant 160 : i32
    %add3A_114 = arith.addi %mul3A_112, %add3A_113 : i32
    %dma_wait3A_115 = arith.constant 0 : i32
    %dma_wait3A_116 = tpu.memref_slice %arg11[%add3A_114, %dma_wait3A_115] : memref<10240x64xf32, #tpu.memory_space<vmem_shared>> -> memref<80x64xf32, #tpu.memory_space<vmem_shared>>
    %dma_wait3A_117 = arith.constant 0 : i32
    %dma_wait3A_118 = tpu.memref_slice %arg11[%add3A_114, %dma_wait3A_117] : memref<10240x64xf32, #tpu.memory_space<vmem_shared>> -> memref<80x64xf32, #tpu.memory_space<vmem_shared>>
    tpu.wait_dma2 semaphore(%arg13 : memref<!tpu.dma_semaphore, #tpu.memory_space<semaphore_mem>>) src(%arg9 : memref<80x64xf32, #tpu.memory_space<vmem>>) dst(%dma_wait3A_118 : memref<80x64xf32, #tpu.memory_space<vmem_shared>>)
    %mul3A_119 = arith.constant 640 : i32
    %mul3A_120 = arith.muli %arg1, %mul3A_119 : i32
    %add3A_121 = arith.constant 240 : i32
    %add3A_122 = arith.addi %mul3A_120, %add3A_121 : i32
    %dma_wait3A_123 = arith.constant 0 : i32
    %dma_wait3A_124 = tpu.memref_slice %arg11[%add3A_122, %dma_wait3A_123] : memref<10240x64xf32, #tpu.memory_space<vmem_shared>> -> memref<80x64xf32, #tpu.memory_space<vmem_shared>>
    %dma_wait3A_125 = arith.constant 0 : i32
    %dma_wait3A_126 = tpu.memref_slice %arg11[%add3A_122, %dma_wait3A_125] : memref<10240x64xf32, #tpu.memory_space<vmem_shared>> -> memref<80x64xf32, #tpu.memory_space<vmem_shared>>
    tpu.wait_dma2 semaphore(%arg13 : memref<!tpu.dma_semaphore, #tpu.memory_space<semaphore_mem>>) src(%arg9 : memref<80x64xf32, #tpu.memory_space<vmem>>) dst(%dma_wait3A_126 : memref<80x64xf32, #tpu.memory_space<vmem_shared>>)
    %mul3A_127 = arith.constant 640 : i32
    %mul3A_128 = arith.muli %arg1, %mul3A_127 : i32
    %add3A_129 = arith.constant 320 : i32
    %add3A_130 = arith.addi %mul3A_128, %add3A_129 : i32
    %dma_wait3A_131 = arith.constant 0 : i32
    %dma_wait3A_132 = tpu.memref_slice %arg11[%add3A_130, %dma_wait3A_131] : memref<10240x64xf32, #tpu.memory_space<vmem_shared>> -> memref<80x64xf32, #tpu.memory_space<vmem_shared>>
    %dma_wait3A_133 = arith.constant 0 : i32
    %dma_wait3A_134 = tpu.memref_slice %arg11[%add3A_130, %dma_wait3A_133] : memref<10240x64xf32, #tpu.memory_space<vmem_shared>> -> memref<80x64xf32, #tpu.memory_space<vmem_shared>>
    tpu.wait_dma2 semaphore(%arg13 : memref<!tpu.dma_semaphore, #tpu.memory_space<semaphore_mem>>) src(%arg9 : memref<80x64xf32, #tpu.memory_space<vmem>>) dst(%dma_wait3A_134 : memref<80x64xf32, #tpu.memory_space<vmem_shared>>)
    %mul3A_135 = arith.constant 640 : i32
    %mul3A_136 = arith.muli %arg1, %mul3A_135 : i32
    %add3A_137 = arith.constant 400 : i32
    %add3A_138 = arith.addi %mul3A_136, %add3A_137 : i32
    %dma_wait3A_139 = arith.constant 0 : i32
    %dma_wait3A_140 = tpu.memref_slice %arg11[%add3A_138, %dma_wait3A_139] : memref<10240x64xf32, #tpu.memory_space<vmem_shared>> -> memref<80x64xf32, #tpu.memory_space<vmem_shared>>
    %dma_wait3A_141 = arith.constant 0 : i32
    %dma_wait3A_142 = tpu.memref_slice %arg11[%add3A_138, %dma_wait3A_141] : memref<10240x64xf32, #tpu.memory_space<vmem_shared>> -> memref<80x64xf32, #tpu.memory_space<vmem_shared>>
    tpu.wait_dma2 semaphore(%arg13 : memref<!tpu.dma_semaphore, #tpu.memory_space<semaphore_mem>>) src(%arg9 : memref<80x64xf32, #tpu.memory_space<vmem>>) dst(%dma_wait3A_142 : memref<80x64xf32, #tpu.memory_space<vmem_shared>>)
    %mul3A_143 = arith.constant 640 : i32
    %mul3A_144 = arith.muli %arg1, %mul3A_143 : i32
    %add3A_145 = arith.constant 480 : i32
    %add3A_146 = arith.addi %mul3A_144, %add3A_145 : i32
    %dma_wait3A_147 = arith.constant 0 : i32
    %dma_wait3A_148 = tpu.memref_slice %arg11[%add3A_146, %dma_wait3A_147] : memref<10240x64xf32, #tpu.memory_space<vmem_shared>> -> memref<80x64xf32, #tpu.memory_space<vmem_shared>>
    %dma_wait3A_149 = arith.constant 0 : i32
    %dma_wait3A_150 = tpu.memref_slice %arg11[%add3A_146, %dma_wait3A_149] : memref<10240x64xf32, #tpu.memory_space<vmem_shared>> -> memref<80x64xf32, #tpu.memory_space<vmem_shared>>
    tpu.wait_dma2 semaphore(%arg13 : memref<!tpu.dma_semaphore, #tpu.memory_space<semaphore_mem>>) src(%arg9 : memref<80x64xf32, #tpu.memory_space<vmem>>) dst(%dma_wait3A_150 : memref<80x64xf32, #tpu.memory_space<vmem_shared>>)
    %mul3A_151 = arith.constant 640 : i32
    %mul3A_152 = arith.muli %arg1, %mul3A_151 : i32
    %add3A_153 = arith.constant 560 : i32
    %add3A_154 = arith.addi %mul3A_152, %add3A_153 : i32
    %dma_wait3A_155 = arith.constant 0 : i32
    %dma_wait3A_156 = tpu.memref_slice %arg11[%add3A_154, %dma_wait3A_155] : memref<10240x64xf32, #tpu.memory_space<vmem_shared>> -> memref<80x64xf32, #tpu.memory_space<vmem_shared>>
    %dma_wait3A_157 = arith.constant 0 : i32
    %dma_wait3A_158 = tpu.memref_slice %arg11[%add3A_154, %dma_wait3A_157] : memref<10240x64xf32, #tpu.memory_space<vmem_shared>> -> memref<80x64xf32, #tpu.memory_space<vmem_shared>>
    tpu.wait_dma2 semaphore(%arg13 : memref<!tpu.dma_semaphore, #tpu.memory_space<semaphore_mem>>) src(%arg9 : memref<80x64xf32, #tpu.memory_space<vmem>>) dst(%dma_wait3A_158 : memref<80x64xf32, #tpu.memory_space<vmem_shared>>)
    %barrier3A = arith.constant 0 : index
    tpu.barrier barrier_id(%barrier3A)
    %dma_start3A_159 = arith.constant 0 : i32
    %dma_start3A_160 = arith.constant 0 : i32
    %dma_start3A_161 = arith.constant 0 : i32
    %dma_start3A_162 = arith.constant 0 : i32
    %dma_start3A_163 = tpu.memref_slice %arg10[%dma_start3A_160, %dma_start3A_161, %dma_start3A_162] : memref<10x80x64xf32, #tpu.memory_space<vmem>> -> memref<1x80x64xf32, #tpu.memory_space<vmem>>
    %dma_start3A_164 = tpu.memref_squeeze %dma_start3A_163 : memref<1x80x64xf32, #tpu.memory_space<vmem>> -> memref<80x64xf32, #tpu.memory_space<vmem>>
    %dma_start3A_165 = arith.constant 0 : i32
    %dma_start3A_166 = tpu.memref_slice %arg7[%dma_start3A_159, %dma_start3A_165] : memref<125x80xi32, #tpu.memory_space<vmem>> -> memref<1x80xi32, #tpu.memory_space<vmem>>
    %dma_start3A_167 = tpu.memref_squeeze %dma_start3A_166 : memref<1x80xi32, #tpu.memory_space<vmem>> -> memref<80xi32, #tpu.memory_space<vmem>>
    %dma_start3A_168 = arith.constant 0 : i32
    %dma_start3A_169 = arith.constant 0 : i32
    %dma_start3A_170 = tpu.memref_slice %arg2[%dma_start3A_168, %dma_start3A_169] : memref<10000x64xf32, #tpu.memory_space<hbm>> -> memref<10000x64xf32, #tpu.memory_space<hbm>>
    tpu.enqueue_indirect_dma source(%dma_start3A_170 : memref<10000x64xf32, #tpu.memory_space<hbm>>) target(%dma_start3A_164 : memref<80x64xf32, #tpu.memory_space<vmem>>) offsets(%dma_start3A_167 : memref<80xi32, #tpu.memory_space<vmem>>) semaphore(%arg12 : memref<!tpu.dma_semaphore, #tpu.memory_space<semaphore_mem>>)
    %dma_start3A_171 = arith.constant 1 : i32
    %dma_start3A_172 = arith.constant 1 : i32
    %dma_start3A_173 = arith.constant 0 : i32
    %dma_start3A_174 = arith.constant 0 : i32
    %dma_start3A_175 = tpu.memref_slice %arg10[%dma_start3A_172, %dma_start3A_173, %dma_start3A_174] : memref<10x80x64xf32, #tpu.memory_space<vmem>> -> memref<1x80x64xf32, #tpu.memory_space<vmem>>
    %dma_start3A_176 = tpu.memref_squeeze %dma_start3A_175 : memref<1x80x64xf32, #tpu.memory_space<vmem>> -> memref<80x64xf32, #tpu.memory_space<vmem>>
    %dma_start3A_177 = arith.constant 0 : i32
    %dma_start3A_178 = tpu.memref_slice %arg7[%dma_start3A_171, %dma_start3A_177] : memref<125x80xi32, #tpu.memory_space<vmem>> -> memref<1x80xi32, #tpu.memory_space<vmem>>
    %dma_start3A_179 = tpu.memref_squeeze %dma_start3A_178 : memref<1x80xi32, #tpu.memory_space<vmem>> -> memref<80xi32, #tpu.memory_space<vmem>>
    %dma_start3A_180 = arith.constant 0 : i32
    %dma_start3A_181 = arith.constant 0 : i32
    %dma_start3A_182 = tpu.memref_slice %arg2[%dma_start3A_180, %dma_start3A_181] : memref<10000x64xf32, #tpu.memory_space<hbm>> -> memref<10000x64xf32, #tpu.memory_space<hbm>>
    tpu.enqueue_indirect_dma source(%dma_start3A_182 : memref<10000x64xf32, #tpu.memory_space<hbm>>) target(%dma_start3A_176 : memref<80x64xf32, #tpu.memory_space<vmem>>) offsets(%dma_start3A_179 : memref<80xi32, #tpu.memory_space<vmem>>) semaphore(%arg12 : memref<!tpu.dma_semaphore, #tpu.memory_space<semaphore_mem>>)
    %dma_start3A_183 = arith.constant 2 : i32
    %dma_start3A_184 = arith.constant 2 : i32
    %dma_start3A_185 = arith.constant 0 : i32
    %dma_start3A_186 = arith.constant 0 : i32
    %dma_start3A_187 = tpu.memref_slice %arg10[%dma_start3A_184, %dma_start3A_185, %dma_start3A_186] : memref<10x80x64xf32, #tpu.memory_space<vmem>> -> memref<1x80x64xf32, #tpu.memory_space<vmem>>
    %dma_start3A_188 = tpu.memref_squeeze %dma_start3A_187 : memref<1x80x64xf32, #tpu.memory_space<vmem>> -> memref<80x64xf32, #tpu.memory_space<vmem>>
    %dma_start3A_189 = arith.constant 0 : i32
    %dma_start3A_190 = tpu.memref_slice %arg7[%dma_start3A_183, %dma_start3A_189] : memref<125x80xi32, #tpu.memory_space<vmem>> -> memref<1x80xi32, #tpu.memory_space<vmem>>
    %dma_start3A_191 = tpu.memref_squeeze %dma_start3A_190 : memref<1x80xi32, #tpu.memory_space<vmem>> -> memref<80xi32, #tpu.memory_space<vmem>>
    %dma_start3A_192 = arith.constant 0 : i32
    %dma_start3A_193 = arith.constant 0 : i32
    %dma_start3A_194 = tpu.memref_slice %arg2[%dma_start3A_192, %dma_start3A_193] : memref<10000x64xf32, #tpu.memory_space<hbm>> -> memref<10000x64xf32, #tpu.memory_space<hbm>>
    tpu.enqueue_indirect_dma source(%dma_start3A_194 : memref<10000x64xf32, #tpu.memory_space<hbm>>) target(%dma_start3A_188 : memref<80x64xf32, #tpu.memory_space<vmem>>) offsets(%dma_start3A_191 : memref<80xi32, #tpu.memory_space<vmem>>) semaphore(%arg12 : memref<!tpu.dma_semaphore, #tpu.memory_space<semaphore_mem>>)
    %dma_start3A_195 = arith.constant 3 : i32
    %dma_start3A_196 = arith.constant 3 : i32
    %dma_start3A_197 = arith.constant 0 : i32
    %dma_start3A_198 = arith.constant 0 : i32
    %dma_start3A_199 = tpu.memref_slice %arg10[%dma_start3A_196, %dma_start3A_197, %dma_start3A_198] : memref<10x80x64xf32, #tpu.memory_space<vmem>> -> memref<1x80x64xf32, #tpu.memory_space<vmem>>
    %dma_start3A_200 = tpu.memref_squeeze %dma_start3A_199 : memref<1x80x64xf32, #tpu.memory_space<vmem>> -> memref<80x64xf32, #tpu.memory_space<vmem>>
    %dma_start3A_201 = arith.constant 0 : i32
    %dma_start3A_202 = tpu.memref_slice %arg7[%dma_start3A_195, %dma_start3A_201] : memref<125x80xi32, #tpu.memory_space<vmem>> -> memref<1x80xi32, #tpu.memory_space<vmem>>
    %dma_start3A_203 = tpu.memref_squeeze %dma_start3A_202 : memref<1x80xi32, #tpu.memory_space<vmem>> -> memref<80xi32, #tpu.memory_space<vmem>>
    %dma_start3A_204 = arith.constant 0 : i32
    %dma_start3A_205 = arith.constant 0 : i32
    %dma_start3A_206 = tpu.memref_slice %arg2[%dma_start3A_204, %dma_start3A_205] : memref<10000x64xf32, #tpu.memory_space<hbm>> -> memref<10000x64xf32, #tpu.memory_space<hbm>>
    tpu.enqueue_indirect_dma source(%dma_start3A_206 : memref<10000x64xf32, #tpu.memory_space<hbm>>) target(%dma_start3A_200 : memref<80x64xf32, #tpu.memory_space<vmem>>) offsets(%dma_start3A_203 : memref<80xi32, #tpu.memory_space<vmem>>) semaphore(%arg12 : memref<!tpu.dma_semaphore, #tpu.memory_space<semaphore_mem>>)
    %dma_start3A_207 = arith.constant 4 : i32
    %dma_start3A_208 = arith.constant 4 : i32
    %dma_start3A_209 = arith.constant 0 : i32
    %dma_start3A_210 = arith.constant 0 : i32
    %dma_start3A_211 = tpu.memref_slice %arg10[%dma_start3A_208, %dma_start3A_209, %dma_start3A_210] : memref<10x80x64xf32, #tpu.memory_space<vmem>> -> memref<1x80x64xf32, #tpu.memory_space<vmem>>
    %dma_start3A_212 = tpu.memref_squeeze %dma_start3A_211 : memref<1x80x64xf32, #tpu.memory_space<vmem>> -> memref<80x64xf32, #tpu.memory_space<vmem>>
    %dma_start3A_213 = arith.constant 0 : i32
    %dma_start3A_214 = tpu.memref_slice %arg7[%dma_start3A_207, %dma_start3A_213] : memref<125x80xi32, #tpu.memory_space<vmem>> -> memref<1x80xi32, #tpu.memory_space<vmem>>
    %dma_start3A_215 = tpu.memref_squeeze %dma_start3A_214 : memref<1x80xi32, #tpu.memory_space<vmem>> -> memref<80xi32, #tpu.memory_space<vmem>>
    %dma_start3A_216 = arith.constant 0 : i32
    %dma_start3A_217 = arith.constant 0 : i32
    %dma_start3A_218 = tpu.memref_slice %arg2[%dma_start3A_216, %dma_start3A_217] : memref<10000x64xf32, #tpu.memory_space<hbm>> -> memref<10000x64xf32, #tpu.memory_space<hbm>>
    tpu.enqueue_indirect_dma source(%dma_start3A_218 : memref<10000x64xf32, #tpu.memory_space<hbm>>) target(%dma_start3A_212 : memref<80x64xf32, #tpu.memory_space<vmem>>) offsets(%dma_start3A_215 : memref<80xi32, #tpu.memory_space<vmem>>) semaphore(%arg12 : memref<!tpu.dma_semaphore, #tpu.memory_space<semaphore_mem>>)
    %scan3A = arith.constant 0 : i32
    %scan3A_219 = arith.constant 0 : i32
    %scan3A_220 = arith.constant 25 : i32
    %scan3A_221 = arith.addi %scan3A_219, %scan3A_220 : i32
    %scan3A_222 = arith.constant 1 : i32
    scf.for %scan3A_229 = %scan3A_219 to %scan3A_221 step %scan3A_222  : i32 {
      %rem3A = arith.constant 2 : i32
      %rem3A_230 = arith.remsi %scan3A_229, %rem3A : i32
      %mul3A_231 = arith.constant 5 : i32
      %mul3A_232 = arith.muli %scan3A_229, %mul3A_231 : i32
      %add3A_233 = arith.constant 0 : i32
      %add3A_234 = arith.addi %mul3A_232, %add3A_233 : i32
      %mul3A_235 = arith.constant 5 : i32
      %mul3A_236 = arith.muli %rem3A_230, %mul3A_235 : i32
      %add3A_237 = arith.constant 0 : i32
      %add3A_238 = arith.addi %mul3A_236, %add3A_237 : i32
      %dma_wait3A_239 = arith.constant 0 : i32
      %dma_wait3A_240 = arith.constant 0 : i32
      %dma_wait3A_241 = tpu.memref_slice %arg10[%add3A_238, %dma_wait3A_239, %dma_wait3A_240] : memref<10x80x64xf32, #tpu.memory_space<vmem>> -> memref<1x80x64xf32, #tpu.memory_space<vmem>>
      %dma_wait3A_242 = tpu.memref_squeeze %dma_wait3A_241 : memref<1x80x64xf32, #tpu.memory_space<vmem>> -> memref<80x64xf32, #tpu.memory_space<vmem>>
      %dma_wait3A_243 = arith.constant 0 : i32
      %dma_wait3A_244 = tpu.memref_slice %arg7[%add3A_234, %dma_wait3A_243] : memref<125x80xi32, #tpu.memory_space<vmem>> -> memref<1x80xi32, #tpu.memory_space<vmem>>
      %dma_wait3A_245 = tpu.memref_squeeze %dma_wait3A_244 : memref<1x80xi32, #tpu.memory_space<vmem>> -> memref<80xi32, #tpu.memory_space<vmem>>
      %dma_wait3A_246 = arith.constant 0 : i32
      %dma_wait3A_247 = arith.constant 0 : i32
      %dma_wait3A_248 = tpu.memref_slice %arg2[%dma_wait3A_246, %dma_wait3A_247] : memref<10000x64xf32, #tpu.memory_space<hbm>> -> memref<10000x64xf32, #tpu.memory_space<hbm>>
      tpu.wait_indirect_dma semaphore(%arg12 : memref<!tpu.dma_semaphore, #tpu.memory_space<semaphore_mem>>) src(%dma_wait3A_248 : memref<10000x64xf32, #tpu.memory_space<hbm>>) dst(%dma_wait3A_242 : memref<80x64xf32, #tpu.memory_space<vmem>>)
      %dma_start3A_249 = arith.constant 0 : i32
      %dma_start3A_250 = arith.constant 0 : i32
      %dma_start3A_251 = tpu.memref_slice %arg10[%add3A_238, %dma_start3A_249, %dma_start3A_250] : memref<10x80x64xf32, #tpu.memory_space<vmem>> -> memref<1x80x64xf32, #tpu.memory_space<vmem>>
      %dma_start3A_252 = tpu.memref_squeeze %dma_start3A_251 : memref<1x80x64xf32, #tpu.memory_space<vmem>> -> memref<80x64xf32, #tpu.memory_space<vmem>>
      %dma_start3A_253 = arith.constant 0 : i32
      %dma_start3A_254 = tpu.memref_slice %arg8[%add3A_234, %dma_start3A_253] : memref<125x80xi32, #tpu.memory_space<vmem>> -> memref<1x80xi32, #tpu.memory_space<vmem>>
      %dma_start3A_255 = tpu.memref_squeeze %dma_start3A_254 : memref<1x80xi32, #tpu.memory_space<vmem>> -> memref<80xi32, #tpu.memory_space<vmem>>
      %dma_start3A_256 = arith.constant 0 : i32
      %dma_start3A_257 = arith.constant 0 : i32
      %dma_start3A_258 = tpu.memref_slice %arg11[%dma_start3A_256, %dma_start3A_257] : memref<10240x64xf32, #tpu.memory_space<vmem_shared>> -> memref<10240x64xf32, #tpu.memory_space<vmem_shared>>
      tpu.enqueue_indirect_dma source(%dma_start3A_252 : memref<80x64xf32, #tpu.memory_space<vmem>>) target(%dma_start3A_258 : memref<10240x64xf32, #tpu.memory_space<vmem_shared>>) offsets(%dma_start3A_255 : memref<80xi32, #tpu.memory_space<vmem>>) semaphore(%arg13 : memref<!tpu.dma_semaphore, #tpu.memory_space<semaphore_mem>>) {add = true}
      %mul3A_259 = arith.constant 5 : i32
      %mul3A_260 = arith.muli %scan3A_229, %mul3A_259 : i32
      %add3A_261 = arith.constant 1 : i32
      %add3A_262 = arith.addi %mul3A_260, %add3A_261 : i32
      %mul3A_263 = arith.constant 5 : i32
      %mul3A_264 = arith.muli %rem3A_230, %mul3A_263 : i32
      %add3A_265 = arith.constant 1 : i32
      %add3A_266 = arith.addi %mul3A_264, %add3A_265 : i32
      %dma_wait3A_267 = arith.constant 0 : i32
      %dma_wait3A_268 = arith.constant 0 : i32
      %dma_wait3A_269 = tpu.memref_slice %arg10[%add3A_266, %dma_wait3A_267, %dma_wait3A_268] : memref<10x80x64xf32, #tpu.memory_space<vmem>> -> memref<1x80x64xf32, #tpu.memory_space<vmem>>
      %dma_wait3A_270 = tpu.memref_squeeze %dma_wait3A_269 : memref<1x80x64xf32, #tpu.memory_space<vmem>> -> memref<80x64xf32, #tpu.memory_space<vmem>>
      %dma_wait3A_271 = arith.constant 0 : i32
      %dma_wait3A_272 = tpu.memref_slice %arg7[%add3A_262, %dma_wait3A_271] : memref<125x80xi32, #tpu.memory_space<vmem>> -> memref<1x80xi32, #tpu.memory_space<vmem>>
      %dma_wait3A_273 = tpu.memref_squeeze %dma_wait3A_272 : memref<1x80xi32, #tpu.memory_space<vmem>> -> memref<80xi32, #tpu.memory_space<vmem>>
      %dma_wait3A_274 = arith.constant 0 : i32
      %dma_wait3A_275 = arith.constant 0 : i32
      %dma_wait3A_276 = tpu.memref_slice %arg2[%dma_wait3A_274, %dma_wait3A_275] : memref<10000x64xf32, #tpu.memory_space<hbm>> -> memref<10000x64xf32, #tpu.memory_space<hbm>>
      tpu.wait_indirect_dma semaphore(%arg12 : memref<!tpu.dma_semaphore, #tpu.memory_space<semaphore_mem>>) src(%dma_wait3A_276 : memref<10000x64xf32, #tpu.memory_space<hbm>>) dst(%dma_wait3A_270 : memref<80x64xf32, #tpu.memory_space<vmem>>)
      %dma_start3A_277 = arith.constant 0 : i32
      %dma_start3A_278 = arith.constant 0 : i32
      %dma_start3A_279 = tpu.memref_slice %arg10[%add3A_266, %dma_start3A_277, %dma_start3A_278] : memref<10x80x64xf32, #tpu.memory_space<vmem>> -> memref<1x80x64xf32, #tpu.memory_space<vmem>>
      %dma_start3A_280 = tpu.memref_squeeze %dma_start3A_279 : memref<1x80x64xf32, #tpu.memory_space<vmem>> -> memref<80x64xf32, #tpu.memory_space<vmem>>
      %dma_start3A_281 = arith.constant 0 : i32
      %dma_start3A_282 = tpu.memref_slice %arg8[%add3A_262, %dma_start3A_281] : memref<125x80xi32, #tpu.memory_space<vmem>> -> memref<1x80xi32, #tpu.memory_space<vmem>>
      %dma_start3A_283 = tpu.memref_squeeze %dma_start3A_282 : memref<1x80xi32, #tpu.memory_space<vmem>> -> memref<80xi32, #tpu.memory_space<vmem>>
      %dma_start3A_284 = arith.constant 0 : i32
      %dma_start3A_285 = arith.constant 0 : i32
      %dma_start3A_286 = tpu.memref_slice %arg11[%dma_start3A_284, %dma_start3A_285] : memref<10240x64xf32, #tpu.memory_space<vmem_shared>> -> memref<10240x64xf32, #tpu.memory_space<vmem_shared>>
      tpu.enqueue_indirect_dma source(%dma_start3A_280 : memref<80x64xf32, #tpu.memory_space<vmem>>) target(%dma_start3A_286 : memref<10240x64xf32, #tpu.memory_space<vmem_shared>>) offsets(%dma_start3A_283 : memref<80xi32, #tpu.memory_space<vmem>>) semaphore(%arg13 : memref<!tpu.dma_semaphore, #tpu.memory_space<semaphore_mem>>) {add = true}
      %mul3A_287 = arith.constant 5 : i32
      %mul3A_288 = arith.muli %scan3A_229, %mul3A_287 : i32
      %add3A_289 = arith.constant 2 : i32
      %add3A_290 = arith.addi %mul3A_288, %add3A_289 : i32
      %mul3A_291 = arith.constant 5 : i32
      %mul3A_292 = arith.muli %rem3A_230, %mul3A_291 : i32
      %add3A_293 = arith.constant 2 : i32
      %add3A_294 = arith.addi %mul3A_292, %add3A_293 : i32
      %dma_wait3A_295 = arith.constant 0 : i32
      %dma_wait3A_296 = arith.constant 0 : i32
      %dma_wait3A_297 = tpu.memref_slice %arg10[%add3A_294, %dma_wait3A_295, %dma_wait3A_296] : memref<10x80x64xf32, #tpu.memory_space<vmem>> -> memref<1x80x64xf32, #tpu.memory_space<vmem>>
      %dma_wait3A_298 = tpu.memref_squeeze %dma_wait3A_297 : memref<1x80x64xf32, #tpu.memory_space<vmem>> -> memref<80x64xf32, #tpu.memory_space<vmem>>
      %dma_wait3A_299 = arith.constant 0 : i32
      %dma_wait3A_300 = tpu.memref_slice %arg7[%add3A_290, %dma_wait3A_299] : memref<125x80xi32, #tpu.memory_space<vmem>> -> memref<1x80xi32, #tpu.memory_space<vmem>>
      %dma_wait3A_301 = tpu.memref_squeeze %dma_wait3A_300 : memref<1x80xi32, #tpu.memory_space<vmem>> -> memref<80xi32, #tpu.memory_space<vmem>>
      %dma_wait3A_302 = arith.constant 0 : i32
      %dma_wait3A_303 = arith.constant 0 : i32
      %dma_wait3A_304 = tpu.memref_slice %arg2[%dma_wait3A_302, %dma_wait3A_303] : memref<10000x64xf32, #tpu.memory_space<hbm>> -> memref<10000x64xf32, #tpu.memory_space<hbm>>
      tpu.wait_indirect_dma semaphore(%arg12 : memref<!tpu.dma_semaphore, #tpu.memory_space<semaphore_mem>>) src(%dma_wait3A_304 : memref<10000x64xf32, #tpu.memory_space<hbm>>) dst(%dma_wait3A_298 : memref<80x64xf32, #tpu.memory_space<vmem>>)
      %dma_start3A_305 = arith.constant 0 : i32
      %dma_start3A_306 = arith.constant 0 : i32
      %dma_start3A_307 = tpu.memref_slice %arg10[%add3A_294, %dma_start3A_305, %dma_start3A_306] : memref<10x80x64xf32, #tpu.memory_space<vmem>> -> memref<1x80x64xf32, #tpu.memory_space<vmem>>
      %dma_start3A_308 = tpu.memref_squeeze %dma_start3A_307 : memref<1x80x64xf32, #tpu.memory_space<vmem>> -> memref<80x64xf32, #tpu.memory_space<vmem>>
      %dma_start3A_309 = arith.constant 0 : i32
      %dma_start3A_310 = tpu.memref_slice %arg8[%add3A_290, %dma_start3A_309] : memref<125x80xi32, #tpu.memory_space<vmem>> -> memref<1x80xi32, #tpu.memory_space<vmem>>
      %dma_start3A_311 = tpu.memref_squeeze %dma_start3A_310 : memref<1x80xi32, #tpu.memory_space<vmem>> -> memref<80xi32, #tpu.memory_space<vmem>>
      %dma_start3A_312 = arith.constant 0 : i32
      %dma_start3A_313 = arith.constant 0 : i32
      %dma_start3A_314 = tpu.memref_slice %arg11[%dma_start3A_312, %dma_start3A_313] : memref<10240x64xf32, #tpu.memory_space<vmem_shared>> -> memref<10240x64xf32, #tpu.memory_space<vmem_shared>>
      tpu.enqueue_indirect_dma source(%dma_start3A_308 : memref<80x64xf32, #tpu.memory_space<vmem>>) target(%dma_start3A_314 : memref<10240x64xf32, #tpu.memory_space<vmem_shared>>) offsets(%dma_start3A_311 : memref<80xi32, #tpu.memory_space<vmem>>) semaphore(%arg13 : memref<!tpu.dma_semaphore, #tpu.memory_space<semaphore_mem>>) {add = true}
      %mul3A_315 = arith.constant 5 : i32
      %mul3A_316 = arith.muli %scan3A_229, %mul3A_315 : i32
      %add3A_317 = arith.constant 3 : i32
      %add3A_318 = arith.addi %mul3A_316, %add3A_317 : i32
      %mul3A_319 = arith.constant 5 : i32
      %mul3A_320 = arith.muli %rem3A_230, %mul3A_319 : i32
      %add3A_321 = arith.constant 3 : i32
      %add3A_322 = arith.addi %mul3A_320, %add3A_321 : i32
      %dma_wait3A_323 = arith.constant 0 : i32
      %dma_wait3A_324 = arith.constant 0 : i32
      %dma_wait3A_325 = tpu.memref_slice %arg10[%add3A_322, %dma_wait3A_323, %dma_wait3A_324] : memref<10x80x64xf32, #tpu.memory_space<vmem>> -> memref<1x80x64xf32, #tpu.memory_space<vmem>>
      %dma_wait3A_326 = tpu.memref_squeeze %dma_wait3A_325 : memref<1x80x64xf32, #tpu.memory_space<vmem>> -> memref<80x64xf32, #tpu.memory_space<vmem>>
      %dma_wait3A_327 = arith.constant 0 : i32
      %dma_wait3A_328 = tpu.memref_slice %arg7[%add3A_318, %dma_wait3A_327] : memref<125x80xi32, #tpu.memory_space<vmem>> -> memref<1x80xi32, #tpu.memory_space<vmem>>
      %dma_wait3A_329 = tpu.memref_squeeze %dma_wait3A_328 : memref<1x80xi32, #tpu.memory_space<vmem>> -> memref<80xi32, #tpu.memory_space<vmem>>
      %dma_wait3A_330 = arith.constant 0 : i32
      %dma_wait3A_331 = arith.constant 0 : i32
      %dma_wait3A_332 = tpu.memref_slice %arg2[%dma_wait3A_330, %dma_wait3A_331] : memref<10000x64xf32, #tpu.memory_space<hbm>> -> memref<10000x64xf32, #tpu.memory_space<hbm>>
      tpu.wait_indirect_dma semaphore(%arg12 : memref<!tpu.dma_semaphore, #tpu.memory_space<semaphore_mem>>) src(%dma_wait3A_332 : memref<10000x64xf32, #tpu.memory_space<hbm>>) dst(%dma_wait3A_326 : memref<80x64xf32, #tpu.memory_space<vmem>>)
      %dma_start3A_333 = arith.constant 0 : i32
      %dma_start3A_334 = arith.constant 0 : i32
      %dma_start3A_335 = tpu.memref_slice %arg10[%add3A_322, %dma_start3A_333, %dma_start3A_334] : memref<10x80x64xf32, #tpu.memory_space<vmem>> -> memref<1x80x64xf32, #tpu.memory_space<vmem>>
      %dma_start3A_336 = tpu.memref_squeeze %dma_start3A_335 : memref<1x80x64xf32, #tpu.memory_space<vmem>> -> memref<80x64xf32, #tpu.memory_space<vmem>>
      %dma_start3A_337 = arith.constant 0 : i32
      %dma_start3A_338 = tpu.memref_slice %arg8[%add3A_318, %dma_start3A_337] : memref<125x80xi32, #tpu.memory_space<vmem>> -> memref<1x80xi32, #tpu.memory_space<vmem>>
      %dma_start3A_339 = tpu.memref_squeeze %dma_start3A_338 : memref<1x80xi32, #tpu.memory_space<vmem>> -> memref<80xi32, #tpu.memory_space<vmem>>
      %dma_start3A_340 = arith.constant 0 : i32
      %dma_start3A_341 = arith.constant 0 : i32
      %dma_start3A_342 = tpu.memref_slice %arg11[%dma_start3A_340, %dma_start3A_341] : memref<10240x64xf32, #tpu.memory_space<vmem_shared>> -> memref<10240x64xf32, #tpu.memory_space<vmem_shared>>
      tpu.enqueue_indirect_dma source(%dma_start3A_336 : memref<80x64xf32, #tpu.memory_space<vmem>>) target(%dma_start3A_342 : memref<10240x64xf32, #tpu.memory_space<vmem_shared>>) offsets(%dma_start3A_339 : memref<80xi32, #tpu.memory_space<vmem>>) semaphore(%arg13 : memref<!tpu.dma_semaphore, #tpu.memory_space<semaphore_mem>>) {add = true}
      %mul3A_343 = arith.constant 5 : i32
      %mul3A_344 = arith.muli %scan3A_229, %mul3A_343 : i32
      %add3A_345 = arith.constant 4 : i32
      %add3A_346 = arith.addi %mul3A_344, %add3A_345 : i32
      %mul3A_347 = arith.constant 5 : i32
      %mul3A_348 = arith.muli %rem3A_230, %mul3A_347 : i32
      %add3A_349 = arith.constant 4 : i32
      %add3A_350 = arith.addi %mul3A_348, %add3A_349 : i32
      %dma_wait3A_351 = arith.constant 0 : i32
      %dma_wait3A_352 = arith.constant 0 : i32
      %dma_wait3A_353 = tpu.memref_slice %arg10[%add3A_350, %dma_wait3A_351, %dma_wait3A_352] : memref<10x80x64xf32, #tpu.memory_space<vmem>> -> memref<1x80x64xf32, #tpu.memory_space<vmem>>
      %dma_wait3A_354 = tpu.memref_squeeze %dma_wait3A_353 : memref<1x80x64xf32, #tpu.memory_space<vmem>> -> memref<80x64xf32, #tpu.memory_space<vmem>>
      %dma_wait3A_355 = arith.constant 0 : i32
      %dma_wait3A_356 = tpu.memref_slice %arg7[%add3A_346, %dma_wait3A_355] : memref<125x80xi32, #tpu.memory_space<vmem>> -> memref<1x80xi32, #tpu.memory_space<vmem>>
      %dma_wait3A_357 = tpu.memref_squeeze %dma_wait3A_356 : memref<1x80xi32, #tpu.memory_space<vmem>> -> memref<80xi32, #tpu.memory_space<vmem>>
      %dma_wait3A_358 = arith.constant 0 : i32
      %dma_wait3A_359 = arith.constant 0 : i32
      %dma_wait3A_360 = tpu.memref_slice %arg2[%dma_wait3A_358, %dma_wait3A_359] : memref<10000x64xf32, #tpu.memory_space<hbm>> -> memref<10000x64xf32, #tpu.memory_space<hbm>>
      tpu.wait_indirect_dma semaphore(%arg12 : memref<!tpu.dma_semaphore, #tpu.memory_space<semaphore_mem>>) src(%dma_wait3A_360 : memref<10000x64xf32, #tpu.memory_space<hbm>>) dst(%dma_wait3A_354 : memref<80x64xf32, #tpu.memory_space<vmem>>)
      %dma_start3A_361 = arith.constant 0 : i32
      %dma_start3A_362 = arith.constant 0 : i32
      %dma_start3A_363 = tpu.memref_slice %arg10[%add3A_350, %dma_start3A_361, %dma_start3A_362] : memref<10x80x64xf32, #tpu.memory_space<vmem>> -> memref<1x80x64xf32, #tpu.memory_space<vmem>>
      %dma_start3A_364 = tpu.memref_squeeze %dma_start3A_363 : memref<1x80x64xf32, #tpu.memory_space<vmem>> -> memref<80x64xf32, #tpu.memory_space<vmem>>
      %dma_start3A_365 = arith.constant 0 : i32
      %dma_start3A_366 = tpu.memref_slice %arg8[%add3A_346, %dma_start3A_365] : memref<125x80xi32, #tpu.memory_space<vmem>> -> memref<1x80xi32, #tpu.memory_space<vmem>>
      %dma_start3A_367 = tpu.memref_squeeze %dma_start3A_366 : memref<1x80xi32, #tpu.memory_space<vmem>> -> memref<80xi32, #tpu.memory_space<vmem>>
      %dma_start3A_368 = arith.constant 0 : i32
      %dma_start3A_369 = arith.constant 0 : i32
      %dma_start3A_370 = tpu.memref_slice %arg11[%dma_start3A_368, %dma_start3A_369] : memref<10240x64xf32, #tpu.memory_space<vmem_shared>> -> memref<10240x64xf32, #tpu.memory_space<vmem_shared>>
      tpu.enqueue_indirect_dma source(%dma_start3A_364 : memref<80x64xf32, #tpu.memory_space<vmem>>) target(%dma_start3A_370 : memref<10240x64xf32, #tpu.memory_space<vmem_shared>>) offsets(%dma_start3A_367 : memref<80xi32, #tpu.memory_space<vmem>>) semaphore(%arg13 : memref<!tpu.dma_semaphore, #tpu.memory_space<semaphore_mem>>) {add = true}
      %lt3A = arith.constant 24 : i32
      %lt3A_371 = arith.cmpi slt, %scan3A_229, %lt3A : i32
      %convert_element_type3A = arith.extui %lt3A_371 : i1 to i32
      %cond3A = arith.constant 0 : i32
      %cond3A_372 = arith.cmpi ne, %convert_element_type3A, %cond3A : i32
      scf.if %cond3A_372 {
        %add3A_463 = arith.constant 1 : i32
        %add3A_464 = arith.addi %scan3A_229, %add3A_463 : i32
        %mul3A_465 = arith.constant 5 : i32
        %mul3A_466 = arith.muli %add3A_464, %mul3A_465 : i32
        %add3A_467 = arith.constant 0 : i32
        %add3A_468 = arith.addi %mul3A_466, %add3A_467 : i32
        %sub3A = arith.constant 1 : i32
        %sub3A_469 = arith.subi %sub3A, %rem3A_230 : i32
        %mul3A_470 = arith.constant 5 : i32
        %mul3A_471 = arith.muli %sub3A_469, %mul3A_470 : i32
        %add3A_472 = arith.constant 0 : i32
        %add3A_473 = arith.addi %mul3A_471, %add3A_472 : i32
        %dma_start3A_474 = arith.constant 0 : i32
        %dma_start3A_475 = arith.constant 0 : i32
        %dma_start3A_476 = tpu.memref_slice %arg10[%add3A_473, %dma_start3A_474, %dma_start3A_475] : memref<10x80x64xf32, #tpu.memory_space<vmem>> -> memref<1x80x64xf32, #tpu.memory_space<vmem>>
        %dma_start3A_477 = tpu.memref_squeeze %dma_start3A_476 : memref<1x80x64xf32, #tpu.memory_space<vmem>> -> memref<80x64xf32, #tpu.memory_space<vmem>>
        %dma_start3A_478 = arith.constant 0 : i32
        %dma_start3A_479 = tpu.memref_slice %arg7[%add3A_468, %dma_start3A_478] : memref<125x80xi32, #tpu.memory_space<vmem>> -> memref<1x80xi32, #tpu.memory_space<vmem>>
        %dma_start3A_480 = tpu.memref_squeeze %dma_start3A_479 : memref<1x80xi32, #tpu.memory_space<vmem>> -> memref<80xi32, #tpu.memory_space<vmem>>
        %dma_start3A_481 = arith.constant 0 : i32
        %dma_start3A_482 = arith.constant 0 : i32
        %dma_start3A_483 = tpu.memref_slice %arg2[%dma_start3A_481, %dma_start3A_482] : memref<10000x64xf32, #tpu.memory_space<hbm>> -> memref<10000x64xf32, #tpu.memory_space<hbm>>
        tpu.enqueue_indirect_dma source(%dma_start3A_483 : memref<10000x64xf32, #tpu.memory_space<hbm>>) target(%dma_start3A_477 : memref<80x64xf32, #tpu.memory_space<vmem>>) offsets(%dma_start3A_480 : memref<80xi32, #tpu.memory_space<vmem>>) semaphore(%arg12 : memref<!tpu.dma_semaphore, #tpu.memory_space<semaphore_mem>>)
        %add3A_484 = arith.constant 1 : i32
        %add3A_485 = arith.addi %scan3A_229, %add3A_484 : i32
        %mul3A_486 = arith.constant 5 : i32
        %mul3A_487 = arith.muli %add3A_485, %mul3A_486 : i32
        %add3A_488 = arith.constant 1 : i32
        %add3A_489 = arith.addi %mul3A_487, %add3A_488 : i32
        %sub3A_490 = arith.constant 1 : i32
        %sub3A_491 = arith.subi %sub3A_490, %rem3A_230 : i32
        %mul3A_492 = arith.constant 5 : i32
        %mul3A_493 = arith.muli %sub3A_491, %mul3A_492 : i32
        %add3A_494 = arith.constant 1 : i32
        %add3A_495 = arith.addi %mul3A_493, %add3A_494 : i32
        %dma_start3A_496 = arith.constant 0 : i32
        %dma_start3A_497 = arith.constant 0 : i32
        %dma_start3A_498 = tpu.memref_slice %arg10[%add3A_495, %dma_start3A_496, %dma_start3A_497] : memref<10x80x64xf32, #tpu.memory_space<vmem>> -> memref<1x80x64xf32, #tpu.memory_space<vmem>>
        %dma_start3A_499 = tpu.memref_squeeze %dma_start3A_498 : memref<1x80x64xf32, #tpu.memory_space<vmem>> -> memref<80x64xf32, #tpu.memory_space<vmem>>
        %dma_start3A_500 = arith.constant 0 : i32
        %dma_start3A_501 = tpu.memref_slice %arg7[%add3A_489, %dma_start3A_500] : memref<125x80xi32, #tpu.memory_space<vmem>> -> memref<1x80xi32, #tpu.memory_space<vmem>>
        %dma_start3A_502 = tpu.memref_squeeze %dma_start3A_501 : memref<1x80xi32, #tpu.memory_space<vmem>> -> memref<80xi32, #tpu.memory_space<vmem>>
        %dma_start3A_503 = arith.constant 0 : i32
        %dma_start3A_504 = arith.constant 0 : i32
        %dma_start3A_505 = tpu.memref_slice %arg2[%dma_start3A_503, %dma_start3A_504] : memref<10000x64xf32, #tpu.memory_space<hbm>> -> memref<10000x64xf32, #tpu.memory_space<hbm>>
        tpu.enqueue_indirect_dma source(%dma_start3A_505 : memref<10000x64xf32, #tpu.memory_space<hbm>>) target(%dma_start3A_499 : memref<80x64xf32, #tpu.memory_space<vmem>>) offsets(%dma_start3A_502 : memref<80xi32, #tpu.memory_space<vmem>>) semaphore(%arg12 : memref<!tpu.dma_semaphore, #tpu.memory_space<semaphore_mem>>)
        %add3A_506 = arith.constant 1 : i32
        %add3A_507 = arith.addi %scan3A_229, %add3A_506 : i32
        %mul3A_508 = arith.constant 5 : i32
        %mul3A_509 = arith.muli %add3A_507, %mul3A_508 : i32
        %add3A_510 = arith.constant 2 : i32
        %add3A_511 = arith.addi %mul3A_509, %add3A_510 : i32
        %sub3A_512 = arith.constant 1 : i32
        %sub3A_513 = arith.subi %sub3A_512, %rem3A_230 : i32
        %mul3A_514 = arith.constant 5 : i32
        %mul3A_515 = arith.muli %sub3A_513, %mul3A_514 : i32
        %add3A_516 = arith.constant 2 : i32
        %add3A_517 = arith.addi %mul3A_515, %add3A_516 : i32
        %dma_start3A_518 = arith.constant 0 : i32
        %dma_start3A_519 = arith.constant 0 : i32
        %dma_start3A_520 = tpu.memref_slice %arg10[%add3A_517, %dma_start3A_518, %dma_start3A_519] : memref<10x80x64xf32, #tpu.memory_space<vmem>> -> memref<1x80x64xf32, #tpu.memory_space<vmem>>
        %dma_start3A_521 = tpu.memref_squeeze %dma_start3A_520 : memref<1x80x64xf32, #tpu.memory_space<vmem>> -> memref<80x64xf32, #tpu.memory_space<vmem>>
        %dma_start3A_522 = arith.constant 0 : i32
        %dma_start3A_523 = tpu.memref_slice %arg7[%add3A_511, %dma_start3A_522] : memref<125x80xi32, #tpu.memory_space<vmem>> -> memref<1x80xi32, #tpu.memory_space<vmem>>
        %dma_start3A_524 = tpu.memref_squeeze %dma_start3A_523 : memref<1x80xi32, #tpu.memory_space<vmem>> -> memref<80xi32, #tpu.memory_space<vmem>>
        %dma_start3A_525 = arith.constant 0 : i32
        %dma_start3A_526 = arith.constant 0 : i32
        %dma_start3A_527 = tpu.memref_slice %arg2[%dma_start3A_525, %dma_start3A_526] : memref<10000x64xf32, #tpu.memory_space<hbm>> -> memref<10000x64xf32, #tpu.memory_space<hbm>>
        tpu.enqueue_indirect_dma source(%dma_start3A_527 : memref<10000x64xf32, #tpu.memory_space<hbm>>) target(%dma_start3A_521 : memref<80x64xf32, #tpu.memory_space<vmem>>) offsets(%dma_start3A_524 : memref<80xi32, #tpu.memory_space<vmem>>) semaphore(%arg12 : memref<!tpu.dma_semaphore, #tpu.memory_space<semaphore_mem>>)
        %add3A_528 = arith.constant 1 : i32
        %add3A_529 = arith.addi %scan3A_229, %add3A_528 : i32
        %mul3A_530 = arith.constant 5 : i32
        %mul3A_531 = arith.muli %add3A_529, %mul3A_530 : i32
        %add3A_532 = arith.constant 3 : i32
        %add3A_533 = arith.addi %mul3A_531, %add3A_532 : i32
        %sub3A_534 = arith.constant 1 : i32
        %sub3A_535 = arith.subi %sub3A_534, %rem3A_230 : i32
        %mul3A_536 = arith.constant 5 : i32
        %mul3A_537 = arith.muli %sub3A_535, %mul3A_536 : i32
        %add3A_538 = arith.constant 3 : i32
        %add3A_539 = arith.addi %mul3A_537, %add3A_538 : i32
        %dma_start3A_540 = arith.constant 0 : i32
        %dma_start3A_541 = arith.constant 0 : i32
        %dma_start3A_542 = tpu.memref_slice %arg10[%add3A_539, %dma_start3A_540, %dma_start3A_541] : memref<10x80x64xf32, #tpu.memory_space<vmem>> -> memref<1x80x64xf32, #tpu.memory_space<vmem>>
        %dma_start3A_543 = tpu.memref_squeeze %dma_start3A_542 : memref<1x80x64xf32, #tpu.memory_space<vmem>> -> memref<80x64xf32, #tpu.memory_space<vmem>>
        %dma_start3A_544 = arith.constant 0 : i32
        %dma_start3A_545 = tpu.memref_slice %arg7[%add3A_533, %dma_start3A_544] : memref<125x80xi32, #tpu.memory_space<vmem>> -> memref<1x80xi32, #tpu.memory_space<vmem>>
        %dma_start3A_546 = tpu.memref_squeeze %dma_start3A_545 : memref<1x80xi32, #tpu.memory_space<vmem>> -> memref<80xi32, #tpu.memory_space<vmem>>
        %dma_start3A_547 = arith.constant 0 : i32
        %dma_start3A_548 = arith.constant 0 : i32
        %dma_start3A_549 = tpu.memref_slice %arg2[%dma_start3A_547, %dma_start3A_548] : memref<10000x64xf32, #tpu.memory_space<hbm>> -> memref<10000x64xf32, #tpu.memory_space<hbm>>
        tpu.enqueue_indirect_dma source(%dma_start3A_549 : memref<10000x64xf32, #tpu.memory_space<hbm>>) target(%dma_start3A_543 : memref<80x64xf32, #tpu.memory_space<vmem>>) offsets(%dma_start3A_546 : memref<80xi32, #tpu.memory_space<vmem>>) semaphore(%arg12 : memref<!tpu.dma_semaphore, #tpu.memory_space<semaphore_mem>>)
        %add3A_550 = arith.constant 1 : i32
        %add3A_551 = arith.addi %scan3A_229, %add3A_550 : i32
        %mul3A_552 = arith.constant 5 : i32
        %mul3A_553 = arith.muli %add3A_551, %mul3A_552 : i32
        %add3A_554 = arith.constant 4 : i32
        %add3A_555 = arith.addi %mul3A_553, %add3A_554 : i32
        %sub3A_556 = arith.constant 1 : i32
        %sub3A_557 = arith.subi %sub3A_556, %rem3A_230 : i32
        %mul3A_558 = arith.constant 5 : i32
        %mul3A_559 = arith.muli %sub3A_557, %mul3A_558 : i32
        %add3A_560 = arith.constant 4 : i32
        %add3A_561 = arith.addi %mul3A_559, %add3A_560 : i32
        %dma_start3A_562 = arith.constant 0 : i32
        %dma_start3A_563 = arith.constant 0 : i32
        %dma_start3A_564 = tpu.memref_slice %arg10[%add3A_561, %dma_start3A_562, %dma_start3A_563] : memref<10x80x64xf32, #tpu.memory_space<vmem>> -> memref<1x80x64xf32, #tpu.memory_space<vmem>>
        %dma_start3A_565 = tpu.memref_squeeze %dma_start3A_564 : memref<1x80x64xf32, #tpu.memory_space<vmem>> -> memref<80x64xf32, #tpu.memory_space<vmem>>
        %dma_start3A_566 = arith.constant 0 : i32
        %dma_start3A_567 = tpu.memref_slice %arg7[%add3A_555, %dma_start3A_566] : memref<125x80xi32, #tpu.memory_space<vmem>> -> memref<1x80xi32, #tpu.memory_space<vmem>>
        %dma_start3A_568 = tpu.memref_squeeze %dma_start3A_567 : memref<1x80xi32, #tpu.memory_space<vmem>> -> memref<80xi32, #tpu.memory_space<vmem>>
        %dma_start3A_569 = arith.constant 0 : i32
        %dma_start3A_570 = arith.constant 0 : i32
        %dma_start3A_571 = tpu.memref_slice %arg2[%dma_start3A_569, %dma_start3A_570] : memref<10000x64xf32, #tpu.memory_space<hbm>> -> memref<10000x64xf32, #tpu.memory_space<hbm>>
        tpu.enqueue_indirect_dma source(%dma_start3A_571 : memref<10000x64xf32, #tpu.memory_space<hbm>>) target(%dma_start3A_565 : memref<80x64xf32, #tpu.memory_space<vmem>>) offsets(%dma_start3A_568 : memref<80xi32, #tpu.memory_space<vmem>>) semaphore(%arg12 : memref<!tpu.dma_semaphore, #tpu.memory_space<semaphore_mem>>)
      } else {
      }
      %mul3A_373 = arith.constant 5 : i32
      %mul3A_374 = arith.muli %rem3A_230, %mul3A_373 : i32
      %add3A_375 = arith.constant 0 : i32
      %add3A_376 = arith.addi %mul3A_374, %add3A_375 : i32
      %mul3A_377 = arith.constant 5 : i32
      %mul3A_378 = arith.muli %scan3A_229, %mul3A_377 : i32
      %add3A_379 = arith.constant 0 : i32
      %add3A_380 = arith.addi %mul3A_378, %add3A_379 : i32
      %dma_wait3A_381 = arith.constant 0 : i32
      %dma_wait3A_382 = arith.constant 0 : i32
      %dma_wait3A_383 = tpu.memref_slice %arg10[%add3A_376, %dma_wait3A_381, %dma_wait3A_382] : memref<10x80x64xf32, #tpu.memory_space<vmem>> -> memref<1x80x64xf32, #tpu.memory_space<vmem>>
      %dma_wait3A_384 = tpu.memref_squeeze %dma_wait3A_383 : memref<1x80x64xf32, #tpu.memory_space<vmem>> -> memref<80x64xf32, #tpu.memory_space<vmem>>
      %dma_wait3A_385 = arith.constant 0 : i32
      %dma_wait3A_386 = tpu.memref_slice %arg8[%add3A_380, %dma_wait3A_385] : memref<125x80xi32, #tpu.memory_space<vmem>> -> memref<1x80xi32, #tpu.memory_space<vmem>>
      %dma_wait3A_387 = tpu.memref_squeeze %dma_wait3A_386 : memref<1x80xi32, #tpu.memory_space<vmem>> -> memref<80xi32, #tpu.memory_space<vmem>>
      %dma_wait3A_388 = arith.constant 0 : i32
      %dma_wait3A_389 = arith.constant 0 : i32
      %dma_wait3A_390 = tpu.memref_slice %arg11[%dma_wait3A_388, %dma_wait3A_389] : memref<10240x64xf32, #tpu.memory_space<vmem_shared>> -> memref<10240x64xf32, #tpu.memory_space<vmem_shared>>
      tpu.wait_indirect_dma semaphore(%arg13 : memref<!tpu.dma_semaphore, #tpu.memory_space<semaphore_mem>>) src(%dma_wait3A_384 : memref<80x64xf32, #tpu.memory_space<vmem>>) dst(%dma_wait3A_390 : memref<10240x64xf32, #tpu.memory_space<vmem_shared>>)
      %mul3A_391 = arith.constant 5 : i32
      %mul3A_392 = arith.muli %rem3A_230, %mul3A_391 : i32
      %add3A_393 = arith.constant 1 : i32
      %add3A_394 = arith.addi %mul3A_392, %add3A_393 : i32
      %mul3A_395 = arith.constant 5 : i32
      %mul3A_396 = arith.muli %scan3A_229, %mul3A_395 : i32
      %add3A_397 = arith.constant 1 : i32
      %add3A_398 = arith.addi %mul3A_396, %add3A_397 : i32
      %dma_wait3A_399 = arith.constant 0 : i32
      %dma_wait3A_400 = arith.constant 0 : i32
      %dma_wait3A_401 = tpu.memref_slice %arg10[%add3A_394, %dma_wait3A_399, %dma_wait3A_400] : memref<10x80x64xf32, #tpu.memory_space<vmem>> -> memref<1x80x64xf32, #tpu.memory_space<vmem>>
      %dma_wait3A_402 = tpu.memref_squeeze %dma_wait3A_401 : memref<1x80x64xf32, #tpu.memory_space<vmem>> -> memref<80x64xf32, #tpu.memory_space<vmem>>
      %dma_wait3A_403 = arith.constant 0 : i32
      %dma_wait3A_404 = tpu.memref_slice %arg8[%add3A_398, %dma_wait3A_403] : memref<125x80xi32, #tpu.memory_space<vmem>> -> memref<1x80xi32, #tpu.memory_space<vmem>>
      %dma_wait3A_405 = tpu.memref_squeeze %dma_wait3A_404 : memref<1x80xi32, #tpu.memory_space<vmem>> -> memref<80xi32, #tpu.memory_space<vmem>>
      %dma_wait3A_406 = arith.constant 0 : i32
      %dma_wait3A_407 = arith.constant 0 : i32
      %dma_wait3A_408 = tpu.memref_slice %arg11[%dma_wait3A_406, %dma_wait3A_407] : memref<10240x64xf32, #tpu.memory_space<vmem_shared>> -> memref<10240x64xf32, #tpu.memory_space<vmem_shared>>
      tpu.wait_indirect_dma semaphore(%arg13 : memref<!tpu.dma_semaphore, #tpu.memory_space<semaphore_mem>>) src(%dma_wait3A_402 : memref<80x64xf32, #tpu.memory_space<vmem>>) dst(%dma_wait3A_408 : memref<10240x64xf32, #tpu.memory_space<vmem_shared>>)
      %mul3A_409 = arith.constant 5 : i32
      %mul3A_410 = arith.muli %rem3A_230, %mul3A_409 : i32
      %add3A_411 = arith.constant 2 : i32
      %add3A_412 = arith.addi %mul3A_410, %add3A_411 : i32
      %mul3A_413 = arith.constant 5 : i32
      %mul3A_414 = arith.muli %scan3A_229, %mul3A_413 : i32
      %add3A_415 = arith.constant 2 : i32
      %add3A_416 = arith.addi %mul3A_414, %add3A_415 : i32
      %dma_wait3A_417 = arith.constant 0 : i32
      %dma_wait3A_418 = arith.constant 0 : i32
      %dma_wait3A_419 = tpu.memref_slice %arg10[%add3A_412, %dma_wait3A_417, %dma_wait3A_418] : memref<10x80x64xf32, #tpu.memory_space<vmem>> -> memref<1x80x64xf32, #tpu.memory_space<vmem>>
      %dma_wait3A_420 = tpu.memref_squeeze %dma_wait3A_419 : memref<1x80x64xf32, #tpu.memory_space<vmem>> -> memref<80x64xf32, #tpu.memory_space<vmem>>
      %dma_wait3A_421 = arith.constant 0 : i32
      %dma_wait3A_422 = tpu.memref_slice %arg8[%add3A_416, %dma_wait3A_421] : memref<125x80xi32, #tpu.memory_space<vmem>> -> memref<1x80xi32, #tpu.memory_space<vmem>>
      %dma_wait3A_423 = tpu.memref_squeeze %dma_wait3A_422 : memref<1x80xi32, #tpu.memory_space<vmem>> -> memref<80xi32, #tpu.memory_space<vmem>>
      %dma_wait3A_424 = arith.constant 0 : i32
      %dma_wait3A_425 = arith.constant 0 : i32
      %dma_wait3A_426 = tpu.memref_slice %arg11[%dma_wait3A_424, %dma_wait3A_425] : memref<10240x64xf32, #tpu.memory_space<vmem_shared>> -> memref<10240x64xf32, #tpu.memory_space<vmem_shared>>
      tpu.wait_indirect_dma semaphore(%arg13 : memref<!tpu.dma_semaphore, #tpu.memory_space<semaphore_mem>>) src(%dma_wait3A_420 : memref<80x64xf32, #tpu.memory_space<vmem>>) dst(%dma_wait3A_426 : memref<10240x64xf32, #tpu.memory_space<vmem_shared>>)
      %mul3A_427 = arith.constant 5 : i32
      %mul3A_428 = arith.muli %rem3A_230, %mul3A_427 : i32
      %add3A_429 = arith.constant 3 : i32
      %add3A_430 = arith.addi %mul3A_428, %add3A_429 : i32
      %mul3A_431 = arith.constant 5 : i32
      %mul3A_432 = arith.muli %scan3A_229, %mul3A_431 : i32
      %add3A_433 = arith.constant 3 : i32
      %add3A_434 = arith.addi %mul3A_432, %add3A_433 : i32
      %dma_wait3A_435 = arith.constant 0 : i32
      %dma_wait3A_436 = arith.constant 0 : i32
      %dma_wait3A_437 = tpu.memref_slice %arg10[%add3A_430, %dma_wait3A_435, %dma_wait3A_436] : memref<10x80x64xf32, #tpu.memory_space<vmem>> -> memref<1x80x64xf32, #tpu.memory_space<vmem>>
      %dma_wait3A_438 = tpu.memref_squeeze %dma_wait3A_437 : memref<1x80x64xf32, #tpu.memory_space<vmem>> -> memref<80x64xf32, #tpu.memory_space<vmem>>
      %dma_wait3A_439 = arith.constant 0 : i32
      %dma_wait3A_440 = tpu.memref_slice %arg8[%add3A_434, %dma_wait3A_439] : memref<125x80xi32, #tpu.memory_space<vmem>> -> memref<1x80xi32, #tpu.memory_space<vmem>>
      %dma_wait3A_441 = tpu.memref_squeeze %dma_wait3A_440 : memref<1x80xi32, #tpu.memory_space<vmem>> -> memref<80xi32, #tpu.memory_space<vmem>>
      %dma_wait3A_442 = arith.constant 0 : i32
      %dma_wait3A_443 = arith.constant 0 : i32
      %dma_wait3A_444 = tpu.memref_slice %arg11[%dma_wait3A_442, %dma_wait3A_443] : memref<10240x64xf32, #tpu.memory_space<vmem_shared>> -> memref<10240x64xf32, #tpu.memory_space<vmem_shared>>
      tpu.wait_indirect_dma semaphore(%arg13 : memref<!tpu.dma_semaphore, #tpu.memory_space<semaphore_mem>>) src(%dma_wait3A_438 : memref<80x64xf32, #tpu.memory_space<vmem>>) dst(%dma_wait3A_444 : memref<10240x64xf32, #tpu.memory_space<vmem_shared>>)
      %mul3A_445 = arith.constant 5 : i32
      %mul3A_446 = arith.muli %rem3A_230, %mul3A_445 : i32
      %add3A_447 = arith.constant 4 : i32
      %add3A_448 = arith.addi %mul3A_446, %add3A_447 : i32
      %mul3A_449 = arith.constant 5 : i32
      %mul3A_450 = arith.muli %scan3A_229, %mul3A_449 : i32
      %add3A_451 = arith.constant 4 : i32
      %add3A_452 = arith.addi %mul3A_450, %add3A_451 : i32
      %dma_wait3A_453 = arith.constant 0 : i32
      %dma_wait3A_454 = arith.constant 0 : i32
      %dma_wait3A_455 = tpu.memref_slice %arg10[%add3A_448, %dma_wait3A_453, %dma_wait3A_454] : memref<10x80x64xf32, #tpu.memory_space<vmem>> -> memref<1x80x64xf32, #tpu.memory_space<vmem>>
      %dma_wait3A_456 = tpu.memref_squeeze %dma_wait3A_455 : memref<1x80x64xf32, #tpu.memory_space<vmem>> -> memref<80x64xf32, #tpu.memory_space<vmem>>
      %dma_wait3A_457 = arith.constant 0 : i32
      %dma_wait3A_458 = tpu.memref_slice %arg8[%add3A_452, %dma_wait3A_457] : memref<125x80xi32, #tpu.memory_space<vmem>> -> memref<1x80xi32, #tpu.memory_space<vmem>>
      %dma_wait3A_459 = tpu.memref_squeeze %dma_wait3A_458 : memref<1x80xi32, #tpu.memory_space<vmem>> -> memref<80xi32, #tpu.memory_space<vmem>>
      %dma_wait3A_460 = arith.constant 0 : i32
      %dma_wait3A_461 = arith.constant 0 : i32
      %dma_wait3A_462 = tpu.memref_slice %arg11[%dma_wait3A_460, %dma_wait3A_461] : memref<10240x64xf32, #tpu.memory_space<vmem_shared>> -> memref<10240x64xf32, #tpu.memory_space<vmem_shared>>
      tpu.wait_indirect_dma semaphore(%arg13 : memref<!tpu.dma_semaphore, #tpu.memory_space<semaphore_mem>>) src(%dma_wait3A_456 : memref<80x64xf32, #tpu.memory_space<vmem>>) dst(%dma_wait3A_462 : memref<10240x64xf32, #tpu.memory_space<vmem_shared>>)
    }
    %scan3A_223 = arith.constant 25 : i32
    %barrier3A_224 = arith.constant 0 : index
    tpu.barrier barrier_id(%barrier3A_224)
    %mul3A_225 = arith.constant 640 : i32
    %mul3A_226 = arith.muli %arg1, %mul3A_225 : i32
    %mul3A_227 = arith.constant 640 : i32
    %mul3A_228 = arith.muli %arg1, %mul3A_227 : i32
    "tpu.region"() ({
      %run_scoped3A = tpu.sem_alloc : memref<!tpu.dma_semaphore, #tpu.memory_space<semaphore_mem>>
      %dma_start3A_229 = arith.constant 0 : i32
      %dma_start3A_230 = tpu.memref_slice %arg6[%arg0, %mul3A_228, %dma_start3A_229] : memref<2x10240x64xf32, #tpu.memory_space<hbm>> -> memref<1x640x64xf32, #tpu.memory_space<hbm>>
      %dma_start3A_231 = tpu.memref_squeeze %dma_start3A_230 : memref<1x640x64xf32, #tpu.memory_space<hbm>> -> memref<640x64xf32, #tpu.memory_space<hbm>>
      %dma_start3A_232 = arith.constant 0 : i32
      %dma_start3A_233 = tpu.memref_slice %arg11[%mul3A_226, %dma_start3A_232] : memref<10240x64xf32, #tpu.memory_space<vmem_shared>> -> memref<640x64xf32, #tpu.memory_space<vmem_shared>>
      tpu.enqueue_dma source(%dma_start3A_233 : memref<640x64xf32, #tpu.memory_space<vmem_shared>>) target(%dma_start3A_231 : memref<640x64xf32, #tpu.memory_space<hbm>>) target_semaphore(%run_scoped3A : memref<!tpu.dma_semaphore, #tpu.memory_space<semaphore_mem>>)
      %dma_wait3A_234 = arith.constant 0 : i32
      %dma_wait3A_235 = tpu.memref_slice %arg6[%arg0, %mul3A_228, %dma_wait3A_234] : memref<2x10240x64xf32, #tpu.memory_space<hbm>> -> memref<1x640x64xf32, #tpu.memory_space<hbm>>
      %dma_wait3A_236 = tpu.memref_squeeze %dma_wait3A_235 : memref<1x640x64xf32, #tpu.memory_space<hbm>> -> memref<640x64xf32, #tpu.memory_space<hbm>>
      %dma_wait3A_237 = arith.constant 0 : i32
      %dma_wait3A_238 = tpu.memref_slice %arg11[%mul3A_226, %dma_wait3A_237] : memref<10240x64xf32, #tpu.memory_space<vmem_shared>> -> memref<640x64xf32, #tpu.memory_space<vmem_shared>>
      tpu.wait_dma2 semaphore(%run_scoped3A : memref<!tpu.dma_semaphore, #tpu.memory_space<semaphore_mem>>) src(%dma_wait3A_238 : memref<640x64xf32, #tpu.memory_space<vmem_shared>>) dst(%dma_wait3A_236 : memref<640x64xf32, #tpu.memory_space<hbm>>)
      tpu.yield
    }) : () -> ()
    return
  }
}

#map = affine_map<(d0, d1) -> (0, 0)>
#map1 = affine_map<(d0, d1) -> (0, 0, 0)>
module attributes {stable_mosaic.version = 14 : i64} {
  func.func @_prop_kernel(%arg0: i32, %arg1: i32, %arg2: memref<10000x64xf32, #tpu.memory_space<hbm>>, %arg3: memref<32x125x80xi32, #tpu.memory_space<hbm>>, %arg4: memref<32x125x80xi32, #tpu.memory_space<hbm>>, %arg5: memref<80x64xf32, #tpu.memory_space<hbm>>, %arg6: memref<2x10240x64xf32, #tpu.memory_space<hbm>>, %arg7: memref<125x80xi32, #tpu.memory_space<vmem>>, %arg8: memref<125x80xi32, #tpu.memory_space<vmem>>, %arg9: memref<80x64xf32, #tpu.memory_space<vmem>>, %arg10: memref<10x80x64xf32, #tpu.memory_space<vmem>>, %arg11: memref<10240x64xf32, #tpu.memory_space<vmem_shared>>, %arg12: memref<!tpu.dma_semaphore, #tpu.memory_space<semaphore_mem>>, %arg13: memref<!tpu.dma_semaphore, #tpu.memory_space<semaphore_mem>>) attributes {dimension_semantics = [#tpu.dimension_semantics<core_parallel>, #tpu.dimension_semantics<subcore_parallel>], iteration_bounds = array<i64: 2, 16>, scalar_prefetch = 0 : i64, scratch_operands = 7 : i64, tpu.core_type = #tpu.core_type<sc_vector_subcore>, window_params = [{transform_indices = #map}, {transform_indices = #map1}, {transform_indices = #map1}, {transform_indices = #map}, {transform_indices = #map1}]} {
    %mul3A = arith.constant 2 : i32
    %mul3A_0 = arith.muli %arg1, %mul3A : i32
    %add3A = arith.addi %mul3A_0, %arg0 : i32
    tpu.enqueue_dma source(%arg5 : memref<80x64xf32, #tpu.memory_space<hbm>>) target(%arg9 : memref<80x64xf32, #tpu.memory_space<vmem>>) target_semaphore(%arg12 : memref<!tpu.dma_semaphore, #tpu.memory_space<semaphore_mem>>)
    %dma_start3A = arith.constant 0 : i32
    %dma_start3A_1 = arith.constant 0 : i32
    %dma_start3A_2 = tpu.memref_slice %arg3[%add3A, %dma_start3A, %dma_start3A_1] : memref<32x125x80xi32, #tpu.memory_space<hbm>> -> memref<1x125x80xi32, #tpu.memory_space<hbm>>
    %dma_start3A_3 = tpu.memref_squeeze %dma_start3A_2 : memref<1x125x80xi32, #tpu.memory_space<hbm>> -> memref<125x80xi32, #tpu.memory_space<hbm>>
    %dma_start3A_4 = arith.constant 0 : i32
    %dma_start3A_5 = arith.constant 0 : i32
    %dma_start3A_6 = tpu.memref_slice %arg3[%add3A, %dma_start3A_4, %dma_start3A_5] : memref<32x125x80xi32, #tpu.memory_space<hbm>> -> memref<1x125x80xi32, #tpu.memory_space<hbm>>
    %dma_start3A_7 = tpu.memref_squeeze %dma_start3A_6 : memref<1x125x80xi32, #tpu.memory_space<hbm>> -> memref<125x80xi32, #tpu.memory_space<hbm>>
    tpu.enqueue_dma source(%dma_start3A_7 : memref<125x80xi32, #tpu.memory_space<hbm>>) target(%arg7 : memref<125x80xi32, #tpu.memory_space<vmem>>) target_semaphore(%arg12 : memref<!tpu.dma_semaphore, #tpu.memory_space<semaphore_mem>>)
    %dma_start3A_8 = arith.constant 0 : i32
    %dma_start3A_9 = arith.constant 0 : i32
    %dma_start3A_10 = tpu.memref_slice %arg4[%add3A, %dma_start3A_8, %dma_start3A_9] : memref<32x125x80xi32, #tpu.memory_space<hbm>> -> memref<1x125x80xi32, #tpu.memory_space<hbm>>
    %dma_start3A_11 = tpu.memref_squeeze %dma_start3A_10 : memref<1x125x80xi32, #tpu.memory_space<hbm>> -> memref<125x80xi32, #tpu.memory_space<hbm>>
    %dma_start3A_12 = arith.constant 0 : i32
    %dma_start3A_13 = arith.constant 0 : i32
    %dma_start3A_14 = tpu.memref_slice %arg4[%add3A, %dma_start3A_12, %dma_start3A_13] : memref<32x125x80xi32, #tpu.memory_space<hbm>> -> memref<1x125x80xi32, #tpu.memory_space<hbm>>
    %dma_start3A_15 = tpu.memref_squeeze %dma_start3A_14 : memref<1x125x80xi32, #tpu.memory_space<hbm>> -> memref<125x80xi32, #tpu.memory_space<hbm>>
    tpu.enqueue_dma source(%dma_start3A_15 : memref<125x80xi32, #tpu.memory_space<hbm>>) target(%arg8 : memref<125x80xi32, #tpu.memory_space<vmem>>) target_semaphore(%arg12 : memref<!tpu.dma_semaphore, #tpu.memory_space<semaphore_mem>>)
    tpu.wait_dma2 semaphore(%arg12 : memref<!tpu.dma_semaphore, #tpu.memory_space<semaphore_mem>>) src(%arg5 : memref<80x64xf32, #tpu.memory_space<hbm>>) dst(%arg9 : memref<80x64xf32, #tpu.memory_space<vmem>>)
    %mul3A_16 = arith.constant 640 : i32
    %mul3A_17 = arith.muli %arg1, %mul3A_16 : i32
    %add3A_18 = arith.constant 0 : i32
    %add3A_19 = arith.addi %mul3A_17, %add3A_18 : i32
    %dma_start3A_20 = arith.constant 0 : i32
    %dma_start3A_21 = tpu.memref_slice %arg11[%add3A_19, %dma_start3A_20] : memref<10240x64xf32, #tpu.memory_space<vmem_shared>> -> memref<80x64xf32, #tpu.memory_space<vmem_shared>>
    %dma_start3A_22 = arith.constant 0 : i32
    %dma_start3A_23 = tpu.memref_slice %arg11[%add3A_19, %dma_start3A_22] : memref<10240x64xf32, #tpu.memory_space<vmem_shared>> -> memref<80x64xf32, #tpu.memory_space<vmem_shared>>
    tpu.enqueue_dma source(%arg9 : memref<80x64xf32, #tpu.memory_space<vmem>>) target(%dma_start3A_23 : memref<80x64xf32, #tpu.memory_space<vmem_shared>>) target_semaphore(%arg13 : memref<!tpu.dma_semaphore, #tpu.memory_space<semaphore_mem>>)
    %mul3A_24 = arith.constant 640 : i32
    %mul3A_25 = arith.muli %arg1, %mul3A_24 : i32
    %add3A_26 = arith.constant 80 : i32
    %add3A_27 = arith.addi %mul3A_25, %add3A_26 : i32
    %dma_start3A_28 = arith.constant 0 : i32
    %dma_start3A_29 = tpu.memref_slice %arg11[%add3A_27, %dma_start3A_28] : memref<10240x64xf32, #tpu.memory_space<vmem_shared>> -> memref<80x64xf32, #tpu.memory_space<vmem_shared>>
    %dma_start3A_30 = arith.constant 0 : i32
    %dma_start3A_31 = tpu.memref_slice %arg11[%add3A_27, %dma_start3A_30] : memref<10240x64xf32, #tpu.memory_space<vmem_shared>> -> memref<80x64xf32, #tpu.memory_space<vmem_shared>>
    tpu.enqueue_dma source(%arg9 : memref<80x64xf32, #tpu.memory_space<vmem>>) target(%dma_start3A_31 : memref<80x64xf32, #tpu.memory_space<vmem_shared>>) target_semaphore(%arg13 : memref<!tpu.dma_semaphore, #tpu.memory_space<semaphore_mem>>)
    %mul3A_32 = arith.constant 640 : i32
    %mul3A_33 = arith.muli %arg1, %mul3A_32 : i32
    %add3A_34 = arith.constant 160 : i32
    %add3A_35 = arith.addi %mul3A_33, %add3A_34 : i32
    %dma_start3A_36 = arith.constant 0 : i32
    %dma_start3A_37 = tpu.memref_slice %arg11[%add3A_35, %dma_start3A_36] : memref<10240x64xf32, #tpu.memory_space<vmem_shared>> -> memref<80x64xf32, #tpu.memory_space<vmem_shared>>
    %dma_start3A_38 = arith.constant 0 : i32
    %dma_start3A_39 = tpu.memref_slice %arg11[%add3A_35, %dma_start3A_38] : memref<10240x64xf32, #tpu.memory_space<vmem_shared>> -> memref<80x64xf32, #tpu.memory_space<vmem_shared>>
    tpu.enqueue_dma source(%arg9 : memref<80x64xf32, #tpu.memory_space<vmem>>) target(%dma_start3A_39 : memref<80x64xf32, #tpu.memory_space<vmem_shared>>) target_semaphore(%arg13 : memref<!tpu.dma_semaphore, #tpu.memory_space<semaphore_mem>>)
    %mul3A_40 = arith.constant 640 : i32
    %mul3A_41 = arith.muli %arg1, %mul3A_40 : i32
    %add3A_42 = arith.constant 240 : i32
    %add3A_43 = arith.addi %mul3A_41, %add3A_42 : i32
    %dma_start3A_44 = arith.constant 0 : i32
    %dma_start3A_45 = tpu.memref_slice %arg11[%add3A_43, %dma_start3A_44] : memref<10240x64xf32, #tpu.memory_space<vmem_shared>> -> memref<80x64xf32, #tpu.memory_space<vmem_shared>>
    %dma_start3A_46 = arith.constant 0 : i32
    %dma_start3A_47 = tpu.memref_slice %arg11[%add3A_43, %dma_start3A_46] : memref<10240x64xf32, #tpu.memory_space<vmem_shared>> -> memref<80x64xf32, #tpu.memory_space<vmem_shared>>
    tpu.enqueue_dma source(%arg9 : memref<80x64xf32, #tpu.memory_space<vmem>>) target(%dma_start3A_47 : memref<80x64xf32, #tpu.memory_space<vmem_shared>>) target_semaphore(%arg13 : memref<!tpu.dma_semaphore, #tpu.memory_space<semaphore_mem>>)
    %mul3A_48 = arith.constant 640 : i32
    %mul3A_49 = arith.muli %arg1, %mul3A_48 : i32
    %add3A_50 = arith.constant 320 : i32
    %add3A_51 = arith.addi %mul3A_49, %add3A_50 : i32
    %dma_start3A_52 = arith.constant 0 : i32
    %dma_start3A_53 = tpu.memref_slice %arg11[%add3A_51, %dma_start3A_52] : memref<10240x64xf32, #tpu.memory_space<vmem_shared>> -> memref<80x64xf32, #tpu.memory_space<vmem_shared>>
    %dma_start3A_54 = arith.constant 0 : i32
    %dma_start3A_55 = tpu.memref_slice %arg11[%add3A_51, %dma_start3A_54] : memref<10240x64xf32, #tpu.memory_space<vmem_shared>> -> memref<80x64xf32, #tpu.memory_space<vmem_shared>>
    tpu.enqueue_dma source(%arg9 : memref<80x64xf32, #tpu.memory_space<vmem>>) target(%dma_start3A_55 : memref<80x64xf32, #tpu.memory_space<vmem_shared>>) target_semaphore(%arg13 : memref<!tpu.dma_semaphore, #tpu.memory_space<semaphore_mem>>)
    %mul3A_56 = arith.constant 640 : i32
    %mul3A_57 = arith.muli %arg1, %mul3A_56 : i32
    %add3A_58 = arith.constant 400 : i32
    %add3A_59 = arith.addi %mul3A_57, %add3A_58 : i32
    %dma_start3A_60 = arith.constant 0 : i32
    %dma_start3A_61 = tpu.memref_slice %arg11[%add3A_59, %dma_start3A_60] : memref<10240x64xf32, #tpu.memory_space<vmem_shared>> -> memref<80x64xf32, #tpu.memory_space<vmem_shared>>
    %dma_start3A_62 = arith.constant 0 : i32
    %dma_start3A_63 = tpu.memref_slice %arg11[%add3A_59, %dma_start3A_62] : memref<10240x64xf32, #tpu.memory_space<vmem_shared>> -> memref<80x64xf32, #tpu.memory_space<vmem_shared>>
    tpu.enqueue_dma source(%arg9 : memref<80x64xf32, #tpu.memory_space<vmem>>) target(%dma_start3A_63 : memref<80x64xf32, #tpu.memory_space<vmem_shared>>) target_semaphore(%arg13 : memref<!tpu.dma_semaphore, #tpu.memory_space<semaphore_mem>>)
    %mul3A_64 = arith.constant 640 : i32
    %mul3A_65 = arith.muli %arg1, %mul3A_64 : i32
    %add3A_66 = arith.constant 480 : i32
    %add3A_67 = arith.addi %mul3A_65, %add3A_66 : i32
    %dma_start3A_68 = arith.constant 0 : i32
    %dma_start3A_69 = tpu.memref_slice %arg11[%add3A_67, %dma_start3A_68] : memref<10240x64xf32, #tpu.memory_space<vmem_shared>> -> memref<80x64xf32, #tpu.memory_space<vmem_shared>>
    %dma_start3A_70 = arith.constant 0 : i32
    %dma_start3A_71 = tpu.memref_slice %arg11[%add3A_67, %dma_start3A_70] : memref<10240x64xf32, #tpu.memory_space<vmem_shared>> -> memref<80x64xf32, #tpu.memory_space<vmem_shared>>
    tpu.enqueue_dma source(%arg9 : memref<80x64xf32, #tpu.memory_space<vmem>>) target(%dma_start3A_71 : memref<80x64xf32, #tpu.memory_space<vmem_shared>>) target_semaphore(%arg13 : memref<!tpu.dma_semaphore, #tpu.memory_space<semaphore_mem>>)
    %mul3A_72 = arith.constant 640 : i32
    %mul3A_73 = arith.muli %arg1, %mul3A_72 : i32
    %add3A_74 = arith.constant 560 : i32
    %add3A_75 = arith.addi %mul3A_73, %add3A_74 : i32
    %dma_start3A_76 = arith.constant 0 : i32
    %dma_start3A_77 = tpu.memref_slice %arg11[%add3A_75, %dma_start3A_76] : memref<10240x64xf32, #tpu.memory_space<vmem_shared>> -> memref<80x64xf32, #tpu.memory_space<vmem_shared>>
    %dma_start3A_78 = arith.constant 0 : i32
    %dma_start3A_79 = tpu.memref_slice %arg11[%add3A_75, %dma_start3A_78] : memref<10240x64xf32, #tpu.memory_space<vmem_shared>> -> memref<80x64xf32, #tpu.memory_space<vmem_shared>>
    tpu.enqueue_dma source(%arg9 : memref<80x64xf32, #tpu.memory_space<vmem>>) target(%dma_start3A_79 : memref<80x64xf32, #tpu.memory_space<vmem_shared>>) target_semaphore(%arg13 : memref<!tpu.dma_semaphore, #tpu.memory_space<semaphore_mem>>)
    %dma_wait3A = arith.constant 0 : i32
    %dma_wait3A_80 = arith.constant 0 : i32
    %dma_wait3A_81 = tpu.memref_slice %arg3[%add3A, %dma_wait3A, %dma_wait3A_80] : memref<32x125x80xi32, #tpu.memory_space<hbm>> -> memref<1x125x80xi32, #tpu.memory_space<hbm>>
    %dma_wait3A_82 = tpu.memref_squeeze %dma_wait3A_81 : memref<1x125x80xi32, #tpu.memory_space<hbm>> -> memref<125x80xi32, #tpu.memory_space<hbm>>
    %dma_wait3A_83 = arith.constant 0 : i32
    %dma_wait3A_84 = arith.constant 0 : i32
    %dma_wait3A_85 = tpu.memref_slice %arg3[%add3A, %dma_wait3A_83, %dma_wait3A_84] : memref<32x125x80xi32, #tpu.memory_space<hbm>> -> memref<1x125x80xi32, #tpu.memory_space<hbm>>
    %dma_wait3A_86 = tpu.memref_squeeze %dma_wait3A_85 : memref<1x125x80xi32, #tpu.memory_space<hbm>> -> memref<125x80xi32, #tpu.memory_space<hbm>>
    tpu.wait_dma2 semaphore(%arg12 : memref<!tpu.dma_semaphore, #tpu.memory_space<semaphore_mem>>) src(%dma_wait3A_86 : memref<125x80xi32, #tpu.memory_space<hbm>>) dst(%arg7 : memref<125x80xi32, #tpu.memory_space<vmem>>)
    %dma_wait3A_87 = arith.constant 0 : i32
    %dma_wait3A_88 = arith.constant 0 : i32
    %dma_wait3A_89 = tpu.memref_slice %arg4[%add3A, %dma_wait3A_87, %dma_wait3A_88] : memref<32x125x80xi32, #tpu.memory_space<hbm>> -> memref<1x125x80xi32, #tpu.memory_space<hbm>>
    %dma_wait3A_90 = tpu.memref_squeeze %dma_wait3A_89 : memref<1x125x80xi32, #tpu.memory_space<hbm>> -> memref<125x80xi32, #tpu.memory_space<hbm>>
    %dma_wait3A_91 = arith.constant 0 : i32
    %dma_wait3A_92 = arith.constant 0 : i32
    %dma_wait3A_93 = tpu.memref_slice %arg4[%add3A, %dma_wait3A_91, %dma_wait3A_92] : memref<32x125x80xi32, #tpu.memory_space<hbm>> -> memref<1x125x80xi32, #tpu.memory_space<hbm>>
    %dma_wait3A_94 = tpu.memref_squeeze %dma_wait3A_93 : memref<1x125x80xi32, #tpu.memory_space<hbm>> -> memref<125x80xi32, #tpu.memory_space<hbm>>
    tpu.wait_dma2 semaphore(%arg12 : memref<!tpu.dma_semaphore, #tpu.memory_space<semaphore_mem>>) src(%dma_wait3A_94 : memref<125x80xi32, #tpu.memory_space<hbm>>) dst(%arg8 : memref<125x80xi32, #tpu.memory_space<vmem>>)
    %mul3A_95 = arith.constant 640 : i32
    %mul3A_96 = arith.muli %arg1, %mul3A_95 : i32
    %add3A_97 = arith.constant 0 : i32
    %add3A_98 = arith.addi %mul3A_96, %add3A_97 : i32
    %dma_wait3A_99 = arith.constant 0 : i32
    %dma_wait3A_100 = tpu.memref_slice %arg11[%add3A_98, %dma_wait3A_99] : memref<10240x64xf32, #tpu.memory_space<vmem_shared>> -> memref<80x64xf32, #tpu.memory_space<vmem_shared>>
    %dma_wait3A_101 = arith.constant 0 : i32
    %dma_wait3A_102 = tpu.memref_slice %arg11[%add3A_98, %dma_wait3A_101] : memref<10240x64xf32, #tpu.memory_space<vmem_shared>> -> memref<80x64xf32, #tpu.memory_space<vmem_shared>>
    tpu.wait_dma2 semaphore(%arg13 : memref<!tpu.dma_semaphore, #tpu.memory_space<semaphore_mem>>) src(%arg9 : memref<80x64xf32, #tpu.memory_space<vmem>>) dst(%dma_wait3A_102 : memref<80x64xf32, #tpu.memory_space<vmem_shared>>)
    %mul3A_103 = arith.constant 640 : i32
    %mul3A_104 = arith.muli %arg1, %mul3A_103 : i32
    %add3A_105 = arith.constant 80 : i32
    %add3A_106 = arith.addi %mul3A_104, %add3A_105 : i32
    %dma_wait3A_107 = arith.constant 0 : i32
    %dma_wait3A_108 = tpu.memref_slice %arg11[%add3A_106, %dma_wait3A_107] : memref<10240x64xf32, #tpu.memory_space<vmem_shared>> -> memref<80x64xf32, #tpu.memory_space<vmem_shared>>
    %dma_wait3A_109 = arith.constant 0 : i32
    %dma_wait3A_110 = tpu.memref_slice %arg11[%add3A_106, %dma_wait3A_109] : memref<10240x64xf32, #tpu.memory_space<vmem_shared>> -> memref<80x64xf32, #tpu.memory_space<vmem_shared>>
    tpu.wait_dma2 semaphore(%arg13 : memref<!tpu.dma_semaphore, #tpu.memory_space<semaphore_mem>>) src(%arg9 : memref<80x64xf32, #tpu.memory_space<vmem>>) dst(%dma_wait3A_110 : memref<80x64xf32, #tpu.memory_space<vmem_shared>>)
    %mul3A_111 = arith.constant 640 : i32
    %mul3A_112 = arith.muli %arg1, %mul3A_111 : i32
    %add3A_113 = arith.constant 160 : i32
    %add3A_114 = arith.addi %mul3A_112, %add3A_113 : i32
    %dma_wait3A_115 = arith.constant 0 : i32
    %dma_wait3A_116 = tpu.memref_slice %arg11[%add3A_114, %dma_wait3A_115] : memref<10240x64xf32, #tpu.memory_space<vmem_shared>> -> memref<80x64xf32, #tpu.memory_space<vmem_shared>>
    %dma_wait3A_117 = arith.constant 0 : i32
    %dma_wait3A_118 = tpu.memref_slice %arg11[%add3A_114, %dma_wait3A_117] : memref<10240x64xf32, #tpu.memory_space<vmem_shared>> -> memref<80x64xf32, #tpu.memory_space<vmem_shared>>
    tpu.wait_dma2 semaphore(%arg13 : memref<!tpu.dma_semaphore, #tpu.memory_space<semaphore_mem>>) src(%arg9 : memref<80x64xf32, #tpu.memory_space<vmem>>) dst(%dma_wait3A_118 : memref<80x64xf32, #tpu.memory_space<vmem_shared>>)
    %mul3A_119 = arith.constant 640 : i32
    %mul3A_120 = arith.muli %arg1, %mul3A_119 : i32
    %add3A_121 = arith.constant 240 : i32
    %add3A_122 = arith.addi %mul3A_120, %add3A_121 : i32
    %dma_wait3A_123 = arith.constant 0 : i32
    %dma_wait3A_124 = tpu.memref_slice %arg11[%add3A_122, %dma_wait3A_123] : memref<10240x64xf32, #tpu.memory_space<vmem_shared>> -> memref<80x64xf32, #tpu.memory_space<vmem_shared>>
    %dma_wait3A_125 = arith.constant 0 : i32
    %dma_wait3A_126 = tpu.memref_slice %arg11[%add3A_122, %dma_wait3A_125] : memref<10240x64xf32, #tpu.memory_space<vmem_shared>> -> memref<80x64xf32, #tpu.memory_space<vmem_shared>>
    tpu.wait_dma2 semaphore(%arg13 : memref<!tpu.dma_semaphore, #tpu.memory_space<semaphore_mem>>) src(%arg9 : memref<80x64xf32, #tpu.memory_space<vmem>>) dst(%dma_wait3A_126 : memref<80x64xf32, #tpu.memory_space<vmem_shared>>)
    %mul3A_127 = arith.constant 640 : i32
    %mul3A_128 = arith.muli %arg1, %mul3A_127 : i32
    %add3A_129 = arith.constant 320 : i32
    %add3A_130 = arith.addi %mul3A_128, %add3A_129 : i32
    %dma_wait3A_131 = arith.constant 0 : i32
    %dma_wait3A_132 = tpu.memref_slice %arg11[%add3A_130, %dma_wait3A_131] : memref<10240x64xf32, #tpu.memory_space<vmem_shared>> -> memref<80x64xf32, #tpu.memory_space<vmem_shared>>
    %dma_wait3A_133 = arith.constant 0 : i32
    %dma_wait3A_134 = tpu.memref_slice %arg11[%add3A_130, %dma_wait3A_133] : memref<10240x64xf32, #tpu.memory_space<vmem_shared>> -> memref<80x64xf32, #tpu.memory_space<vmem_shared>>
    tpu.wait_dma2 semaphore(%arg13 : memref<!tpu.dma_semaphore, #tpu.memory_space<semaphore_mem>>) src(%arg9 : memref<80x64xf32, #tpu.memory_space<vmem>>) dst(%dma_wait3A_134 : memref<80x64xf32, #tpu.memory_space<vmem_shared>>)
    %mul3A_135 = arith.constant 640 : i32
    %mul3A_136 = arith.muli %arg1, %mul3A_135 : i32
    %add3A_137 = arith.constant 400 : i32
    %add3A_138 = arith.addi %mul3A_136, %add3A_137 : i32
    %dma_wait3A_139 = arith.constant 0 : i32
    %dma_wait3A_140 = tpu.memref_slice %arg11[%add3A_138, %dma_wait3A_139] : memref<10240x64xf32, #tpu.memory_space<vmem_shared>> -> memref<80x64xf32, #tpu.memory_space<vmem_shared>>
    %dma_wait3A_141 = arith.constant 0 : i32
    %dma_wait3A_142 = tpu.memref_slice %arg11[%add3A_138, %dma_wait3A_141] : memref<10240x64xf32, #tpu.memory_space<vmem_shared>> -> memref<80x64xf32, #tpu.memory_space<vmem_shared>>
    tpu.wait_dma2 semaphore(%arg13 : memref<!tpu.dma_semaphore, #tpu.memory_space<semaphore_mem>>) src(%arg9 : memref<80x64xf32, #tpu.memory_space<vmem>>) dst(%dma_wait3A_142 : memref<80x64xf32, #tpu.memory_space<vmem_shared>>)
    %mul3A_143 = arith.constant 640 : i32
    %mul3A_144 = arith.muli %arg1, %mul3A_143 : i32
    %add3A_145 = arith.constant 480 : i32
    %add3A_146 = arith.addi %mul3A_144, %add3A_145 : i32
    %dma_wait3A_147 = arith.constant 0 : i32
    %dma_wait3A_148 = tpu.memref_slice %arg11[%add3A_146, %dma_wait3A_147] : memref<10240x64xf32, #tpu.memory_space<vmem_shared>> -> memref<80x64xf32, #tpu.memory_space<vmem_shared>>
    %dma_wait3A_149 = arith.constant 0 : i32
    %dma_wait3A_150 = tpu.memref_slice %arg11[%add3A_146, %dma_wait3A_149] : memref<10240x64xf32, #tpu.memory_space<vmem_shared>> -> memref<80x64xf32, #tpu.memory_space<vmem_shared>>
    tpu.wait_dma2 semaphore(%arg13 : memref<!tpu.dma_semaphore, #tpu.memory_space<semaphore_mem>>) src(%arg9 : memref<80x64xf32, #tpu.memory_space<vmem>>) dst(%dma_wait3A_150 : memref<80x64xf32, #tpu.memory_space<vmem_shared>>)
    %mul3A_151 = arith.constant 640 : i32
    %mul3A_152 = arith.muli %arg1, %mul3A_151 : i32
    %add3A_153 = arith.constant 560 : i32
    %add3A_154 = arith.addi %mul3A_152, %add3A_153 : i32
    %dma_wait3A_155 = arith.constant 0 : i32
    %dma_wait3A_156 = tpu.memref_slice %arg11[%add3A_154, %dma_wait3A_155] : memref<10240x64xf32, #tpu.memory_space<vmem_shared>> -> memref<80x64xf32, #tpu.memory_space<vmem_shared>>
    %dma_wait3A_157 = arith.constant 0 : i32
    %dma_wait3A_158 = tpu.memref_slice %arg11[%add3A_154, %dma_wait3A_157] : memref<10240x64xf32, #tpu.memory_space<vmem_shared>> -> memref<80x64xf32, #tpu.memory_space<vmem_shared>>
    tpu.wait_dma2 semaphore(%arg13 : memref<!tpu.dma_semaphore, #tpu.memory_space<semaphore_mem>>) src(%arg9 : memref<80x64xf32, #tpu.memory_space<vmem>>) dst(%dma_wait3A_158 : memref<80x64xf32, #tpu.memory_space<vmem_shared>>)
    %barrier3A = arith.constant 0 : index
    tpu.barrier barrier_id(%barrier3A)
    %dma_start3A_159 = arith.constant 0 : i32
    %dma_start3A_160 = arith.constant 0 : i32
    %dma_start3A_161 = arith.constant 0 : i32
    %dma_start3A_162 = arith.constant 0 : i32
    %dma_start3A_163 = tpu.memref_slice %arg10[%dma_start3A_160, %dma_start3A_161, %dma_start3A_162] : memref<10x80x64xf32, #tpu.memory_space<vmem>> -> memref<1x80x64xf32, #tpu.memory_space<vmem>>
    %dma_start3A_164 = tpu.memref_squeeze %dma_start3A_163 : memref<1x80x64xf32, #tpu.memory_space<vmem>> -> memref<80x64xf32, #tpu.memory_space<vmem>>
    %dma_start3A_165 = arith.constant 0 : i32
    %dma_start3A_166 = tpu.memref_slice %arg7[%dma_start3A_159, %dma_start3A_165] : memref<125x80xi32, #tpu.memory_space<vmem>> -> memref<1x80xi32, #tpu.memory_space<vmem>>
    %dma_start3A_167 = tpu.memref_squeeze %dma_start3A_166 : memref<1x80xi32, #tpu.memory_space<vmem>> -> memref<80xi32, #tpu.memory_space<vmem>>
    %dma_start3A_168 = arith.constant 0 : i32
    %dma_start3A_169 = arith.constant 0 : i32
    %dma_start3A_170 = tpu.memref_slice %arg2[%dma_start3A_168, %dma_start3A_169] : memref<10000x64xf32, #tpu.memory_space<hbm>> -> memref<10000x64xf32, #tpu.memory_space<hbm>>
    tpu.enqueue_indirect_dma source(%dma_start3A_170 : memref<10000x64xf32, #tpu.memory_space<hbm>>) target(%dma_start3A_164 : memref<80x64xf32, #tpu.memory_space<vmem>>) offsets(%dma_start3A_167 : memref<80xi32, #tpu.memory_space<vmem>>) semaphore(%arg12 : memref<!tpu.dma_semaphore, #tpu.memory_space<semaphore_mem>>)
    %dma_start3A_171 = arith.constant 1 : i32
    %dma_start3A_172 = arith.constant 1 : i32
    %dma_start3A_173 = arith.constant 0 : i32
    %dma_start3A_174 = arith.constant 0 : i32
    %dma_start3A_175 = tpu.memref_slice %arg10[%dma_start3A_172, %dma_start3A_173, %dma_start3A_174] : memref<10x80x64xf32, #tpu.memory_space<vmem>> -> memref<1x80x64xf32, #tpu.memory_space<vmem>>
    %dma_start3A_176 = tpu.memref_squeeze %dma_start3A_175 : memref<1x80x64xf32, #tpu.memory_space<vmem>> -> memref<80x64xf32, #tpu.memory_space<vmem>>
    %dma_start3A_177 = arith.constant 0 : i32
    %dma_start3A_178 = tpu.memref_slice %arg7[%dma_start3A_171, %dma_start3A_177] : memref<125x80xi32, #tpu.memory_space<vmem>> -> memref<1x80xi32, #tpu.memory_space<vmem>>
    %dma_start3A_179 = tpu.memref_squeeze %dma_start3A_178 : memref<1x80xi32, #tpu.memory_space<vmem>> -> memref<80xi32, #tpu.memory_space<vmem>>
    %dma_start3A_180 = arith.constant 0 : i32
    %dma_start3A_181 = arith.constant 0 : i32
    %dma_start3A_182 = tpu.memref_slice %arg2[%dma_start3A_180, %dma_start3A_181] : memref<10000x64xf32, #tpu.memory_space<hbm>> -> memref<10000x64xf32, #tpu.memory_space<hbm>>
    tpu.enqueue_indirect_dma source(%dma_start3A_182 : memref<10000x64xf32, #tpu.memory_space<hbm>>) target(%dma_start3A_176 : memref<80x64xf32, #tpu.memory_space<vmem>>) offsets(%dma_start3A_179 : memref<80xi32, #tpu.memory_space<vmem>>) semaphore(%arg12 : memref<!tpu.dma_semaphore, #tpu.memory_space<semaphore_mem>>)
    %dma_start3A_183 = arith.constant 2 : i32
    %dma_start3A_184 = arith.constant 2 : i32
    %dma_start3A_185 = arith.constant 0 : i32
    %dma_start3A_186 = arith.constant 0 : i32
    %dma_start3A_187 = tpu.memref_slice %arg10[%dma_start3A_184, %dma_start3A_185, %dma_start3A_186] : memref<10x80x64xf32, #tpu.memory_space<vmem>> -> memref<1x80x64xf32, #tpu.memory_space<vmem>>
    %dma_start3A_188 = tpu.memref_squeeze %dma_start3A_187 : memref<1x80x64xf32, #tpu.memory_space<vmem>> -> memref<80x64xf32, #tpu.memory_space<vmem>>
    %dma_start3A_189 = arith.constant 0 : i32
    %dma_start3A_190 = tpu.memref_slice %arg7[%dma_start3A_183, %dma_start3A_189] : memref<125x80xi32, #tpu.memory_space<vmem>> -> memref<1x80xi32, #tpu.memory_space<vmem>>
    %dma_start3A_191 = tpu.memref_squeeze %dma_start3A_190 : memref<1x80xi32, #tpu.memory_space<vmem>> -> memref<80xi32, #tpu.memory_space<vmem>>
    %dma_start3A_192 = arith.constant 0 : i32
    %dma_start3A_193 = arith.constant 0 : i32
    %dma_start3A_194 = tpu.memref_slice %arg2[%dma_start3A_192, %dma_start3A_193] : memref<10000x64xf32, #tpu.memory_space<hbm>> -> memref<10000x64xf32, #tpu.memory_space<hbm>>
    tpu.enqueue_indirect_dma source(%dma_start3A_194 : memref<10000x64xf32, #tpu.memory_space<hbm>>) target(%dma_start3A_188 : memref<80x64xf32, #tpu.memory_space<vmem>>) offsets(%dma_start3A_191 : memref<80xi32, #tpu.memory_space<vmem>>) semaphore(%arg12 : memref<!tpu.dma_semaphore, #tpu.memory_space<semaphore_mem>>)
    %dma_start3A_195 = arith.constant 3 : i32
    %dma_start3A_196 = arith.constant 3 : i32
    %dma_start3A_197 = arith.constant 0 : i32
    %dma_start3A_198 = arith.constant 0 : i32
    %dma_start3A_199 = tpu.memref_slice %arg10[%dma_start3A_196, %dma_start3A_197, %dma_start3A_198] : memref<10x80x64xf32, #tpu.memory_space<vmem>> -> memref<1x80x64xf32, #tpu.memory_space<vmem>>
    %dma_start3A_200 = tpu.memref_squeeze %dma_start3A_199 : memref<1x80x64xf32, #tpu.memory_space<vmem>> -> memref<80x64xf32, #tpu.memory_space<vmem>>
    %dma_start3A_201 = arith.constant 0 : i32
    %dma_start3A_202 = tpu.memref_slice %arg7[%dma_start3A_195, %dma_start3A_201] : memref<125x80xi32, #tpu.memory_space<vmem>> -> memref<1x80xi32, #tpu.memory_space<vmem>>
    %dma_start3A_203 = tpu.memref_squeeze %dma_start3A_202 : memref<1x80xi32, #tpu.memory_space<vmem>> -> memref<80xi32, #tpu.memory_space<vmem>>
    %dma_start3A_204 = arith.constant 0 : i32
    %dma_start3A_205 = arith.constant 0 : i32
    %dma_start3A_206 = tpu.memref_slice %arg2[%dma_start3A_204, %dma_start3A_205] : memref<10000x64xf32, #tpu.memory_space<hbm>> -> memref<10000x64xf32, #tpu.memory_space<hbm>>
    tpu.enqueue_indirect_dma source(%dma_start3A_206 : memref<10000x64xf32, #tpu.memory_space<hbm>>) target(%dma_start3A_200 : memref<80x64xf32, #tpu.memory_space<vmem>>) offsets(%dma_start3A_203 : memref<80xi32, #tpu.memory_space<vmem>>) semaphore(%arg12 : memref<!tpu.dma_semaphore, #tpu.memory_space<semaphore_mem>>)
    %dma_start3A_207 = arith.constant 4 : i32
    %dma_start3A_208 = arith.constant 4 : i32
    %dma_start3A_209 = arith.constant 0 : i32
    %dma_start3A_210 = arith.constant 0 : i32
    %dma_start3A_211 = tpu.memref_slice %arg10[%dma_start3A_208, %dma_start3A_209, %dma_start3A_210] : memref<10x80x64xf32, #tpu.memory_space<vmem>> -> memref<1x80x64xf32, #tpu.memory_space<vmem>>
    %dma_start3A_212 = tpu.memref_squeeze %dma_start3A_211 : memref<1x80x64xf32, #tpu.memory_space<vmem>> -> memref<80x64xf32, #tpu.memory_space<vmem>>
    %dma_start3A_213 = arith.constant 0 : i32
    %dma_start3A_214 = tpu.memref_slice %arg7[%dma_start3A_207, %dma_start3A_213] : memref<125x80xi32, #tpu.memory_space<vmem>> -> memref<1x80xi32, #tpu.memory_space<vmem>>
    %dma_start3A_215 = tpu.memref_squeeze %dma_start3A_214 : memref<1x80xi32, #tpu.memory_space<vmem>> -> memref<80xi32, #tpu.memory_space<vmem>>
    %dma_start3A_216 = arith.constant 0 : i32
    %dma_start3A_217 = arith.constant 0 : i32
    %dma_start3A_218 = tpu.memref_slice %arg2[%dma_start3A_216, %dma_start3A_217] : memref<10000x64xf32, #tpu.memory_space<hbm>> -> memref<10000x64xf32, #tpu.memory_space<hbm>>
    tpu.enqueue_indirect_dma source(%dma_start3A_218 : memref<10000x64xf32, #tpu.memory_space<hbm>>) target(%dma_start3A_212 : memref<80x64xf32, #tpu.memory_space<vmem>>) offsets(%dma_start3A_215 : memref<80xi32, #tpu.memory_space<vmem>>) semaphore(%arg12 : memref<!tpu.dma_semaphore, #tpu.memory_space<semaphore_mem>>)
    %scan3A = arith.constant 0 : i32
    %scan3A_219 = arith.constant 0 : i32
    %scan3A_220 = arith.constant 25 : i32
    %scan3A_221 = arith.addi %scan3A_219, %scan3A_220 : i32
    %scan3A_222 = arith.constant 1 : i32
    scf.for %scan3A_229 = %scan3A_219 to %scan3A_221 step %scan3A_222  : i32 {
      %rem3A = arith.constant 2 : i32
      %rem3A_230 = arith.remsi %scan3A_229, %rem3A : i32
      %mul3A_231 = arith.constant 5 : i32
      %mul3A_232 = arith.muli %scan3A_229, %mul3A_231 : i32
      %add3A_233 = arith.constant 0 : i32
      %add3A_234 = arith.addi %mul3A_232, %add3A_233 : i32
      %mul3A_235 = arith.constant 5 : i32
      %mul3A_236 = arith.muli %rem3A_230, %mul3A_235 : i32
      %add3A_237 = arith.constant 0 : i32
      %add3A_238 = arith.addi %mul3A_236, %add3A_237 : i32
      %dma_wait3A_239 = arith.constant 0 : i32
      %dma_wait3A_240 = arith.constant 0 : i32
      %dma_wait3A_241 = tpu.memref_slice %arg10[%add3A_238, %dma_wait3A_239, %dma_wait3A_240] : memref<10x80x64xf32, #tpu.memory_space<vmem>> -> memref<1x80x64xf32, #tpu.memory_space<vmem>>
      %dma_wait3A_242 = tpu.memref_squeeze %dma_wait3A_241 : memref<1x80x64xf32, #tpu.memory_space<vmem>> -> memref<80x64xf32, #tpu.memory_space<vmem>>
      %dma_wait3A_243 = arith.constant 0 : i32
      %dma_wait3A_244 = tpu.memref_slice %arg7[%add3A_234, %dma_wait3A_243] : memref<125x80xi32, #tpu.memory_space<vmem>> -> memref<1x80xi32, #tpu.memory_space<vmem>>
      %dma_wait3A_245 = tpu.memref_squeeze %dma_wait3A_244 : memref<1x80xi32, #tpu.memory_space<vmem>> -> memref<80xi32, #tpu.memory_space<vmem>>
      %dma_wait3A_246 = arith.constant 0 : i32
      %dma_wait3A_247 = arith.constant 0 : i32
      %dma_wait3A_248 = tpu.memref_slice %arg2[%dma_wait3A_246, %dma_wait3A_247] : memref<10000x64xf32, #tpu.memory_space<hbm>> -> memref<10000x64xf32, #tpu.memory_space<hbm>>
      tpu.wait_indirect_dma semaphore(%arg12 : memref<!tpu.dma_semaphore, #tpu.memory_space<semaphore_mem>>) src(%dma_wait3A_248 : memref<10000x64xf32, #tpu.memory_space<hbm>>) dst(%dma_wait3A_242 : memref<80x64xf32, #tpu.memory_space<vmem>>)
      %dma_start3A_249 = arith.constant 0 : i32
      %dma_start3A_250 = arith.constant 0 : i32
      %dma_start3A_251 = tpu.memref_slice %arg10[%add3A_238, %dma_start3A_249, %dma_start3A_250] : memref<10x80x64xf32, #tpu.memory_space<vmem>> -> memref<1x80x64xf32, #tpu.memory_space<vmem>>
      %dma_start3A_252 = tpu.memref_squeeze %dma_start3A_251 : memref<1x80x64xf32, #tpu.memory_space<vmem>> -> memref<80x64xf32, #tpu.memory_space<vmem>>
      %dma_start3A_253 = arith.constant 0 : i32
      %dma_start3A_254 = tpu.memref_slice %arg8[%add3A_234, %dma_start3A_253] : memref<125x80xi32, #tpu.memory_space<vmem>> -> memref<1x80xi32, #tpu.memory_space<vmem>>
      %dma_start3A_255 = tpu.memref_squeeze %dma_start3A_254 : memref<1x80xi32, #tpu.memory_space<vmem>> -> memref<80xi32, #tpu.memory_space<vmem>>
      %dma_start3A_256 = arith.constant 0 : i32
      %dma_start3A_257 = arith.constant 0 : i32
      %dma_start3A_258 = tpu.memref_slice %arg11[%dma_start3A_256, %dma_start3A_257] : memref<10240x64xf32, #tpu.memory_space<vmem_shared>> -> memref<10240x64xf32, #tpu.memory_space<vmem_shared>>
      tpu.enqueue_indirect_dma source(%dma_start3A_252 : memref<80x64xf32, #tpu.memory_space<vmem>>) target(%dma_start3A_258 : memref<10240x64xf32, #tpu.memory_space<vmem_shared>>) offsets(%dma_start3A_255 : memref<80xi32, #tpu.memory_space<vmem>>) semaphore(%arg13 : memref<!tpu.dma_semaphore, #tpu.memory_space<semaphore_mem>>) {add = true}
      %mul3A_259 = arith.constant 5 : i32
      %mul3A_260 = arith.muli %scan3A_229, %mul3A_259 : i32
      %add3A_261 = arith.constant 1 : i32
      %add3A_262 = arith.addi %mul3A_260, %add3A_261 : i32
      %mul3A_263 = arith.constant 5 : i32
      %mul3A_264 = arith.muli %rem3A_230, %mul3A_263 : i32
      %add3A_265 = arith.constant 1 : i32
      %add3A_266 = arith.addi %mul3A_264, %add3A_265 : i32
      %dma_wait3A_267 = arith.constant 0 : i32
      %dma_wait3A_268 = arith.constant 0 : i32
      %dma_wait3A_269 = tpu.memref_slice %arg10[%add3A_266, %dma_wait3A_267, %dma_wait3A_268] : memref<10x80x64xf32, #tpu.memory_space<vmem>> -> memref<1x80x64xf32, #tpu.memory_space<vmem>>
      %dma_wait3A_270 = tpu.memref_squeeze %dma_wait3A_269 : memref<1x80x64xf32, #tpu.memory_space<vmem>> -> memref<80x64xf32, #tpu.memory_space<vmem>>
      %dma_wait3A_271 = arith.constant 0 : i32
      %dma_wait3A_272 = tpu.memref_slice %arg7[%add3A_262, %dma_wait3A_271] : memref<125x80xi32, #tpu.memory_space<vmem>> -> memref<1x80xi32, #tpu.memory_space<vmem>>
      %dma_wait3A_273 = tpu.memref_squeeze %dma_wait3A_272 : memref<1x80xi32, #tpu.memory_space<vmem>> -> memref<80xi32, #tpu.memory_space<vmem>>
      %dma_wait3A_274 = arith.constant 0 : i32
      %dma_wait3A_275 = arith.constant 0 : i32
      %dma_wait3A_276 = tpu.memref_slice %arg2[%dma_wait3A_274, %dma_wait3A_275] : memref<10000x64xf32, #tpu.memory_space<hbm>> -> memref<10000x64xf32, #tpu.memory_space<hbm>>
      tpu.wait_indirect_dma semaphore(%arg12 : memref<!tpu.dma_semaphore, #tpu.memory_space<semaphore_mem>>) src(%dma_wait3A_276 : memref<10000x64xf32, #tpu.memory_space<hbm>>) dst(%dma_wait3A_270 : memref<80x64xf32, #tpu.memory_space<vmem>>)
      %dma_start3A_277 = arith.constant 0 : i32
      %dma_start3A_278 = arith.constant 0 : i32
      %dma_start3A_279 = tpu.memref_slice %arg10[%add3A_266, %dma_start3A_277, %dma_start3A_278] : memref<10x80x64xf32, #tpu.memory_space<vmem>> -> memref<1x80x64xf32, #tpu.memory_space<vmem>>
      %dma_start3A_280 = tpu.memref_squeeze %dma_start3A_279 : memref<1x80x64xf32, #tpu.memory_space<vmem>> -> memref<80x64xf32, #tpu.memory_space<vmem>>
      %dma_start3A_281 = arith.constant 0 : i32
      %dma_start3A_282 = tpu.memref_slice %arg8[%add3A_262, %dma_start3A_281] : memref<125x80xi32, #tpu.memory_space<vmem>> -> memref<1x80xi32, #tpu.memory_space<vmem>>
      %dma_start3A_283 = tpu.memref_squeeze %dma_start3A_282 : memref<1x80xi32, #tpu.memory_space<vmem>> -> memref<80xi32, #tpu.memory_space<vmem>>
      %dma_start3A_284 = arith.constant 0 : i32
      %dma_start3A_285 = arith.constant 0 : i32
      %dma_start3A_286 = tpu.memref_slice %arg11[%dma_start3A_284, %dma_start3A_285] : memref<10240x64xf32, #tpu.memory_space<vmem_shared>> -> memref<10240x64xf32, #tpu.memory_space<vmem_shared>>
      tpu.enqueue_indirect_dma source(%dma_start3A_280 : memref<80x64xf32, #tpu.memory_space<vmem>>) target(%dma_start3A_286 : memref<10240x64xf32, #tpu.memory_space<vmem_shared>>) offsets(%dma_start3A_283 : memref<80xi32, #tpu.memory_space<vmem>>) semaphore(%arg13 : memref<!tpu.dma_semaphore, #tpu.memory_space<semaphore_mem>>) {add = true}
      %mul3A_287 = arith.constant 5 : i32
      %mul3A_288 = arith.muli %scan3A_229, %mul3A_287 : i32
      %add3A_289 = arith.constant 2 : i32
      %add3A_290 = arith.addi %mul3A_288, %add3A_289 : i32
      %mul3A_291 = arith.constant 5 : i32
      %mul3A_292 = arith.muli %rem3A_230, %mul3A_291 : i32
      %add3A_293 = arith.constant 2 : i32
      %add3A_294 = arith.addi %mul3A_292, %add3A_293 : i32
      %dma_wait3A_295 = arith.constant 0 : i32
      %dma_wait3A_296 = arith.constant 0 : i32
      %dma_wait3A_297 = tpu.memref_slice %arg10[%add3A_294, %dma_wait3A_295, %dma_wait3A_296] : memref<10x80x64xf32, #tpu.memory_space<vmem>> -> memref<1x80x64xf32, #tpu.memory_space<vmem>>
      %dma_wait3A_298 = tpu.memref_squeeze %dma_wait3A_297 : memref<1x80x64xf32, #tpu.memory_space<vmem>> -> memref<80x64xf32, #tpu.memory_space<vmem>>
      %dma_wait3A_299 = arith.constant 0 : i32
      %dma_wait3A_300 = tpu.memref_slice %arg7[%add3A_290, %dma_wait3A_299] : memref<125x80xi32, #tpu.memory_space<vmem>> -> memref<1x80xi32, #tpu.memory_space<vmem>>
      %dma_wait3A_301 = tpu.memref_squeeze %dma_wait3A_300 : memref<1x80xi32, #tpu.memory_space<vmem>> -> memref<80xi32, #tpu.memory_space<vmem>>
      %dma_wait3A_302 = arith.constant 0 : i32
      %dma_wait3A_303 = arith.constant 0 : i32
      %dma_wait3A_304 = tpu.memref_slice %arg2[%dma_wait3A_302, %dma_wait3A_303] : memref<10000x64xf32, #tpu.memory_space<hbm>> -> memref<10000x64xf32, #tpu.memory_space<hbm>>
      tpu.wait_indirect_dma semaphore(%arg12 : memref<!tpu.dma_semaphore, #tpu.memory_space<semaphore_mem>>) src(%dma_wait3A_304 : memref<10000x64xf32, #tpu.memory_space<hbm>>) dst(%dma_wait3A_298 : memref<80x64xf32, #tpu.memory_space<vmem>>)
      %dma_start3A_305 = arith.constant 0 : i32
      %dma_start3A_306 = arith.constant 0 : i32
      %dma_start3A_307 = tpu.memref_slice %arg10[%add3A_294, %dma_start3A_305, %dma_start3A_306] : memref<10x80x64xf32, #tpu.memory_space<vmem>> -> memref<1x80x64xf32, #tpu.memory_space<vmem>>
      %dma_start3A_308 = tpu.memref_squeeze %dma_start3A_307 : memref<1x80x64xf32, #tpu.memory_space<vmem>> -> memref<80x64xf32, #tpu.memory_space<vmem>>
      %dma_start3A_309 = arith.constant 0 : i32
      %dma_start3A_310 = tpu.memref_slice %arg8[%add3A_290, %dma_start3A_309] : memref<125x80xi32, #tpu.memory_space<vmem>> -> memref<1x80xi32, #tpu.memory_space<vmem>>
      %dma_start3A_311 = tpu.memref_squeeze %dma_start3A_310 : memref<1x80xi32, #tpu.memory_space<vmem>> -> memref<80xi32, #tpu.memory_space<vmem>>
      %dma_start3A_312 = arith.constant 0 : i32
      %dma_start3A_313 = arith.constant 0 : i32
      %dma_start3A_314 = tpu.memref_slice %arg11[%dma_start3A_312, %dma_start3A_313] : memref<10240x64xf32, #tpu.memory_space<vmem_shared>> -> memref<10240x64xf32, #tpu.memory_space<vmem_shared>>
      tpu.enqueue_indirect_dma source(%dma_start3A_308 : memref<80x64xf32, #tpu.memory_space<vmem>>) target(%dma_start3A_314 : memref<10240x64xf32, #tpu.memory_space<vmem_shared>>) offsets(%dma_start3A_311 : memref<80xi32, #tpu.memory_space<vmem>>) semaphore(%arg13 : memref<!tpu.dma_semaphore, #tpu.memory_space<semaphore_mem>>) {add = true}
      %mul3A_315 = arith.constant 5 : i32
      %mul3A_316 = arith.muli %scan3A_229, %mul3A_315 : i32
      %add3A_317 = arith.constant 3 : i32
      %add3A_318 = arith.addi %mul3A_316, %add3A_317 : i32
      %mul3A_319 = arith.constant 5 : i32
      %mul3A_320 = arith.muli %rem3A_230, %mul3A_319 : i32
      %add3A_321 = arith.constant 3 : i32
      %add3A_322 = arith.addi %mul3A_320, %add3A_321 : i32
      %dma_wait3A_323 = arith.constant 0 : i32
      %dma_wait3A_324 = arith.constant 0 : i32
      %dma_wait3A_325 = tpu.memref_slice %arg10[%add3A_322, %dma_wait3A_323, %dma_wait3A_324] : memref<10x80x64xf32, #tpu.memory_space<vmem>> -> memref<1x80x64xf32, #tpu.memory_space<vmem>>
      %dma_wait3A_326 = tpu.memref_squeeze %dma_wait3A_325 : memref<1x80x64xf32, #tpu.memory_space<vmem>> -> memref<80x64xf32, #tpu.memory_space<vmem>>
      %dma_wait3A_327 = arith.constant 0 : i32
      %dma_wait3A_328 = tpu.memref_slice %arg7[%add3A_318, %dma_wait3A_327] : memref<125x80xi32, #tpu.memory_space<vmem>> -> memref<1x80xi32, #tpu.memory_space<vmem>>
      %dma_wait3A_329 = tpu.memref_squeeze %dma_wait3A_328 : memref<1x80xi32, #tpu.memory_space<vmem>> -> memref<80xi32, #tpu.memory_space<vmem>>
      %dma_wait3A_330 = arith.constant 0 : i32
      %dma_wait3A_331 = arith.constant 0 : i32
      %dma_wait3A_332 = tpu.memref_slice %arg2[%dma_wait3A_330, %dma_wait3A_331] : memref<10000x64xf32, #tpu.memory_space<hbm>> -> memref<10000x64xf32, #tpu.memory_space<hbm>>
      tpu.wait_indirect_dma semaphore(%arg12 : memref<!tpu.dma_semaphore, #tpu.memory_space<semaphore_mem>>) src(%dma_wait3A_332 : memref<10000x64xf32, #tpu.memory_space<hbm>>) dst(%dma_wait3A_326 : memref<80x64xf32, #tpu.memory_space<vmem>>)
      %dma_start3A_333 = arith.constant 0 : i32
      %dma_start3A_334 = arith.constant 0 : i32
      %dma_start3A_335 = tpu.memref_slice %arg10[%add3A_322, %dma_start3A_333, %dma_start3A_334] : memref<10x80x64xf32, #tpu.memory_space<vmem>> -> memref<1x80x64xf32, #tpu.memory_space<vmem>>
      %dma_start3A_336 = tpu.memref_squeeze %dma_start3A_335 : memref<1x80x64xf32, #tpu.memory_space<vmem>> -> memref<80x64xf32, #tpu.memory_space<vmem>>
      %dma_start3A_337 = arith.constant 0 : i32
      %dma_start3A_338 = tpu.memref_slice %arg8[%add3A_318, %dma_start3A_337] : memref<125x80xi32, #tpu.memory_space<vmem>> -> memref<1x80xi32, #tpu.memory_space<vmem>>
      %dma_start3A_339 = tpu.memref_squeeze %dma_start3A_338 : memref<1x80xi32, #tpu.memory_space<vmem>> -> memref<80xi32, #tpu.memory_space<vmem>>
      %dma_start3A_340 = arith.constant 0 : i32
      %dma_start3A_341 = arith.constant 0 : i32
      %dma_start3A_342 = tpu.memref_slice %arg11[%dma_start3A_340, %dma_start3A_341] : memref<10240x64xf32, #tpu.memory_space<vmem_shared>> -> memref<10240x64xf32, #tpu.memory_space<vmem_shared>>
      tpu.enqueue_indirect_dma source(%dma_start3A_336 : memref<80x64xf32, #tpu.memory_space<vmem>>) target(%dma_start3A_342 : memref<10240x64xf32, #tpu.memory_space<vmem_shared>>) offsets(%dma_start3A_339 : memref<80xi32, #tpu.memory_space<vmem>>) semaphore(%arg13 : memref<!tpu.dma_semaphore, #tpu.memory_space<semaphore_mem>>) {add = true}
      %mul3A_343 = arith.constant 5 : i32
      %mul3A_344 = arith.muli %scan3A_229, %mul3A_343 : i32
      %add3A_345 = arith.constant 4 : i32
      %add3A_346 = arith.addi %mul3A_344, %add3A_345 : i32
      %mul3A_347 = arith.constant 5 : i32
      %mul3A_348 = arith.muli %rem3A_230, %mul3A_347 : i32
      %add3A_349 = arith.constant 4 : i32
      %add3A_350 = arith.addi %mul3A_348, %add3A_349 : i32
      %dma_wait3A_351 = arith.constant 0 : i32
      %dma_wait3A_352 = arith.constant 0 : i32
      %dma_wait3A_353 = tpu.memref_slice %arg10[%add3A_350, %dma_wait3A_351, %dma_wait3A_352] : memref<10x80x64xf32, #tpu.memory_space<vmem>> -> memref<1x80x64xf32, #tpu.memory_space<vmem>>
      %dma_wait3A_354 = tpu.memref_squeeze %dma_wait3A_353 : memref<1x80x64xf32, #tpu.memory_space<vmem>> -> memref<80x64xf32, #tpu.memory_space<vmem>>
      %dma_wait3A_355 = arith.constant 0 : i32
      %dma_wait3A_356 = tpu.memref_slice %arg7[%add3A_346, %dma_wait3A_355] : memref<125x80xi32, #tpu.memory_space<vmem>> -> memref<1x80xi32, #tpu.memory_space<vmem>>
      %dma_wait3A_357 = tpu.memref_squeeze %dma_wait3A_356 : memref<1x80xi32, #tpu.memory_space<vmem>> -> memref<80xi32, #tpu.memory_space<vmem>>
      %dma_wait3A_358 = arith.constant 0 : i32
      %dma_wait3A_359 = arith.constant 0 : i32
      %dma_wait3A_360 = tpu.memref_slice %arg2[%dma_wait3A_358, %dma_wait3A_359] : memref<10000x64xf32, #tpu.memory_space<hbm>> -> memref<10000x64xf32, #tpu.memory_space<hbm>>
      tpu.wait_indirect_dma semaphore(%arg12 : memref<!tpu.dma_semaphore, #tpu.memory_space<semaphore_mem>>) src(%dma_wait3A_360 : memref<10000x64xf32, #tpu.memory_space<hbm>>) dst(%dma_wait3A_354 : memref<80x64xf32, #tpu.memory_space<vmem>>)
      %dma_start3A_361 = arith.constant 0 : i32
      %dma_start3A_362 = arith.constant 0 : i32
      %dma_start3A_363 = tpu.memref_slice %arg10[%add3A_350, %dma_start3A_361, %dma_start3A_362] : memref<10x80x64xf32, #tpu.memory_space<vmem>> -> memref<1x80x64xf32, #tpu.memory_space<vmem>>
      %dma_start3A_364 = tpu.memref_squeeze %dma_start3A_363 : memref<1x80x64xf32, #tpu.memory_space<vmem>> -> memref<80x64xf32, #tpu.memory_space<vmem>>
      %dma_start3A_365 = arith.constant 0 : i32
      %dma_start3A_366 = tpu.memref_slice %arg8[%add3A_346, %dma_start3A_365] : memref<125x80xi32, #tpu.memory_space<vmem>> -> memref<1x80xi32, #tpu.memory_space<vmem>>
      %dma_start3A_367 = tpu.memref_squeeze %dma_start3A_366 : memref<1x80xi32, #tpu.memory_space<vmem>> -> memref<80xi32, #tpu.memory_space<vmem>>
      %dma_start3A_368 = arith.constant 0 : i32
      %dma_start3A_369 = arith.constant 0 : i32
      %dma_start3A_370 = tpu.memref_slice %arg11[%dma_start3A_368, %dma_start3A_369] : memref<10240x64xf32, #tpu.memory_space<vmem_shared>> -> memref<10240x64xf32, #tpu.memory_space<vmem_shared>>
      tpu.enqueue_indirect_dma source(%dma_start3A_364 : memref<80x64xf32, #tpu.memory_space<vmem>>) target(%dma_start3A_370 : memref<10240x64xf32, #tpu.memory_space<vmem_shared>>) offsets(%dma_start3A_367 : memref<80xi32, #tpu.memory_space<vmem>>) semaphore(%arg13 : memref<!tpu.dma_semaphore, #tpu.memory_space<semaphore_mem>>) {add = true}
      %lt3A = arith.constant 24 : i32
      %lt3A_371 = arith.cmpi slt, %scan3A_229, %lt3A : i32
      %convert_element_type3A = arith.extui %lt3A_371 : i1 to i32
      %cond3A = arith.constant 0 : i32
      %cond3A_372 = arith.cmpi ne, %convert_element_type3A, %cond3A : i32
      scf.if %cond3A_372 {
        %add3A_463 = arith.constant 1 : i32
        %add3A_464 = arith.addi %scan3A_229, %add3A_463 : i32
        %mul3A_465 = arith.constant 5 : i32
        %mul3A_466 = arith.muli %add3A_464, %mul3A_465 : i32
        %add3A_467 = arith.constant 0 : i32
        %add3A_468 = arith.addi %mul3A_466, %add3A_467 : i32
        %sub3A = arith.constant 1 : i32
        %sub3A_469 = arith.subi %sub3A, %rem3A_230 : i32
        %mul3A_470 = arith.constant 5 : i32
        %mul3A_471 = arith.muli %sub3A_469, %mul3A_470 : i32
        %add3A_472 = arith.constant 0 : i32
        %add3A_473 = arith.addi %mul3A_471, %add3A_472 : i32
        %dma_start3A_474 = arith.constant 0 : i32
        %dma_start3A_475 = arith.constant 0 : i32
        %dma_start3A_476 = tpu.memref_slice %arg10[%add3A_473, %dma_start3A_474, %dma_start3A_475] : memref<10x80x64xf32, #tpu.memory_space<vmem>> -> memref<1x80x64xf32, #tpu.memory_space<vmem>>
        %dma_start3A_477 = tpu.memref_squeeze %dma_start3A_476 : memref<1x80x64xf32, #tpu.memory_space<vmem>> -> memref<80x64xf32, #tpu.memory_space<vmem>>
        %dma_start3A_478 = arith.constant 0 : i32
        %dma_start3A_479 = tpu.memref_slice %arg7[%add3A_468, %dma_start3A_478] : memref<125x80xi32, #tpu.memory_space<vmem>> -> memref<1x80xi32, #tpu.memory_space<vmem>>
        %dma_start3A_480 = tpu.memref_squeeze %dma_start3A_479 : memref<1x80xi32, #tpu.memory_space<vmem>> -> memref<80xi32, #tpu.memory_space<vmem>>
        %dma_start3A_481 = arith.constant 0 : i32
        %dma_start3A_482 = arith.constant 0 : i32
        %dma_start3A_483 = tpu.memref_slice %arg2[%dma_start3A_481, %dma_start3A_482] : memref<10000x64xf32, #tpu.memory_space<hbm>> -> memref<10000x64xf32, #tpu.memory_space<hbm>>
        tpu.enqueue_indirect_dma source(%dma_start3A_483 : memref<10000x64xf32, #tpu.memory_space<hbm>>) target(%dma_start3A_477 : memref<80x64xf32, #tpu.memory_space<vmem>>) offsets(%dma_start3A_480 : memref<80xi32, #tpu.memory_space<vmem>>) semaphore(%arg12 : memref<!tpu.dma_semaphore, #tpu.memory_space<semaphore_mem>>)
        %add3A_484 = arith.constant 1 : i32
        %add3A_485 = arith.addi %scan3A_229, %add3A_484 : i32
        %mul3A_486 = arith.constant 5 : i32
        %mul3A_487 = arith.muli %add3A_485, %mul3A_486 : i32
        %add3A_488 = arith.constant 1 : i32
        %add3A_489 = arith.addi %mul3A_487, %add3A_488 : i32
        %sub3A_490 = arith.constant 1 : i32
        %sub3A_491 = arith.subi %sub3A_490, %rem3A_230 : i32
        %mul3A_492 = arith.constant 5 : i32
        %mul3A_493 = arith.muli %sub3A_491, %mul3A_492 : i32
        %add3A_494 = arith.constant 1 : i32
        %add3A_495 = arith.addi %mul3A_493, %add3A_494 : i32
        %dma_start3A_496 = arith.constant 0 : i32
        %dma_start3A_497 = arith.constant 0 : i32
        %dma_start3A_498 = tpu.memref_slice %arg10[%add3A_495, %dma_start3A_496, %dma_start3A_497] : memref<10x80x64xf32, #tpu.memory_space<vmem>> -> memref<1x80x64xf32, #tpu.memory_space<vmem>>
        %dma_start3A_499 = tpu.memref_squeeze %dma_start3A_498 : memref<1x80x64xf32, #tpu.memory_space<vmem>> -> memref<80x64xf32, #tpu.memory_space<vmem>>
        %dma_start3A_500 = arith.constant 0 : i32
        %dma_start3A_501 = tpu.memref_slice %arg7[%add3A_489, %dma_start3A_500] : memref<125x80xi32, #tpu.memory_space<vmem>> -> memref<1x80xi32, #tpu.memory_space<vmem>>
        %dma_start3A_502 = tpu.memref_squeeze %dma_start3A_501 : memref<1x80xi32, #tpu.memory_space<vmem>> -> memref<80xi32, #tpu.memory_space<vmem>>
        %dma_start3A_503 = arith.constant 0 : i32
        %dma_start3A_504 = arith.constant 0 : i32
        %dma_start3A_505 = tpu.memref_slice %arg2[%dma_start3A_503, %dma_start3A_504] : memref<10000x64xf32, #tpu.memory_space<hbm>> -> memref<10000x64xf32, #tpu.memory_space<hbm>>
        tpu.enqueue_indirect_dma source(%dma_start3A_505 : memref<10000x64xf32, #tpu.memory_space<hbm>>) target(%dma_start3A_499 : memref<80x64xf32, #tpu.memory_space<vmem>>) offsets(%dma_start3A_502 : memref<80xi32, #tpu.memory_space<vmem>>) semaphore(%arg12 : memref<!tpu.dma_semaphore, #tpu.memory_space<semaphore_mem>>)
        %add3A_506 = arith.constant 1 : i32
        %add3A_507 = arith.addi %scan3A_229, %add3A_506 : i32
        %mul3A_508 = arith.constant 5 : i32
        %mul3A_509 = arith.muli %add3A_507, %mul3A_508 : i32
        %add3A_510 = arith.constant 2 : i32
        %add3A_511 = arith.addi %mul3A_509, %add3A_510 : i32
        %sub3A_512 = arith.constant 1 : i32
        %sub3A_513 = arith.subi %sub3A_512, %rem3A_230 : i32
        %mul3A_514 = arith.constant 5 : i32
        %mul3A_515 = arith.muli %sub3A_513, %mul3A_514 : i32
        %add3A_516 = arith.constant 2 : i32
        %add3A_517 = arith.addi %mul3A_515, %add3A_516 : i32
        %dma_start3A_518 = arith.constant 0 : i32
        %dma_start3A_519 = arith.constant 0 : i32
        %dma_start3A_520 = tpu.memref_slice %arg10[%add3A_517, %dma_start3A_518, %dma_start3A_519] : memref<10x80x64xf32, #tpu.memory_space<vmem>> -> memref<1x80x64xf32, #tpu.memory_space<vmem>>
        %dma_start3A_521 = tpu.memref_squeeze %dma_start3A_520 : memref<1x80x64xf32, #tpu.memory_space<vmem>> -> memref<80x64xf32, #tpu.memory_space<vmem>>
        %dma_start3A_522 = arith.constant 0 : i32
        %dma_start3A_523 = tpu.memref_slice %arg7[%add3A_511, %dma_start3A_522] : memref<125x80xi32, #tpu.memory_space<vmem>> -> memref<1x80xi32, #tpu.memory_space<vmem>>
        %dma_start3A_524 = tpu.memref_squeeze %dma_start3A_523 : memref<1x80xi32, #tpu.memory_space<vmem>> -> memref<80xi32, #tpu.memory_space<vmem>>
        %dma_start3A_525 = arith.constant 0 : i32
        %dma_start3A_526 = arith.constant 0 : i32
        %dma_start3A_527 = tpu.memref_slice %arg2[%dma_start3A_525, %dma_start3A_526] : memref<10000x64xf32, #tpu.memory_space<hbm>> -> memref<10000x64xf32, #tpu.memory_space<hbm>>
        tpu.enqueue_indirect_dma source(%dma_start3A_527 : memref<10000x64xf32, #tpu.memory_space<hbm>>) target(%dma_start3A_521 : memref<80x64xf32, #tpu.memory_space<vmem>>) offsets(%dma_start3A_524 : memref<80xi32, #tpu.memory_space<vmem>>) semaphore(%arg12 : memref<!tpu.dma_semaphore, #tpu.memory_space<semaphore_mem>>)
        %add3A_528 = arith.constant 1 : i32
        %add3A_529 = arith.addi %scan3A_229, %add3A_528 : i32
        %mul3A_530 = arith.constant 5 : i32
        %mul3A_531 = arith.muli %add3A_529, %mul3A_530 : i32
        %add3A_532 = arith.constant 3 : i32
        %add3A_533 = arith.addi %mul3A_531, %add3A_532 : i32
        %sub3A_534 = arith.constant 1 : i32
        %sub3A_535 = arith.subi %sub3A_534, %rem3A_230 : i32
        %mul3A_536 = arith.constant 5 : i32
        %mul3A_537 = arith.muli %sub3A_535, %mul3A_536 : i32
        %add3A_538 = arith.constant 3 : i32
        %add3A_539 = arith.addi %mul3A_537, %add3A_538 : i32
        %dma_start3A_540 = arith.constant 0 : i32
        %dma_start3A_541 = arith.constant 0 : i32
        %dma_start3A_542 = tpu.memref_slice %arg10[%add3A_539, %dma_start3A_540, %dma_start3A_541] : memref<10x80x64xf32, #tpu.memory_space<vmem>> -> memref<1x80x64xf32, #tpu.memory_space<vmem>>
        %dma_start3A_543 = tpu.memref_squeeze %dma_start3A_542 : memref<1x80x64xf32, #tpu.memory_space<vmem>> -> memref<80x64xf32, #tpu.memory_space<vmem>>
        %dma_start3A_544 = arith.constant 0 : i32
        %dma_start3A_545 = tpu.memref_slice %arg7[%add3A_533, %dma_start3A_544] : memref<125x80xi32, #tpu.memory_space<vmem>> -> memref<1x80xi32, #tpu.memory_space<vmem>>
        %dma_start3A_546 = tpu.memref_squeeze %dma_start3A_545 : memref<1x80xi32, #tpu.memory_space<vmem>> -> memref<80xi32, #tpu.memory_space<vmem>>
        %dma_start3A_547 = arith.constant 0 : i32
        %dma_start3A_548 = arith.constant 0 : i32
        %dma_start3A_549 = tpu.memref_slice %arg2[%dma_start3A_547, %dma_start3A_548] : memref<10000x64xf32, #tpu.memory_space<hbm>> -> memref<10000x64xf32, #tpu.memory_space<hbm>>
        tpu.enqueue_indirect_dma source(%dma_start3A_549 : memref<10000x64xf32, #tpu.memory_space<hbm>>) target(%dma_start3A_543 : memref<80x64xf32, #tpu.memory_space<vmem>>) offsets(%dma_start3A_546 : memref<80xi32, #tpu.memory_space<vmem>>) semaphore(%arg12 : memref<!tpu.dma_semaphore, #tpu.memory_space<semaphore_mem>>)
        %add3A_550 = arith.constant 1 : i32
        %add3A_551 = arith.addi %scan3A_229, %add3A_550 : i32
        %mul3A_552 = arith.constant 5 : i32
        %mul3A_553 = arith.muli %add3A_551, %mul3A_552 : i32
        %add3A_554 = arith.constant 4 : i32
        %add3A_555 = arith.addi %mul3A_553, %add3A_554 : i32
        %sub3A_556 = arith.constant 1 : i32
        %sub3A_557 = arith.subi %sub3A_556, %rem3A_230 : i32
        %mul3A_558 = arith.constant 5 : i32
        %mul3A_559 = arith.muli %sub3A_557, %mul3A_558 : i32
        %add3A_560 = arith.constant 4 : i32
        %add3A_561 = arith.addi %mul3A_559, %add3A_560 : i32
        %dma_start3A_562 = arith.constant 0 : i32
        %dma_start3A_563 = arith.constant 0 : i32
        %dma_start3A_564 = tpu.memref_slice %arg10[%add3A_561, %dma_start3A_562, %dma_start3A_563] : memref<10x80x64xf32, #tpu.memory_space<vmem>> -> memref<1x80x64xf32, #tpu.memory_space<vmem>>
        %dma_start3A_565 = tpu.memref_squeeze %dma_start3A_564 : memref<1x80x64xf32, #tpu.memory_space<vmem>> -> memref<80x64xf32, #tpu.memory_space<vmem>>
        %dma_start3A_566 = arith.constant 0 : i32
        %dma_start3A_567 = tpu.memref_slice %arg7[%add3A_555, %dma_start3A_566] : memref<125x80xi32, #tpu.memory_space<vmem>> -> memref<1x80xi32, #tpu.memory_space<vmem>>
        %dma_start3A_568 = tpu.memref_squeeze %dma_start3A_567 : memref<1x80xi32, #tpu.memory_space<vmem>> -> memref<80xi32, #tpu.memory_space<vmem>>
        %dma_start3A_569 = arith.constant 0 : i32
        %dma_start3A_570 = arith.constant 0 : i32
        %dma_start3A_571 = tpu.memref_slice %arg2[%dma_start3A_569, %dma_start3A_570] : memref<10000x64xf32, #tpu.memory_space<hbm>> -> memref<10000x64xf32, #tpu.memory_space<hbm>>
        tpu.enqueue_indirect_dma source(%dma_start3A_571 : memref<10000x64xf32, #tpu.memory_space<hbm>>) target(%dma_start3A_565 : memref<80x64xf32, #tpu.memory_space<vmem>>) offsets(%dma_start3A_568 : memref<80xi32, #tpu.memory_space<vmem>>) semaphore(%arg12 : memref<!tpu.dma_semaphore, #tpu.memory_space<semaphore_mem>>)
      } else {
      }
      %mul3A_373 = arith.constant 5 : i32
      %mul3A_374 = arith.muli %rem3A_230, %mul3A_373 : i32
      %add3A_375 = arith.constant 0 : i32
      %add3A_376 = arith.addi %mul3A_374, %add3A_375 : i32
      %mul3A_377 = arith.constant 5 : i32
      %mul3A_378 = arith.muli %scan3A_229, %mul3A_377 : i32
      %add3A_379 = arith.constant 0 : i32
      %add3A_380 = arith.addi %mul3A_378, %add3A_379 : i32
      %dma_wait3A_381 = arith.constant 0 : i32
      %dma_wait3A_382 = arith.constant 0 : i32
      %dma_wait3A_383 = tpu.memref_slice %arg10[%add3A_376, %dma_wait3A_381, %dma_wait3A_382] : memref<10x80x64xf32, #tpu.memory_space<vmem>> -> memref<1x80x64xf32, #tpu.memory_space<vmem>>
      %dma_wait3A_384 = tpu.memref_squeeze %dma_wait3A_383 : memref<1x80x64xf32, #tpu.memory_space<vmem>> -> memref<80x64xf32, #tpu.memory_space<vmem>>
      %dma_wait3A_385 = arith.constant 0 : i32
      %dma_wait3A_386 = tpu.memref_slice %arg8[%add3A_380, %dma_wait3A_385] : memref<125x80xi32, #tpu.memory_space<vmem>> -> memref<1x80xi32, #tpu.memory_space<vmem>>
      %dma_wait3A_387 = tpu.memref_squeeze %dma_wait3A_386 : memref<1x80xi32, #tpu.memory_space<vmem>> -> memref<80xi32, #tpu.memory_space<vmem>>
      %dma_wait3A_388 = arith.constant 0 : i32
      %dma_wait3A_389 = arith.constant 0 : i32
      %dma_wait3A_390 = tpu.memref_slice %arg11[%dma_wait3A_388, %dma_wait3A_389] : memref<10240x64xf32, #tpu.memory_space<vmem_shared>> -> memref<10240x64xf32, #tpu.memory_space<vmem_shared>>
      tpu.wait_indirect_dma semaphore(%arg13 : memref<!tpu.dma_semaphore, #tpu.memory_space<semaphore_mem>>) src(%dma_wait3A_384 : memref<80x64xf32, #tpu.memory_space<vmem>>) dst(%dma_wait3A_390 : memref<10240x64xf32, #tpu.memory_space<vmem_shared>>)
      %mul3A_391 = arith.constant 5 : i32
      %mul3A_392 = arith.muli %rem3A_230, %mul3A_391 : i32
      %add3A_393 = arith.constant 1 : i32
      %add3A_394 = arith.addi %mul3A_392, %add3A_393 : i32
      %mul3A_395 = arith.constant 5 : i32
      %mul3A_396 = arith.muli %scan3A_229, %mul3A_395 : i32
      %add3A_397 = arith.constant 1 : i32
      %add3A_398 = arith.addi %mul3A_396, %add3A_397 : i32
      %dma_wait3A_399 = arith.constant 0 : i32
      %dma_wait3A_400 = arith.constant 0 : i32
      %dma_wait3A_401 = tpu.memref_slice %arg10[%add3A_394, %dma_wait3A_399, %dma_wait3A_400] : memref<10x80x64xf32, #tpu.memory_space<vmem>> -> memref<1x80x64xf32, #tpu.memory_space<vmem>>
      %dma_wait3A_402 = tpu.memref_squeeze %dma_wait3A_401 : memref<1x80x64xf32, #tpu.memory_space<vmem>> -> memref<80x64xf32, #tpu.memory_space<vmem>>
      %dma_wait3A_403 = arith.constant 0 : i32
      %dma_wait3A_404 = tpu.memref_slice %arg8[%add3A_398, %dma_wait3A_403] : memref<125x80xi32, #tpu.memory_space<vmem>> -> memref<1x80xi32, #tpu.memory_space<vmem>>
      %dma_wait3A_405 = tpu.memref_squeeze %dma_wait3A_404 : memref<1x80xi32, #tpu.memory_space<vmem>> -> memref<80xi32, #tpu.memory_space<vmem>>
      %dma_wait3A_406 = arith.constant 0 : i32
      %dma_wait3A_407 = arith.constant 0 : i32
      %dma_wait3A_408 = tpu.memref_slice %arg11[%dma_wait3A_406, %dma_wait3A_407] : memref<10240x64xf32, #tpu.memory_space<vmem_shared>> -> memref<10240x64xf32, #tpu.memory_space<vmem_shared>>
      tpu.wait_indirect_dma semaphore(%arg13 : memref<!tpu.dma_semaphore, #tpu.memory_space<semaphore_mem>>) src(%dma_wait3A_402 : memref<80x64xf32, #tpu.memory_space<vmem>>) dst(%dma_wait3A_408 : memref<10240x64xf32, #tpu.memory_space<vmem_shared>>)
      %mul3A_409 = arith.constant 5 : i32
      %mul3A_410 = arith.muli %rem3A_230, %mul3A_409 : i32
      %add3A_411 = arith.constant 2 : i32
      %add3A_412 = arith.addi %mul3A_410, %add3A_411 : i32
      %mul3A_413 = arith.constant 5 : i32
      %mul3A_414 = arith.muli %scan3A_229, %mul3A_413 : i32
      %add3A_415 = arith.constant 2 : i32
      %add3A_416 = arith.addi %mul3A_414, %add3A_415 : i32
      %dma_wait3A_417 = arith.constant 0 : i32
      %dma_wait3A_418 = arith.constant 0 : i32
      %dma_wait3A_419 = tpu.memref_slice %arg10[%add3A_412, %dma_wait3A_417, %dma_wait3A_418] : memref<10x80x64xf32, #tpu.memory_space<vmem>> -> memref<1x80x64xf32, #tpu.memory_space<vmem>>
      %dma_wait3A_420 = tpu.memref_squeeze %dma_wait3A_419 : memref<1x80x64xf32, #tpu.memory_space<vmem>> -> memref<80x64xf32, #tpu.memory_space<vmem>>
      %dma_wait3A_421 = arith.constant 0 : i32
      %dma_wait3A_422 = tpu.memref_slice %arg8[%add3A_416, %dma_wait3A_421] : memref<125x80xi32, #tpu.memory_space<vmem>> -> memref<1x80xi32, #tpu.memory_space<vmem>>
      %dma_wait3A_423 = tpu.memref_squeeze %dma_wait3A_422 : memref<1x80xi32, #tpu.memory_space<vmem>> -> memref<80xi32, #tpu.memory_space<vmem>>
      %dma_wait3A_424 = arith.constant 0 : i32
      %dma_wait3A_425 = arith.constant 0 : i32
      %dma_wait3A_426 = tpu.memref_slice %arg11[%dma_wait3A_424, %dma_wait3A_425] : memref<10240x64xf32, #tpu.memory_space<vmem_shared>> -> memref<10240x64xf32, #tpu.memory_space<vmem_shared>>
      tpu.wait_indirect_dma semaphore(%arg13 : memref<!tpu.dma_semaphore, #tpu.memory_space<semaphore_mem>>) src(%dma_wait3A_420 : memref<80x64xf32, #tpu.memory_space<vmem>>) dst(%dma_wait3A_426 : memref<10240x64xf32, #tpu.memory_space<vmem_shared>>)
      %mul3A_427 = arith.constant 5 : i32
      %mul3A_428 = arith.muli %rem3A_230, %mul3A_427 : i32
      %add3A_429 = arith.constant 3 : i32
      %add3A_430 = arith.addi %mul3A_428, %add3A_429 : i32
      %mul3A_431 = arith.constant 5 : i32
      %mul3A_432 = arith.muli %scan3A_229, %mul3A_431 : i32
      %add3A_433 = arith.constant 3 : i32
      %add3A_434 = arith.addi %mul3A_432, %add3A_433 : i32
      %dma_wait3A_435 = arith.constant 0 : i32
      %dma_wait3A_436 = arith.constant 0 : i32
      %dma_wait3A_437 = tpu.memref_slice %arg10[%add3A_430, %dma_wait3A_435, %dma_wait3A_436] : memref<10x80x64xf32, #tpu.memory_space<vmem>> -> memref<1x80x64xf32, #tpu.memory_space<vmem>>
      %dma_wait3A_438 = tpu.memref_squeeze %dma_wait3A_437 : memref<1x80x64xf32, #tpu.memory_space<vmem>> -> memref<80x64xf32, #tpu.memory_space<vmem>>
      %dma_wait3A_439 = arith.constant 0 : i32
      %dma_wait3A_440 = tpu.memref_slice %arg8[%add3A_434, %dma_wait3A_439] : memref<125x80xi32, #tpu.memory_space<vmem>> -> memref<1x80xi32, #tpu.memory_space<vmem>>
      %dma_wait3A_441 = tpu.memref_squeeze %dma_wait3A_440 : memref<1x80xi32, #tpu.memory_space<vmem>> -> memref<80xi32, #tpu.memory_space<vmem>>
      %dma_wait3A_442 = arith.constant 0 : i32
      %dma_wait3A_443 = arith.constant 0 : i32
      %dma_wait3A_444 = tpu.memref_slice %arg11[%dma_wait3A_442, %dma_wait3A_443] : memref<10240x64xf32, #tpu.memory_space<vmem_shared>> -> memref<10240x64xf32, #tpu.memory_space<vmem_shared>>
      tpu.wait_indirect_dma semaphore(%arg13 : memref<!tpu.dma_semaphore, #tpu.memory_space<semaphore_mem>>) src(%dma_wait3A_438 : memref<80x64xf32, #tpu.memory_space<vmem>>) dst(%dma_wait3A_444 : memref<10240x64xf32, #tpu.memory_space<vmem_shared>>)
      %mul3A_445 = arith.constant 5 : i32
      %mul3A_446 = arith.muli %rem3A_230, %mul3A_445 : i32
      %add3A_447 = arith.constant 4 : i32
      %add3A_448 = arith.addi %mul3A_446, %add3A_447 : i32
      %mul3A_449 = arith.constant 5 : i32
      %mul3A_450 = arith.muli %scan3A_229, %mul3A_449 : i32
      %add3A_451 = arith.constant 4 : i32
      %add3A_452 = arith.addi %mul3A_450, %add3A_451 : i32
      %dma_wait3A_453 = arith.constant 0 : i32
      %dma_wait3A_454 = arith.constant 0 : i32
      %dma_wait3A_455 = tpu.memref_slice %arg10[%add3A_448, %dma_wait3A_453, %dma_wait3A_454] : memref<10x80x64xf32, #tpu.memory_space<vmem>> -> memref<1x80x64xf32, #tpu.memory_space<vmem>>
      %dma_wait3A_456 = tpu.memref_squeeze %dma_wait3A_455 : memref<1x80x64xf32, #tpu.memory_space<vmem>> -> memref<80x64xf32, #tpu.memory_space<vmem>>
      %dma_wait3A_457 = arith.constant 0 : i32
      %dma_wait3A_458 = tpu.memref_slice %arg8[%add3A_452, %dma_wait3A_457] : memref<125x80xi32, #tpu.memory_space<vmem>> -> memref<1x80xi32, #tpu.memory_space<vmem>>
      %dma_wait3A_459 = tpu.memref_squeeze %dma_wait3A_458 : memref<1x80xi32, #tpu.memory_space<vmem>> -> memref<80xi32, #tpu.memory_space<vmem>>
      %dma_wait3A_460 = arith.constant 0 : i32
      %dma_wait3A_461 = arith.constant 0 : i32
      %dma_wait3A_462 = tpu.memref_slice %arg11[%dma_wait3A_460, %dma_wait3A_461] : memref<10240x64xf32, #tpu.memory_space<vmem_shared>> -> memref<10240x64xf32, #tpu.memory_space<vmem_shared>>
      tpu.wait_indirect_dma semaphore(%arg13 : memref<!tpu.dma_semaphore, #tpu.memory_space<semaphore_mem>>) src(%dma_wait3A_456 : memref<80x64xf32, #tpu.memory_space<vmem>>) dst(%dma_wait3A_462 : memref<10240x64xf32, #tpu.memory_space<vmem_shared>>)
    }
    %scan3A_223 = arith.constant 25 : i32
    %barrier3A_224 = arith.constant 0 : index
    tpu.barrier barrier_id(%barrier3A_224)
    %mul3A_225 = arith.constant 640 : i32
    %mul3A_226 = arith.muli %arg1, %mul3A_225 : i32
    %mul3A_227 = arith.constant 640 : i32
    %mul3A_228 = arith.muli %arg1, %mul3A_227 : i32
    "tpu.region"() ({
      %run_scoped3A = tpu.sem_alloc : memref<!tpu.dma_semaphore, #tpu.memory_space<semaphore_mem>>
      %dma_start3A_229 = arith.constant 0 : i32
      %dma_start3A_230 = tpu.memref_slice %arg6[%arg0, %mul3A_228, %dma_start3A_229] : memref<2x10240x64xf32, #tpu.memory_space<hbm>> -> memref<1x640x64xf32, #tpu.memory_space<hbm>>
      %dma_start3A_231 = tpu.memref_squeeze %dma_start3A_230 : memref<1x640x64xf32, #tpu.memory_space<hbm>> -> memref<640x64xf32, #tpu.memory_space<hbm>>
      %dma_start3A_232 = arith.constant 0 : i32
      %dma_start3A_233 = tpu.memref_slice %arg11[%mul3A_226, %dma_start3A_232] : memref<10240x64xf32, #tpu.memory_space<vmem_shared>> -> memref<640x64xf32, #tpu.memory_space<vmem_shared>>
      tpu.enqueue_dma source(%dma_start3A_233 : memref<640x64xf32, #tpu.memory_space<vmem_shared>>) target(%dma_start3A_231 : memref<640x64xf32, #tpu.memory_space<hbm>>) target_semaphore(%run_scoped3A : memref<!tpu.dma_semaphore, #tpu.memory_space<semaphore_mem>>)
      %dma_wait3A_234 = arith.constant 0 : i32
      %dma_wait3A_235 = tpu.memref_slice %arg6[%arg0, %mul3A_228, %dma_wait3A_234] : memref<2x10240x64xf32, #tpu.memory_space<hbm>> -> memref<1x640x64xf32, #tpu.memory_space<hbm>>
      %dma_wait3A_236 = tpu.memref_squeeze %dma_wait3A_235 : memref<1x640x64xf32, #tpu.memory_space<hbm>> -> memref<640x64xf32, #tpu.memory_space<hbm>>
      %dma_wait3A_237 = arith.constant 0 : i32
      %dma_wait3A_238 = tpu.memref_slice %arg11[%mul3A_226, %dma_wait3A_237] : memref<10240x64xf32, #tpu.memory_space<vmem_shared>> -> memref<640x64xf32, #tpu.memory_space<vmem_shared>>
      tpu.wait_dma2 semaphore(%run_scoped3A : memref<!tpu.dma_semaphore, #tpu.memory_space<semaphore_mem>>) src(%dma_wait3A_238 : memref<640x64xf32, #tpu.memory_space<vmem_shared>>) dst(%dma_wait3A_236 : memref<640x64xf32, #tpu.memory_space<hbm>>)
      tpu.yield
    }) : () -> ()
    return
  }
}

#map = affine_map<(d0, d1) -> (0, 0, 0)>
#map1 = affine_map<(d0, d1) -> (0)>
#map2 = affine_map<(d0, d1) -> (0, 0)>
module attributes {stable_mosaic.version = 14 : i64} {
  func.func @_deg_kernel(%arg0: i32, %arg1: i32, %arg2: memref<32x125x80xi32, #tpu.memory_space<hbm>>, %arg3: memref<10240xf32, #tpu.memory_space<hbm>>, %arg4: memref<2x10240xf32, #tpu.memory_space<hbm>>, %arg5: memref<125x80xi32, #tpu.memory_space<vmem>>, %arg6: memref<80xf32, #tpu.memory_space<vmem>>, %arg7: memref<10240xf32, #tpu.memory_space<vmem_shared>>, %arg8: memref<!tpu.dma_semaphore, #tpu.memory_space<semaphore_mem>>, %arg9: memref<!tpu.dma_semaphore, #tpu.memory_space<semaphore_mem>>) attributes {dimension_semantics = [#tpu.dimension_semantics<core_parallel>, #tpu.dimension_semantics<subcore_parallel>], iteration_bounds = array<i64: 2, 16>, scalar_prefetch = 0 : i64, scratch_operands = 5 : i64, tpu.core_type = #tpu.core_type<sc_vector_subcore>, window_params = [{transform_indices = #map}, {transform_indices = #map1}, {transform_indices = #map2}]} {
    %mul3A = arith.constant 2 : i32
    %mul3A_0 = arith.muli %arg1, %mul3A : i32
    %add3A = arith.addi %mul3A_0, %arg0 : i32
    %broadcast_in_dim3A = arith.constant 1.000000e+00 : f32
    %broadcast_in_dim3A_1 = vector.broadcast %broadcast_in_dim3A : f32 to vector<16xf32>
    %swap3A = arith.constant 0 : index
    %swap3A_2 = tpu.vector_load %arg6[%swap3A] {strides = array<i32>} : memref<80xf32, #tpu.memory_space<vmem>>, vector<16xf32>,
    %swap3A_3 = vector.shape_cast %swap3A_2 : vector<16xf32> to vector<16xf32>
    %swap3A_4 = vector.shape_cast %broadcast_in_dim3A_1 : vector<16xf32> to vector<16xf32>
    tpu.vector_store %arg6[%swap3A], %swap3A_4 {strides = array<i32>} : memref<80xf32, #tpu.memory_space<vmem>>, vector<16xf32>,
    %swap3A_5 = arith.constant 16 : index
    %swap3A_6 = tpu.vector_load %arg6[%swap3A_5] {strides = array<i32>} : memref<80xf32, #tpu.memory_space<vmem>>, vector<16xf32>,
    %swap3A_7 = vector.shape_cast %swap3A_6 : vector<16xf32> to vector<16xf32>
    %swap3A_8 = vector.shape_cast %broadcast_in_dim3A_1 : vector<16xf32> to vector<16xf32>
    tpu.vector_store %arg6[%swap3A_5], %swap3A_8 {strides = array<i32>} : memref<80xf32, #tpu.memory_space<vmem>>, vector<16xf32>,
    %swap3A_9 = arith.constant 32 : index
    %swap3A_10 = tpu.vector_load %arg6[%swap3A_9] {strides = array<i32>} : memref<80xf32, #tpu.memory_space<vmem>>, vector<16xf32>,
    %swap3A_11 = vector.shape_cast %swap3A_10 : vector<16xf32> to vector<16xf32>
    %swap3A_12 = vector.shape_cast %broadcast_in_dim3A_1 : vector<16xf32> to vector<16xf32>
    tpu.vector_store %arg6[%swap3A_9], %swap3A_12 {strides = array<i32>} : memref<80xf32, #tpu.memory_space<vmem>>, vector<16xf32>,
    %swap3A_13 = arith.constant 48 : index
    %swap3A_14 = tpu.vector_load %arg6[%swap3A_13] {strides = array<i32>} : memref<80xf32, #tpu.memory_space<vmem>>, vector<16xf32>,
    %swap3A_15 = vector.shape_cast %swap3A_14 : vector<16xf32> to vector<16xf32>
    %swap3A_16 = vector.shape_cast %broadcast_in_dim3A_1 : vector<16xf32> to vector<16xf32>
    tpu.vector_store %arg6[%swap3A_13], %swap3A_16 {strides = array<i32>} : memref<80xf32, #tpu.memory_space<vmem>>, vector<16xf32>,
    %swap3A_17 = arith.constant 64 : index
    %swap3A_18 = tpu.vector_load %arg6[%swap3A_17] {strides = array<i32>} : memref<80xf32, #tpu.memory_space<vmem>>, vector<16xf32>,
    %swap3A_19 = vector.shape_cast %swap3A_18 : vector<16xf32> to vector<16xf32>
    %swap3A_20 = vector.shape_cast %broadcast_in_dim3A_1 : vector<16xf32> to vector<16xf32>
    tpu.vector_store %arg6[%swap3A_17], %swap3A_20 {strides = array<i32>} : memref<80xf32, #tpu.memory_space<vmem>>, vector<16xf32>,
    %mul3A_21 = arith.constant 640 : i32
    %mul3A_22 = arith.muli %arg1, %mul3A_21 : i32
    %mul3A_23 = arith.constant 640 : i32
    %mul3A_24 = arith.muli %arg1, %mul3A_23 : i32
    %dma_start3A = tpu.memref_slice %arg7[%mul3A_24] : memref<10240xf32, #tpu.memory_space<vmem_shared>> -> memref<640xf32, #tpu.memory_space<vmem_shared>>
    %dma_start3A_25 = tpu.memref_slice %arg3[%mul3A_22] : memref<10240xf32, #tpu.memory_space<hbm>> -> memref<640xf32, #tpu.memory_space<hbm>>
    tpu.enqueue_dma source(%dma_start3A_25 : memref<640xf32, #tpu.memory_space<hbm>>) target(%dma_start3A : memref<640xf32, #tpu.memory_space<vmem_shared>>) target_semaphore(%arg8 : memref<!tpu.dma_semaphore, #tpu.memory_space<semaphore_mem>>)
    %dma_start3A_26 = arith.constant 0 : i32
    %dma_start3A_27 = arith.constant 0 : i32
    %dma_start3A_28 = tpu.memref_slice %arg2[%add3A, %dma_start3A_26, %dma_start3A_27] : memref<32x125x80xi32, #tpu.memory_space<hbm>> -> memref<1x125x80xi32, #tpu.memory_space<hbm>>
    %dma_start3A_29 = tpu.memref_squeeze %dma_start3A_28 : memref<1x125x80xi32, #tpu.memory_space<hbm>> -> memref<125x80xi32, #tpu.memory_space<hbm>>
    %dma_start3A_30 = arith.constant 0 : i32
    %dma_start3A_31 = arith.constant 0 : i32
    %dma_start3A_32 = tpu.memref_slice %arg2[%add3A, %dma_start3A_30, %dma_start3A_31] : memref<32x125x80xi32, #tpu.memory_space<hbm>> -> memref<1x125x80xi32, #tpu.memory_space<hbm>>
    %dma_start3A_33 = tpu.memref_squeeze %dma_start3A_32 : memref<1x125x80xi32, #tpu.memory_space<hbm>> -> memref<125x80xi32, #tpu.memory_space<hbm>>
    tpu.enqueue_dma source(%dma_start3A_33 : memref<125x80xi32, #tpu.memory_space<hbm>>) target(%arg5 : memref<125x80xi32, #tpu.memory_space<vmem>>) target_semaphore(%arg8 : memref<!tpu.dma_semaphore, #tpu.memory_space<semaphore_mem>>)
    %mul3A_34 = arith.constant 640 : i32
    %mul3A_35 = arith.muli %arg1, %mul3A_34 : i32
    %mul3A_36 = arith.constant 640 : i32
    %mul3A_37 = arith.muli %arg1, %mul3A_36 : i32
    %dma_wait3A = tpu.memref_slice %arg7[%mul3A_37] : memref<10240xf32, #tpu.memory_space<vmem_shared>> -> memref<640xf32, #tpu.memory_space<vmem_shared>>
    %dma_wait3A_38 = tpu.memref_slice %arg3[%mul3A_35] : memref<10240xf32, #tpu.memory_space<hbm>> -> memref<640xf32, #tpu.memory_space<hbm>>
    tpu.wait_dma2 semaphore(%arg8 : memref<!tpu.dma_semaphore, #tpu.memory_space<semaphore_mem>>) src(%dma_wait3A_38 : memref<640xf32, #tpu.memory_space<hbm>>) dst(%dma_wait3A : memref<640xf32, #tpu.memory_space<vmem_shared>>)
    %dma_wait3A_39 = arith.constant 0 : i32
    %dma_wait3A_40 = arith.constant 0 : i32
    %dma_wait3A_41 = tpu.memref_slice %arg2[%add3A, %dma_wait3A_39, %dma_wait3A_40] : memref<32x125x80xi32, #tpu.memory_space<hbm>> -> memref<1x125x80xi32, #tpu.memory_space<hbm>>
    %dma_wait3A_42 = tpu.memref_squeeze %dma_wait3A_41 : memref<1x125x80xi32, #tpu.memory_space<hbm>> -> memref<125x80xi32, #tpu.memory_space<hbm>>
    %dma_wait3A_43 = arith.constant 0 : i32
    %dma_wait3A_44 = arith.constant 0 : i32
    %dma_wait3A_45 = tpu.memref_slice %arg2[%add3A, %dma_wait3A_43, %dma_wait3A_44] : memref<32x125x80xi32, #tpu.memory_space<hbm>> -> memref<1x125x80xi32, #tpu.memory_space<hbm>>
    %dma_wait3A_46 = tpu.memref_squeeze %dma_wait3A_45 : memref<1x125x80xi32, #tpu.memory_space<hbm>> -> memref<125x80xi32, #tpu.memory_space<hbm>>
    tpu.wait_dma2 semaphore(%arg8 : memref<!tpu.dma_semaphore, #tpu.memory_space<semaphore_mem>>) src(%dma_wait3A_46 : memref<125x80xi32, #tpu.memory_space<hbm>>) dst(%arg5 : memref<125x80xi32, #tpu.memory_space<vmem>>)
    %barrier3A = arith.constant 0 : index
    tpu.barrier barrier_id(%barrier3A)
    %scan3A = arith.constant 0 : i32
    %scan3A_47 = arith.constant 0 : i32
    %scan3A_48 = arith.constant 125 : i32
    %scan3A_49 = arith.addi %scan3A_47, %scan3A_48 : i32
    %scan3A_50 = arith.constant 1 : i32
    scf.for %scan3A_63 = %scan3A_47 to %scan3A_49 step %scan3A_50  : i32 {
      %dma_start3A_64 = arith.constant 0 : i32
      %dma_start3A_65 = tpu.memref_slice %arg5[%scan3A_63, %dma_start3A_64] : memref<125x80xi32, #tpu.memory_space<vmem>> -> memref<1x80xi32, #tpu.memory_space<vmem>>
      %dma_start3A_66 = tpu.memref_squeeze %dma_start3A_65 : memref<1x80xi32, #tpu.memory_space<vmem>> -> memref<80xi32, #tpu.memory_space<vmem>>
      %dma_start3A_67 = arith.constant 0 : i32
      %dma_start3A_68 = tpu.memref_slice %arg7[%dma_start3A_67] : memref<10240xf32, #tpu.memory_space<vmem_shared>> -> memref<10240xf32, #tpu.memory_space<vmem_shared>>
      tpu.enqueue_indirect_dma source(%arg6 : memref<80xf32, #tpu.memory_space<vmem>>) target(%dma_start3A_68 : memref<10240xf32, #tpu.memory_space<vmem_shared>>) offsets(%dma_start3A_66 : memref<80xi32, #tpu.memory_space<vmem>>) semaphore(%arg9 : memref<!tpu.dma_semaphore, #tpu.memory_space<semaphore_mem>>) {add = true}
    }
    %scan3A_51 = arith.constant 125 : i32
    %scan3A_52 = arith.constant 0 : i32
    %scan3A_53 = arith.constant 0 : i32
    %scan3A_54 = arith.constant 125 : i32
    %scan3A_55 = arith.addi %scan3A_53, %scan3A_54 : i32
    %scan3A_56 = arith.constant 1 : i32
    scf.for %scan3A_63 = %scan3A_53 to %scan3A_55 step %scan3A_56  : i32 {
      %dma_wait3A_64 = arith.constant 0 : i32
      %dma_wait3A_65 = tpu.memref_slice %arg5[%scan3A_63, %dma_wait3A_64] : memref<125x80xi32, #tpu.memory_space<vmem>> -> memref<1x80xi32, #tpu.memory_space<vmem>>
      %dma_wait3A_66 = tpu.memref_squeeze %dma_wait3A_65 : memref<1x80xi32, #tpu.memory_space<vmem>> -> memref<80xi32, #tpu.memory_space<vmem>>
      %dma_wait3A_67 = arith.constant 0 : i32
      %dma_wait3A_68 = tpu.memref_slice %arg7[%dma_wait3A_67] : memref<10240xf32, #tpu.memory_space<vmem_shared>> -> memref<10240xf32, #tpu.memory_space<vmem_shared>>
      tpu.wait_indirect_dma semaphore(%arg9 : memref<!tpu.dma_semaphore, #tpu.memory_space<semaphore_mem>>) src(%arg6 : memref<80xf32, #tpu.memory_space<vmem>>) dst(%dma_wait3A_68 : memref<10240xf32, #tpu.memory_space<vmem_shared>>)
    }
    %scan3A_57 = arith.constant 125 : i32
    %barrier3A_58 = arith.constant 0 : index
    tpu.barrier barrier_id(%barrier3A_58)
    %mul3A_59 = arith.constant 640 : i32
    %mul3A_60 = arith.muli %arg1, %mul3A_59 : i32
    %mul3A_61 = arith.constant 640 : i32
    %mul3A_62 = arith.muli %arg1, %mul3A_61 : i32
    "tpu.region"() ({
      %run_scoped3A = tpu.sem_alloc : memref<!tpu.dma_semaphore, #tpu.memory_space<semaphore_mem>>
      %dma_start3A_63 = tpu.memref_slice %arg4[%arg0, %mul3A_62] : memref<2x10240xf32, #tpu.memory_space<hbm>> -> memref<1x640xf32, #tpu.memory_space<hbm>>
      %dma_start3A_64 = tpu.memref_squeeze %dma_start3A_63 : memref<1x640xf32, #tpu.memory_space<hbm>> -> memref<640xf32, #tpu.memory_space<hbm>>
      %dma_start3A_65 = tpu.memref_slice %arg7[%mul3A_60] : memref<10240xf32, #tpu.memory_space<vmem_shared>> -> memref<640xf32, #tpu.memory_space<vmem_shared>>
      tpu.enqueue_dma source(%dma_start3A_65 : memref<640xf32, #tpu.memory_space<vmem_shared>>) target(%dma_start3A_64 : memref<640xf32, #tpu.memory_space<hbm>>) target_semaphore(%run_scoped3A : memref<!tpu.dma_semaphore, #tpu.memory_space<semaphore_mem>>)
      %dma_wait3A_66 = tpu.memref_slice %arg4[%arg0, %mul3A_62] : memref<2x10240xf32, #tpu.memory_space<hbm>> -> memref<1x640xf32, #tpu.memory_space<hbm>>
      %dma_wait3A_67 = tpu.memref_squeeze %dma_wait3A_66 : memref<1x640xf32, #tpu.memory_space<hbm>> -> memref<640xf32, #tpu.memory_space<hbm>>
      %dma_wait3A_68 = tpu.memref_slice %arg7[%mul3A_60] : memref<10240xf32, #tpu.memory_space<vmem_shared>> -> memref<640xf32, #tpu.memory_space<vmem_shared>>
      tpu.wait_dma2 semaphore(%run_scoped3A : memref<!tpu.dma_semaphore, #tpu.memory_space<semaphore_mem>>) src(%dma_wait3A_68 : memref<640xf32, #tpu.memory_space<vmem_shared>>) dst(%dma_wait3A_67 : memref<640xf32, #tpu.memory_space<hbm>>)
      tpu.yield
    }) : () -> ()
    return
  }
}

module attributes {stable_mosaic.version = 14 : i64} {
  func.func @_tc1_body(%arg0: i32, %arg1: memref<2000x226xf32, #tpu.memory_space<vmem>>, %arg2: memref<226x64xf32, #tpu.memory_space<vmem>>, %arg3: memref<2000x1xf32, #tpu.memory_space<vmem>>, %arg4: memref<2000x1xf32, #tpu.memory_space<vmem>>, %arg5: memref<2000x64xf32, #tpu.memory_space<vmem>>) attributes {dimension_semantics = [#tpu.dimension_semantics<arbitrary>], iteration_bounds = array<i64: 5>, scalar_prefetch = 0 : i64, scratch_operands = 0 : i64, tpu.core_type = #tpu.core_type<tc>, window_params = [{transform_indices = @transform_0, window_bounds = array<i64: 2000, 226>}, {pipeline_mode = #tpu.pipeline_mode<synchronous>, transform_indices = @transform_1, window_bounds = array<i64: 226, 64>}, {transform_indices = @transform_2, window_bounds = array<i64: 2000, 1>}, {transform_indices = @transform_3, window_bounds = array<i64: 2000, 1>}, {transform_indices = @transform_4, window_bounds = array<i64: 2000, 64>}]} {
    %get3A = arith.constant 0 : index
    %get3A_0 = arith.constant 0 : index
    %get3A_1 = vector.load %arg3[%get3A, %get3A_0] : memref<2000x1xf32, #tpu.memory_space<vmem>>, vector<2000x1xf32>
    %add3A = arith.constant 1.000000e+00 : f32
    %add3A_2 = vector.broadcast %add3A : f32 to vector<2000x1xf32>
    %add3A_3 = arith.addf %add3A_2, %get3A_1 : vector<2000x1xf32>
    %get3A_4 = arith.constant 0 : index
    %get3A_5 = arith.constant 0 : index
    %get3A_6 = vector.load %arg4[%get3A_4, %get3A_5] : memref<2000x1xf32, #tpu.memory_space<vmem>>, vector<2000x1xf32>
    %add3A_7 = arith.addf %add3A_3, %get3A_6 : vector<2000x1xf32>
    %rsqrt3A = math.rsqrt %add3A_7 : vector<2000x1xf32>
    %get3A_8 = arith.constant 0 : index
    %get3A_9 = arith.constant 0 : index
    %get3A_10 = vector.load %arg1[%get3A_8, %get3A_9] : memref<2000x226xf32, #tpu.memory_space<vmem>>, vector<2000x226xf32>
    %get3A_11 = arith.constant 0 : index
    %get3A_12 = arith.constant 0 : index
    %get3A_13 = vector.load %arg2[%get3A_11, %get3A_12] : memref<226x64xf32, #tpu.memory_space<vmem>>, vector<226x64xf32>
    %dot_general3A = arith.constant dense<0.000000e+00> : vector<2000x64xf32>
    %dot_general3A_14 = tpu.matmul %get3A_10, %get3A_13, %dot_general3A {dimension_numbers = #tpu.dot_dimension_numbers<[1], [0], [0], [1], [0, 0, 1, 1], [], []>, transpose_lhs_hint = false} : vector<2000x226xf32>, vector<226x64xf32>, vector<2000x64xf32> -> vector<2000x64xf32>
    %mul3A = vector.broadcast %rsqrt3A : vector<2000x1xf32> to vector<2000x64xf32>
    %mul3A_15 = arith.mulf %dot_general3A_14, %mul3A : vector<2000x64xf32>
    %swap3A = arith.constant 0 : index
    %swap3A_16 = arith.constant 0 : index
    %swap3A_17 = vector.load %arg5[%swap3A, %swap3A_16] : memref<2000x64xf32, #tpu.memory_space<vmem>>, vector<2000x64xf32>
    tpu.vector_store %arg5[%swap3A, %swap3A_16], %mul3A_15 {strides = array<i32>} : memref<2000x64xf32, #tpu.memory_space<vmem>>, vector<2000x64xf32>,
    return
  }
  func.func @transform_0(%arg0: i32) -> (i32, i32) {
    %c0_i32 = arith.constant 0 : i32
    %c0_i32_0 = arith.constant 0 : i32
    return %arg0, %c0_i32 : i32, i32
  }
  func.func @transform_1(%arg0: i32) -> (i32, i32) {
    %c0_i32 = arith.constant 0 : i32
    %c0_i32_0 = arith.constant 0 : i32
    %c0_i32_1 = arith.constant 0 : i32
    return %c0_i32, %c0_i32_0 : i32, i32
  }
  func.func @transform_2(%arg0: i32) -> (i32, i32) {
    %c0_i32 = arith.constant 0 : i32
    %c0_i32_0 = arith.constant 0 : i32
    return %arg0, %c0_i32 : i32, i32
  }
  func.func @transform_3(%arg0: i32) -> (i32, i32) {
    %c0_i32 = arith.constant 0 : i32
    %c0_i32_0 = arith.constant 0 : i32
    return %arg0, %c0_i32 : i32, i32
  }
  func.func @transform_4(%arg0: i32) -> (i32, i32) {
    %c0_i32 = arith.constant 0 : i32
    %c0_i32_0 = arith.constant 0 : i32
    return %arg0, %c0_i32 : i32, i32
  }
}

module attributes {stable_mosaic.version = 14 : i64} {
  func.func @_tcl_body(%arg0: i32, %arg1: memref<2000x64xf32, #tpu.memory_space<vmem>>, %arg2: memref<1x2000x64xf32, #tpu.memory_space<vmem>>, %arg3: memref<1x2000x64xf32, #tpu.memory_space<vmem>>, %arg4: memref<2000x1xf32, #tpu.memory_space<vmem>>, %arg5: memref<2000x1xf32, #tpu.memory_space<vmem>>, %arg6: memref<1x64xf32, #tpu.memory_space<vmem>>, %arg7: memref<64x64xf32, #tpu.memory_space<vmem>>, %arg8: memref<2000x64xf32, #tpu.memory_space<vmem>>) attributes {dimension_semantics = [#tpu.dimension_semantics<arbitrary>], iteration_bounds = array<i64: 5>, scalar_prefetch = 0 : i64, scratch_operands = 0 : i64, tpu.core_type = #tpu.core_type<tc>, window_params = [{transform_indices = @transform_0, window_bounds = array<i64: 2000, 64>}, {transform_indices = @transform_1, window_bounds = array<i64: 1, 2000, 64>}, {transform_indices = @transform_2, window_bounds = array<i64: 1, 2000, 64>}, {transform_indices = @transform_3, window_bounds = array<i64: 2000, 1>}, {transform_indices = @transform_4, window_bounds = array<i64: 2000, 1>}, {pipeline_mode = #tpu.pipeline_mode<synchronous>, transform_indices = @transform_5, window_bounds = array<i64: 1, 64>}, {pipeline_mode = #tpu.pipeline_mode<synchronous>, transform_indices = @transform_6, window_bounds = array<i64: 64, 64>}, {transform_indices = @transform_7, window_bounds = array<i64: 2000, 64>}]} {
    %get3A = arith.constant 0 : index
    %get3A_0 = arith.constant 0 : index
    %get3A_1 = vector.load %arg4[%get3A, %get3A_0] : memref<2000x1xf32, #tpu.memory_space<vmem>>, vector<2000x1xf32>
    %add3A = arith.constant 1.000000e+00 : f32
    %add3A_2 = vector.broadcast %add3A : f32 to vector<2000x1xf32>
    %add3A_3 = arith.addf %add3A_2, %get3A_1 : vector<2000x1xf32>
    %get3A_4 = arith.constant 0 : index
    %get3A_5 = arith.constant 0 : index
    %get3A_6 = vector.load %arg5[%get3A_4, %get3A_5] : memref<2000x1xf32, #tpu.memory_space<vmem>>, vector<2000x1xf32>
    %add3A_7 = arith.addf %add3A_3, %get3A_6 : vector<2000x1xf32>
    %rsqrt3A = math.rsqrt %add3A_7 : vector<2000x1xf32>
    %get3A_8 = arith.constant 0 : index
    %get3A_9 = arith.constant 0 : index
    %get3A_10 = vector.load %arg1[%get3A_8, %get3A_9] : memref<2000x64xf32, #tpu.memory_space<vmem>>, vector<2000x64xf32>
    %get3A_11 = arith.constant 0 : index
    %get3A_12 = arith.constant 0 : index
    %get3A_13 = arith.constant 0 : index
    %get3A_14 = vector.load %arg2[%get3A_11, %get3A_12, %get3A_13] : memref<1x2000x64xf32, #tpu.memory_space<vmem>>, vector<1x2000x64xf32>
    %get3A_15 = vector.shape_cast %get3A_14 : vector<1x2000x64xf32> to vector<2000x64xf32>
    %add3A_16 = arith.addf %get3A_10, %get3A_15 : vector<2000x64xf32>
    %get3A_17 = arith.constant 0 : index
    %get3A_18 = arith.constant 0 : index
    %get3A_19 = arith.constant 0 : index
    %get3A_20 = vector.load %arg3[%get3A_17, %get3A_18, %get3A_19] : memref<1x2000x64xf32, #tpu.memory_space<vmem>>, vector<1x2000x64xf32>
    %get3A_21 = vector.shape_cast %get3A_20 : vector<1x2000x64xf32> to vector<2000x64xf32>
    %add3A_22 = arith.addf %add3A_16, %get3A_21 : vector<2000x64xf32>
    %mul3A = vector.broadcast %rsqrt3A : vector<2000x1xf32> to vector<2000x64xf32>
    %mul3A_23 = arith.mulf %mul3A, %add3A_22 : vector<2000x64xf32>
    %get3A_24 = arith.constant 0 : index
    %get3A_25 = arith.constant 0 : index
    %get3A_26 = vector.load %arg6[%get3A_24, %get3A_25] : memref<1x64xf32, #tpu.memory_space<vmem>>, vector<1x64xf32>
    %add3A_27 = vector.broadcast %get3A_26 : vector<1x64xf32> to vector<2000x64xf32>
    %add3A_28 = arith.addf %mul3A_23, %add3A_27 : vector<2000x64xf32>
    %max3A = arith.constant 0.000000e+00 : f32
    %max3A_29 = vector.broadcast %max3A : f32 to vector<2000x64xf32>
    %max3A_30 = arith.maximumf %add3A_28, %max3A_29 : vector<2000x64xf32>
    %get3A_31 = arith.constant 0 : index
    %get3A_32 = arith.constant 0 : index
    %get3A_33 = vector.load %arg7[%get3A_31, %get3A_32] : memref<64x64xf32, #tpu.memory_space<vmem>>, vector<64x64xf32>
    %dot_general3A = arith.constant dense<0.000000e+00> : vector<2000x64xf32>
    %dot_general3A_34 = tpu.matmul %max3A_30, %get3A_33, %dot_general3A {dimension_numbers = #tpu.dot_dimension_numbers<[1], [0], [0], [1], [0, 0, 1, 1], [], []>, transpose_lhs_hint = false} : vector<2000x64xf32>, vector<64x64xf32>, vector<2000x64xf32> -> vector<2000x64xf32>
    %mul3A_35 = vector.broadcast %rsqrt3A : vector<2000x1xf32> to vector<2000x64xf32>
    %mul3A_36 = arith.mulf %dot_general3A_34, %mul3A_35 : vector<2000x64xf32>
    %swap3A = arith.constant 0 : index
    %swap3A_37 = arith.constant 0 : index
    %swap3A_38 = vector.load %arg8[%swap3A, %swap3A_37] : memref<2000x64xf32, #tpu.memory_space<vmem>>, vector<2000x64xf32>
    tpu.vector_store %arg8[%swap3A, %swap3A_37], %mul3A_36 {strides = array<i32>} : memref<2000x64xf32, #tpu.memory_space<vmem>>, vector<2000x64xf32>,
    return
  }
  func.func @transform_0(%arg0: i32) -> (i32, i32) {
    %c0_i32 = arith.constant 0 : i32
    %c0_i32_0 = arith.constant 0 : i32
    return %arg0, %c0_i32 : i32, i32
  }
  func.func @transform_1(%arg0: i32) -> (i32, i32, i32) {
    %c0_i32 = arith.constant 0 : i32
    %c0_i32_0 = arith.constant 0 : i32
    %c0_i32_1 = arith.constant 0 : i32
    return %c0_i32, %arg0, %c0_i32_0 : i32, i32, i32
  }
  func.func @transform_2(%arg0: i32) -> (i32, i32, i32) {
    %c1_i32 = arith.constant 1 : i32
    %c0_i32 = arith.constant 0 : i32
    %c0_i32_0 = arith.constant 0 : i32
    return %c1_i32, %arg0, %c0_i32 : i32, i32, i32
  }
  func.func @transform_3(%arg0: i32) -> (i32, i32) {
    %c0_i32 = arith.constant 0 : i32
    %c0_i32_0 = arith.constant 0 : i32
    return %arg0, %c0_i32 : i32, i32
  }
  func.func @transform_4(%arg0: i32) -> (i32, i32) {
    %c0_i32 = arith.constant 0 : i32
    %c0_i32_0 = arith.constant 0 : i32
    return %arg0, %c0_i32 : i32, i32
  }
  func.func @transform_5(%arg0: i32) -> (i32, i32) {
    %c0_i32 = arith.constant 0 : i32
    %c0_i32_0 = arith.constant 0 : i32
    %c0_i32_1 = arith.constant 0 : i32
    return %c0_i32, %c0_i32_0 : i32, i32
  }
  func.func @transform_6(%arg0: i32) -> (i32, i32) {
    %c0_i32 = arith.constant 0 : i32
    %c0_i32_0 = arith.constant 0 : i32
    %c0_i32_1 = arith.constant 0 : i32
    return %c0_i32, %c0_i32_0 : i32, i32
  }
  func.func @transform_7(%arg0: i32) -> (i32, i32) {
    %c0_i32 = arith.constant 0 : i32
    %c0_i32_0 = arith.constant 0 : i32
    return %arg0, %c0_i32 : i32, i32
  }
}

module attributes {stable_mosaic.version = 14 : i64} {
  func.func @_final_body(%arg0: i32, %arg1: memref<2000x64xf32, #tpu.memory_space<vmem>>, %arg2: memref<1x2000x64xf32, #tpu.memory_space<vmem>>, %arg3: memref<1x2000x64xf32, #tpu.memory_space<vmem>>, %arg4: memref<2000x1xf32, #tpu.memory_space<vmem>>, %arg5: memref<2000x1xf32, #tpu.memory_space<vmem>>, %arg6: memref<1x64xf32, #tpu.memory_space<vmem>>, %arg7: memref<2000x1xi32, #tpu.memory_space<vmem>>, %arg8: memref<64x1xf32, #tpu.memory_space<vmem>>, %arg9: memref<1x1xf32, #tpu.memory_space<vmem>>, %arg10: memref<16x1xf32, #tpu.memory_space<vmem>>, %arg11: memref<16x64xf32, #tpu.memory_space<vmem>>, %arg12: memref<16x1xf32, #tpu.memory_space<vmem>>) attributes {dimension_semantics = [#tpu.dimension_semantics<arbitrary>], iteration_bounds = array<i64: 5>, scalar_prefetch = 0 : i64, scratch_operands = 2 : i64, tpu.core_type = #tpu.core_type<tc>, window_params = [{transform_indices = @transform_0, window_bounds = array<i64: 2000, 64>}, {transform_indices = @transform_1, window_bounds = array<i64: 1, 2000, 64>}, {transform_indices = @transform_2, window_bounds = array<i64: 1, 2000, 64>}, {transform_indices = @transform_3, window_bounds = array<i64: 2000, 1>}, {transform_indices = @transform_4, window_bounds = array<i64: 2000, 1>}, {pipeline_mode = #tpu.pipeline_mode<synchronous>, transform_indices = @transform_5, window_bounds = array<i64: 1, 64>}, {transform_indices = @transform_6, window_bounds = array<i64: 2000, 1>}, {pipeline_mode = #tpu.pipeline_mode<synchronous>, transform_indices = @transform_7, window_bounds = array<i64: 64, 1>}, {pipeline_mode = #tpu.pipeline_mode<synchronous>, transform_indices = @transform_8, window_bounds = array<i64: 1, 1>}, {pipeline_mode = #tpu.pipeline_mode<synchronous>, transform_indices = @transform_9, window_bounds = array<i64: 16, 1>}]} {
    %eq3A = arith.constant 0 : i32
    %eq3A_0 = arith.cmpi eq, %arg0, %eq3A : i32
    %convert_element_type3A = arith.extui %eq3A_0 : i1 to i32
    %cond3A = arith.constant 0 : i32
    %cond3A_1 = arith.cmpi ne, %convert_element_type3A, %cond3A : i32
    scf.if %cond3A_1 {
      %broadcast_in_dim3A_63 = arith.constant 0.000000e+00 : f32
      %broadcast_in_dim3A_64 = vector.broadcast %broadcast_in_dim3A_63 : f32 to vector<16x64xf32>
      %swap3A_65 = arith.constant 0 : index
      %swap3A_66 = arith.constant 0 : index
      %swap3A_67 = vector.load %arg11[%swap3A_65, %swap3A_66] : memref<16x64xf32, #tpu.memory_space<vmem>>, vector<16x64xf32>
      tpu.vector_store %arg11[%swap3A_65, %swap3A_66], %broadcast_in_dim3A_64 {strides = array<i32>} : memref<16x64xf32, #tpu.memory_space<vmem>>, vector<16x64xf32>,
      %broadcast_in_dim3A_68 = arith.constant 0.000000e+00 : f32
      %broadcast_in_dim3A_69 = vector.broadcast %broadcast_in_dim3A_68 : f32 to vector<16x1xf32>
      %swap3A_70 = arith.constant 0 : index
      %swap3A_71 = arith.constant 0 : index
      %swap3A_72 = vector.load %arg12[%swap3A_70, %swap3A_71] : memref<16x1xf32, #tpu.memory_space<vmem>>, vector<16x1xf32>
      tpu.vector_store %arg12[%swap3A_70, %swap3A_71], %broadcast_in_dim3A_69 {strides = array<i32>} : memref<16x1xf32, #tpu.memory_space<vmem>>, vector<16x1xf32>,
    } else {
    }
    %get3A = arith.constant 0 : index
    %get3A_2 = arith.constant 0 : index
    %get3A_3 = vector.load %arg4[%get3A, %get3A_2] : memref<2000x1xf32, #tpu.memory_space<vmem>>, vector<2000x1xf32>
    %add3A = arith.constant 1.000000e+00 : f32
    %add3A_4 = vector.broadcast %add3A : f32 to vector<2000x1xf32>
    %add3A_5 = arith.addf %add3A_4, %get3A_3 : vector<2000x1xf32>
    %get3A_6 = arith.constant 0 : index
    %get3A_7 = arith.constant 0 : index
    %get3A_8 = vector.load %arg5[%get3A_6, %get3A_7] : memref<2000x1xf32, #tpu.memory_space<vmem>>, vector<2000x1xf32>
    %add3A_9 = arith.addf %add3A_5, %get3A_8 : vector<2000x1xf32>
    %rsqrt3A = math.rsqrt %add3A_9 : vector<2000x1xf32>
    %get3A_10 = arith.constant 0 : index
    %get3A_11 = arith.constant 0 : index
    %get3A_12 = vector.load %arg1[%get3A_10, %get3A_11] : memref<2000x64xf32, #tpu.memory_space<vmem>>, vector<2000x64xf32>
    %get3A_13 = arith.constant 0 : index
    %get3A_14 = arith.constant 0 : index
    %get3A_15 = arith.constant 0 : index
    %get3A_16 = vector.load %arg2[%get3A_13, %get3A_14, %get3A_15] : memref<1x2000x64xf32, #tpu.memory_space<vmem>>, vector<1x2000x64xf32>
    %get3A_17 = vector.shape_cast %get3A_16 : vector<1x2000x64xf32> to vector<2000x64xf32>
    %add3A_18 = arith.addf %get3A_12, %get3A_17 : vector<2000x64xf32>
    %get3A_19 = arith.constant 0 : index
    %get3A_20 = arith.constant 0 : index
    %get3A_21 = arith.constant 0 : index
    %get3A_22 = vector.load %arg3[%get3A_19, %get3A_20, %get3A_21] : memref<1x2000x64xf32, #tpu.memory_space<vmem>>, vector<1x2000x64xf32>
    %get3A_23 = vector.shape_cast %get3A_22 : vector<1x2000x64xf32> to vector<2000x64xf32>
    %add3A_24 = arith.addf %add3A_18, %get3A_23 : vector<2000x64xf32>
    %mul3A = vector.broadcast %rsqrt3A : vector<2000x1xf32> to vector<2000x64xf32>
    %mul3A_25 = arith.mulf %mul3A, %add3A_24 : vector<2000x64xf32>
    %get3A_26 = arith.constant 0 : index
    %get3A_27 = arith.constant 0 : index
    %get3A_28 = vector.load %arg6[%get3A_26, %get3A_27] : memref<1x64xf32, #tpu.memory_space<vmem>>, vector<1x64xf32>
    %add3A_29 = vector.broadcast %get3A_28 : vector<1x64xf32> to vector<2000x64xf32>
    %add3A_30 = arith.addf %mul3A_25, %add3A_29 : vector<2000x64xf32>
    %max3A = arith.constant 0.000000e+00 : f32
    %max3A_31 = vector.broadcast %max3A : f32 to vector<2000x64xf32>
    %max3A_32 = arith.maximumf %add3A_30, %max3A_31 : vector<2000x64xf32>
    %iota3A = tpu.iota {dimensions = array<i32: 1>} : vector<1x16xi32>
    %get3A_33 = arith.constant 0 : index
    %get3A_34 = arith.constant 0 : index
    %get3A_35 = vector.load %arg7[%get3A_33, %get3A_34] : memref<2000x1xi32, #tpu.memory_space<vmem>>, vector<2000x1xi32>
    %eq3A_36 = vector.broadcast %get3A_35 : vector<2000x1xi32> to vector<2000x16xi32>
    %eq3A_37 = vector.broadcast %iota3A : vector<1x16xi32> to vector<2000x16xi32>
    %eq3A_38 = arith.cmpi eq, %eq3A_36, %eq3A_37 : vector<2000x16xi32>
    %convert_element_type3A_39 = arith.extui %eq3A_38 : vector<2000x16xi1> to vector<2000x16xi32>
    %convert_element_type3A_40 = arith.sitofp %convert_element_type3A_39 : vector<2000x16xi32> to vector<2000x16xf32>
    %get3A_41 = arith.constant 0 : index
    %get3A_42 = arith.constant 0 : index
    %get3A_43 = vector.load %arg11[%get3A_41, %get3A_42] : memref<16x64xf32, #tpu.memory_space<vmem>>, vector<16x64xf32>
    %dot_general3A = arith.constant dense<0.000000e+00> : vector<16x64xf32>
    %dot_general3A_44 = tpu.matmul %convert_element_type3A_40, %max3A_32, %dot_general3A {dimension_numbers = #tpu.dot_dimension_numbers<[0], [0], [1], [1], [0, 1, 1, 1], [], []>, transpose_lhs_hint = false} : vector<2000x16xf32>, vector<2000x64xf32>, vector<16x64xf32> -> vector<16x64xf32>
    %add3A_45 = arith.addf %get3A_43, %dot_general3A_44 : vector<16x64xf32>
    %swap3A = arith.constant 0 : index
    %swap3A_46 = arith.constant 0 : index
    %swap3A_47 = vector.load %arg11[%swap3A, %swap3A_46] : memref<16x64xf32, #tpu.memory_space<vmem>>, vector<16x64xf32>
    tpu.vector_store %arg11[%swap3A, %swap3A_46], %add3A_45 {strides = array<i32>} : memref<16x64xf32, #tpu.memory_space<vmem>>, vector<16x64xf32>,
    %broadcast_in_dim3A = arith.constant 1.000000e+00 : f32
    %broadcast_in_dim3A_48 = vector.broadcast %broadcast_in_dim3A : f32 to vector<2000x1xf32>
    %get3A_49 = arith.constant 0 : index
    %get3A_50 = arith.constant 0 : index
    %get3A_51 = vector.load %arg12[%get3A_49, %get3A_50] : memref<16x1xf32, #tpu.memory_space<vmem>>, vector<16x1xf32>
    %dot_general3A_52 = arith.constant dense<0.000000e+00> : vector<16x1xf32>
    %dot_general3A_53 = tpu.matmul %convert_element_type3A_40, %broadcast_in_dim3A_48, %dot_general3A_52 {dimension_numbers = #tpu.dot_dimension_numbers<[0], [0], [1], [1], [0, 1, 1, 1], [], []>, transpose_lhs_hint = false} : vector<2000x16xf32>, vector<2000x1xf32>, vector<16x1xf32> -> vector<16x1xf32>
    %add3A_54 = arith.addf %get3A_51, %dot_general3A_53 : vector<16x1xf32>
    %swap3A_55 = arith.constant 0 : index
    %swap3A_56 = arith.constant 0 : index
    %swap3A_57 = vector.load %arg12[%swap3A_55, %swap3A_56] : memref<16x1xf32, #tpu.memory_space<vmem>>, vector<16x1xf32>
    tpu.vector_store %arg12[%swap3A_55, %swap3A_56], %add3A_54 {strides = array<i32>} : memref<16x1xf32, #tpu.memory_space<vmem>>, vector<16x1xf32>,
    %eq3A_58 = arith.constant 4 : i32
    %eq3A_59 = arith.cmpi eq, %arg0, %eq3A_58 : i32
    %convert_element_type3A_60 = arith.extui %eq3A_59 : i1 to i32
    %cond3A_61 = arith.constant 0 : i32
    %cond3A_62 = arith.cmpi ne, %convert_element_type3A_60, %cond3A_61 : i32
    scf.if %cond3A_62 {
      %get3A_63 = arith.constant 0 : index
      %get3A_64 = arith.constant 0 : index
      %get3A_65 = vector.load %arg11[%get3A_63, %get3A_64] : memref<16x64xf32, #tpu.memory_space<vmem>>, vector<16x64xf32>
      %get3A_66 = arith.constant 0 : index
      %get3A_67 = arith.constant 0 : index
      %get3A_68 = vector.load %arg12[%get3A_66, %get3A_67] : memref<16x1xf32, #tpu.memory_space<vmem>>, vector<16x1xf32>
      %max3A_69 = arith.constant 1.000000e+00 : f32
      %max3A_70 = vector.broadcast %max3A_69 : f32 to vector<16x1xf32>
      %max3A_71 = arith.maximumf %get3A_68, %max3A_70 : vector<16x1xf32>
      %div3A = vector.broadcast %max3A_71 : vector<16x1xf32> to vector<16x64xf32>
      %div3A_72 = arith.divf %get3A_65, %div3A : vector<16x64xf32>
      %get3A_73 = arith.constant 0 : index
      %get3A_74 = arith.constant 0 : index
      %get3A_75 = vector.load %arg8[%get3A_73, %get3A_74] : memref<64x1xf32, #tpu.memory_space<vmem>>, vector<64x1xf32>
      %dot_general3A_76 = arith.constant dense<0.000000e+00> : vector<16x1xf32>
      %dot_general3A_77 = tpu.matmul %div3A_72, %get3A_75, %dot_general3A_76 {dimension_numbers = #tpu.dot_dimension_numbers<[1], [0], [0], [1], [0, 0, 1, 1], [], []>, transpose_lhs_hint = false} : vector<16x64xf32>, vector<64x1xf32>, vector<16x1xf32> -> vector<16x1xf32>
      %get3A_78 = arith.constant 0 : index
      %get3A_79 = arith.constant 0 : index
      %get3A_80 = vector.load %arg9[%get3A_78, %get3A_79] : memref<1x1xf32, #tpu.memory_space<vmem>>, vector<1x1xf32>
      %add3A_81 = vector.broadcast %get3A_80 : vector<1x1xf32> to vector<16x1xf32>
      %add3A_82 = arith.addf %dot_general3A_77, %add3A_81 : vector<16x1xf32>
      %swap3A_83 = arith.constant 0 : index
      %swap3A_84 = arith.constant 0 : index
      %swap3A_85 = vector.load %arg10[%swap3A_83, %swap3A_84] : memref<16x1xf32, #tpu.memory_space<vmem>>, vector<16x1xf32>
      tpu.vector_store %arg10[%swap3A_83, %swap3A_84], %add3A_82 {strides = array<i32>} : memref<16x1xf32, #tpu.memory_space<vmem>>, vector<16x1xf32>,
    } else {
    }
    return
  }
  func.func @transform_0(%arg0: i32) -> (i32, i32) {
    %c0_i32 = arith.constant 0 : i32
    %c0_i32_0 = arith.constant 0 : i32
    return %arg0, %c0_i32 : i32, i32
  }
  func.func @transform_1(%arg0: i32) -> (i32, i32, i32) {
    %c0_i32 = arith.constant 0 : i32
    %c0_i32_0 = arith.constant 0 : i32
    %c0_i32_1 = arith.constant 0 : i32
    return %c0_i32, %arg0, %c0_i32_0 : i32, i32, i32
  }
  func.func @transform_2(%arg0: i32) -> (i32, i32, i32) {
    %c1_i32 = arith.constant 1 : i32
    %c0_i32 = arith.constant 0 : i32
    %c0_i32_0 = arith.constant 0 : i32
    return %c1_i32, %arg0, %c0_i32 : i32, i32, i32
  }
  func.func @transform_3(%arg0: i32) -> (i32, i32) {
    %c0_i32 = arith.constant 0 : i32
    %c0_i32_0 = arith.constant 0 : i32
    return %arg0, %c0_i32 : i32, i32
  }
  func.func @transform_4(%arg0: i32) -> (i32, i32) {
    %c0_i32 = arith.constant 0 : i32
    %c0_i32_0 = arith.constant 0 : i32
    return %arg0, %c0_i32 : i32, i32
  }
  func.func @transform_5(%arg0: i32) -> (i32, i32) {
    %c0_i32 = arith.constant 0 : i32
    %c0_i32_0 = arith.constant 0 : i32
    %c0_i32_1 = arith.constant 0 : i32
    return %c0_i32, %c0_i32_0 : i32, i32
  }
  func.func @transform_6(%arg0: i32) -> (i32, i32) {
    %c0_i32 = arith.constant 0 : i32
    %c0_i32_0 = arith.constant 0 : i32
    return %arg0, %c0_i32 : i32, i32
  }
  func.func @transform_7(%arg0: i32) -> (i32, i32) {
    %c0_i32 = arith.constant 0 : i32
    %c0_i32_0 = arith.constant 0 : i32
    %c0_i32_1 = arith.constant 0 : i32
    return %c0_i32, %c0_i32_0 : i32, i32
  }
  func.func @transform_8(%arg0: i32) -> (i32, i32) {
    %c0_i32 = arith.constant 0 : i32
    %c0_i32_0 = arith.constant 0 : i32
    %c0_i32_1 = arith.constant 0 : i32
    return %c0_i32, %c0_i32_0 : i32, i32
  }
  func.func @transform_9(%arg0: i32) -> (i32, i32) {
    %c0_i32 = arith.constant 0 : i32
    %c0_i32_0 = arith.constant 0 : i32
    %c0_i32_1 = arith.constant 0 : i32
    return %c0_i32, %c0_i32_0 : i32, i32
  }
}

</mosaic_0001>

<sc_bundles>
// kernel: kernel.10.cloned.1.call-start
scs
__scs_entry_jumppad:
0x0: {  	(pc) =	sbr.rel $0x88, $3  }
0x1: {  	(tag) =	ssettag $0x0;
	lr =	simm.s32 $0x1  }
0x2: {  	[smem:$0x3F96] =	sst lr;
	_ =	strace $0xD0000000  }
0x3: {  	_ = 	snop  }
0x4: {  	_ = 	snop  }
0x5: {  	_ = 	snop  }
0x6: {  	_ = 	snop  }
0x7: {  	_ = 	snop  }
__scs_overlays_trampoline_lowered:
0x8: {  	[smem:$0x3FA5] =	sst s0  }
0x9: {  	[smem:$0x3FA6] =	sst s1  }
0xa: {  	[smem:$0x3FA7] =	sst s2  }
0xb: {  	[smem:$0x3FA8] =	sst s3  }
0xc: {  	[smem:$0x3FA9] =	sst s4  }
0xd: {  	[smem:$0x3FAA] =	sst s5  }
0xe: {  	[smem:$0x3FAB] =	sst s6  }
0xf: {  	[smem:$0x3FAC] =	sst s7  }
0x10: {  	[smem:$0x3FAD] =	sst s8  }
0x11: {  	[smem:$0x3FAE] =	sst s9;
	s0 =	simm.s32 @!p0 $0x0  }
0x12: {  	s1 =	sld [smem:$0x3F94];
	s0 =	simm.s32 @p0 $0x1  }
0x13: {  	[smem:$0x3FAF] =	sst s0;
	s0 =	simm.s32 @!p1 $0x0  }
0x14: {  	s2 =	sld [smem:$0x3F93];
	s0 =	simm.s32 @p1 $0x1  }
0x15: {  	[smem:$0x3FB0] =	sst s0;
	s0 =	simm.s32 @!p2 $0x0  }
0x16: {  	s3 =	sld [smem:$0x3FDB];
	s0 =	simm.s32 @p2 $0x1  }
0x17: {  	s4 =	simm.s32 $0x1BF5;
	[smem:$0x3FB2] =	sst s0  }
0x18: {  	s0 =	sld [smem:$0x3F95];
	_ =	swait.ge [sflag:s4], $0x0  }
0x19: {  	s7 =	sld [smem:$0x3F96]  }
0x1a: {  	s8 =	sadd.s32 $0xFFFFE003, lr  }
0x1b: {  	s9 =	sadd.s32 $0xFFFFFEF7, lr;
	s5 =	simm.s32 $0xFFFFFFFF;
	p2 =	slt.u32 s8, $0xFFFFF086  }
0x1c: {  	p1 =	slt.u32 s9, $0xF7A;
	s5 =	simm.s32 @!p2 $0x0  }
0x1d: {  	s5 =	simm.s32 @p1 $0x1;
	p0 =	seq.s32 s7, s2  }
0x1e: {  	s7 =	smul.u32 @!p0 $0xF7A, s2;
	p2 =	seq.s32 @!p0 s5, $0x0  }
0x1f: {  	s9 =	smul.u32 $0xF7A, s1;
	s8 =	simm.s32 @!p0 $0x1BF5;
	p2 =	por !p2, p0  }
0x20: {  	[sflag:s8] =	ssyncset.s32 @!p0 $0xFFFFF086;
	s6 =	sadd.s32 @!p0 s3, s7;
	s7 =	simm.s32 @!p0 $0x108  }
0x21: {  	s3 =	sadd.s32 s3, s9;
	s6 =	sadd.s32 @!p0 $0x88, s6;
	s7 =	simm.s32 @p2 $0x1082  }
0x22: {  	[simem:s7], [sflag:s8] =	dma.local @!p0 [hbm:s6], $0xF7A  }
0x23: {  	s9 =	sor.u32 $0xD0000000, s2;
	s6 =	simm.s32 $0x108;
	_ =	swait.ge @!p0 [sflag:s8], $0x0  }
0x24: {  	s3 =	sadd.s32 $0x88, s3;
	s6 =	simm.s32 @!p1 $0x1082;
	[sflag:s4] =	ssyncset.s32 $0xFFFFF086  }
0x25: {  	[simem:s6], [sflag:s4] =	dma.local [hbm:s3], $0xF7A  }
0x26: {  	[smem:$0x3F96] =	sst s1;
	(tag) =	ssettag s2;
	_ =	strace s9  }
0x27: {  	s1 =	sld [smem:$0x3FA6]  }
0x28: {  	s2 =	sld [smem:$0x3FA7]  }
0x29: {  	s4 =	sld [smem:$0x3FA9]  }
0x2a: {  	p0 =	seq.s32 s5, $0x0;
	s5 =	sld [smem:$0x3FAA]  }
0x2b: {  	s6 =	sld [smem:$0x3FAB]  }
0x2c: {  	s7 =	sld [smem:$0x3FAC]  }
0x2d: {  	s3 =	simm.s32 $0x108;
	s8 =	sld [smem:$0x3FAD]  }
0x2e: {  	s3 =	simm.s32 @!p0 $0x1082;
	s9 =	sld [smem:$0x3FAE]  }
0x2f: {  	lr =	sadd.s32 s0, s3;
	s0 =	sld [smem:$0x3FA5]  }
0x30: {  	s3 =	sld [smem:$0x3FA8]  }
0x31: {  	[smem:$0x3FB1] =	sst s10  }
0x32: {  	s10 =	sld [smem:$0x3FAF];
	_ =	sdelay $0x3  }
0x33: {  	p0 =	seq.s32 s10, $0x1;
	s10 =	sld [smem:$0x3FB1];
	_ =	sdelay $0x3  }
0x34: {  	[smem:$0x3FB1] =	sst s10  }
0x35: {  	s10 =	sld [smem:$0x3FB0];
	_ =	sdelay $0x3  }
0x36: {  	p1 =	seq.s32 s10, $0x1;
	s10 =	sld [smem:$0x3FB1];
	_ =	sdelay $0x3  }
0x37: {  	[smem:$0x3FB1] =	sst s10  }
0x38: {  	s10 =	sld [smem:$0x3FB2]  }
0x39: {  	_ = 	snop;
	(pc) =	sbr.ind lr, $3  }
0x3a: {  	_ = 	snop  }
0x3b: {  	_ = 	snop  }
0x3c: {  	p2 =	seq.s32 s10, $0x1;
	s10 =	sld [smem:$0x3FB1]  }
0x3d: {  	_ =	shalt  }
0x3e: {  	_ =	shalt  }
0x3f: {  	_ =	shalt  }
0x40: {  	_ =	shalt  }
0x41: {  	_ =	shalt  }
0x42: {  	_ =	shalt  }
0x43: {  	_ =	shalt  }
0x44: {  	_ =	shalt  }
0x45: {  	_ =	shalt  }
0x46: {  	_ =	shalt  }
0x47: {  	_ =	shalt  }
0x48: {  	_ =	shalt  }
0x49: {  	_ =	shalt  }
0x4a: {  	_ =	shalt  }
0x4b: {  	_ =	shalt  }
0x4c: {  	_ =	shalt  }
0x4d: {  	_ =	shalt  }
0x4e: {  	_ =	shalt  }
0x4f: {  	_ =	shalt  }
0x50: {  	_ =	shalt  }
0x51: {  	_ =	shalt  }
0x52: {  	_ =	shalt  }
0x53: {  	_ =	shalt  }
0x54: {  	_ =	shalt  }
0x55: {  	_ =	shalt  }
0x56: {  	_ =	shalt  }
0x57: {  	_ =	shalt  }
0x58: {  	_ =	shalt  }
0x59: {  	_ =	shalt  }
0x5a: {  	_ =	shalt  }
0x5b: {  	_ =	shalt  }
0x5c: {  	_ =	shalt  }
0x5d: {  	_ =	shalt  }
0x5e: {  	_ =	shalt  }
0x5f: {  	_ =	shalt  }
0x60: {  	_ =	shalt  }
0x61: {  	_ =	shalt  }
0x62: {  	_ =	shalt  }
0x63: {  	_ =	shalt  }
0x64: {  	_ =	shalt  }
0x65: {  	_ =	shalt  }
0x66: {  	_ =	shalt  }
0x67: {  	_ =	shalt  }
0x68: {  	_ =	shalt  }
0x69: {  	_ =	shalt  }
0x6a: {  	_ =	shalt  }
0x6b: {  	_ =	shalt  }
0x6c: {  	_ =	shalt  }
0x6d: {  	_ =	shalt  }
0x6e: {  	_ =	shalt  }
0x6f: {  	_ =	shalt  }
0x70: {  	_ =	shalt  }
0x71: {  	_ =	shalt  }
0x72: {  	_ =	shalt  }
0x73: {  	_ =	shalt  }
0x74: {  	_ =	shalt  }
0x75: {  	_ =	shalt  }
0x76: {  	_ =	shalt  }
0x77: {  	_ =	shalt  }
0x78: {  	_ =	shalt  }
0x79: {  	_ =	shalt  }
0x7a: {  	_ =	shalt  }
0x7b: {  	_ =	shalt  }
0x7c: {  	_ =	shalt  }
0x7d: {  	_ =	shalt  }
0x7e: {  	_ =	shalt  }
0x7f: {  	_ =	shalt  }
0x80: {  	_ =	shalt  }
0x81: {  	_ =	shalt  }
0x82: {  	_ =	shalt  }
0x83: {  	_ =	shalt  }
0x84: {  	_ =	shalt  }
0x85: {  	_ =	shalt  }
0x86: {  	_ =	shalt  }
0x87: {  	_ =	shalt  }
.Lfunc_end0:
.L_simem_size_0:
called_computation_lowered:
.L_overlay_start_0:
0x88: {  	s2 =	sld [smem:$0x3FD9]  }
0x89: {  	s3 =	sld [smem:$0x3FFE];
	_ =	sdelay $0x1  }
0x8a: {  	s1 =	srdreg.scid  }
0x8b: {  	s0 =	sand.u32 $0x1, s1  }
0x8c: {  	s16 =	sshll.u32 s0, $0xA;
	s2 =	sadd.s32 s3, s2  }
0x8d: {  	s2 =	sadd.s32 s2, s16  }
0x8e: {  	[smem:$0x3FBD] =	sst s2  }
0x8f: {  	_ = 	snop  }
0x90: {  	(tm) =	ssettm $0x1  }
0x91: {  	s17 =	sld [smem:$0x3FFB];
	_ =	sdelay $0x3  }
0x92: {  	_ =	strace s17  }
0x93: {  	s2 =	sld [smem:$0x3FFC];
	_ =	sdelay $0x3  }
0x94: {  	_ =	strace s2  }
0x95: {  	s2 =	sld [smem:$0x3FFD];
	_ =	sdelay $0x3  }
0x96: {  	_ =	strace s2  }
0x97: {  	_ =	strace $0x8FFFFFFF  }
0x98: {  	s18 =	sld [smem:$0x3FDB];
	_ =	sdelay $0x1  }
0x99: {  	s19 =	simm.s32 $_scs_section_size  }
0x9a: {  	s4 =	simm.s32 $_size__tile_overlayer_lowered;
	s5 =	simm.s32 $_tile_overlayer_lowered  }
0x9b: {  	s22 =	simm.s32 $0x1BFF;
	s21 =	sshll.u32 s5, $0x1;
	s2 =	sadd.s32 s19, s18  }
0x9c: {  	s6 =	simm.s32 $0x0;
	s20 =	sshll.u32 s4, $0x1;
	s4 =	sadd.s32 s21, s2  }
0x9d: {  	[timem:s6], [sflag:s22] =	dma.local [hbm:s4], s20  }
0x9e: {  	_ =	swait.ge [sflag:s22], s20  }
0x9f: {  	s3 =	ssub.s32 $0x0, s20;
	[sflag:s22] =	ssyncset.done $0x0  }
0xa0: {  	[sflag:s22] =	ssyncadd.s32 s3;
	_ =	sdelay $0x1  }
0xa1: {  	s23 =	simm.s32 $0x1B8B  }
0xa2: {  	_ =	swait.ge [sflag:s23], $0x1  }
0xa3: {  	[sflag:s23] =	ssyncset.done $0x0  }
0xa4: {  	s25 =	simm.s32 $0x1B8E;
	s24 =	sld [smem:$0x3FFE];
	[sflag:s23] =	ssyncadd.s32 $0xFFFFFFFF  }
0xa5: {  	s26 =	simm.s32 $execute0_lowered;
	[smem:$0x3FD2] =	sst s25  }
0xa6: {  	s4 =	sshll.u32 s26, $0x1;
	_ =	strace $0x80000046;
	[dreg:$0x1] =	wrdreg $0xFFFFFFFF  }
0xa7: {  	s28 =	simm.s32 $_size_execute0_lowered;
	s2 =	sadd.s32 s2, s4;
	[dreg:$0x0] =	wrdreg $0x0  }
0xa8: {  	s4 =	sshll.u32 s28, $0x1;
	[dreg:$0x2] =	wrdreg s2  }
0xa9: {  	[dreg:$0x3] =	wrdreg s4  }
0xaa: {  	[dreg:$0x4] =	wrdreg $0xC0  }
0xab: {  	_ =	task [dreg:s6], $0x5FFFF  }
0xac: {  	[dreg:$0x1] =	wrdreg $0xFFFFFFFF  }
0xad: {  	[dreg:$0x0] =	wrdreg $0x60  }
0xae: {  	[dreg:$0x2] =	wrdreg s24  }
0xaf: {  	[dreg:$0x3] =	wrdreg $0x27600  }
0xb0: {  	[dreg:$0x4] =	wrdreg $0x9  }
0xb1: {  	_ =	task.clear_ibuf [dreg:s6], $0x5FFFF;
	_ =	strace $0x90000046  }
0xb2: {  	s29 =	simm.s32 $0x9;
	_ =	strace $0x80000048  }
0xb3: {  	_ =	swait.ge [sflag:s29], $0x1  }
0xb4: {  	[sflag:s29] =	ssyncadd.s32 $0xFFFFFFFF  }
0xb5: {  	_ =	strace $0x90000048  }
0xb6: {  	_ =	sfence  }
0xb7: {  	s30 =	sld [smem:$0x0];
	_ =	sdelay $0x2  }
0xb8: {  	s31 =	sshll.u32 s1, $0xD;
	s1 =	sshrl.u32 s1, $0x2  }
0xb9: {  	s3 =	sand.u32 $0x4000, s31;
	s1 =	sadd.s32 s1, s30  }
0xba: {  	s0 =	sor.u32 s3, s0;
	s1 =	sshll.u32 s1, $0x11  }
0xbb: {  	s0 =	sor.u32 s1, s0  }
0xbc: {  	s0 =	sadd.s32 $0x8F2B, s0  }
0xbd: {  	[sflag:s0] =	ssyncadd.remote.s32 $0x1  }
0xbe: {  	_ =	sfence.sel $0xFFFF  }
0xbf: {  	[dreg:$0x0] =	wrdreg $0xFFFFFFFF;
	(pc) =	sbr.abs _section_cstart, $3  }
0xc0: {  	[dreg:$0x1] =	wrdreg $0xFFFFFFFF  }
0xc1: {  	_ =	task.clear_ibuf [dreg:s6], $0x2FFFF;
	_ =	strace $0x9FFFFFFF  }
0xc2: {  	(tm) =	ssettm $0x7FFFFFFF  }
0xc3: {  	_ =	shalt  }
tec
execute0_lowered:
.L_overlay_start_1:
0x0: {  	(tag) =	ssettag $0x1  }
0x1: {  	s1 =	srdreg.scid;
	s5 =	rddreg [dreg:$0x0]  }
0x2: {  	s0 =	stileid.u32;
	s2 =	rddreg [dreg:$0x1];
	s3 =	simm.s32 $0x0  }
0x3: {  	s12 =	simm.s32 $0x2710;
	s13 =	simm.s32 $0x2;
	s15 =	simm.s32 $0x3  }
0x4: {  	s16 =	simm.s32 $0x0;
	s4 =	sand.u32 $0x1, s1;
	s31 =	sshll.u32 s0, $0x1  }
0x5: {  	s7 =	smul.u32 $0x280, s0;
	[smem:$0x7FF] =	sst s3;
	s14 =	sshll.u32 s0, $0x6  }
0x6: {  	s1 =	sor.u32 s4, s31;
	s8 =	smul.u32 $0x2800, s4;
	s4 =	ssub.s32 $0x2, s4  }
0x7: {  	s6 =	smul.u32 $0x4E2, s1;
	s1 =	rddreg [dreg:$0x2];
	_ =	strace $0x80000047  }
0x8: {  	s9 =	sshrl.u32 s7, $0x3;
	s10 =	sshrl.u32 s4, $0x1;
	s11 =	sadd.s32 s7, s2  }
0x9: {  	s8 =	sadd.s32 s7, s8;
	s9 =	sadd.s32 s9, s5;
	s10 =	ssub.s32 s4, s10  }
0xa: {  	s6 =	sadd.s32 s6, s5;
	s8 =	sshrl.u32 s8, $0x3;
	s4 =	sadd.s32 $0x15800, s9  }
0xb: {  	s9 =	sshrl.u32 s11, $0x3;
	s11 =	simm.s32 $0x50;
	s8 =	sadd.s32 s8, s5  }
0xc: {  	s5 =	sor.u32 $0x1C01, s14;
	s6 =	sadd.s32 $0xBA00, s6;
	s14 =	sor.u32 $0x1C03, s14  }
0xd: {  	v0 =	vimm.f32 $1.000000000e+00;
	s7 =	sadd.s32 $0x15E00, s8;
	s8 =	smax.u32 s10, $0x1;
	s10 =	simm.s32 $0x1  }
.LBB2_1:
0xe: {  	[tilespmem:$0x2710] =	vst v0  }
0xf: {  	[tilespmem:$0x2720] =	vst v0  }
0x10: {  	[tilespmem:$0x2730] =	vst v0  }
0x11: {  	[tilespmem:$0x2740] =	vst v0  }
0x12: {  	[tilespmem:$0x2750] =	vst v0  }
0x13: {  	[spmem:s9], [sflag:s5] =	dma.local [hbm:s4], $0x50  }
0x14: {  	[tilespmem:s3], [sflag:$0x1] =	stream.linear.gather [hbm4b:s6+s3], $0x2710, $0x38;
	[tilespmem:$0x29E0] =	vst v63  }
0x15: {  	_ =	swait.ge [sflag:s10], $0x50  }
0x16: {  	[sflag:s10] =	ssyncset.done $0x0  }
0x17: {  	[sflag:s10] =	ssyncadd.s32 $0xFFFFFFB0  }
0x18: {  	_ =	swait.ge [sflag:s10], $0x2710  }
0x19: {  	[sflag:s10] =	ssyncset.done $0x0  }
0x1a: {  	[sflag:s10] =	ssyncadd.s32 $0xFFFFD8F0  }
0x1b: {  	s17 =	simm.s32 $0x0;
	[bflag:$0x0] =	sbarrier.arrive $0xFFFF  }
.LBB2_2:
0x1c: {  	p0 =	sne.s32 s17, $0x9B00  }
.Ltmp0:
0x1d: {  	_ = 	snop;
	(pc) =	sbr.rel @p0 .LBB2_2-.Ltmp0, $3  }
0x1e: {  	_ =	sdelay $0x1  }
0x1f: {  	s18 =	sshra.s32 s17, $0x2;
	s17 =	sadd.s32 $0x140, s17  }
0x20: {  	[spmem:s2] =	stream.indirect.scatter.add.f32 [tilespmem:s12], [sflag:$0x2], $0x1, s18, s11, $0xb8;
	[tilespmem:$0x29E0] =	vst v63  }
0x21: {  	_ =	swait.ge [sflag:s13], $0x50  }
0x22: {  	s17 =	simm.s32 $0x7C;
	[sflag:s13] =	ssyncset.done $0x0  }
.LBB2_4:
0x23: {  	p0 =	sne.s32 s17, $0x1;
	s17 =	sadd.s32 $0xFFFFFFFF, s17;
	[sflag:s13] =	ssyncadd.s32 $0xFFFFFFB0  }
.Ltmp1:
0x24: {  	(pc) =	sbr.rel @p0 .LBB2_4-.Ltmp1, $3  }
0x25: {  	_ =	sdelay $0x1  }
0x26: {  	_ =	swait.ge [sflag:s13], $0x50  }
0x27: {  	[sflag:s13] =	ssyncset.done $0x0  }
0x28: {  	s16 =	sadd.s32 $0x1, s16  }
0x29: {  	[sflag:s13] =	ssyncadd.s32 $0xFFFFFFB0;
	p0 =	sne.s32 s16, s8  }
.Ltmp2:
0x2a: {  	[bflag:$0x0] =	sbarrier.arrive $0xFFFF;
	(pc) =	sbr.rel @p0 .LBB2_1-.Ltmp2, $4  }
0x2b: {  	[hbm:s7], [sflag:s14] =	dma.local [spmem:s9], $0x50  }
0x2c: {  	_ =	swait.ge [sflag:s15], $0x50  }
0x2d: {  	[sflag:s15] =	ssyncset.done $0x0  }
0x2e: {  	[sflag:s15] =	ssyncadd.s32 $0xFFFFFFB0  }
0x2f: {  	_ =	sfence.sel $0x180000  }
0x30: {  	[bflag:$0x0] =	sbarrier.arrive $0xFFFF  }
0x31: {  	p0 =	sne.s32 s0, $0x0;
	_ =	strace $0x90000047  }
0x32: {  	s0 =	sadd.s32 @!p0 $0x100000, s1;
	[bflag:$0x2] =	sbarrier.arrive $0xFFFF  }
0x33: {  	[sflag:s0] =	ssyncadd.tile.s32 @!p0 $0x1;
	_ =	shalt  }
.Lfunc_end2:
_tile_overlayer_lowered:
.L_overlay_start_2:
0x34: {  	(tag) =	ssettag $0x2  }
0x35: {  	s0 =	rddreg [dreg:$0x0];
	s2 =	stileid.u32  }
0x36: {  	s1 =	rddreg [dreg:$0x1];
	p0 =	sne.s32 s2, $0x0  }
0x37: {  	s3 =	rddreg [dreg:$0x2];
	[bflag:$0x3] =	sbarrier.arrive $0xFFFF;
	s2 =	simm.s32 @!p0 $0x1C03  }
0x38: {  	[timem:s3], [sflag:s2] =	dma.local @!p0 [hbm:s0], s1  }
0x39: {  	s0 =	simm.s32 @!p0 $0x3  }
0x3a: {  	_ =	swait.ge @!p0 [sflag:s0], s1  }
0x3b: {  	s1 =	ssub.s32 @!p0 $0x0, s1;
	[sflag:s0] =	ssyncset.done @!p0 $0x0  }
0x3c: {  	[sflag:s0] =	ssyncadd.s32 @!p0 s1  }
0x3d: {  	[bflag:$0x3] =	sbarrier.arrive $0xFFFF  }
0x3e: {  	_ =	shalt  }

// kernel: kernel.13.cloned.1.call-start
scs
__scs_entry_jumppad:
0x0: {  	(pc) =	sbr.rel $0x88, $3  }
0x1: {  	(tag) =	ssettag $0x0;
	lr =	simm.s32 $0x1  }
0x2: {  	[smem:$0x3F96] =	sst lr;
	_ =	strace $0xD0000000  }
0x3: {  	_ = 	snop  }
0x4: {  	_ = 	snop  }
0x5: {  	_ = 	snop  }
0x6: {  	_ = 	snop  }
0x7: {  	_ = 	snop  }
__scs_overlays_trampoline_lowered:
0x8: {  	[smem:$0x3FA5] =	sst s0  }
0x9: {  	[smem:$0x3FA6] =	sst s1  }
0xa: {  	[smem:$0x3FA7] =	sst s2  }
0xb: {  	[smem:$0x3FA8] =	sst s3  }
0xc: {  	[smem:$0x3FA9] =	sst s4  }
0xd: {  	[smem:$0x3FAA] =	sst s5  }
0xe: {  	[smem:$0x3FAB] =	sst s6  }
0xf: {  	[smem:$0x3FAC] =	sst s7  }
0x10: {  	[smem:$0x3FAD] =	sst s8  }
0x11: {  	[smem:$0x3FAE] =	sst s9;
	s0 =	simm.s32 @!p0 $0x0  }
0x12: {  	s1 =	sld [smem:$0x3F94];
	s0 =	simm.s32 @p0 $0x1  }
0x13: {  	[smem:$0x3FAF] =	sst s0;
	s0 =	simm.s32 @!p1 $0x0  }
0x14: {  	s2 =	sld [smem:$0x3F93];
	s0 =	simm.s32 @p1 $0x1  }
0x15: {  	[smem:$0x3FB0] =	sst s0;
	s0 =	simm.s32 @!p2 $0x0  }
0x16: {  	s3 =	sld [smem:$0x3FDB];
	s0 =	simm.s32 @p2 $0x1  }
0x17: {  	s4 =	simm.s32 $0x1BF5;
	[smem:$0x3FB2] =	sst s0  }
0x18: {  	s0 =	sld [smem:$0x3F95];
	_ =	swait.ge [sflag:s4], $0x0  }
0x19: {  	s7 =	sld [smem:$0x3F96]  }
0x1a: {  	s8 =	sadd.s32 $0xFFFFE003, lr  }
0x1b: {  	s9 =	sadd.s32 $0xFFFFFEF7, lr;
	s5 =	simm.s32 $0xFFFFFFFF;
	p2 =	slt.u32 s8, $0xFFFFF086  }
0x1c: {  	p1 =	slt.u32 s9, $0xF7A;
	s5 =	simm.s32 @!p2 $0x0  }
0x1d: {  	s5 =	simm.s32 @p1 $0x1;
	p0 =	seq.s32 s7, s2  }
0x1e: {  	s7 =	smul.u32 @!p0 $0xF7A, s2;
	p2 =	seq.s32 @!p0 s5, $0x0  }
0x1f: {  	s9 =	smul.u32 $0xF7A, s1;
	s8 =	simm.s32 @!p0 $0x1BF5;
	p2 =	por !p2, p0  }
0x20: {  	[sflag:s8] =	ssyncset.s32 @!p0 $0xFFFFF086;
	s6 =	sadd.s32 @!p0 s3, s7;
	s7 =	simm.s32 @!p0 $0x108  }
0x21: {  	s3 =	sadd.s32 s3, s9;
	s6 =	sadd.s32 @!p0 $0x88, s6;
	s7 =	simm.s32 @p2 $0x1082  }
0x22: {  	[simem:s7], [sflag:s8] =	dma.local @!p0 [hbm:s6], $0xF7A  }
0x23: {  	s9 =	sor.u32 $0xD0000000, s2;
	s6 =	simm.s32 $0x108;
	_ =	swait.ge @!p0 [sflag:s8], $0x0  }
0x24: {  	s3 =	sadd.s32 $0x88, s3;
	s6 =	simm.s32 @!p1 $0x1082;
	[sflag:s4] =	ssyncset.s32 $0xFFFFF086  }
0x25: {  	[simem:s6], [sflag:s4] =	dma.local [hbm:s3], $0xF7A  }
0x26: {  	[smem:$0x3F96] =	sst s1;
	(tag) =	ssettag s2;
	_ =	strace s9  }
0x27: {  	s1 =	sld [smem:$0x3FA6]  }
0x28: {  	s2 =	sld [smem:$0x3FA7]  }
0x29: {  	s4 =	sld [smem:$0x3FA9]  }
0x2a: {  	p0 =	seq.s32 s5, $0x0;
	s5 =	sld [smem:$0x3FAA]  }
0x2b: {  	s6 =	sld [smem:$0x3FAB]  }
0x2c: {  	s7 =	sld [smem:$0x3FAC]  }
0x2d: {  	s3 =	simm.s32 $0x108;
	s8 =	sld [smem:$0x3FAD]  }
0x2e: {  	s3 =	simm.s32 @!p0 $0x1082;
	s9 =	sld [smem:$0x3FAE]  }
0x2f: {  	lr =	sadd.s32 s0, s3;
	s0 =	sld [smem:$0x3FA5]  }
0x30: {  	s3 =	sld [smem:$0x3FA8]  }
0x31: {  	[smem:$0x3FB1] =	sst s10  }
0x32: {  	s10 =	sld [smem:$0x3FAF];
	_ =	sdelay $0x3  }
0x33: {  	p0 =	seq.s32 s10, $0x1;
	s10 =	sld [smem:$0x3FB1];
	_ =	sdelay $0x3  }
0x34: {  	[smem:$0x3FB1] =	sst s10  }
0x35: {  	s10 =	sld [smem:$0x3FB0];
	_ =	sdelay $0x3  }
0x36: {  	p1 =	seq.s32 s10, $0x1;
	s10 =	sld [smem:$0x3FB1];
	_ =	sdelay $0x3  }
0x37: {  	[smem:$0x3FB1] =	sst s10  }
0x38: {  	s10 =	sld [smem:$0x3FB2]  }
0x39: {  	_ = 	snop;
	(pc) =	sbr.ind lr, $3  }
0x3a: {  	_ = 	snop  }
0x3b: {  	_ = 	snop  }
0x3c: {  	p2 =	seq.s32 s10, $0x1;
	s10 =	sld [smem:$0x3FB1]  }
0x3d: {  	_ =	shalt  }
0x3e: {  	_ =	shalt  }
0x3f: {  	_ =	shalt  }
0x40: {  	_ =	shalt  }
0x41: {  	_ =	shalt  }
0x42: {  	_ =	shalt  }
0x43: {  	_ =	shalt  }
0x44: {  	_ =	shalt  }
0x45: {  	_ =	shalt  }
0x46: {  	_ =	shalt  }
0x47: {  	_ =	shalt  }
0x48: {  	_ =	shalt  }
0x49: {  	_ =	shalt  }
0x4a: {  	_ =	shalt  }
0x4b: {  	_ =	shalt  }
0x4c: {  	_ =	shalt  }
0x4d: {  	_ =	shalt  }
0x4e: {  	_ =	shalt  }
0x4f: {  	_ =	shalt  }
0x50: {  	_ =	shalt  }
0x51: {  	_ =	shalt  }
0x52: {  	_ =	shalt  }
0x53: {  	_ =	shalt  }
0x54: {  	_ =	shalt  }
0x55: {  	_ =	shalt  }
0x56: {  	_ =	shalt  }
0x57: {  	_ =	shalt  }
0x58: {  	_ =	shalt  }
0x59: {  	_ =	shalt  }
0x5a: {  	_ =	shalt  }
0x5b: {  	_ =	shalt  }
0x5c: {  	_ =	shalt  }
0x5d: {  	_ =	shalt  }
0x5e: {  	_ =	shalt  }
0x5f: {  	_ =	shalt  }
0x60: {  	_ =	shalt  }
0x61: {  	_ =	shalt  }
0x62: {  	_ =	shalt  }
0x63: {  	_ =	shalt  }
0x64: {  	_ =	shalt  }
0x65: {  	_ =	shalt  }
0x66: {  	_ =	shalt  }
0x67: {  	_ =	shalt  }
0x68: {  	_ =	shalt  }
0x69: {  	_ =	shalt  }
0x6a: {  	_ =	shalt  }
0x6b: {  	_ =	shalt  }
0x6c: {  	_ =	shalt  }
0x6d: {  	_ =	shalt  }
0x6e: {  	_ =	shalt  }
0x6f: {  	_ =	shalt  }
0x70: {  	_ =	shalt  }
0x71: {  	_ =	shalt  }
0x72: {  	_ =	shalt  }
0x73: {  	_ =	shalt  }
0x74: {  	_ =	shalt  }
0x75: {  	_ =	shalt  }
0x76: {  	_ =	shalt  }
0x77: {  	_ =	shalt  }
0x78: {  	_ =	shalt  }
0x79: {  	_ =	shalt  }
0x7a: {  	_ =	shalt  }
0x7b: {  	_ =	shalt  }
0x7c: {  	_ =	shalt  }
0x7d: {  	_ =	shalt  }
0x7e: {  	_ =	shalt  }
0x7f: {  	_ =	shalt  }
0x80: {  	_ =	shalt  }
0x81: {  	_ =	shalt  }
0x82: {  	_ =	shalt  }
0x83: {  	_ =	shalt  }
0x84: {  	_ =	shalt  }
0x85: {  	_ =	shalt  }
0x86: {  	_ =	shalt  }
0x87: {  	_ =	shalt  }
.Lfunc_end0:
.L_simem_size_0:
called_computation.1_lowered:
.L_overlay_start_0:
0x88: {  	s2 =	sld [smem:$0x3FD9]  }
0x89: {  	s3 =	sld [smem:$0x3FFE];
	_ =	sdelay $0x1  }
0x8a: {  	s1 =	srdreg.scid  }
0x8b: {  	s0 =	sand.u32 $0x1, s1  }
0x8c: {  	s16 =	sshll.u32 s0, $0xA;
	s2 =	sadd.s32 s3, s2  }
0x8d: {  	s2 =	sadd.s32 s2, s16  }
0x8e: {  	[smem:$0x3FBD] =	sst s2  }
0x8f: {  	_ = 	snop  }
0x90: {  	(tm) =	ssettm $0x1  }
0x91: {  	s17 =	sld [smem:$0x3FFB];
	_ =	sdelay $0x3  }
0x92: {  	_ =	strace s17  }
0x93: {  	s2 =	sld [smem:$0x3FFC];
	_ =	sdelay $0x3  }
0x94: {  	_ =	strace s2  }
0x95: {  	s2 =	sld [smem:$0x3FFD];
	_ =	sdelay $0x3  }
0x96: {  	_ =	strace s2  }
0x97: {  	_ =	strace $0x8FFFFFFF  }
0x98: {  	s18 =	sld [smem:$0x3FDB];
	_ =	sdelay $0x1  }
0x99: {  	s19 =	simm.s32 $_scs_section_size  }
0x9a: {  	s4 =	simm.s32 $_size__tile_overlayer_lowered;
	s5 =	simm.s32 $_tile_overlayer_lowered  }
0x9b: {  	s22 =	simm.s32 $0x1BFF;
	s21 =	sshll.u32 s5, $0x1;
	s2 =	sadd.s32 s19, s18  }
0x9c: {  	s6 =	simm.s32 $0x0;
	s20 =	sshll.u32 s4, $0x1;
	s4 =	sadd.s32 s21, s2  }
0x9d: {  	[timem:s6], [sflag:s22] =	dma.local [hbm:s4], s20  }
0x9e: {  	_ =	swait.ge [sflag:s22], s20  }
0x9f: {  	s3 =	ssub.s32 $0x0, s20;
	[sflag:s22] =	ssyncset.done $0x0  }
0xa0: {  	[sflag:s22] =	ssyncadd.s32 s3;
	_ =	sdelay $0x1  }
0xa1: {  	s23 =	simm.s32 $0x1B8B  }
0xa2: {  	_ =	swait.ge [sflag:s23], $0x1  }
0xa3: {  	[sflag:s23] =	ssyncset.done $0x0  }
0xa4: {  	s25 =	simm.s32 $0x1B8E;
	s24 =	sld [smem:$0x3FFE];
	[sflag:s23] =	ssyncadd.s32 $0xFFFFFFFF  }
0xa5: {  	s26 =	simm.s32 $execute0_lowered;
	[smem:$0x3FD2] =	sst s25  }
0xa6: {  	s4 =	sshll.u32 s26, $0x1;
	_ =	strace $0x80000049;
	[dreg:$0x1] =	wrdreg $0xFFFFFFFF  }
0xa7: {  	s28 =	simm.s32 $_size_execute0_lowered;
	s2 =	sadd.s32 s2, s4;
	[dreg:$0x0] =	wrdreg $0x0  }
0xa8: {  	s4 =	sshll.u32 s28, $0x1;
	[dreg:$0x2] =	wrdreg s2  }
0xa9: {  	[dreg:$0x3] =	wrdreg s4  }
0xaa: {  	[dreg:$0x4] =	wrdreg $0xC0  }
0xab: {  	_ =	task [dreg:s6], $0x5FFFF  }
0xac: {  	[dreg:$0x1] =	wrdreg $0xFFFFFFFF  }
0xad: {  	[dreg:$0x0] =	wrdreg $0x60  }
0xae: {  	[dreg:$0x2] =	wrdreg s24  }
0xaf: {  	[dreg:$0x3] =	wrdreg $0x12A200  }
0xb0: {  	[dreg:$0x4] =	wrdreg $0x9  }
0xb1: {  	_ =	task.clear_ibuf [dreg:s6], $0x5FFFF;
	_ =	strace $0x90000049  }
0xb2: {  	s29 =	simm.s32 $0x9;
	_ =	strace $0x8000004B  }
0xb3: {  	_ =	swait.ge [sflag:s29], $0x1  }
0xb4: {  	[sflag:s29] =	ssyncadd.s32 $0xFFFFFFFF  }
0xb5: {  	_ =	strace $0x9000004B  }
0xb6: {  	_ =	sfence  }
0xb7: {  	s30 =	sld [smem:$0x0];
	_ =	sdelay $0x2  }
0xb8: {  	s31 =	sshll.u32 s1, $0xD;
	s1 =	sshrl.u32 s1, $0x2  }
0xb9: {  	s3 =	sand.u32 $0x4000, s31;
	s1 =	sadd.s32 s1, s30  }
0xba: {  	s0 =	sor.u32 s3, s0;
	s1 =	sshll.u32 s1, $0x11  }
0xbb: {  	s0 =	sor.u32 s1, s0  }
0xbc: {  	s0 =	sadd.s32 $0x8F2B, s0  }
0xbd: {  	[sflag:s0] =	ssyncadd.remote.s32 $0x1  }
0xbe: {  	_ =	sfence.sel $0xFFFF  }
0xbf: {  	[dreg:$0x0] =	wrdreg $0xFFFFFFFF;
	(pc) =	sbr.abs _section_cstart, $3  }
0xc0: {  	[dreg:$0x1] =	wrdreg $0xFFFFFFFF  }
0xc1: {  	_ =	task.clear_ibuf [dreg:s6], $0x2FFFF;
	_ =	strace $0x9FFFFFFF  }
0xc2: {  	(tm) =	ssettm $0x7FFFFFFF  }
0xc3: {  	_ =	shalt  }
tec
execute0_lowered:
.L_overlay_start_1:
0x0: {  	(tag) =	ssettag $0x1  }
0x1: {  	s0 =	srdreg.scid;
	s5 =	rddreg [dreg:$0x0]  }
0x2: {  	s7 =	stileid.u32;
	s2 =	rddreg [dreg:$0x1];
	s3 =	simm.s32 $0x0  }
0x3: {  	s18 =	simm.s32 $0x4E20;
	s20 =	simm.s32 $0x1;
	s21 =	simm.s32 $0x2  }
0x4: {  	s29 =	simm.s32 $0x9E20;
	s31 =	simm.s32 $0xB220;
	s30 =	simm.s32 $0x3  }
0x5: {  	s0 =	sand.u32 $0x1, s0;
	s1 =	sshll.u32 s7, $0x1;
	s8 =	smul.u32 $0xA000, s7  }
0x6: {  	[smem:$0x7FF] =	sst s3;
	s4 =	sadd.s32 $0x15800, s5;
	s7 =	smul.u32 $0x28000, s7  }
0x7: {  	s9 =	sadd.s32 $0x29200, s5;
	s1 =	sor.u32 s0, s1;
	s6 =	smul.u32 $0xA0000, s0  }
0x8: {  	_ =	strace $0x8000004A;
	s0 =	ssub.s32 $0x2, s0;
	[dreg:$0x3] =	wrdreg s9  }
0x9: {  	s1 =	smul.u32 $0x4E2, s1;
	s22 =	sshrl.u32 s0, $0x1;
	s23 =	sshrl.u32 s7, $0x2  }
0xa: {  	s6 =	sadd.s32 s8, s6;
	s0 =	ssub.s32 s0, s22;
	s25 =	sadd.s32 s23, s2  }
0xb: {  	s8 =	sadd.s32 s8, s2;
	s22 =	simm.s32 $0x50;
	s23 =	simm.s32 $0x6220  }
0xc: {  	s1 =	sadd.s32 s1, s5;
	s6 =	sshrl.u32 s6, $0x3;
	s26 =	sadd.s32 $0x1400, s25  }
0xd: {  	s28 =	sadd.s32 $0x2800, s25;
	s11 =	sadd.s32 $0x3C00, s25;
	s12 =	sadd.s32 $0x5000, s25  }
0xe: {  	s13 =	sadd.s32 $0x6400, s25;
	s14 =	sadd.s32 $0x7800, s25;
	[dreg:$0x6] =	wrdreg s26  }
0xf: {  	s15 =	sadd.s32 $0x8C00, s25;
	s24 =	sadd.s32 $0x1C00, s1;
	[dreg:$0x7] =	wrdreg s28  }
0x10: {  	s17 =	smax.u32 s0, $0x1;
	s1 =	sadd.s32 $0xBA00, s1;
	[dreg:$0x4] =	wrdreg s24  }
0x11: {  	s5 =	sadd.s32 s6, s5;
	s26 =	simm.s32 $0x8A20;
	[dreg:$0x5] =	wrdreg s1  }
0x12: {  	s16 =	sadd.s32 $0x29600, s5;
	s24 =	simm.s32 $0x7620;
	s1 =	simm.s32 $0x0  }
.LBB2_1:
0x13: {  	s0 =	rddreg [dreg:$0x3]  }
0x14: {  	[tilespmem:s18], [sflag:$0x1] =	stream.linear.gather [hbm4b:s0+s3], $0x1400, $0x38;
	[tilespmem:$0x1CA20] =	vst v63  }
0x15: {  	s19 =	rddreg [dreg:$0x4]  }
0x16: {  	[tilespmem:s3], [sflag:$0x1] =	stream.linear.gather [hbm4b:s19+s3], $0x2710, $0x38;
	[tilespmem:$0x1CA20] =	vst v63  }
0x17: {  	s25 =	rddreg [dreg:$0x5];
	s5 =	simm.s32 $0x2710  }
0x18: {  	[tilespmem:s5], [sflag:$0x1] =	stream.linear.gather [hbm4b:s25+s3], $0x2710, $0x38;
	[tilespmem:$0x1CA20] =	vst v63  }
0x19: {  	_ =	swait.ge [sflag:s20], $0x1400  }
0x1a: {  	[sflag:s20] =	ssyncset.done $0x0  }
0x1b: {  	[sflag:s20] =	ssyncadd.s32 $0xFFFFEC00  }
0x1c: {  	[spmem:s8] =	stream.linear.scatter [tilespmem:s18], [sflag:$0x2], $0x1400, $0x38;
	[tilespmem:$0x1CA20] =	vst v63  }
0x1d: {  	s6 =	rddreg [dreg:$0x6]  }
0x1e: {  	[spmem:s6] =	stream.linear.scatter [tilespmem:s18], [sflag:$0x2], $0x1400, $0x38;
	[tilespmem:$0x1CA20] =	vst v63  }
0x1f: {  	s7 =	rddreg [dreg:$0x7]  }
0x20: {  	[spmem:s7] =	stream.linear.scatter [tilespmem:s18], [sflag:$0x2], $0x1400, $0x38;
	[tilespmem:$0x1CA20] =	vst v63  }
0x21: {  	_ = 	snop  }
0x22: {  	[spmem:s11] =	stream.linear.scatter [tilespmem:s18], [sflag:$0x2], $0x1400, $0x38;
	[tilespmem:$0x1CA20] =	vst v63  }
0x23: {  	_ = 	snop  }
0x24: {  	[spmem:s12] =	stream.linear.scatter [tilespmem:s18], [sflag:$0x2], $0x1400, $0x38;
	[tilespmem:$0x1CA20] =	vst v63  }
0x25: {  	_ = 	snop  }
0x26: {  	[spmem:s13] =	stream.linear.scatter [tilespmem:s18], [sflag:$0x2], $0x1400, $0x38;
	[tilespmem:$0x1CA20] =	vst v63  }
0x27: {  	_ = 	snop  }
0x28: {  	[spmem:s14] =	stream.linear.scatter [tilespmem:s18], [sflag:$0x2], $0x1400, $0x38;
	[tilespmem:$0x1CA20] =	vst v63  }
0x29: {  	_ = 	snop  }
0x2a: {  	[spmem:s15] =	stream.linear.scatter [tilespmem:s18], [sflag:$0x2], $0x1400, $0x38;
	[tilespmem:$0x1CA20] =	vst v63  }
0x2b: {  	_ =	swait.ge [sflag:s20], $0x2710  }
0x2c: {  	[sflag:s20] =	ssyncset.done $0x0  }
0x2d: {  	[sflag:s20] =	ssyncadd.s32 $0xFFFFD8F0  }
0x2e: {  	_ =	swait.ge [sflag:s20], $0x2710  }
0x2f: {  	[sflag:s20] =	ssyncset.done $0x0  }
0x30: {  	[sflag:s20] =	ssyncadd.s32 $0xFFFFD8F0  }
0x31: {  	_ =	swait.ge [sflag:s21], $0x1400  }
0x32: {  	[sflag:s21] =	ssyncset.done $0x0  }
0x33: {  	[sflag:s21] =	ssyncadd.s32 $0xFFFFEC00  }
0x34: {  	_ =	swait.ge [sflag:s21], $0x1400  }
0x35: {  	[sflag:s21] =	ssyncset.done $0x0  }
0x36: {  	[sflag:s21] =	ssyncadd.s32 $0xFFFFEC00  }
0x37: {  	_ =	swait.ge [sflag:s21], $0x1400  }
0x38: {  	[sflag:s21] =	ssyncset.done $0x0  }
0x39: {  	[sflag:s21] =	ssyncadd.s32 $0xFFFFEC00  }
0x3a: {  	_ =	swait.ge [sflag:s21], $0x1400  }
0x3b: {  	[sflag:s21] =	ssyncset.done $0x0  }
0x3c: {  	[sflag:s21] =	ssyncadd.s32 $0xFFFFEC00  }
0x3d: {  	_ =	swait.ge [sflag:s21], $0x1400  }
0x3e: {  	[sflag:s21] =	ssyncset.done $0x0  }
0x3f: {  	[sflag:s21] =	ssyncadd.s32 $0xFFFFEC00  }
0x40: {  	_ =	swait.ge [sflag:s21], $0x1400  }
0x41: {  	[sflag:s21] =	ssyncset.done $0x0  }
0x42: {  	[sflag:s21] =	ssyncadd.s32 $0xFFFFEC00  }
0x43: {  	_ =	swait.ge [sflag:s21], $0x1400  }
0x44: {  	[sflag:s21] =	ssyncset.done $0x0  }
0x45: {  	[sflag:s21] =	ssyncadd.s32 $0xFFFFEC00  }
0x46: {  	_ =	swait.ge [sflag:s21], $0x1400  }
0x47: {  	[sflag:s21] =	ssyncset.done $0x0  }
0x48: {  	[sflag:s21] =	ssyncadd.s32 $0xFFFFEC00  }
0x49: {  	[bflag:$0x0] =	sbarrier.arrive $0xFFFF  }
0x4a: {  	[tilespmem:s23], [sflag:$0x1] =	stream.indirect.gather [hbm4b:s4+s22], $0x40, s3, s22, $0xb8;
	[tilespmem:$0x1CA20] =	vst v63  }
0x4b: {  	_ = 	snop  }
0x4c: {  	[tilespmem:s24], [sflag:$0x1] =	stream.indirect.gather [hbm4b:s4+s22], $0x40, s22, s22, $0xb8;
	[tilespmem:$0x1CA20] =	vst v63  }
0x4d: {  	s9 =	simm.s32 $0xA0  }
0x4e: {  	[tilespmem:s26], [sflag:$0x1] =	stream.indirect.gather [hbm4b:s4+s22], $0x40, s9, s22, $0xb8;
	[tilespmem:$0x1CA20] =	vst v63  }
0x4f: {  	s10 =	simm.s32 $0xF0;
	s0 =	sand.u32 $0x1, s3  }
0x50: {  	[tilespmem:s29], [sflag:$0x1] =	stream.indirect.gather [hbm4b:s4+s22], $0x40, s10, s22, $0xb8;
	[tilespmem:$0x1CA20] =	vst v63  }
0x51: {  	s19 =	simm.s32 $0x140;
	s25 =	smul.u32 $0x19000, s0  }
0x52: {  	[tilespmem:s31], [sflag:$0x1] =	stream.indirect.gather [hbm4b:s4+s22], $0x40, s19, s22, $0xb8;
	[tilespmem:$0x1CA20] =	vst v63  }
0x53: {  	_ =	swait.ge [sflag:s20], $0x1400  }
0x54: {  	s5 =	sshrl.u32 s25, $0x2;
	[sflag:s20] =	ssyncset.done $0x0  }
0x55: {  	s25 =	simm.s32 $0x2710;
	s19 =	sadd.s32 $0x6220, s5;
	[sflag:s20] =	ssyncadd.s32 $0xFFFFEC00  }
0x56: {  	[spmem:s2] =	stream.indirect.scatter.add.f32 [tilespmem:s19], [sflag:$0x2], $0x40, s25, s22, $0xb8;
	[tilespmem:$0x1CA20] =	vst v63  }
0x57: {  	_ =	swait.ge [sflag:s20], $0x1400  }
0x58: {  	[sflag:s20] =	ssyncset.done $0x0  }
0x59: {  	s6 =	sadd.s32 $0x7620, s5;
	s7 =	simm.s32 $0x2760;
	[sflag:s20] =	ssyncadd.s32 $0xFFFFEC00  }
0x5a: {  	[spmem:s2] =	stream.indirect.scatter.add.f32 [tilespmem:s6], [sflag:$0x2], $0x40, s7, s22, $0xb8;
	[tilespmem:$0x1CA20] =	vst v63  }
0x5b: {  	_ =	swait.ge [sflag:s20], $0x1400  }
0x5c: {  	[sflag:s20] =	ssyncset.done $0x0  }
0x5d: {  	s9 =	sadd.s32 $0x8A20, s5;
	s10 =	simm.s32 $0x27B0;
	[sflag:s20] =	ssyncadd.s32 $0xFFFFEC00  }
0x5e: {  	[spmem:s2] =	stream.indirect.scatter.add.f32 [tilespmem:s9], [sflag:$0x2], $0x40, s10, s22, $0xb8;
	[tilespmem:$0x1CA20] =	vst v63  }
0x5f: {  	s0 =	sxor.u32 $0x1, s0;
	_ =	swait.ge [sflag:s20], $0x1400  }
0x60: {  	s0 =	smul.u32 $0x19000, s0;
	[sflag:s20] =	ssyncset.done $0x0  }
0x61: {  	s25 =	sadd.s32 $0x9E20, s5;
	s6 =	simm.s32 $0x2800;
	[sflag:s20] =	ssyncadd.s32 $0xFFFFEC00  }
0x62: {  	[spmem:s2] =	stream.indirect.scatter.add.f32 [tilespmem:s25], [sflag:$0x2], $0x40, s6, s22, $0xb8;
	[tilespmem:$0x1CA20] =	vst v63  }
0x63: {  	_ =	swait.ge [sflag:s20], $0x1400  }
0x64: {  	s0 =	sshrl.u32 s0, $0x2;
	[sflag:s20] =	ssyncset.done $0x0  }
0x65: {  	s5 =	sadd.s32 $0xB220, s5;
	s7 =	simm.s32 $0x2850;
	[sflag:s20] =	ssyncadd.s32 $0xFFFFEC00  }
0x66: {  	[spmem:s2] =	stream.indirect.scatter.add.f32 [tilespmem:s5], [sflag:$0x2], $0x40, s7, s22, $0xb8;
	[tilespmem:$0x1CA20] =	vst v63  }
0x67: {  	s9 =	simm.s32 $0x190;
	s10 =	sadd.s32 $0x6220, s0  }
0x68: {  	[tilespmem:s10], [sflag:$0x1] =	stream.indirect.gather [hbm4b:s4+s22], $0x40, s9, s22, $0xb8;
	[tilespmem:$0x1CA20] =	vst v63  }
0x69: {  	s19 =	sadd.s32 $0x7620, s0;
	s25 =	simm.s32 $0x1E0  }
0x6a: {  	[tilespmem:s19], [sflag:$0x1] =	stream.indirect.gather [hbm4b:s4+s22], $0x40, s25, s22, $0xb8;
	[tilespmem:$0x1CA20] =	vst v63  }
0x6b: {  	s6 =	sadd.s32 $0x8A20, s0;
	s7 =	simm.s32 $0x230  }
0x6c: {  	[tilespmem:s6], [sflag:$0x1] =	stream.indirect.gather [hbm4b:s4+s22], $0x40, s7, s22, $0xb8;
	[tilespmem:$0x1CA20] =	vst v63  }
0x6d: {  	s9 =	sadd.s32 $0x9E20, s0;
	s10 =	simm.s32 $0x280  }
0x6e: {  	[tilespmem:s9], [sflag:$0x1] =	stream.indirect.gather [hbm4b:s4+s22], $0x40, s10, s22, $0xb8;
	[tilespmem:$0x1CA20] =	vst v63  }
0x6f: {  	s0 =	sadd.s32 $0xB220, s0;
	s25 =	simm.s32 $0x2D0  }
0x70: {  	[tilespmem:s0], [sflag:$0x1] =	stream.indirect.gather [hbm4b:s4+s22], $0x40, s25, s22, $0xb8;
	[tilespmem:$0x1CA20] =	vst v63  }
0x71: {  	_ =	swait.ge [sflag:s21], $0x1400  }
0x72: {  	[sflag:s21] =	ssyncset.done $0x0  }
0x73: {  	[sflag:s21] =	ssyncadd.s32 $0xFFFFEC00  }
0x74: {  	_ =	swait.ge [sflag:s21], $0x1400  }
0x75: {  	[sflag:s21] =	ssyncset.done $0x0  }
0x76: {  	[sflag:s21] =	ssyncadd.s32 $0xFFFFEC00  }
0x77: {  	_ =	swait.ge [sflag:s21], $0x1400  }
0x78: {  	[sflag:s21] =	ssyncset.done $0x0  }
0x79: {  	[sflag:s21] =	ssyncadd.s32 $0xFFFFEC00  }
0x7a: {  	_ =	swait.ge [sflag:s21], $0x1400  }
0x7b: {  	[sflag:s21] =	ssyncset.done $0x0  }
0x7c: {  	s19 =	simm.s32 $0x640;
	s0 =	simm.s32 $0x1;
	[sflag:s21] =	ssyncadd.s32 $0xFFFFEC00  }
0x7d: {  	s25 =	simm.s32 $0xC80;
	s28 =	sand.u32 $0x1, s0;
	_ =	swait.ge [sflag:s21], $0x1400  }
.LBB2_2:
0x7e: {  	p0 =	sne.s32 s25, $0x8FC0;
	s5 =	smul.u32 $0x19000, s28;
	[sflag:s21] =	ssyncset.done $0x0  }
0x7f: {  	s6 =	smov.u32 s25;
	s25 =	sadd.s32 $0x640, s25;
	[sflag:s21] =	ssyncadd.s32 $0xFFFFEC00  }
0x80: {  	s7 =	sshrl.u32 s5, $0x2;
	_ =	swait.ge [sflag:s20], $0x1400  }
0x81: {  	s5 =	sshra.s32 s19, $0x2;
	s9 =	sadd.s32 $0x6220, s7;
	[sflag:s20] =	ssyncset.done $0x0  }
0x82: {  	s19 =	smov.u32 s6;
	s10 =	sadd.s32 $0x2710, s5;
	[sflag:s20] =	ssyncadd.s32 $0xFFFFEC00  }
0x83: {  	[spmem:s2] =	stream.indirect.scatter.add.f32 [tilespmem:s9], [sflag:$0x2], $0x40, s10, s22, $0xb8;
	[tilespmem:$0x1CA20] =	vst v63  }
0x84: {  	_ =	swait.ge [sflag:s20], $0x1400  }
0x85: {  	s6 =	sadd.s32 $0x7620, s7;
	[sflag:s20] =	ssyncset.done $0x0  }
0x86: {  	s9 =	sadd.s32 $0x2760, s5;
	[sflag:s20] =	ssyncadd.s32 $0xFFFFEC00  }
0x87: {  	[spmem:s2] =	stream.indirect.scatter.add.f32 [tilespmem:s6], [sflag:$0x2], $0x40, s9, s22, $0xb8;
	[tilespmem:$0x1CA20] =	vst v63  }
0x88: {  	_ =	swait.ge [sflag:s20], $0x1400  }
0x89: {  	s6 =	sadd.s32 $0x8A20, s7;
	[sflag:s20] =	ssyncset.done $0x0  }
0x8a: {  	s9 =	sadd.s32 $0x27B0, s5;
	[sflag:s20] =	ssyncadd.s32 $0xFFFFEC00  }
0x8b: {  	[spmem:s2] =	stream.indirect.scatter.add.f32 [tilespmem:s6], [sflag:$0x2], $0x40, s9, s22, $0xb8;
	[tilespmem:$0x1CA20] =	vst v63  }
0x8c: {  	_ =	swait.ge [sflag:s20], $0x1400  }
0x8d: {  	s6 =	sadd.s32 $0x9E20, s7;
	[sflag:s20] =	ssyncset.done $0x0  }
0x8e: {  	s10 =	sxor.u32 $0x1, s28;
	s9 =	sadd.s32 $0x2800, s5;
	[sflag:s20] =	ssyncadd.s32 $0xFFFFEC00  }
0x8f: {  	[spmem:s2] =	stream.indirect.scatter.add.f32 [tilespmem:s6], [sflag:$0x2], $0x40, s9, s22, $0xb8;
	[tilespmem:$0x1CA20] =	vst v63  }
0x90: {  	s6 =	smul.u32 $0x19000, s10;
	_ =	swait.ge [sflag:s20], $0x1400  }
0x91: {  	s7 =	sadd.s32 $0xB220, s7;
	s9 =	sadd.s32 $0x2850, s5;
	[sflag:s20] =	ssyncset.done $0x0  }
0x92: {  	s10 =	sadd.s32 $0x190, s5;
	s6 =	sshrl.u32 s6, $0x2;
	[sflag:s20] =	ssyncadd.s32 $0xFFFFEC00  }
0x93: {  	[spmem:s2] =	stream.indirect.scatter.add.f32 [tilespmem:s7], [sflag:$0x2], $0x40, s9, s22, $0xb8;
	[tilespmem:$0x1CA20] =	vst v63  }
0x94: {  	s28 =	sadd.s32 $0x1E0, s5;
	s7 =	sadd.s32 $0x6220, s6;
	s9 =	sadd.s32 $0x7620, s6  }
0x95: {  	[tilespmem:s7], [sflag:$0x1] =	stream.indirect.gather [hbm4b:s4+s22], $0x40, s10, s22, $0xb8;
	[tilespmem:$0x1CA20] =	vst v63  }
0x96: {  	s7 =	sadd.s32 $0x8A20, s6;
	s10 =	sadd.s32 $0x230, s5  }
0x97: {  	[tilespmem:s9], [sflag:$0x1] =	stream.indirect.gather [hbm4b:s4+s22], $0x40, s28, s22, $0xb8;
	[tilespmem:$0x1CA20] =	vst v63  }
0x98: {  	s9 =	sadd.s32 $0x9E20, s6;
	s28 =	sadd.s32 $0x280, s5  }
0x99: {  	[tilespmem:s7], [sflag:$0x1] =	stream.indirect.gather [hbm4b:s4+s22], $0x40, s10, s22, $0xb8;
	[tilespmem:$0x1CA20] =	vst v63  }
0x9a: {  	s6 =	sadd.s32 $0xB220, s6;
	s5 =	sadd.s32 $0x2D0, s5  }
0x9b: {  	[tilespmem:s9], [sflag:$0x1] =	stream.indirect.gather [hbm4b:s4+s22], $0x40, s28, s22, $0xb8;
	[tilespmem:$0x1CA20] =	vst v63  }
0x9c: {  	_ = 	snop  }
0x9d: {  	[tilespmem:s6], [sflag:$0x1] =	stream.indirect.gather [hbm4b:s4+s22], $0x40, s5, s22, $0xb8;
	[tilespmem:$0x1CA20] =	vst v63  }
0x9e: {  	_ =	swait.ge [sflag:s21], $0x1400  }
0x9f: {  	[sflag:s21] =	ssyncset.done $0x0  }
0xa0: {  	[sflag:s21] =	ssyncadd.s32 $0xFFFFEC00  }
0xa1: {  	_ =	swait.ge [sflag:s21], $0x1400  }
0xa2: {  	[sflag:s21] =	ssyncset.done $0x0  }
0xa3: {  	[sflag:s21] =	ssyncadd.s32 $0xFFFFEC00  }
0xa4: {  	_ =	swait.ge [sflag:s21], $0x1400  }
0xa5: {  	[sflag:s21] =	ssyncset.done $0x0  }
.Ltmp0:
0xa6: {  	[sflag:s21] =	ssyncadd.s32 $0xFFFFEC00;
	(pc) =	sbr.rel @p0 .LBB2_2-.Ltmp0, $4  }
0xa7: {  	_ =	swait.ge [sflag:s21], $0x1400  }
0xa8: {  	[sflag:s21] =	ssyncset.done $0x0  }
0xa9: {  	s0 =	sadd.s32 $0x1, s0;
	[sflag:s21] =	ssyncadd.s32 $0xFFFFEC00  }
0xaa: {  	s28 =	sand.u32 $0x1, s0;
	_ =	swait.ge [sflag:s21], $0x1400  }
0xab: {  	[sflag:s21] =	ssyncset.done $0x0  }
0xac: {  	s0 =	smul.u32 $0x19000, s28;
	[sflag:s21] =	ssyncadd.s32 $0xFFFFEC00  }
0xad: {  	_ =	swait.ge [sflag:s20], $0x1400  }
0xae: {  	s5 =	sshra.s32 s19, $0x2;
	s0 =	sshrl.u32 s0, $0x2;
	[sflag:s20] =	ssyncset.done $0x0  }
0xaf: {  	s7 =	sadd.s32 $0x2710, s5;
	s6 =	sadd.s32 $0x6220, s0;
	[sflag:s20] =	ssyncadd.s32 $0xFFFFEC00  }
0xb0: {  	[spmem:s2] =	stream.indirect.scatter.add.f32 [tilespmem:s6], [sflag:$0x2], $0x40, s7, s22, $0xb8;
	[tilespmem:$0x1CA20] =	vst v63  }
0xb1: {  	_ =	swait.ge [sflag:s20], $0x1400  }
0xb2: {  	[sflag:s20] =	ssyncset.done $0x0  }
0xb3: {  	s25 =	sadd.s32 $0x2760, s5;
	s19 =	sadd.s32 $0x7620, s0;
	[sflag:s20] =	ssyncadd.s32 $0xFFFFEC00  }
0xb4: {  	[spmem:s2] =	stream.indirect.scatter.add.f32 [tilespmem:s19], [sflag:$0x2], $0x40, s25, s22, $0xb8;
	[tilespmem:$0x1CA20] =	vst v63  }
0xb5: {  	_ =	swait.ge [sflag:s20], $0x1400  }
0xb6: {  	[sflag:s20] =	ssyncset.done $0x0  }
0xb7: {  	s10 =	sadd.s32 $0x27B0, s5;
	s9 =	sadd.s32 $0x8A20, s0;
	[sflag:s20] =	ssyncadd.s32 $0xFFFFEC00  }
0xb8: {  	[spmem:s2] =	stream.indirect.scatter.add.f32 [tilespmem:s9], [sflag:$0x2], $0x40, s10, s22, $0xb8;
	[tilespmem:$0x1CA20] =	vst v63  }
0xb9: {  	s7 =	sxor.u32 $0x1, s28;
	_ =	swait.ge [sflag:s20], $0x1400  }
0xba: {  	s6 =	smul.u32 $0x19000, s7;
	[sflag:s20] =	ssyncset.done $0x0  }
0xbb: {  	s19 =	sadd.s32 $0x9E20, s0;
	s25 =	sadd.s32 $0x2800, s5;
	[sflag:s20] =	ssyncadd.s32 $0xFFFFEC00  }
0xbc: {  	[spmem:s2] =	stream.indirect.scatter.add.f32 [tilespmem:s19], [sflag:$0x2], $0x40, s25, s22, $0xb8;
	[tilespmem:$0x1CA20] =	vst v63  }
0xbd: {  	_ =	swait.ge [sflag:s20], $0x1400  }
0xbe: {  	s6 =	sshrl.u32 s6, $0x2;
	[sflag:s20] =	ssyncset.done $0x0  }
0xbf: {  	s0 =	sadd.s32 $0xB220, s0;
	s9 =	sadd.s32 $0x2850, s5;
	[sflag:s20] =	ssyncadd.s32 $0xFFFFEC00  }
0xc0: {  	[spmem:s2] =	stream.indirect.scatter.add.f32 [tilespmem:s0], [sflag:$0x2], $0x40, s9, s22, $0xb8;
	[tilespmem:$0x1CA20] =	vst v63  }
0xc1: {  	s10 =	sadd.s32 $0x190, s5;
	s19 =	sadd.s32 $0x6220, s6  }
0xc2: {  	[tilespmem:s19], [sflag:$0x1] =	stream.indirect.gather [hbm4b:s4+s22], $0x40, s10, s22, $0xb8;
	[tilespmem:$0x1CA20] =	vst v63  }
0xc3: {  	s28 =	sadd.s32 $0x1E0, s5;
	s25 =	sadd.s32 $0x7620, s6  }
0xc4: {  	[tilespmem:s25], [sflag:$0x1] =	stream.indirect.gather [hbm4b:s4+s22], $0x40, s28, s22, $0xb8;
	[tilespmem:$0x1CA20] =	vst v63  }
0xc5: {  	s9 =	sadd.s32 $0x8A20, s6;
	s10 =	sadd.s32 $0x230, s5  }
0xc6: {  	[tilespmem:s9], [sflag:$0x1] =	stream.indirect.gather [hbm4b:s4+s22], $0x40, s10, s22, $0xb8;
	[tilespmem:$0x1CA20] =	vst v63  }
0xc7: {  	s19 =	sadd.s32 $0x9E20, s6;
	s25 =	sadd.s32 $0x280, s5  }
0xc8: {  	[tilespmem:s19], [sflag:$0x1] =	stream.indirect.gather [hbm4b:s4+s22], $0x40, s25, s22, $0xb8;
	[tilespmem:$0x1CA20] =	vst v63  }
0xc9: {  	s28 =	sadd.s32 $0xB220, s6;
	s5 =	sadd.s32 $0x2D0, s5  }
0xca: {  	[tilespmem:s28], [sflag:$0x1] =	stream.indirect.gather [hbm4b:s4+s22], $0x40, s5, s22, $0xb8;
	[tilespmem:$0x1CA20] =	vst v63  }
0xcb: {  	_ =	swait.ge [sflag:s21], $0x1400  }
0xcc: {  	[sflag:s21] =	ssyncset.done $0x0  }
0xcd: {  	[sflag:s21] =	ssyncadd.s32 $0xFFFFEC00  }
0xce: {  	_ =	swait.ge [sflag:s21], $0x1400  }
0xcf: {  	[sflag:s21] =	ssyncset.done $0x0  }
0xd0: {  	[sflag:s21] =	ssyncadd.s32 $0xFFFFEC00  }
0xd1: {  	_ =	swait.ge [sflag:s21], $0x1400  }
0xd2: {  	[sflag:s21] =	ssyncset.done $0x0  }
0xd3: {  	[sflag:s21] =	ssyncadd.s32 $0xFFFFEC00  }
0xd4: {  	_ =	swait.ge [sflag:s21], $0x1400  }
0xd5: {  	[sflag:s21] =	ssyncset.done $0x0  }
0xd6: {  	[sflag:s21] =	ssyncadd.s32 $0xFFFFEC00  }
0xd7: {  	_ =	swait.ge [sflag:s21], $0x1400  }
0xd8: {  	[sflag:s21] =	ssyncset.done $0x0  }
0xd9: {  	[sflag:s21] =	ssyncadd.s32 $0xFFFFEC00  }
0xda: {  	_ =	swait.ge [sflag:s20], $0x1400  }
0xdb: {  	[sflag:s20] =	ssyncset.done $0x0  }
0xdc: {  	s6 =	simm.s32 $0x4C90;
	[sflag:s20] =	ssyncadd.s32 $0xFFFFEC00  }
0xdd: {  	[spmem:s2] =	stream.indirect.scatter.add.f32 [tilespmem:s23], [sflag:$0x2], $0x40, s6, s22, $0xb8;
	[tilespmem:$0x1CA20] =	vst v63  }
0xde: {  	_ =	swait.ge [sflag:s20], $0x1400  }
0xdf: {  	[sflag:s20] =	ssyncset.done $0x0  }
0xe0: {  	s7 =	simm.s32 $0x4CE0;
	[sflag:s20] =	ssyncadd.s32 $0xFFFFEC00  }
0xe1: {  	[spmem:s2] =	stream.indirect.scatter.add.f32 [tilespmem:s24], [sflag:$0x2], $0x40, s7, s22, $0xb8;
	[tilespmem:$0x1CA20] =	vst v63  }
0xe2: {  	_ =	swait.ge [sflag:s20], $0x1400  }
0xe3: {  	[sflag:s20] =	ssyncset.done $0x0  }
0xe4: {  	s9 =	simm.s32 $0x4D30;
	[sflag:s20] =	ssyncadd.s32 $0xFFFFEC00  }
0xe5: {  	[spmem:s2] =	stream.indirect.scatter.add.f32 [tilespmem:s26], [sflag:$0x2], $0x40, s9, s22, $0xb8;
	[tilespmem:$0x1CA20] =	vst v63  }
0xe6: {  	_ =	swait.ge [sflag:s20], $0x1400  }
0xe7: {  	[sflag:s20] =	ssyncset.done $0x0  }
0xe8: {  	s10 =	simm.s32 $0x4D80;
	[sflag:s20] =	ssyncadd.s32 $0xFFFFEC00  }
0xe9: {  	[spmem:s2] =	stream.indirect.scatter.add.f32 [tilespmem:s29], [sflag:$0x2], $0x40, s10, s22, $0xb8;
	[tilespmem:$0x1CA20] =	vst v63  }
0xea: {  	_ =	swait.ge [sflag:s20], $0x1400  }
0xeb: {  	[sflag:s20] =	ssyncset.done $0x0  }
0xec: {  	s19 =	simm.s32 $0x4DD0;
	[sflag:s20] =	ssyncadd.s32 $0xFFFFEC00  }
0xed: {  	[spmem:s2] =	stream.indirect.scatter.add.f32 [tilespmem:s31], [sflag:$0x2], $0x40, s19, s22, $0xb8;
	[tilespmem:$0x1CA20] =	vst v63  }
0xee: {  	_ =	swait.ge [sflag:s21], $0x1400  }
0xef: {  	[sflag:s21] =	ssyncset.done $0x0  }
0xf0: {  	[sflag:s21] =	ssyncadd.s32 $0xFFFFEC00  }
0xf1: {  	_ =	swait.ge [sflag:s21], $0x1400  }
0xf2: {  	[sflag:s21] =	ssyncset.done $0x0  }
0xf3: {  	[sflag:s21] =	ssyncadd.s32 $0xFFFFEC00  }
0xf4: {  	_ =	swait.ge [sflag:s21], $0x1400  }
0xf5: {  	[sflag:s21] =	ssyncset.done $0x0  }
0xf6: {  	[sflag:s21] =	ssyncadd.s32 $0xFFFFEC00  }
0xf7: {  	_ =	swait.ge [sflag:s21], $0x1400  }
0xf8: {  	[sflag:s21] =	ssyncset.done $0x0  }
0xf9: {  	[sflag:s21] =	ssyncadd.s32 $0xFFFFEC00  }
0xfa: {  	s25 =	stileid.u32;
	_ =	swait.ge [sflag:s21], $0x1400  }
0xfb: {  	s1 =	sadd.s32 $0x1, s1;
	s0 =	sshll.u32 s25, $0x6;
	[sflag:s21] =	ssyncset.done $0x0  }
0xfc: {  	p0 =	sne.s32 s1, s17;
	s0 =	sor.u32 $0x1C03, s0;
	[sflag:s21] =	ssyncadd.s32 $0xFFFFEC00  }
.Ltmp1:
0xfd: {  	s28 =	sshrl.u32 s8, $0x3;
	[bflag:$0x0] =	sbarrier.arrive $0xFFFF;
	(pc) =	sbr.rel @p0 .LBB2_1-.Ltmp1, $4  }
0xfe: {  	[hbm:s16], [sflag:s0] =	dma.local [spmem:s28], $0x1400  }
0xff: {  	_ =	swait.ge [sflag:s30], $0x1400  }
0x100: {  	[sflag:s30] =	ssyncset.done $0x0  }
0x101: {  	[sflag:s30] =	ssyncadd.s32 $0xFFFFEC00  }
0x102: {  	_ =	sfence.sel $0x180000  }
0x103: {  	[bflag:$0x0] =	sbarrier.arrive $0xFFFF  }
0x104: {  	_ =	strace $0x9000004A  }
0x105: {  	s0 =	stileid.u32;
	[bflag:$0x2] =	sbarrier.arrive $0xFFFF  }
0x106: {  	p0 =	sne.s32 s0, $0x0;
	s0 =	rddreg [dreg:$0x2]  }
0x107: {  	s0 =	sadd.s32 @!p0 $0x100000, s0  }
0x108: {  	[sflag:s0] =	ssyncadd.tile.s32 @!p0 $0x1;
	_ =	shalt  }
.Lfunc_end2:
_tile_overlayer_lowered:
.L_overlay_start_2:
0x109: {  	(tag) =	ssettag $0x2  }
0x10a: {  	s0 =	rddreg [dreg:$0x0];
	s2 =	stileid.u32  }
0x10b: {  	s1 =	rddreg [dreg:$0x1];
	p0 =	sne.s32 s2, $0x0  }
0x10c: {  	s3 =	rddreg [dreg:$0x2];
	[bflag:$0x3] =	sbarrier.arrive $0xFFFF;
	s2 =	simm.s32 @!p0 $0x1C03  }
0x10d: {  	[timem:s3], [sflag:s2] =	dma.local @!p0 [hbm:s0], s1  }
0x10e: {  	s0 =	simm.s32 @!p0 $0x3  }
0x10f: {  	_ =	swait.ge @!p0 [sflag:s0], s1  }
0x110: {  	s1 =	ssub.s32 @!p0 $0x0, s1;
	[sflag:s0] =	ssyncset.done @!p0 $0x0  }
0x111: {  	[sflag:s0] =	ssyncadd.s32 @!p0 s1  }
0x112: {  	[bflag:$0x3] =	sbarrier.arrive $0xFFFF  }
0x113: {  	_ =	shalt  }

// kernel: kernel.16.cloned.1.call-start
scs
__scs_entry_jumppad:
0x0: {  	(pc) =	sbr.rel $0x88, $3  }
0x1: {  	(tag) =	ssettag $0x0;
	lr =	simm.s32 $0x1  }
0x2: {  	[smem:$0x3F96] =	sst lr;
	_ =	strace $0xD0000000  }
0x3: {  	_ = 	snop  }
0x4: {  	_ = 	snop  }
0x5: {  	_ = 	snop  }
0x6: {  	_ = 	snop  }
0x7: {  	_ = 	snop  }
__scs_overlays_trampoline_lowered:
0x8: {  	[smem:$0x3FA5] =	sst s0  }
0x9: {  	[smem:$0x3FA6] =	sst s1  }
0xa: {  	[smem:$0x3FA7] =	sst s2  }
0xb: {  	[smem:$0x3FA8] =	sst s3  }
0xc: {  	[smem:$0x3FA9] =	sst s4  }
0xd: {  	[smem:$0x3FAA] =	sst s5  }
0xe: {  	[smem:$0x3FAB] =	sst s6  }
0xf: {  	[smem:$0x3FAC] =	sst s7  }
0x10: {  	[smem:$0x3FAD] =	sst s8  }
0x11: {  	[smem:$0x3FAE] =	sst s9;
	s0 =	simm.s32 @!p0 $0x0  }
0x12: {  	s1 =	sld [smem:$0x3F94];
	s0 =	simm.s32 @p0 $0x1  }
0x13: {  	[smem:$0x3FAF] =	sst s0;
	s0 =	simm.s32 @!p1 $0x0  }
0x14: {  	s2 =	sld [smem:$0x3F93];
	s0 =	simm.s32 @p1 $0x1  }
0x15: {  	[smem:$0x3FB0] =	sst s0;
	s0 =	simm.s32 @!p2 $0x0  }
0x16: {  	s3 =	sld [smem:$0x3FDB];
	s0 =	simm.s32 @p2 $0x1  }
0x17: {  	s4 =	simm.s32 $0x1BF5;
	[smem:$0x3FB2] =	sst s0  }
0x18: {  	s0 =	sld [smem:$0x3F95];
	_ =	swait.ge [sflag:s4], $0x0  }
0x19: {  	s7 =	sld [smem:$0x3F96]  }
0x1a: {  	s8 =	sadd.s32 $0xFFFFE003, lr  }
0x1b: {  	s9 =	sadd.s32 $0xFFFFFEF7, lr;
	s5 =	simm.s32 $0xFFFFFFFF;
	p2 =	slt.u32 s8, $0xFFFFF086  }
0x1c: {  	p1 =	slt.u32 s9, $0xF7A;
	s5 =	simm.s32 @!p2 $0x0  }
0x1d: {  	s5 =	simm.s32 @p1 $0x1;
	p0 =	seq.s32 s7, s2  }
0x1e: {  	s7 =	smul.u32 @!p0 $0xF7A, s2;
	p2 =	seq.s32 @!p0 s5, $0x0  }
0x1f: {  	s9 =	smul.u32 $0xF7A, s1;
	s8 =	simm.s32 @!p0 $0x1BF5;
	p2 =	por !p2, p0  }
0x20: {  	[sflag:s8] =	ssyncset.s32 @!p0 $0xFFFFF086;
	s6 =	sadd.s32 @!p0 s3, s7;
	s7 =	simm.s32 @!p0 $0x108  }
0x21: {  	s3 =	sadd.s32 s3, s9;
	s6 =	sadd.s32 @!p0 $0x88, s6;
	s7 =	simm.s32 @p2 $0x1082  }
0x22: {  	[simem:s7], [sflag:s8] =	dma.local @!p0 [hbm:s6], $0xF7A  }
0x23: {  	s9 =	sor.u32 $0xD0000000, s2;
	s6 =	simm.s32 $0x108;
	_ =	swait.ge @!p0 [sflag:s8], $0x0  }
0x24: {  	s3 =	sadd.s32 $0x88, s3;
	s6 =	simm.s32 @!p1 $0x1082;
	[sflag:s4] =	ssyncset.s32 $0xFFFFF086  }
0x25: {  	[simem:s6], [sflag:s4] =	dma.local [hbm:s3], $0xF7A  }
0x26: {  	[smem:$0x3F96] =	sst s1;
	(tag) =	ssettag s2;
	_ =	strace s9  }
0x27: {  	s1 =	sld [smem:$0x3FA6]  }
0x28: {  	s2 =	sld [smem:$0x3FA7]  }
0x29: {  	s4 =	sld [smem:$0x3FA9]  }
0x2a: {  	p0 =	seq.s32 s5, $0x0;
	s5 =	sld [smem:$0x3FAA]  }
0x2b: {  	s6 =	sld [smem:$0x3FAB]  }
0x2c: {  	s7 =	sld [smem:$0x3FAC]  }
0x2d: {  	s3 =	simm.s32 $0x108;
	s8 =	sld [smem:$0x3FAD]  }
0x2e: {  	s3 =	simm.s32 @!p0 $0x1082;
	s9 =	sld [smem:$0x3FAE]  }
0x2f: {  	lr =	sadd.s32 s0, s3;
	s0 =	sld [smem:$0x3FA5]  }
0x30: {  	s3 =	sld [smem:$0x3FA8]  }
0x31: {  	[smem:$0x3FB1] =	sst s10  }
0x32: {  	s10 =	sld [smem:$0x3FAF];
	_ =	sdelay $0x3  }
0x33: {  	p0 =	seq.s32 s10, $0x1;
	s10 =	sld [smem:$0x3FB1];
	_ =	sdelay $0x3  }
0x34: {  	[smem:$0x3FB1] =	sst s10  }
0x35: {  	s10 =	sld [smem:$0x3FB0];
	_ =	sdelay $0x3  }
0x36: {  	p1 =	seq.s32 s10, $0x1;
	s10 =	sld [smem:$0x3FB1];
	_ =	sdelay $0x3  }
0x37: {  	[smem:$0x3FB1] =	sst s10  }
0x38: {  	s10 =	sld [smem:$0x3FB2]  }
0x39: {  	_ = 	snop;
	(pc) =	sbr.ind lr, $3  }
0x3a: {  	_ = 	snop  }
0x3b: {  	_ = 	snop  }
0x3c: {  	p2 =	seq.s32 s10, $0x1;
	s10 =	sld [smem:$0x3FB1]  }
0x3d: {  	_ =	shalt  }
0x3e: {  	_ =	shalt  }
0x3f: {  	_ =	shalt  }
0x40: {  	_ =	shalt  }
0x41: {  	_ =	shalt  }
0x42: {  	_ =	shalt  }
0x43: {  	_ =	shalt  }
0x44: {  	_ =	shalt  }
0x45: {  	_ =	shalt  }
0x46: {  	_ =	shalt  }
0x47: {  	_ =	shalt  }
0x48: {  	_ =	shalt  }
0x49: {  	_ =	shalt  }
0x4a: {  	_ =	shalt  }
0x4b: {  	_ =	shalt  }
0x4c: {  	_ =	shalt  }
0x4d: {  	_ =	shalt  }
0x4e: {  	_ =	shalt  }
0x4f: {  	_ =	shalt  }
0x50: {  	_ =	shalt  }
0x51: {  	_ =	shalt  }
0x52: {  	_ =	shalt  }
0x53: {  	_ =	shalt  }
0x54: {  	_ =	shalt  }
0x55: {  	_ =	shalt  }
0x56: {  	_ =	shalt  }
0x57: {  	_ =	shalt  }
0x58: {  	_ =	shalt  }
0x59: {  	_ =	shalt  }
0x5a: {  	_ =	shalt  }
0x5b: {  	_ =	shalt  }
0x5c: {  	_ =	shalt  }
0x5d: {  	_ =	shalt  }
0x5e: {  	_ =	shalt  }
0x5f: {  	_ =	shalt  }
0x60: {  	_ =	shalt  }
0x61: {  	_ =	shalt  }
0x62: {  	_ =	shalt  }
0x63: {  	_ =	shalt  }
0x64: {  	_ =	shalt  }
0x65: {  	_ =	shalt  }
0x66: {  	_ =	shalt  }
0x67: {  	_ =	shalt  }
0x68: {  	_ =	shalt  }
0x69: {  	_ =	shalt  }
0x6a: {  	_ =	shalt  }
0x6b: {  	_ =	shalt  }
0x6c: {  	_ =	shalt  }
0x6d: {  	_ =	shalt  }
0x6e: {  	_ =	shalt  }
0x6f: {  	_ =	shalt  }
0x70: {  	_ =	shalt  }
0x71: {  	_ =	shalt  }
0x72: {  	_ =	shalt  }
0x73: {  	_ =	shalt  }
0x74: {  	_ =	shalt  }
0x75: {  	_ =	shalt  }
0x76: {  	_ =	shalt  }
0x77: {  	_ =	shalt  }
0x78: {  	_ =	shalt  }
0x79: {  	_ =	shalt  }
0x7a: {  	_ =	shalt  }
0x7b: {  	_ =	shalt  }
0x7c: {  	_ =	shalt  }
0x7d: {  	_ =	shalt  }
0x7e: {  	_ =	shalt  }
0x7f: {  	_ =	shalt  }
0x80: {  	_ =	shalt  }
0x81: {  	_ =	shalt  }
0x82: {  	_ =	shalt  }
0x83: {  	_ =	shalt  }
0x84: {  	_ =	shalt  }
0x85: {  	_ =	shalt  }
0x86: {  	_ =	shalt  }
0x87: {  	_ =	shalt  }
.Lfunc_end0:
.L_simem_size_0:
called_computation.2_lowered:
.L_overlay_start_0:
0x88: {  	s2 =	sld [smem:$0x3FD9]  }
0x89: {  	s3 =	sld [smem:$0x3FFE];
	_ =	sdelay $0x1  }
0x8a: {  	s1 =	srdreg.scid  }
0x8b: {  	s0 =	sand.u32 $0x1, s1  }
0x8c: {  	s16 =	sshll.u32 s0, $0xA;
	s2 =	sadd.s32 s3, s2  }
0x8d: {  	s2 =	sadd.s32 s2, s16  }
0x8e: {  	[smem:$0x3FBD] =	sst s2  }
0x8f: {  	_ = 	snop  }
0x90: {  	(tm) =	ssettm $0x1  }
0x91: {  	s17 =	sld [smem:$0x3FFB];
	_ =	sdelay $0x3  }
0x92: {  	_ =	strace s17  }
0x93: {  	s2 =	sld [smem:$0x3FFC];
	_ =	sdelay $0x3  }
0x94: {  	_ =	strace s2  }
0x95: {  	s2 =	sld [smem:$0x3FFD];
	_ =	sdelay $0x3  }
0x96: {  	_ =	strace s2  }
0x97: {  	_ =	strace $0x8FFFFFFF  }
0x98: {  	s18 =	sld [smem:$0x3FDB];
	_ =	sdelay $0x1  }
0x99: {  	s19 =	simm.s32 $_scs_section_size  }
0x9a: {  	s4 =	simm.s32 $_size__tile_overlayer_lowered;
	s5 =	simm.s32 $_tile_overlayer_lowered  }
0x9b: {  	s22 =	simm.s32 $0x1BFF;
	s21 =	sshll.u32 s5, $0x1;
	s2 =	sadd.s32 s19, s18  }
0x9c: {  	s6 =	simm.s32 $0x0;
	s20 =	sshll.u32 s4, $0x1;
	s4 =	sadd.s32 s21, s2  }
0x9d: {  	[timem:s6], [sflag:s22] =	dma.local [hbm:s4], s20  }
0x9e: {  	_ =	swait.ge [sflag:s22], s20  }
0x9f: {  	s3 =	ssub.s32 $0x0, s20;
	[sflag:s22] =	ssyncset.done $0x0  }
0xa0: {  	[sflag:s22] =	ssyncadd.s32 s3;
	_ =	sdelay $0x1  }
0xa1: {  	s23 =	simm.s32 $0x1B8B  }
0xa2: {  	_ =	swait.ge [sflag:s23], $0x1  }
0xa3: {  	[sflag:s23] =	ssyncset.done $0x0  }
0xa4: {  	s25 =	simm.s32 $0x1B8E;
	s24 =	sld [smem:$0x3FFE];
	[sflag:s23] =	ssyncadd.s32 $0xFFFFFFFF  }
0xa5: {  	s26 =	simm.s32 $execute0_lowered;
	[smem:$0x3FD2] =	sst s25  }
0xa6: {  	s4 =	sshll.u32 s26, $0x1;
	_ =	strace $0x8000004C;
	[dreg:$0x1] =	wrdreg $0xFFFFFFFF  }
0xa7: {  	s28 =	simm.s32 $_size_execute0_lowered;
	s2 =	sadd.s32 s2, s4;
	[dreg:$0x0] =	wrdreg $0x0  }
0xa8: {  	s4 =	sshll.u32 s28, $0x1;
	[dreg:$0x2] =	wrdreg s2  }
0xa9: {  	[dreg:$0x3] =	wrdreg s4  }
0xaa: {  	[dreg:$0x4] =	wrdreg $0xC0  }
0xab: {  	_ =	task [dreg:s6], $0x5FFFF  }
0xac: {  	[dreg:$0x1] =	wrdreg $0xFFFFFFFF  }
0xad: {  	[dreg:$0x0] =	wrdreg $0x60  }
0xae: {  	[dreg:$0x2] =	wrdreg s24  }
0xaf: {  	[dreg:$0x3] =	wrdreg $0x12A200  }
0xb0: {  	[dreg:$0x4] =	wrdreg $0x9  }
0xb1: {  	_ =	task.clear_ibuf [dreg:s6], $0x5FFFF;
	_ =	strace $0x9000004C  }
0xb2: {  	s29 =	simm.s32 $0x9;
	_ =	strace $0x8000004E  }
0xb3: {  	_ =	swait.ge [sflag:s29], $0x1  }
0xb4: {  	[sflag:s29] =	ssyncadd.s32 $0xFFFFFFFF  }
0xb5: {  	_ =	strace $0x9000004E  }
0xb6: {  	_ =	sfence  }
0xb7: {  	s30 =	sld [smem:$0x0];
	_ =	sdelay $0x2  }
0xb8: {  	s31 =	sshll.u32 s1, $0xD;
	s1 =	sshrl.u32 s1, $0x2  }
0xb9: {  	s3 =	sand.u32 $0x4000, s31;
	s1 =	sadd.s32 s1, s30  }
0xba: {  	s0 =	sor.u32 s3, s0;
	s1 =	sshll.u32 s1, $0x11  }
0xbb: {  	s0 =	sor.u32 s1, s0  }
0xbc: {  	s0 =	sadd.s32 $0x8F2B, s0  }
0xbd: {  	[sflag:s0] =	ssyncadd.remote.s32 $0x1  }
0xbe: {  	_ =	sfence.sel $0xFFFF  }
0xbf: {  	[dreg:$0x0] =	wrdreg $0xFFFFFFFF;
	(pc) =	sbr.abs _section_cstart, $3  }
0xc0: {  	[dreg:$0x1] =	wrdreg $0xFFFFFFFF  }
0xc1: {  	_ =	task.clear_ibuf [dreg:s6], $0x2FFFF;
	_ =	strace $0x9FFFFFFF  }
0xc2: {  	(tm) =	ssettm $0x7FFFFFFF  }
0xc3: {  	_ =	shalt  }
tec
execute0_lowered:
.L_overlay_start_1:
0x0: {  	(tag) =	ssettag $0x1  }
0x1: {  	s0 =	srdreg.scid;
	s5 =	rddreg [dreg:$0x0]  }
0x2: {  	s7 =	stileid.u32;
	s2 =	rddreg [dreg:$0x1];
	s3 =	simm.s32 $0x0  }
0x3: {  	s18 =	simm.s32 $0x4E20;
	s20 =	simm.s32 $0x1;
	s21 =	simm.s32 $0x2  }
0x4: {  	s29 =	simm.s32 $0x9E20;
	s31 =	simm.s32 $0xB220;
	s30 =	simm.s32 $0x3  }
0x5: {  	s0 =	sand.u32 $0x1, s0;
	s1 =	sshll.u32 s7, $0x1;
	s8 =	smul.u32 $0xA000, s7  }
0x6: {  	[smem:$0x7FF] =	sst s3;
	s4 =	sadd.s32 $0x15800, s5;
	s7 =	smul.u32 $0x28000, s7  }
0x7: {  	s9 =	sadd.s32 $0x29200, s5;
	s1 =	sor.u32 s0, s1;
	s6 =	smul.u32 $0xA0000, s0  }
0x8: {  	_ =	strace $0x8000004D;
	s0 =	ssub.s32 $0x2, s0;
	[dreg:$0x3] =	wrdreg s9  }
0x9: {  	s1 =	smul.u32 $0x4E2, s1;
	s22 =	sshrl.u32 s0, $0x1;
	s23 =	sshrl.u32 s7, $0x2  }
0xa: {  	s6 =	sadd.s32 s8, s6;
	s0 =	ssub.s32 s0, s22;
	s25 =	sadd.s32 s23, s2  }
0xb: {  	s8 =	sadd.s32 s8, s2;
	s22 =	simm.s32 $0x50;
	s23 =	simm.s32 $0x6220  }
0xc: {  	s1 =	sadd.s32 s1, s5;
	s6 =	sshrl.u32 s6, $0x3;
	s26 =	sadd.s32 $0x1400, s25  }
0xd: {  	s28 =	sadd.s32 $0x2800, s25;
	s11 =	sadd.s32 $0x3C00, s25;
	s12 =	sadd.s32 $0x5000, s25  }
0xe: {  	s13 =	sadd.s32 $0x6400, s25;
	s14 =	sadd.s32 $0x7800, s25;
	[dreg:$0x6] =	wrdreg s26  }
0xf: {  	s15 =	sadd.s32 $0x8C00, s25;
	s24 =	sadd.s32 $0x1C00, s1;
	[dreg:$0x7] =	wrdreg s28  }
0x10: {  	s17 =	smax.u32 s0, $0x1;
	s1 =	sadd.s32 $0xBA00, s1;
	[dreg:$0x4] =	wrdreg s24  }
0x11: {  	s5 =	sadd.s32 s6, s5;
	s26 =	simm.s32 $0x8A20;
	[dreg:$0x5] =	wrdreg s1  }
0x12: {  	s16 =	sadd.s32 $0x29600, s5;
	s24 =	simm.s32 $0x7620;
	s1 =	simm.s32 $0x0  }
.LBB2_1:
0x13: {  	s0 =	rddreg [dreg:$0x3]  }
0x14: {  	[tilespmem:s18], [sflag:$0x1] =	stream.linear.gather [hbm4b:s0+s3], $0x1400, $0x38;
	[tilespmem:$0x1CA20] =	vst v63  }
0x15: {  	s19 =	rddreg [dreg:$0x4]  }
0x16: {  	[tilespmem:s3], [sflag:$0x1] =	stream.linear.gather [hbm4b:s19+s3], $0x2710, $0x38;
	[tilespmem:$0x1CA20] =	vst v63  }
0x17: {  	s25 =	rddreg [dreg:$0x5];
	s5 =	simm.s32 $0x2710  }
0x18: {  	[tilespmem:s5], [sflag:$0x1] =	stream.linear.gather [hbm4b:s25+s3], $0x2710, $0x38;
	[tilespmem:$0x1CA20] =	vst v63  }
0x19: {  	_ =	swait.ge [sflag:s20], $0x1400  }
0x1a: {  	[sflag:s20] =	ssyncset.done $0x0  }
0x1b: {  	[sflag:s20] =	ssyncadd.s32 $0xFFFFEC00  }
0x1c: {  	[spmem:s8] =	stream.linear.scatter [tilespmem:s18], [sflag:$0x2], $0x1400, $0x38;
	[tilespmem:$0x1CA20] =	vst v63  }
0x1d: {  	s6 =	rddreg [dreg:$0x6]  }
0x1e: {  	[spmem:s6] =	stream.linear.scatter [tilespmem:s18], [sflag:$0x2], $0x1400, $0x38;
	[tilespmem:$0x1CA20] =	vst v63  }
0x1f: {  	s7 =	rddreg [dreg:$0x7]  }
0x20: {  	[spmem:s7] =	stream.linear.scatter [tilespmem:s18], [sflag:$0x2], $0x1400, $0x38;
	[tilespmem:$0x1CA20] =	vst v63  }
0x21: {  	_ = 	snop  }
0x22: {  	[spmem:s11] =	stream.linear.scatter [tilespmem:s18], [sflag:$0x2], $0x1400, $0x38;
	[tilespmem:$0x1CA20] =	vst v63  }
0x23: {  	_ = 	snop  }
0x24: {  	[spmem:s12] =	stream.linear.scatter [tilespmem:s18], [sflag:$0x2], $0x1400, $0x38;
	[tilespmem:$0x1CA20] =	vst v63  }
0x25: {  	_ = 	snop  }
0x26: {  	[spmem:s13] =	stream.linear.scatter [tilespmem:s18], [sflag:$0x2], $0x1400, $0x38;
	[tilespmem:$0x1CA20] =	vst v63  }
0x27: {  	_ = 	snop  }
0x28: {  	[spmem:s14] =	stream.linear.scatter [tilespmem:s18], [sflag:$0x2], $0x1400, $0x38;
	[tilespmem:$0x1CA20] =	vst v63  }
0x29: {  	_ = 	snop  }
0x2a: {  	[spmem:s15] =	stream.linear.scatter [tilespmem:s18], [sflag:$0x2], $0x1400, $0x38;
	[tilespmem:$0x1CA20] =	vst v63  }
0x2b: {  	_ =	swait.ge [sflag:s20], $0x2710  }
0x2c: {  	[sflag:s20] =	ssyncset.done $0x0  }
0x2d: {  	[sflag:s20] =	ssyncadd.s32 $0xFFFFD8F0  }
0x2e: {  	_ =	swait.ge [sflag:s20], $0x2710  }
0x2f: {  	[sflag:s20] =	ssyncset.done $0x0  }
0x30: {  	[sflag:s20] =	ssyncadd.s32 $0xFFFFD8F0  }
0x31: {  	_ =	swait.ge [sflag:s21], $0x1400  }
0x32: {  	[sflag:s21] =	ssyncset.done $0x0  }
0x33: {  	[sflag:s21] =	ssyncadd.s32 $0xFFFFEC00  }
0x34: {  	_ =	swait.ge [sflag:s21], $0x1400  }
0x35: {  	[sflag:s21] =	ssyncset.done $0x0  }
0x36: {  	[sflag:s21] =	ssyncadd.s32 $0xFFFFEC00  }
0x37: {  	_ =	swait.ge [sflag:s21], $0x1400  }
0x38: {  	[sflag:s21] =	ssyncset.done $0x0  }
0x39: {  	[sflag:s21] =	ssyncadd.s32 $0xFFFFEC00  }
0x3a: {  	_ =	swait.ge [sflag:s21], $0x1400  }
0x3b: {  	[sflag:s21] =	ssyncset.done $0x0  }
0x3c: {  	[sflag:s21] =	ssyncadd.s32 $0xFFFFEC00  }
0x3d: {  	_ =	swait.ge [sflag:s21], $0x1400  }
0x3e: {  	[sflag:s21] =	ssyncset.done $0x0  }
0x3f: {  	[sflag:s21] =	ssyncadd.s32 $0xFFFFEC00  }
0x40: {  	_ =	swait.ge [sflag:s21], $0x1400  }
0x41: {  	[sflag:s21] =	ssyncset.done $0x0  }
0x42: {  	[sflag:s21] =	ssyncadd.s32 $0xFFFFEC00  }
0x43: {  	_ =	swait.ge [sflag:s21], $0x1400  }
0x44: {  	[sflag:s21] =	ssyncset.done $0x0  }
0x45: {  	[sflag:s21] =	ssyncadd.s32 $0xFFFFEC00  }
0x46: {  	_ =	swait.ge [sflag:s21], $0x1400  }
0x47: {  	[sflag:s21] =	ssyncset.done $0x0  }
0x48: {  	[sflag:s21] =	ssyncadd.s32 $0xFFFFEC00  }
0x49: {  	[bflag:$0x0] =	sbarrier.arrive $0xFFFF  }
0x4a: {  	[tilespmem:s23], [sflag:$0x1] =	stream.indirect.gather [hbm4b:s4+s22], $0x40, s3, s22, $0xb8;
	[tilespmem:$0x1CA20] =	vst v63  }
0x4b: {  	_ = 	snop  }
0x4c: {  	[tilespmem:s24], [sflag:$0x1] =	stream.indirect.gather [hbm4b:s4+s22], $0x40, s22, s22, $0xb8;
	[tilespmem:$0x1CA20] =	vst v63  }
0x4d: {  	s9 =	simm.s32 $0xA0  }
0x4e: {  	[tilespmem:s26], [sflag:$0x1] =	stream.indirect.gather [hbm4b:s4+s22], $0x40, s9, s22, $0xb8;
	[tilespmem:$0x1CA20] =	vst v63  }
0x4f: {  	s10 =	simm.s32 $0xF0;
	s0 =	sand.u32 $0x1, s3  }
0x50: {  	[tilespmem:s29], [sflag:$0x1] =	stream.indirect.gather [hbm4b:s4+s22], $0x40, s10, s22, $0xb8;
	[tilespmem:$0x1CA20] =	vst v63  }
0x51: {  	s19 =	simm.s32 $0x140;
	s25 =	smul.u32 $0x19000, s0  }
0x52: {  	[tilespmem:s31], [sflag:$0x1] =	stream.indirect.gather [hbm4b:s4+s22], $0x40, s19, s22, $0xb8;
	[tilespmem:$0x1CA20] =	vst v63  }
0x53: {  	_ =	swait.ge [sflag:s20], $0x1400  }
0x54: {  	s5 =	sshrl.u32 s25, $0x2;
	[sflag:s20] =	ssyncset.done $0x0  }
0x55: {  	s25 =	simm.s32 $0x2710;
	s19 =	sadd.s32 $0x6220, s5;
	[sflag:s20] =	ssyncadd.s32 $0xFFFFEC00  }
0x56: {  	[spmem:s2] =	stream.indirect.scatter.add.f32 [tilespmem:s19], [sflag:$0x2], $0x40, s25, s22, $0xb8;
	[tilespmem:$0x1CA20] =	vst v63  }
0x57: {  	_ =	swait.ge [sflag:s20], $0x1400  }
0x58: {  	[sflag:s20] =	ssyncset.done $0x0  }
0x59: {  	s6 =	sadd.s32 $0x7620, s5;
	s7 =	simm.s32 $0x2760;
	[sflag:s20] =	ssyncadd.s32 $0xFFFFEC00  }
0x5a: {  	[spmem:s2] =	stream.indirect.scatter.add.f32 [tilespmem:s6], [sflag:$0x2], $0x40, s7, s22, $0xb8;
	[tilespmem:$0x1CA20] =	vst v63  }
0x5b: {  	_ =	swait.ge [sflag:s20], $0x1400  }
0x5c: {  	[sflag:s20] =	ssyncset.done $0x0  }
0x5d: {  	s9 =	sadd.s32 $0x8A20, s5;
	s10 =	simm.s32 $0x27B0;
	[sflag:s20] =	ssyncadd.s32 $0xFFFFEC00  }
0x5e: {  	[spmem:s2] =	stream.indirect.scatter.add.f32 [tilespmem:s9], [sflag:$0x2], $0x40, s10, s22, $0xb8;
	[tilespmem:$0x1CA20] =	vst v63  }
0x5f: {  	s0 =	sxor.u32 $0x1, s0;
	_ =	swait.ge [sflag:s20], $0x1400  }
0x60: {  	s0 =	smul.u32 $0x19000, s0;
	[sflag:s20] =	ssyncset.done $0x0  }
0x61: {  	s25 =	sadd.s32 $0x9E20, s5;
	s6 =	simm.s32 $0x2800;
	[sflag:s20] =	ssyncadd.s32 $0xFFFFEC00  }
0x62: {  	[spmem:s2] =	stream.indirect.scatter.add.f32 [tilespmem:s25], [sflag:$0x2], $0x40, s6, s22, $0xb8;
	[tilespmem:$0x1CA20] =	vst v63  }
0x63: {  	_ =	swait.ge [sflag:s20], $0x1400  }
0x64: {  	s0 =	sshrl.u32 s0, $0x2;
	[sflag:s20] =	ssyncset.done $0x0  }
0x65: {  	s5 =	sadd.s32 $0xB220, s5;
	s7 =	simm.s32 $0x2850;
	[sflag:s20] =	ssyncadd.s32 $0xFFFFEC00  }
0x66: {  	[spmem:s2] =	stream.indirect.scatter.add.f32 [tilespmem:s5], [sflag:$0x2], $0x40, s7, s22, $0xb8;
	[tilespmem:$0x1CA20] =	vst v63  }
0x67: {  	s9 =	simm.s32 $0x190;
	s10 =	sadd.s32 $0x6220, s0  }
0x68: {  	[tilespmem:s10], [sflag:$0x1] =	stream.indirect.gather [hbm4b:s4+s22], $0x40, s9, s22, $0xb8;
	[tilespmem:$0x1CA20] =	vst v63  }
0x69: {  	s19 =	sadd.s32 $0x7620, s0;
	s25 =	simm.s32 $0x1E0  }
0x6a: {  	[tilespmem:s19], [sflag:$0x1] =	stream.indirect.gather [hbm4b:s4+s22], $0x40, s25, s22, $0xb8;
	[tilespmem:$0x1CA20] =	vst v63  }
0x6b: {  	s6 =	sadd.s32 $0x8A20, s0;
	s7 =	simm.s32 $0x230  }
0x6c: {  	[tilespmem:s6], [sflag:$0x1] =	stream.indirect.gather [hbm4b:s4+s22], $0x40, s7, s22, $0xb8;
	[tilespmem:$0x1CA20] =	vst v63  }
0x6d: {  	s9 =	sadd.s32 $0x9E20, s0;
	s10 =	simm.s32 $0x280  }
0x6e: {  	[tilespmem:s9], [sflag:$0x1] =	stream.indirect.gather [hbm4b:s4+s22], $0x40, s10, s22, $0xb8;
	[tilespmem:$0x1CA20] =	vst v63  }
0x6f: {  	s0 =	sadd.s32 $0xB220, s0;
	s25 =	simm.s32 $0x2D0  }
0x70: {  	[tilespmem:s0], [sflag:$0x1] =	stream.indirect.gather [hbm4b:s4+s22], $0x40, s25, s22, $0xb8;
	[tilespmem:$0x1CA20] =	vst v63  }
0x71: {  	_ =	swait.ge [sflag:s21], $0x1400  }
0x72: {  	[sflag:s21] =	ssyncset.done $0x0  }
0x73: {  	[sflag:s21] =	ssyncadd.s32 $0xFFFFEC00  }
0x74: {  	_ =	swait.ge [sflag:s21], $0x1400  }
0x75: {  	[sflag:s21] =	ssyncset.done $0x0  }
0x76: {  	[sflag:s21] =	ssyncadd.s32 $0xFFFFEC00  }
0x77: {  	_ =	swait.ge [sflag:s21], $0x1400  }
0x78: {  	[sflag:s21] =	ssyncset.done $0x0  }
0x79: {  	[sflag:s21] =	ssyncadd.s32 $0xFFFFEC00  }
0x7a: {  	_ =	swait.ge [sflag:s21], $0x1400  }
0x7b: {  	[sflag:s21] =	ssyncset.done $0x0  }
0x7c: {  	s19 =	simm.s32 $0x640;
	s0 =	simm.s32 $0x1;
	[sflag:s21] =	ssyncadd.s32 $0xFFFFEC00  }
0x7d: {  	s25 =	simm.s32 $0xC80;
	s28 =	sand.u32 $0x1, s0;
	_ =	swait.ge [sflag:s21], $0x1400  }
.LBB2_2:
0x7e: {  	p0 =	sne.s32 s25, $0x8FC0;
	s5 =	smul.u32 $0x19000, s28;
	[sflag:s21] =	ssyncset.done $0x0  }
0x7f: {  	s6 =	smov.u32 s25;
	s25 =	sadd.s32 $0x640, s25;
	[sflag:s21] =	ssyncadd.s32 $0xFFFFEC00  }
0x80: {  	s7 =	sshrl.u32 s5, $0x2;
	_ =	swait.ge [sflag:s20], $0x1400  }
0x81: {  	s5 =	sshra.s32 s19, $0x2;
	s9 =	sadd.s32 $0x6220, s7;
	[sflag:s20] =	ssyncset.done $0x0  }
0x82: {  	s19 =	smov.u32 s6;
	s10 =	sadd.s32 $0x2710, s5;
	[sflag:s20] =	ssyncadd.s32 $0xFFFFEC00  }
0x83: {  	[spmem:s2] =	stream.indirect.scatter.add.f32 [tilespmem:s9], [sflag:$0x2], $0x40, s10, s22, $0xb8;
	[tilespmem:$0x1CA20] =	vst v63  }
0x84: {  	_ =	swait.ge [sflag:s20], $0x1400  }
0x85: {  	s6 =	sadd.s32 $0x7620, s7;
	[sflag:s20] =	ssyncset.done $0x0  }
0x86: {  	s9 =	sadd.s32 $0x2760, s5;
	[sflag:s20] =	ssyncadd.s32 $0xFFFFEC00  }
0x87: {  	[spmem:s2] =	stream.indirect.scatter.add.f32 [tilespmem:s6], [sflag:$0x2], $0x40, s9, s22, $0xb8;
	[tilespmem:$0x1CA20] =	vst v63  }
0x88: {  	_ =	swait.ge [sflag:s20], $0x1400  }
0x89: {  	s6 =	sadd.s32 $0x8A20, s7;
	[sflag:s20] =	ssyncset.done $0x0  }
0x8a: {  	s9 =	sadd.s32 $0x27B0, s5;
	[sflag:s20] =	ssyncadd.s32 $0xFFFFEC00  }
0x8b: {  	[spmem:s2] =	stream.indirect.scatter.add.f32 [tilespmem:s6], [sflag:$0x2], $0x40, s9, s22, $0xb8;
	[tilespmem:$0x1CA20] =	vst v63  }
0x8c: {  	_ =	swait.ge [sflag:s20], $0x1400  }
0x8d: {  	s6 =	sadd.s32 $0x9E20, s7;
	[sflag:s20] =	ssyncset.done $0x0  }
0x8e: {  	s10 =	sxor.u32 $0x1, s28;
	s9 =	sadd.s32 $0x2800, s5;
	[sflag:s20] =	ssyncadd.s32 $0xFFFFEC00  }
0x8f: {  	[spmem:s2] =	stream.indirect.scatter.add.f32 [tilespmem:s6], [sflag:$0x2], $0x40, s9, s22, $0xb8;
	[tilespmem:$0x1CA20] =	vst v63  }
0x90: {  	s6 =	smul.u32 $0x19000, s10;
	_ =	swait.ge [sflag:s20], $0x1400  }
0x91: {  	s7 =	sadd.s32 $0xB220, s7;
	s9 =	sadd.s32 $0x2850, s5;
	[sflag:s20] =	ssyncset.done $0x0  }
0x92: {  	s10 =	sadd.s32 $0x190, s5;
	s6 =	sshrl.u32 s6, $0x2;
	[sflag:s20] =	ssyncadd.s32 $0xFFFFEC00  }
0x93: {  	[spmem:s2] =	stream.indirect.scatter.add.f32 [tilespmem:s7], [sflag:$0x2], $0x40, s9, s22, $0xb8;
	[tilespmem:$0x1CA20] =	vst v63  }
0x94: {  	s28 =	sadd.s32 $0x1E0, s5;
	s7 =	sadd.s32 $0x6220, s6;
	s9 =	sadd.s32 $0x7620, s6  }
0x95: {  	[tilespmem:s7], [sflag:$0x1] =	stream.indirect.gather [hbm4b:s4+s22], $0x40, s10, s22, $0xb8;
	[tilespmem:$0x1CA20] =	vst v63  }
0x96: {  	s7 =	sadd.s32 $0x8A20, s6;
	s10 =	sadd.s32 $0x230, s5  }
0x97: {  	[tilespmem:s9], [sflag:$0x1] =	stream.indirect.gather [hbm4b:s4+s22], $0x40, s28, s22, $0xb8;
	[tilespmem:$0x1CA20] =	vst v63  }
0x98: {  	s9 =	sadd.s32 $0x9E20, s6;
	s28 =	sadd.s32 $0x280, s5  }
0x99: {  	[tilespmem:s7], [sflag:$0x1] =	stream.indirect.gather [hbm4b:s4+s22], $0x40, s10, s22, $0xb8;
	[tilespmem:$0x1CA20] =	vst v63  }
0x9a: {  	s6 =	sadd.s32 $0xB220, s6;
	s5 =	sadd.s32 $0x2D0, s5  }
0x9b: {  	[tilespmem:s9], [sflag:$0x1] =	stream.indirect.gather [hbm4b:s4+s22], $0x40, s28, s22, $0xb8;
	[tilespmem:$0x1CA20] =	vst v63  }
0x9c: {  	_ = 	snop  }
0x9d: {  	[tilespmem:s6], [sflag:$0x1] =	stream.indirect.gather [hbm4b:s4+s22], $0x40, s5, s22, $0xb8;
	[tilespmem:$0x1CA20] =	vst v63  }
0x9e: {  	_ =	swait.ge [sflag:s21], $0x1400  }
0x9f: {  	[sflag:s21] =	ssyncset.done $0x0  }
0xa0: {  	[sflag:s21] =	ssyncadd.s32 $0xFFFFEC00  }
0xa1: {  	_ =	swait.ge [sflag:s21], $0x1400  }
0xa2: {  	[sflag:s21] =	ssyncset.done $0x0  }
0xa3: {  	[sflag:s21] =	ssyncadd.s32 $0xFFFFEC00  }
0xa4: {  	_ =	swait.ge [sflag:s21], $0x1400  }
0xa5: {  	[sflag:s21] =	ssyncset.done $0x0  }
.Ltmp0:
0xa6: {  	[sflag:s21] =	ssyncadd.s32 $0xFFFFEC00;
	(pc) =	sbr.rel @p0 .LBB2_2-.Ltmp0, $4  }
0xa7: {  	_ =	swait.ge [sflag:s21], $0x1400  }
0xa8: {  	[sflag:s21] =	ssyncset.done $0x0  }
0xa9: {  	s0 =	sadd.s32 $0x1, s0;
	[sflag:s21] =	ssyncadd.s32 $0xFFFFEC00  }
0xaa: {  	s28 =	sand.u32 $0x1, s0;
	_ =	swait.ge [sflag:s21], $0x1400  }
0xab: {  	[sflag:s21] =	ssyncset.done $0x0  }
0xac: {  	s0 =	smul.u32 $0x19000, s28;
	[sflag:s21] =	ssyncadd.s32 $0xFFFFEC00  }
0xad: {  	_ =	swait.ge [sflag:s20], $0x1400  }
0xae: {  	s5 =	sshra.s32 s19, $0x2;
	s0 =	sshrl.u32 s0, $0x2;
	[sflag:s20] =	ssyncset.done $0x0  }
0xaf: {  	s7 =	sadd.s32 $0x2710, s5;
	s6 =	sadd.s32 $0x6220, s0;
	[sflag:s20] =	ssyncadd.s32 $0xFFFFEC00  }
0xb0: {  	[spmem:s2] =	stream.indirect.scatter.add.f32 [tilespmem:s6], [sflag:$0x2], $0x40, s7, s22, $0xb8;
	[tilespmem:$0x1CA20] =	vst v63  }
0xb1: {  	_ =	swait.ge [sflag:s20], $0x1400  }
0xb2: {  	[sflag:s20] =	ssyncset.done $0x0  }
0xb3: {  	s25 =	sadd.s32 $0x2760, s5;
	s19 =	sadd.s32 $0x7620, s0;
	[sflag:s20] =	ssyncadd.s32 $0xFFFFEC00  }
0xb4: {  	[spmem:s2] =	stream.indirect.scatter.add.f32 [tilespmem:s19], [sflag:$0x2], $0x40, s25, s22, $0xb8;
	[tilespmem:$0x1CA20] =	vst v63  }
0xb5: {  	_ =	swait.ge [sflag:s20], $0x1400  }
0xb6: {  	[sflag:s20] =	ssyncset.done $0x0  }
0xb7: {  	s10 =	sadd.s32 $0x27B0, s5;
	s9 =	sadd.s32 $0x8A20, s0;
	[sflag:s20] =	ssyncadd.s32 $0xFFFFEC00  }
0xb8: {  	[spmem:s2] =	stream.indirect.scatter.add.f32 [tilespmem:s9], [sflag:$0x2], $0x40, s10, s22, $0xb8;
	[tilespmem:$0x1CA20] =	vst v63  }
0xb9: {  	s7 =	sxor.u32 $0x1, s28;
	_ =	swait.ge [sflag:s20], $0x1400  }
0xba: {  	s6 =	smul.u32 $0x19000, s7;
	[sflag:s20] =	ssyncset.done $0x0  }
0xbb: {  	s19 =	sadd.s32 $0x9E20, s0;
	s25 =	sadd.s32 $0x2800, s5;
	[sflag:s20] =	ssyncadd.s32 $0xFFFFEC00  }
0xbc: {  	[spmem:s2] =	stream.indirect.scatter.add.f32 [tilespmem:s19], [sflag:$0x2], $0x40, s25, s22, $0xb8;
	[tilespmem:$0x1CA20] =	vst v63  }
0xbd: {  	_ =	swait.ge [sflag:s20], $0x1400  }
0xbe: {  	s6 =	sshrl.u32 s6, $0x2;
	[sflag:s20] =	ssyncset.done $0x0  }
0xbf: {  	s0 =	sadd.s32 $0xB220, s0;
	s9 =	sadd.s32 $0x2850, s5;
	[sflag:s20] =	ssyncadd.s32 $0xFFFFEC00  }
0xc0: {  	[spmem:s2] =	stream.indirect.scatter.add.f32 [tilespmem:s0], [sflag:$0x2], $0x40, s9, s22, $0xb8;
	[tilespmem:$0x1CA20] =	vst v63  }
0xc1: {  	s10 =	sadd.s32 $0x190, s5;
	s19 =	sadd.s32 $0x6220, s6  }
0xc2: {  	[tilespmem:s19], [sflag:$0x1] =	stream.indirect.gather [hbm4b:s4+s22], $0x40, s10, s22, $0xb8;
	[tilespmem:$0x1CA20] =	vst v63  }
0xc3: {  	s28 =	sadd.s32 $0x1E0, s5;
	s25 =	sadd.s32 $0x7620, s6  }
0xc4: {  	[tilespmem:s25], [sflag:$0x1] =	stream.indirect.gather [hbm4b:s4+s22], $0x40, s28, s22, $0xb8;
	[tilespmem:$0x1CA20] =	vst v63  }
0xc5: {  	s9 =	sadd.s32 $0x8A20, s6;
	s10 =	sadd.s32 $0x230, s5  }
0xc6: {  	[tilespmem:s9], [sflag:$0x1] =	stream.indirect.gather [hbm4b:s4+s22], $0x40, s10, s22, $0xb8;
	[tilespmem:$0x1CA20] =	vst v63  }
0xc7: {  	s19 =	sadd.s32 $0x9E20, s6;
	s25 =	sadd.s32 $0x280, s5  }
0xc8: {  	[tilespmem:s19], [sflag:$0x1] =	stream.indirect.gather [hbm4b:s4+s22], $0x40, s25, s22, $0xb8;
	[tilespmem:$0x1CA20] =	vst v63  }
0xc9: {  	s28 =	sadd.s32 $0xB220, s6;
	s5 =	sadd.s32 $0x2D0, s5  }
0xca: {  	[tilespmem:s28], [sflag:$0x1] =	stream.indirect.gather [hbm4b:s4+s22], $0x40, s5, s22, $0xb8;
	[tilespmem:$0x1CA20] =	vst v63  }
0xcb: {  	_ =	swait.ge [sflag:s21], $0x1400  }
0xcc: {  	[sflag:s21] =	ssyncset.done $0x0  }
0xcd: {  	[sflag:s21] =	ssyncadd.s32 $0xFFFFEC00  }
0xce: {  	_ =	swait.ge [sflag:s21], $0x1400  }
0xcf: {  	[sflag:s21] =	ssyncset.done $0x0  }
0xd0: {  	[sflag:s21] =	ssyncadd.s32 $0xFFFFEC00  }
0xd1: {  	_ =	swait.ge [sflag:s21], $0x1400  }
0xd2: {  	[sflag:s21] =	ssyncset.done $0x0  }
0xd3: {  	[sflag:s21] =	ssyncadd.s32 $0xFFFFEC00  }
0xd4: {  	_ =	swait.ge [sflag:s21], $0x1400  }
0xd5: {  	[sflag:s21] =	ssyncset.done $0x0  }
0xd6: {  	[sflag:s21] =	ssyncadd.s32 $0xFFFFEC00  }
0xd7: {  	_ =	swait.ge [sflag:s21], $0x1400  }
0xd8: {  	[sflag:s21] =	ssyncset.done $0x0  }
0xd9: {  	[sflag:s21] =	ssyncadd.s32 $0xFFFFEC00  }
0xda: {  	_ =	swait.ge [sflag:s20], $0x1400  }
0xdb: {  	[sflag:s20] =	ssyncset.done $0x0  }
0xdc: {  	s6 =	simm.s32 $0x4C90;
	[sflag:s20] =	ssyncadd.s32 $0xFFFFEC00  }
0xdd: {  	[spmem:s2] =	stream.indirect.scatter.add.f32 [tilespmem:s23], [sflag:$0x2], $0x40, s6, s22, $0xb8;
	[tilespmem:$0x1CA20] =	vst v63  }
0xde: {  	_ =	swait.ge [sflag:s20], $0x1400  }
0xdf: {  	[sflag:s20] =	ssyncset.done $0x0  }
0xe0: {  	s7 =	simm.s32 $0x4CE0;
	[sflag:s20] =	ssyncadd.s32 $0xFFFFEC00  }
0xe1: {  	[spmem:s2] =	stream.indirect.scatter.add.f32 [tilespmem:s24], [sflag:$0x2], $0x40, s7, s22, $0xb8;
	[tilespmem:$0x1CA20] =	vst v63  }
0xe2: {  	_ =	swait.ge [sflag:s20], $0x1400  }
0xe3: {  	[sflag:s20] =	ssyncset.done $0x0  }
0xe4: {  	s9 =	simm.s32 $0x4D30;
	[sflag:s20] =	ssyncadd.s32 $0xFFFFEC00  }
0xe5: {  	[spmem:s2] =	stream.indirect.scatter.add.f32 [tilespmem:s26], [sflag:$0x2], $0x40, s9, s22, $0xb8;
	[tilespmem:$0x1CA20] =	vst v63  }
0xe6: {  	_ =	swait.ge [sflag:s20], $0x1400  }
0xe7: {  	[sflag:s20] =	ssyncset.done $0x0  }
0xe8: {  	s10 =	simm.s32 $0x4D80;
	[sflag:s20] =	ssyncadd.s32 $0xFFFFEC00  }
0xe9: {  	[spmem:s2] =	stream.indirect.scatter.add.f32 [tilespmem:s29], [sflag:$0x2], $0x40, s10, s22, $0xb8;
	[tilespmem:$0x1CA20] =	vst v63  }
0xea: {  	_ =	swait.ge [sflag:s20], $0x1400  }
0xeb: {  	[sflag:s20] =	ssyncset.done $0x0  }
0xec: {  	s19 =	simm.s32 $0x4DD0;
	[sflag:s20] =	ssyncadd.s32 $0xFFFFEC00  }
0xed: {  	[spmem:s2] =	stream.indirect.scatter.add.f32 [tilespmem:s31], [sflag:$0x2], $0x40, s19, s22, $0xb8;
	[tilespmem:$0x1CA20] =	vst v63  }
0xee: {  	_ =	swait.ge [sflag:s21], $0x1400  }
0xef: {  	[sflag:s21] =	ssyncset.done $0x0  }
0xf0: {  	[sflag:s21] =	ssyncadd.s32 $0xFFFFEC00  }
0xf1: {  	_ =	swait.ge [sflag:s21], $0x1400  }
0xf2: {  	[sflag:s21] =	ssyncset.done $0x0  }
0xf3: {  	[sflag:s21] =	ssyncadd.s32 $0xFFFFEC00  }
0xf4: {  	_ =	swait.ge [sflag:s21], $0x1400  }
0xf5: {  	[sflag:s21] =	ssyncset.done $0x0  }
0xf6: {  	[sflag:s21] =	ssyncadd.s32 $0xFFFFEC00  }
0xf7: {  	_ =	swait.ge [sflag:s21], $0x1400  }
0xf8: {  	[sflag:s21] =	ssyncset.done $0x0  }
0xf9: {  	[sflag:s21] =	ssyncadd.s32 $0xFFFFEC00  }
0xfa: {  	s25 =	stileid.u32;
	_ =	swait.ge [sflag:s21], $0x1400  }
0xfb: {  	s1 =	sadd.s32 $0x1, s1;
	s0 =	sshll.u32 s25, $0x6;
	[sflag:s21] =	ssyncset.done $0x0  }
0xfc: {  	p0 =	sne.s32 s1, s17;
	s0 =	sor.u32 $0x1C03, s0;
	[sflag:s21] =	ssyncadd.s32 $0xFFFFEC00  }
.Ltmp1:
0xfd: {  	s28 =	sshrl.u32 s8, $0x3;
	[bflag:$0x0] =	sbarrier.arrive $0xFFFF;
	(pc) =	sbr.rel @p0 .LBB2_1-.Ltmp1, $4  }
0xfe: {  	[hbm:s16], [sflag:s0] =	dma.local [spmem:s28], $0x1400  }
0xff: {  	_ =	swait.ge [sflag:s30], $0x1400  }
0x100: {  	[sflag:s30] =	ssyncset.done $0x0  }
0x101: {  	[sflag:s30] =	ssyncadd.s32 $0xFFFFEC00  }
0x102: {  	_ =	sfence.sel $0x180000  }
0x103: {  	[bflag:$0x0] =	sbarrier.arrive $0xFFFF  }
0x104: {  	_ =	strace $0x9000004D  }
0x105: {  	s0 =	stileid.u32;
	[bflag:$0x2] =	sbarrier.arrive $0xFFFF  }
0x106: {  	p0 =	sne.s32 s0, $0x0;
	s0 =	rddreg [dreg:$0x2]  }
0x107: {  	s0 =	sadd.s32 @!p0 $0x100000, s0  }
0x108: {  	[sflag:s0] =	ssyncadd.tile.s32 @!p0 $0x1;
	_ =	shalt  }
.Lfunc_end2:
_tile_overlayer_lowered:
.L_overlay_start_2:
0x109: {  	(tag) =	ssettag $0x2  }
0x10a: {  	s0 =	rddreg [dreg:$0x0];
	s2 =	stileid.u32  }
0x10b: {  	s1 =	rddreg [dreg:$0x1];
	p0 =	sne.s32 s2, $0x0  }
0x10c: {  	s3 =	rddreg [dreg:$0x2];
	[bflag:$0x3] =	sbarrier.arrive $0xFFFF;
	s2 =	simm.s32 @!p0 $0x1C03  }
0x10d: {  	[timem:s3], [sflag:s2] =	dma.local @!p0 [hbm:s0], s1  }
0x10e: {  	s0 =	simm.s32 @!p0 $0x3  }
0x10f: {  	_ =	swait.ge @!p0 [sflag:s0], s1  }
0x110: {  	s1 =	ssub.s32 @!p0 $0x0, s1;
	[sflag:s0] =	ssyncset.done @!p0 $0x0  }
0x111: {  	[sflag:s0] =	ssyncadd.s32 @!p0 s1  }
0x112: {  	[bflag:$0x3] =	sbarrier.arrive $0xFFFF  }
0x113: {  	_ =	shalt  }

// kernel: kernel.19.cloned.1.call-start
scs
__scs_entry_jumppad:
0x0: {  	(pc) =	sbr.rel $0x88, $3  }
0x1: {  	(tag) =	ssettag $0x0;
	lr =	simm.s32 $0x1  }
0x2: {  	[smem:$0x3F96] =	sst lr;
	_ =	strace $0xD0000000  }
0x3: {  	_ = 	snop  }
0x4: {  	_ = 	snop  }
0x5: {  	_ = 	snop  }
0x6: {  	_ = 	snop  }
0x7: {  	_ = 	snop  }
__scs_overlays_trampoline_lowered:
0x8: {  	[smem:$0x3FA5] =	sst s0  }
0x9: {  	[smem:$0x3FA6] =	sst s1  }
0xa: {  	[smem:$0x3FA7] =	sst s2  }
0xb: {  	[smem:$0x3FA8] =	sst s3  }
0xc: {  	[smem:$0x3FA9] =	sst s4  }
0xd: {  	[smem:$0x3FAA] =	sst s5  }
0xe: {  	[smem:$0x3FAB] =	sst s6  }
0xf: {  	[smem:$0x3FAC] =	sst s7  }
0x10: {  	[smem:$0x3FAD] =	sst s8  }
0x11: {  	[smem:$0x3FAE] =	sst s9;
	s0 =	simm.s32 @!p0 $0x0  }
0x12: {  	s1 =	sld [smem:$0x3F94];
	s0 =	simm.s32 @p0 $0x1  }
0x13: {  	[smem:$0x3FAF] =	sst s0;
	s0 =	simm.s32 @!p1 $0x0  }
0x14: {  	s2 =	sld [smem:$0x3F93];
	s0 =	simm.s32 @p1 $0x1  }
0x15: {  	[smem:$0x3FB0] =	sst s0;
	s0 =	simm.s32 @!p2 $0x0  }
0x16: {  	s3 =	sld [smem:$0x3FDB];
	s0 =	simm.s32 @p2 $0x1  }
0x17: {  	s4 =	simm.s32 $0x1BF5;
	[smem:$0x3FB2] =	sst s0  }
0x18: {  	s0 =	sld [smem:$0x3F95];
	_ =	swait.ge [sflag:s4], $0x0  }
0x19: {  	s7 =	sld [smem:$0x3F96]  }
0x1a: {  	s8 =	sadd.s32 $0xFFFFE003, lr  }
0x1b: {  	s9 =	sadd.s32 $0xFFFFFEF7, lr;
	s5 =	simm.s32 $0xFFFFFFFF;
	p2 =	slt.u32 s8, $0xFFFFF086  }
0x1c: {  	p1 =	slt.u32 s9, $0xF7A;
	s5 =	simm.s32 @!p2 $0x0  }
0x1d: {  	s5 =	simm.s32 @p1 $0x1;
	p0 =	seq.s32 s7, s2  }
0x1e: {  	s7 =	smul.u32 @!p0 $0xF7A, s2;
	p2 =	seq.s32 @!p0 s5, $0x0  }
0x1f: {  	s9 =	smul.u32 $0xF7A, s1;
	s8 =	simm.s32 @!p0 $0x1BF5;
	p2 =	por !p2, p0  }
0x20: {  	[sflag:s8] =	ssyncset.s32 @!p0 $0xFFFFF086;
	s6 =	sadd.s32 @!p0 s3, s7;
	s7 =	simm.s32 @!p0 $0x108  }
0x21: {  	s3 =	sadd.s32 s3, s9;
	s6 =	sadd.s32 @!p0 $0x88, s6;
	s7 =	simm.s32 @p2 $0x1082  }
0x22: {  	[simem:s7], [sflag:s8] =	dma.local @!p0 [hbm:s6], $0xF7A  }
0x23: {  	s9 =	sor.u32 $0xD0000000, s2;
	s6 =	simm.s32 $0x108;
	_ =	swait.ge @!p0 [sflag:s8], $0x0  }
0x24: {  	s3 =	sadd.s32 $0x88, s3;
	s6 =	simm.s32 @!p1 $0x1082;
	[sflag:s4] =	ssyncset.s32 $0xFFFFF086  }
0x25: {  	[simem:s6], [sflag:s4] =	dma.local [hbm:s3], $0xF7A  }
0x26: {  	[smem:$0x3F96] =	sst s1;
	(tag) =	ssettag s2;
	_ =	strace s9  }
0x27: {  	s1 =	sld [smem:$0x3FA6]  }
0x28: {  	s2 =	sld [smem:$0x3FA7]  }
0x29: {  	s4 =	sld [smem:$0x3FA9]  }
0x2a: {  	p0 =	seq.s32 s5, $0x0;
	s5 =	sld [smem:$0x3FAA]  }
0x2b: {  	s6 =	sld [smem:$0x3FAB]  }
0x2c: {  	s7 =	sld [smem:$0x3FAC]  }
0x2d: {  	s3 =	simm.s32 $0x108;
	s8 =	sld [smem:$0x3FAD]  }
0x2e: {  	s3 =	simm.s32 @!p0 $0x1082;
	s9 =	sld [smem:$0x3FAE]  }
0x2f: {  	lr =	sadd.s32 s0, s3;
	s0 =	sld [smem:$0x3FA5]  }
0x30: {  	s3 =	sld [smem:$0x3FA8]  }
0x31: {  	[smem:$0x3FB1] =	sst s10  }
0x32: {  	s10 =	sld [smem:$0x3FAF];
	_ =	sdelay $0x3  }
0x33: {  	p0 =	seq.s32 s10, $0x1;
	s10 =	sld [smem:$0x3FB1];
	_ =	sdelay $0x3  }
0x34: {  	[smem:$0x3FB1] =	sst s10  }
0x35: {  	s10 =	sld [smem:$0x3FB0];
	_ =	sdelay $0x3  }
0x36: {  	p1 =	seq.s32 s10, $0x1;
	s10 =	sld [smem:$0x3FB1];
	_ =	sdelay $0x3  }
0x37: {  	[smem:$0x3FB1] =	sst s10  }
0x38: {  	s10 =	sld [smem:$0x3FB2]  }
0x39: {  	_ = 	snop;
	(pc) =	sbr.ind lr, $3  }
0x3a: {  	_ = 	snop  }
0x3b: {  	_ = 	snop  }
0x3c: {  	p2 =	seq.s32 s10, $0x1;
	s10 =	sld [smem:$0x3FB1]  }
0x3d: {  	_ =	shalt  }
0x3e: {  	_ =	shalt  }
0x3f: {  	_ =	shalt  }
0x40: {  	_ =	shalt  }
0x41: {  	_ =	shalt  }
0x42: {  	_ =	shalt  }
0x43: {  	_ =	shalt  }
0x44: {  	_ =	shalt  }
0x45: {  	_ =	shalt  }
0x46: {  	_ =	shalt  }
0x47: {  	_ =	shalt  }
0x48: {  	_ =	shalt  }
0x49: {  	_ =	shalt  }
0x4a: {  	_ =	shalt  }
0x4b: {  	_ =	shalt  }
0x4c: {  	_ =	shalt  }
0x4d: {  	_ =	shalt  }
0x4e: {  	_ =	shalt  }
0x4f: {  	_ =	shalt  }
0x50: {  	_ =	shalt  }
0x51: {  	_ =	shalt  }
0x52: {  	_ =	shalt  }
0x53: {  	_ =	shalt  }
0x54: {  	_ =	shalt  }
0x55: {  	_ =	shalt  }
0x56: {  	_ =	shalt  }
0x57: {  	_ =	shalt  }
0x58: {  	_ =	shalt  }
0x59: {  	_ =	shalt  }
0x5a: {  	_ =	shalt  }
0x5b: {  	_ =	shalt  }
0x5c: {  	_ =	shalt  }
0x5d: {  	_ =	shalt  }
0x5e: {  	_ =	shalt  }
0x5f: {  	_ =	shalt  }
0x60: {  	_ =	shalt  }
0x61: {  	_ =	shalt  }
0x62: {  	_ =	shalt  }
0x63: {  	_ =	shalt  }
0x64: {  	_ =	shalt  }
0x65: {  	_ =	shalt  }
0x66: {  	_ =	shalt  }
0x67: {  	_ =	shalt  }
0x68: {  	_ =	shalt  }
0x69: {  	_ =	shalt  }
0x6a: {  	_ =	shalt  }
0x6b: {  	_ =	shalt  }
0x6c: {  	_ =	shalt  }
0x6d: {  	_ =	shalt  }
0x6e: {  	_ =	shalt  }
0x6f: {  	_ =	shalt  }
0x70: {  	_ =	shalt  }
0x71: {  	_ =	shalt  }
0x72: {  	_ =	shalt  }
0x73: {  	_ =	shalt  }
0x74: {  	_ =	shalt  }
0x75: {  	_ =	shalt  }
0x76: {  	_ =	shalt  }
0x77: {  	_ =	shalt  }
0x78: {  	_ =	shalt  }
0x79: {  	_ =	shalt  }
0x7a: {  	_ =	shalt  }
0x7b: {  	_ =	shalt  }
0x7c: {  	_ =	shalt  }
0x7d: {  	_ =	shalt  }
0x7e: {  	_ =	shalt  }
0x7f: {  	_ =	shalt  }
0x80: {  	_ =	shalt  }
0x81: {  	_ =	shalt  }
0x82: {  	_ =	shalt  }
0x83: {  	_ =	shalt  }
0x84: {  	_ =	shalt  }
0x85: {  	_ =	shalt  }
0x86: {  	_ =	shalt  }
0x87: {  	_ =	shalt  }
.Lfunc_end0:
.L_simem_size_0:
called_computation.3_lowered:
.L_overlay_start_0:
0x88: {  	s2 =	sld [smem:$0x3FD9]  }
0x89: {  	s3 =	sld [smem:$0x3FFE];
	_ =	sdelay $0x1  }
0x8a: {  	s1 =	srdreg.scid  }
0x8b: {  	s0 =	sand.u32 $0x1, s1  }
0x8c: {  	s16 =	sshll.u32 s0, $0xA;
	s2 =	sadd.s32 s3, s2  }
0x8d: {  	s2 =	sadd.s32 s2, s16  }
0x8e: {  	[smem:$0x3FBD] =	sst s2  }
0x8f: {  	_ = 	snop  }
0x90: {  	(tm) =	ssettm $0x1  }
0x91: {  	s17 =	sld [smem:$0x3FFB];
	_ =	sdelay $0x3  }
0x92: {  	_ =	strace s17  }
0x93: {  	s2 =	sld [smem:$0x3FFC];
	_ =	sdelay $0x3  }
0x94: {  	_ =	strace s2  }
0x95: {  	s2 =	sld [smem:$0x3FFD];
	_ =	sdelay $0x3  }
0x96: {  	_ =	strace s2  }
0x97: {  	_ =	strace $0x8FFFFFFF  }
0x98: {  	s18 =	sld [smem:$0x3FDB];
	_ =	sdelay $0x1  }
0x99: {  	s19 =	simm.s32 $_scs_section_size  }
0x9a: {  	s4 =	simm.s32 $_size__tile_overlayer_lowered;
	s5 =	simm.s32 $_tile_overlayer_lowered  }
0x9b: {  	s22 =	simm.s32 $0x1BFF;
	s21 =	sshll.u32 s5, $0x1;
	s2 =	sadd.s32 s19, s18  }
0x9c: {  	s6 =	simm.s32 $0x0;
	s20 =	sshll.u32 s4, $0x1;
	s4 =	sadd.s32 s21, s2  }
0x9d: {  	[timem:s6], [sflag:s22] =	dma.local [hbm:s4], s20  }
0x9e: {  	_ =	swait.ge [sflag:s22], s20  }
0x9f: {  	s3 =	ssub.s32 $0x0, s20;
	[sflag:s22] =	ssyncset.done $0x0  }
0xa0: {  	[sflag:s22] =	ssyncadd.s32 s3;
	_ =	sdelay $0x1  }
0xa1: {  	s23 =	simm.s32 $0x1B8B  }
0xa2: {  	_ =	swait.ge [sflag:s23], $0x1  }
0xa3: {  	[sflag:s23] =	ssyncset.done $0x0  }
0xa4: {  	s25 =	simm.s32 $0x1B8E;
	s24 =	sld [smem:$0x3FFE];
	[sflag:s23] =	ssyncadd.s32 $0xFFFFFFFF  }
0xa5: {  	s26 =	simm.s32 $execute0_lowered;
	[smem:$0x3FD2] =	sst s25  }
0xa6: {  	s4 =	sshll.u32 s26, $0x1;
	_ =	strace $0x8000004F;
	[dreg:$0x1] =	wrdreg $0xFFFFFFFF  }
0xa7: {  	s28 =	simm.s32 $_size_execute0_lowered;
	s2 =	sadd.s32 s2, s4;
	[dreg:$0x0] =	wrdreg $0x0  }
0xa8: {  	s4 =	sshll.u32 s28, $0x1;
	[dreg:$0x2] =	wrdreg s2  }
0xa9: {  	[dreg:$0x3] =	wrdreg s4  }
0xaa: {  	[dreg:$0x4] =	wrdreg $0xC0  }
0xab: {  	_ =	task [dreg:s6], $0x5FFFF  }
0xac: {  	[dreg:$0x1] =	wrdreg $0xFFFFFFFF  }
0xad: {  	[dreg:$0x0] =	wrdreg $0x60  }
0xae: {  	[dreg:$0x2] =	wrdreg s24  }
0xaf: {  	[dreg:$0x3] =	wrdreg $0x12A200  }
0xb0: {  	[dreg:$0x4] =	wrdreg $0x9  }
0xb1: {  	_ =	task.clear_ibuf [dreg:s6], $0x5FFFF;
	_ =	strace $0x9000004F  }
0xb2: {  	s29 =	simm.s32 $0x9;
	_ =	strace $0x80000051  }
0xb3: {  	_ =	swait.ge [sflag:s29], $0x1  }
0xb4: {  	[sflag:s29] =	ssyncadd.s32 $0xFFFFFFFF  }
0xb5: {  	_ =	strace $0x90000051  }
0xb6: {  	_ =	sfence  }
0xb7: {  	s30 =	sld [smem:$0x0];
	_ =	sdelay $0x2  }
0xb8: {  	s31 =	sshll.u32 s1, $0xD;
	s1 =	sshrl.u32 s1, $0x2  }
0xb9: {  	s3 =	sand.u32 $0x4000, s31;
	s1 =	sadd.s32 s1, s30  }
0xba: {  	s0 =	sor.u32 s3, s0;
	s1 =	sshll.u32 s1, $0x11  }
0xbb: {  	s0 =	sor.u32 s1, s0  }
0xbc: {  	s0 =	sadd.s32 $0x8F2B, s0  }
0xbd: {  	[sflag:s0] =	ssyncadd.remote.s32 $0x1  }
0xbe: {  	_ =	sfence.sel $0xFFFF  }
0xbf: {  	[dreg:$0x0] =	wrdreg $0xFFFFFFFF;
	(pc) =	sbr.abs _section_cstart, $3  }
0xc0: {  	[dreg:$0x1] =	wrdreg $0xFFFFFFFF  }
0xc1: {  	_ =	task.clear_ibuf [dreg:s6], $0x2FFFF;
	_ =	strace $0x9FFFFFFF  }
0xc2: {  	(tm) =	ssettm $0x7FFFFFFF  }
0xc3: {  	_ =	shalt  }
tec
execute0_lowered:
.L_overlay_start_1:
0x0: {  	(tag) =	ssettag $0x1  }
0x1: {  	s0 =	srdreg.scid;
	s5 =	rddreg [dreg:$0x0]  }
0x2: {  	s7 =	stileid.u32;
	s2 =	rddreg [dreg:$0x1];
	s3 =	simm.s32 $0x0  }
0x3: {  	s18 =	simm.s32 $0x4E20;
	s20 =	simm.s32 $0x1;
	s21 =	simm.s32 $0x2  }
0x4: {  	s29 =	simm.s32 $0x9E20;
	s31 =	simm.s32 $0xB220;
	s30 =	simm.s32 $0x3  }
0x5: {  	s0 =	sand.u32 $0x1, s0;
	s1 =	sshll.u32 s7, $0x1;
	s8 =	smul.u32 $0xA000, s7  }
0x6: {  	[smem:$0x7FF] =	sst s3;
	s4 =	sadd.s32 $0x15800, s5;
	s7 =	smul.u32 $0x28000, s7  }
0x7: {  	s9 =	sadd.s32 $0x29200, s5;
	s1 =	sor.u32 s0, s1;
	s6 =	smul.u32 $0xA0000, s0  }
0x8: {  	_ =	strace $0x80000050;
	s0 =	ssub.s32 $0x2, s0;
	[dreg:$0x3] =	wrdreg s9  }
0x9: {  	s1 =	smul.u32 $0x4E2, s1;
	s22 =	sshrl.u32 s0, $0x1;
	s23 =	sshrl.u32 s7, $0x2  }
0xa: {  	s6 =	sadd.s32 s8, s6;
	s0 =	ssub.s32 s0, s22;
	s25 =	sadd.s32 s23, s2  }
0xb: {  	s8 =	sadd.s32 s8, s2;
	s22 =	simm.s32 $0x50;
	s23 =	simm.s32 $0x6220  }
0xc: {  	s1 =	sadd.s32 s1, s5;
	s6 =	sshrl.u32 s6, $0x3;
	s26 =	sadd.s32 $0x1400, s25  }
0xd: {  	s28 =	sadd.s32 $0x2800, s25;
	s11 =	sadd.s32 $0x3C00, s25;
	s12 =	sadd.s32 $0x5000, s25  }
0xe: {  	s13 =	sadd.s32 $0x6400, s25;
	s14 =	sadd.s32 $0x7800, s25;
	[dreg:$0x6] =	wrdreg s26  }
0xf: {  	s15 =	sadd.s32 $0x8C00, s25;
	s24 =	sadd.s32 $0x1C00, s1;
	[dreg:$0x7] =	wrdreg s28  }
0x10: {  	s17 =	smax.u32 s0, $0x1;
	s1 =	sadd.s32 $0xBA00, s1;
	[dreg:$0x4] =	wrdreg s24  }
0x11: {  	s5 =	sadd.s32 s6, s5;
	s26 =	simm.s32 $0x8A20;
	[dreg:$0x5] =	wrdreg s1  }
0x12: {  	s16 =	sadd.s32 $0x29600, s5;
	s24 =	simm.s32 $0x7620;
	s1 =	simm.s32 $0x0  }
.LBB2_1:
0x13: {  	s0 =	rddreg [dreg:$0x3]  }
0x14: {  	[tilespmem:s18], [sflag:$0x1] =	stream.linear.gather [hbm4b:s0+s3], $0x1400, $0x38;
	[tilespmem:$0x1CA20] =	vst v63  }
0x15: {  	s19 =	rddreg [dreg:$0x4]  }
0x16: {  	[tilespmem:s3], [sflag:$0x1] =	stream.linear.gather [hbm4b:s19+s3], $0x2710, $0x38;
	[tilespmem:$0x1CA20] =	vst v63  }
0x17: {  	s25 =	rddreg [dreg:$0x5];
	s5 =	simm.s32 $0x2710  }
0x18: {  	[tilespmem:s5], [sflag:$0x1] =	stream.linear.gather [hbm4b:s25+s3], $0x2710, $0x38;
	[tilespmem:$0x1CA20] =	vst v63  }
0x19: {  	_ =	swait.ge [sflag:s20], $0x1400  }
0x1a: {  	[sflag:s20] =	ssyncset.done $0x0  }
0x1b: {  	[sflag:s20] =	ssyncadd.s32 $0xFFFFEC00  }
0x1c: {  	[spmem:s8] =	stream.linear.scatter [tilespmem:s18], [sflag:$0x2], $0x1400, $0x38;
	[tilespmem:$0x1CA20] =	vst v63  }
0x1d: {  	s6 =	rddreg [dreg:$0x6]  }
0x1e: {  	[spmem:s6] =	stream.linear.scatter [tilespmem:s18], [sflag:$0x2], $0x1400, $0x38;
	[tilespmem:$0x1CA20] =	vst v63  }
0x1f: {  	s7 =	rddreg [dreg:$0x7]  }
0x20: {  	[spmem:s7] =	stream.linear.scatter [tilespmem:s18], [sflag:$0x2], $0x1400, $0x38;
	[tilespmem:$0x1CA20] =	vst v63  }
0x21: {  	_ = 	snop  }
0x22: {  	[spmem:s11] =	stream.linear.scatter [tilespmem:s18], [sflag:$0x2], $0x1400, $0x38;
	[tilespmem:$0x1CA20] =	vst v63  }
0x23: {  	_ = 	snop  }
0x24: {  	[spmem:s12] =	stream.linear.scatter [tilespmem:s18], [sflag:$0x2], $0x1400, $0x38;
	[tilespmem:$0x1CA20] =	vst v63  }
0x25: {  	_ = 	snop  }
0x26: {  	[spmem:s13] =	stream.linear.scatter [tilespmem:s18], [sflag:$0x2], $0x1400, $0x38;
	[tilespmem:$0x1CA20] =	vst v63  }
0x27: {  	_ = 	snop  }
0x28: {  	[spmem:s14] =	stream.linear.scatter [tilespmem:s18], [sflag:$0x2], $0x1400, $0x38;
	[tilespmem:$0x1CA20] =	vst v63  }
0x29: {  	_ = 	snop  }
0x2a: {  	[spmem:s15] =	stream.linear.scatter [tilespmem:s18], [sflag:$0x2], $0x1400, $0x38;
	[tilespmem:$0x1CA20] =	vst v63  }
0x2b: {  	_ =	swait.ge [sflag:s20], $0x2710  }
0x2c: {  	[sflag:s20] =	ssyncset.done $0x0  }
0x2d: {  	[sflag:s20] =	ssyncadd.s32 $0xFFFFD8F0  }
0x2e: {  	_ =	swait.ge [sflag:s20], $0x2710  }
0x2f: {  	[sflag:s20] =	ssyncset.done $0x0  }
0x30: {  	[sflag:s20] =	ssyncadd.s32 $0xFFFFD8F0  }
0x31: {  	_ =	swait.ge [sflag:s21], $0x1400  }
0x32: {  	[sflag:s21] =	ssyncset.done $0x0  }
0x33: {  	[sflag:s21] =	ssyncadd.s32 $0xFFFFEC00  }
0x34: {  	_ =	swait.ge [sflag:s21], $0x1400  }
0x35: {  	[sflag:s21] =	ssyncset.done $0x0  }
0x36: {  	[sflag:s21] =	ssyncadd.s32 $0xFFFFEC00  }
0x37: {  	_ =	swait.ge [sflag:s21], $0x1400  }
0x38: {  	[sflag:s21] =	ssyncset.done $0x0  }
0x39: {  	[sflag:s21] =	ssyncadd.s32 $0xFFFFEC00  }
0x3a: {  	_ =	swait.ge [sflag:s21], $0x1400  }
0x3b: {  	[sflag:s21] =	ssyncset.done $0x0  }
0x3c: {  	[sflag:s21] =	ssyncadd.s32 $0xFFFFEC00  }
0x3d: {  	_ =	swait.ge [sflag:s21], $0x1400  }
0x3e: {  	[sflag:s21] =	ssyncset.done $0x0  }
0x3f: {  	[sflag:s21] =	ssyncadd.s32 $0xFFFFEC00  }
0x40: {  	_ =	swait.ge [sflag:s21], $0x1400  }
0x41: {  	[sflag:s21] =	ssyncset.done $0x0  }
0x42: {  	[sflag:s21] =	ssyncadd.s32 $0xFFFFEC00  }
0x43: {  	_ =	swait.ge [sflag:s21], $0x1400  }
0x44: {  	[sflag:s21] =	ssyncset.done $0x0  }
0x45: {  	[sflag:s21] =	ssyncadd.s32 $0xFFFFEC00  }
0x46: {  	_ =	swait.ge [sflag:s21], $0x1400  }
0x47: {  	[sflag:s21] =	ssyncset.done $0x0  }
0x48: {  	[sflag:s21] =	ssyncadd.s32 $0xFFFFEC00  }
0x49: {  	[bflag:$0x0] =	sbarrier.arrive $0xFFFF  }
0x4a: {  	[tilespmem:s23], [sflag:$0x1] =	stream.indirect.gather [hbm4b:s4+s22], $0x40, s3, s22, $0xb8;
	[tilespmem:$0x1CA20] =	vst v63  }
0x4b: {  	_ = 	snop  }
0x4c: {  	[tilespmem:s24], [sflag:$0x1] =	stream.indirect.gather [hbm4b:s4+s22], $0x40, s22, s22, $0xb8;
	[tilespmem:$0x1CA20] =	vst v63  }
0x4d: {  	s9 =	simm.s32 $0xA0  }
0x4e: {  	[tilespmem:s26], [sflag:$0x1] =	stream.indirect.gather [hbm4b:s4+s22], $0x40, s9, s22, $0xb8;
	[tilespmem:$0x1CA20] =	vst v63  }
0x4f: {  	s10 =	simm.s32 $0xF0;
	s0 =	sand.u32 $0x1, s3  }
0x50: {  	[tilespmem:s29], [sflag:$0x1] =	stream.indirect.gather [hbm4b:s4+s22], $0x40, s10, s22, $0xb8;
	[tilespmem:$0x1CA20] =	vst v63  }
0x51: {  	s19 =	simm.s32 $0x140;
	s25 =	smul.u32 $0x19000, s0  }
0x52: {  	[tilespmem:s31], [sflag:$0x1] =	stream.indirect.gather [hbm4b:s4+s22], $0x40, s19, s22, $0xb8;
	[tilespmem:$0x1CA20] =	vst v63  }
0x53: {  	_ =	swait.ge [sflag:s20], $0x1400  }
0x54: {  	s5 =	sshrl.u32 s25, $0x2;
	[sflag:s20] =	ssyncset.done $0x0  }
0x55: {  	s25 =	simm.s32 $0x2710;
	s19 =	sadd.s32 $0x6220, s5;
	[sflag:s20] =	ssyncadd.s32 $0xFFFFEC00  }
0x56: {  	[spmem:s2] =	stream.indirect.scatter.add.f32 [tilespmem:s19], [sflag:$0x2], $0x40, s25, s22, $0xb8;
	[tilespmem:$0x1CA20] =	vst v63  }
0x57: {  	_ =	swait.ge [sflag:s20], $0x1400  }
0x58: {  	[sflag:s20] =	ssyncset.done $0x0  }
0x59: {  	s6 =	sadd.s32 $0x7620, s5;
	s7 =	simm.s32 $0x2760;
	[sflag:s20] =	ssyncadd.s32 $0xFFFFEC00  }
0x5a: {  	[spmem:s2] =	stream.indirect.scatter.add.f32 [tilespmem:s6], [sflag:$0x2], $0x40, s7, s22, $0xb8;
	[tilespmem:$0x1CA20] =	vst v63  }
0x5b: {  	_ =	swait.ge [sflag:s20], $0x1400  }
0x5c: {  	[sflag:s20] =	ssyncset.done $0x0  }
0x5d: {  	s9 =	sadd.s32 $0x8A20, s5;
	s10 =	simm.s32 $0x27B0;
	[sflag:s20] =	ssyncadd.s32 $0xFFFFEC00  }
0x5e: {  	[spmem:s2] =	stream.indirect.scatter.add.f32 [tilespmem:s9], [sflag:$0x2], $0x40, s10, s22, $0xb8;
	[tilespmem:$0x1CA20] =	vst v63  }
0x5f: {  	s0 =	sxor.u32 $0x1, s0;
	_ =	swait.ge [sflag:s20], $0x1400  }
0x60: {  	s0 =	smul.u32 $0x19000, s0;
	[sflag:s20] =	ssyncset.done $0x0  }
0x61: {  	s25 =	sadd.s32 $0x9E20, s5;
	s6 =	simm.s32 $0x2800;
	[sflag:s20] =	ssyncadd.s32 $0xFFFFEC00  }
0x62: {  	[spmem:s2] =	stream.indirect.scatter.add.f32 [tilespmem:s25], [sflag:$0x2], $0x40, s6, s22, $0xb8;
	[tilespmem:$0x1CA20] =	vst v63  }
0x63: {  	_ =	swait.ge [sflag:s20], $0x1400  }
0x64: {  	s0 =	sshrl.u32 s0, $0x2;
	[sflag:s20] =	ssyncset.done $0x0  }
0x65: {  	s5 =	sadd.s32 $0xB220, s5;
	s7 =	simm.s32 $0x2850;
	[sflag:s20] =	ssyncadd.s32 $0xFFFFEC00  }
0x66: {  	[spmem:s2] =	stream.indirect.scatter.add.f32 [tilespmem:s5], [sflag:$0x2], $0x40, s7, s22, $0xb8;
	[tilespmem:$0x1CA20] =	vst v63  }
0x67: {  	s9 =	simm.s32 $0x190;
	s10 =	sadd.s32 $0x6220, s0  }
0x68: {  	[tilespmem:s10], [sflag:$0x1] =	stream.indirect.gather [hbm4b:s4+s22], $0x40, s9, s22, $0xb8;
	[tilespmem:$0x1CA20] =	vst v63  }
0x69: {  	s19 =	sadd.s32 $0x7620, s0;
	s25 =	simm.s32 $0x1E0  }
0x6a: {  	[tilespmem:s19], [sflag:$0x1] =	stream.indirect.gather [hbm4b:s4+s22], $0x40, s25, s22, $0xb8;
	[tilespmem:$0x1CA20] =	vst v63  }
0x6b: {  	s6 =	sadd.s32 $0x8A20, s0;
	s7 =	simm.s32 $0x230  }
0x6c: {  	[tilespmem:s6], [sflag:$0x1] =	stream.indirect.gather [hbm4b:s4+s22], $0x40, s7, s22, $0xb8;
	[tilespmem:$0x1CA20] =	vst v63  }
0x6d: {  	s9 =	sadd.s32 $0x9E20, s0;
	s10 =	simm.s32 $0x280  }
0x6e: {  	[tilespmem:s9], [sflag:$0x1] =	stream.indirect.gather [hbm4b:s4+s22], $0x40, s10, s22, $0xb8;
	[tilespmem:$0x1CA20] =	vst v63  }
0x6f: {  	s0 =	sadd.s32 $0xB220, s0;
	s25 =	simm.s32 $0x2D0  }
0x70: {  	[tilespmem:s0], [sflag:$0x1] =	stream.indirect.gather [hbm4b:s4+s22], $0x40, s25, s22, $0xb8;
	[tilespmem:$0x1CA20] =	vst v63  }
0x71: {  	_ =	swait.ge [sflag:s21], $0x1400  }
0x72: {  	[sflag:s21] =	ssyncset.done $0x0  }
0x73: {  	[sflag:s21] =	ssyncadd.s32 $0xFFFFEC00  }
0x74: {  	_ =	swait.ge [sflag:s21], $0x1400  }
0x75: {  	[sflag:s21] =	ssyncset.done $0x0  }
0x76: {  	[sflag:s21] =	ssyncadd.s32 $0xFFFFEC00  }
0x77: {  	_ =	swait.ge [sflag:s21], $0x1400  }
0x78: {  	[sflag:s21] =	ssyncset.done $0x0  }
0x79: {  	[sflag:s21] =	ssyncadd.s32 $0xFFFFEC00  }
0x7a: {  	_ =	swait.ge [sflag:s21], $0x1400  }
0x7b: {  	[sflag:s21] =	ssyncset.done $0x0  }
0x7c: {  	s19 =	simm.s32 $0x640;
	s0 =	simm.s32 $0x1;
	[sflag:s21] =	ssyncadd.s32 $0xFFFFEC00  }
0x7d: {  	s25 =	simm.s32 $0xC80;
	s28 =	sand.u32 $0x1, s0;
	_ =	swait.ge [sflag:s21], $0x1400  }
.LBB2_2:
0x7e: {  	p0 =	sne.s32 s25, $0x8FC0;
	s5 =	smul.u32 $0x19000, s28;
	[sflag:s21] =	ssyncset.done $0x0  }
0x7f: {  	s6 =	smov.u32 s25;
	s25 =	sadd.s32 $0x640, s25;
	[sflag:s21] =	ssyncadd.s32 $0xFFFFEC00  }
0x80: {  	s7 =	sshrl.u32 s5, $0x2;
	_ =	swait.ge [sflag:s20], $0x1400  }
0x81: {  	s5 =	sshra.s32 s19, $0x2;
	s9 =	sadd.s32 $0x6220, s7;
	[sflag:s20] =	ssyncset.done $0x0  }
0x82: {  	s19 =	smov.u32 s6;
	s10 =	sadd.s32 $0x2710, s5;
	[sflag:s20] =	ssyncadd.s32 $0xFFFFEC00  }
0x83: {  	[spmem:s2] =	stream.indirect.scatter.add.f32 [tilespmem:s9], [sflag:$0x2], $0x40, s10, s22, $0xb8;
	[tilespmem:$0x1CA20] =	vst v63  }
0x84: {  	_ =	swait.ge [sflag:s20], $0x1400  }
0x85: {  	s6 =	sadd.s32 $0x7620, s7;
	[sflag:s20] =	ssyncset.done $0x0  }
0x86: {  	s9 =	sadd.s32 $0x2760, s5;
	[sflag:s20] =	ssyncadd.s32 $0xFFFFEC00  }
0x87: {  	[spmem:s2] =	stream.indirect.scatter.add.f32 [tilespmem:s6], [sflag:$0x2], $0x40, s9, s22, $0xb8;
	[tilespmem:$0x1CA20] =	vst v63  }
0x88: {  	_ =	swait.ge [sflag:s20], $0x1400  }
0x89: {  	s6 =	sadd.s32 $0x8A20, s7;
	[sflag:s20] =	ssyncset.done $0x0  }
0x8a: {  	s9 =	sadd.s32 $0x27B0, s5;
	[sflag:s20] =	ssyncadd.s32 $0xFFFFEC00  }
0x8b: {  	[spmem:s2] =	stream.indirect.scatter.add.f32 [tilespmem:s6], [sflag:$0x2], $0x40, s9, s22, $0xb8;
	[tilespmem:$0x1CA20] =	vst v63  }
0x8c: {  	_ =	swait.ge [sflag:s20], $0x1400  }
0x8d: {  	s6 =	sadd.s32 $0x9E20, s7;
	[sflag:s20] =	ssyncset.done $0x0  }
0x8e: {  	s10 =	sxor.u32 $0x1, s28;
	s9 =	sadd.s32 $0x2800, s5;
	[sflag:s20] =	ssyncadd.s32 $0xFFFFEC00  }
0x8f: {  	[spmem:s2] =	stream.indirect.scatter.add.f32 [tilespmem:s6], [sflag:$0x2], $0x40, s9, s22, $0xb8;
	[tilespmem:$0x1CA20] =	vst v63  }
0x90: {  	s6 =	smul.u32 $0x19000, s10;
	_ =	swait.ge [sflag:s20], $0x1400  }
0x91: {  	s7 =	sadd.s32 $0xB220, s7;
	s9 =	sadd.s32 $0x2850, s5;
	[sflag:s20] =	ssyncset.done $0x0  }
0x92: {  	s10 =	sadd.s32 $0x190, s5;
	s6 =	sshrl.u32 s6, $0x2;
	[sflag:s20] =	ssyncadd.s32 $0xFFFFEC00  }
0x93: {  	[spmem:s2] =	stream.indirect.scatter.add.f32 [tilespmem:s7], [sflag:$0x2], $0x40, s9, s22, $0xb8;
	[tilespmem:$0x1CA20] =	vst v63  }
0x94: {  	s28 =	sadd.s32 $0x1E0, s5;
	s7 =	sadd.s32 $0x6220, s6;
	s9 =	sadd.s32 $0x7620, s6  }
0x95: {  	[tilespmem:s7], [sflag:$0x1] =	stream.indirect.gather [hbm4b:s4+s22], $0x40, s10, s22, $0xb8;
	[tilespmem:$0x1CA20] =	vst v63  }
0x96: {  	s7 =	sadd.s32 $0x8A20, s6;
	s10 =	sadd.s32 $0x230, s5  }
0x97: {  	[tilespmem:s9], [sflag:$0x1] =	stream.indirect.gather [hbm4b:s4+s22], $0x40, s28, s22, $0xb8;
	[tilespmem:$0x1CA20] =	vst v63  }
0x98: {  	s9 =	sadd.s32 $0x9E20, s6;
	s28 =	sadd.s32 $0x280, s5  }
0x99: {  	[tilespmem:s7], [sflag:$0x1] =	stream.indirect.gather [hbm4b:s4+s22], $0x40, s10, s22, $0xb8;
	[tilespmem:$0x1CA20] =	vst v63  }
0x9a: {  	s6 =	sadd.s32 $0xB220, s6;
	s5 =	sadd.s32 $0x2D0, s5  }
0x9b: {  	[tilespmem:s9], [sflag:$0x1] =	stream.indirect.gather [hbm4b:s4+s22], $0x40, s28, s22, $0xb8;
	[tilespmem:$0x1CA20] =	vst v63  }
0x9c: {  	_ = 	snop  }
0x9d: {  	[tilespmem:s6], [sflag:$0x1] =	stream.indirect.gather [hbm4b:s4+s22], $0x40, s5, s22, $0xb8;
	[tilespmem:$0x1CA20] =	vst v63  }
0x9e: {  	_ =	swait.ge [sflag:s21], $0x1400  }
0x9f: {  	[sflag:s21] =	ssyncset.done $0x0  }
0xa0: {  	[sflag:s21] =	ssyncadd.s32 $0xFFFFEC00  }
0xa1: {  	_ =	swait.ge [sflag:s21], $0x1400  }
0xa2: {  	[sflag:s21] =	ssyncset.done $0x0  }
0xa3: {  	[sflag:s21] =	ssyncadd.s32 $0xFFFFEC00  }
0xa4: {  	_ =	swait.ge [sflag:s21], $0x1400  }
0xa5: {  	[sflag:s21] =	ssyncset.done $0x0  }
.Ltmp0:
0xa6: {  	[sflag:s21] =	ssyncadd.s32 $0xFFFFEC00;
	(pc) =	sbr.rel @p0 .LBB2_2-.Ltmp0, $4  }
0xa7: {  	_ =	swait.ge [sflag:s21], $0x1400  }
0xa8: {  	[sflag:s21] =	ssyncset.done $0x0  }
0xa9: {  	s0 =	sadd.s32 $0x1, s0;
	[sflag:s21] =	ssyncadd.s32 $0xFFFFEC00  }
0xaa: {  	s28 =	sand.u32 $0x1, s0;
	_ =	swait.ge [sflag:s21], $0x1400  }
0xab: {  	[sflag:s21] =	ssyncset.done $0x0  }
0xac: {  	s0 =	smul.u32 $0x19000, s28;
	[sflag:s21] =	ssyncadd.s32 $0xFFFFEC00  }
0xad: {  	_ =	swait.ge [sflag:s20], $0x1400  }
0xae: {  	s5 =	sshra.s32 s19, $0x2;
	s0 =	sshrl.u32 s0, $0x2;
	[sflag:s20] =	ssyncset.done $0x0  }
0xaf: {  	s7 =	sadd.s32 $0x2710, s5;
	s6 =	sadd.s32 $0x6220, s0;
	[sflag:s20] =	ssyncadd.s32 $0xFFFFEC00  }
0xb0: {  	[spmem:s2] =	stream.indirect.scatter.add.f32 [tilespmem:s6], [sflag:$0x2], $0x40, s7, s22, $0xb8;
	[tilespmem:$0x1CA20] =	vst v63  }
0xb1: {  	_ =	swait.ge [sflag:s20], $0x1400  }
0xb2: {  	[sflag:s20] =	ssyncset.done $0x0  }
0xb3: {  	s25 =	sadd.s32 $0x2760, s5;
	s19 =	sadd.s32 $0x7620, s0;
	[sflag:s20] =	ssyncadd.s32 $0xFFFFEC00  }
0xb4: {  	[spmem:s2] =	stream.indirect.scatter.add.f32 [tilespmem:s19], [sflag:$0x2], $0x40, s25, s22, $0xb8;
	[tilespmem:$0x1CA20] =	vst v63  }
0xb5: {  	_ =	swait.ge [sflag:s20], $0x1400  }
0xb6: {  	[sflag:s20] =	ssyncset.done $0x0  }
0xb7: {  	s10 =	sadd.s32 $0x27B0, s5;
	s9 =	sadd.s32 $0x8A20, s0;
	[sflag:s20] =	ssyncadd.s32 $0xFFFFEC00  }
0xb8: {  	[spmem:s2] =	stream.indirect.scatter.add.f32 [tilespmem:s9], [sflag:$0x2], $0x40, s10, s22, $0xb8;
	[tilespmem:$0x1CA20] =	vst v63  }
0xb9: {  	s7 =	sxor.u32 $0x1, s28;
	_ =	swait.ge [sflag:s20], $0x1400  }
0xba: {  	s6 =	smul.u32 $0x19000, s7;
	[sflag:s20] =	ssyncset.done $0x0  }
0xbb: {  	s19 =	sadd.s32 $0x9E20, s0;
	s25 =	sadd.s32 $0x2800, s5;
	[sflag:s20] =	ssyncadd.s32 $0xFFFFEC00  }
0xbc: {  	[spmem:s2] =	stream.indirect.scatter.add.f32 [tilespmem:s19], [sflag:$0x2], $0x40, s25, s22, $0xb8;
	[tilespmem:$0x1CA20] =	vst v63  }
0xbd: {  	_ =	swait.ge [sflag:s20], $0x1400  }
0xbe: {  	s6 =	sshrl.u32 s6, $0x2;
	[sflag:s20] =	ssyncset.done $0x0  }
0xbf: {  	s0 =	sadd.s32 $0xB220, s0;
	s9 =	sadd.s32 $0x2850, s5;
	[sflag:s20] =	ssyncadd.s32 $0xFFFFEC00  }
0xc0: {  	[spmem:s2] =	stream.indirect.scatter.add.f32 [tilespmem:s0], [sflag:$0x2], $0x40, s9, s22, $0xb8;
	[tilespmem:$0x1CA20] =	vst v63  }
0xc1: {  	s10 =	sadd.s32 $0x190, s5;
	s19 =	sadd.s32 $0x6220, s6  }
0xc2: {  	[tilespmem:s19], [sflag:$0x1] =	stream.indirect.gather [hbm4b:s4+s22], $0x40, s10, s22, $0xb8;
	[tilespmem:$0x1CA20] =	vst v63  }
0xc3: {  	s28 =	sadd.s32 $0x1E0, s5;
	s25 =	sadd.s32 $0x7620, s6  }
0xc4: {  	[tilespmem:s25], [sflag:$0x1] =	stream.indirect.gather [hbm4b:s4+s22], $0x40, s28, s22, $0xb8;
	[tilespmem:$0x1CA20] =	vst v63  }
0xc5: {  	s9 =	sadd.s32 $0x8A20, s6;
	s10 =	sadd.s32 $0x230, s5  }
0xc6: {  	[tilespmem:s9], [sflag:$0x1] =	stream.indirect.gather [hbm4b:s4+s22], $0x40, s10, s22, $0xb8;
	[tilespmem:$0x1CA20] =	vst v63  }
0xc7: {  	s19 =	sadd.s32 $0x9E20, s6;
	s25 =	sadd.s32 $0x280, s5  }
0xc8: {  	[tilespmem:s19], [sflag:$0x1] =	stream.indirect.gather [hbm4b:s4+s22], $0x40, s25, s22, $0xb8;
	[tilespmem:$0x1CA20] =	vst v63  }
0xc9: {  	s28 =	sadd.s32 $0xB220, s6;
	s5 =	sadd.s32 $0x2D0, s5  }
0xca: {  	[tilespmem:s28], [sflag:$0x1] =	stream.indirect.gather [hbm4b:s4+s22], $0x40, s5, s22, $0xb8;
	[tilespmem:$0x1CA20] =	vst v63  }
0xcb: {  	_ =	swait.ge [sflag:s21], $0x1400  }
0xcc: {  	[sflag:s21] =	ssyncset.done $0x0  }
0xcd: {  	[sflag:s21] =	ssyncadd.s32 $0xFFFFEC00  }
0xce: {  	_ =	swait.ge [sflag:s21], $0x1400  }
0xcf: {  	[sflag:s21] =	ssyncset.done $0x0  }
0xd0: {  	[sflag:s21] =	ssyncadd.s32 $0xFFFFEC00  }
0xd1: {  	_ =	swait.ge [sflag:s21], $0x1400  }
0xd2: {  	[sflag:s21] =	ssyncset.done $0x0  }
0xd3: {  	[sflag:s21] =	ssyncadd.s32 $0xFFFFEC00  }
0xd4: {  	_ =	swait.ge [sflag:s21], $0x1400  }
0xd5: {  	[sflag:s21] =	ssyncset.done $0x0  }
0xd6: {  	[sflag:s21] =	ssyncadd.s32 $0xFFFFEC00  }
0xd7: {  	_ =	swait.ge [sflag:s21], $0x1400  }
0xd8: {  	[sflag:s21] =	ssyncset.done $0x0  }
0xd9: {  	[sflag:s21] =	ssyncadd.s32 $0xFFFFEC00  }
0xda: {  	_ =	swait.ge [sflag:s20], $0x1400  }
0xdb: {  	[sflag:s20] =	ssyncset.done $0x0  }
0xdc: {  	s6 =	simm.s32 $0x4C90;
	[sflag:s20] =	ssyncadd.s32 $0xFFFFEC00  }
0xdd: {  	[spmem:s2] =	stream.indirect.scatter.add.f32 [tilespmem:s23], [sflag:$0x2], $0x40, s6, s22, $0xb8;
	[tilespmem:$0x1CA20] =	vst v63  }
0xde: {  	_ =	swait.ge [sflag:s20], $0x1400  }
0xdf: {  	[sflag:s20] =	ssyncset.done $0x0  }
0xe0: {  	s7 =	simm.s32 $0x4CE0;
	[sflag:s20] =	ssyncadd.s32 $0xFFFFEC00  }
0xe1: {  	[spmem:s2] =	stream.indirect.scatter.add.f32 [tilespmem:s24], [sflag:$0x2], $0x40, s7, s22, $0xb8;
	[tilespmem:$0x1CA20] =	vst v63  }
0xe2: {  	_ =	swait.ge [sflag:s20], $0x1400  }
0xe3: {  	[sflag:s20] =	ssyncset.done $0x0  }
0xe4: {  	s9 =	simm.s32 $0x4D30;
	[sflag:s20] =	ssyncadd.s32 $0xFFFFEC00  }
0xe5: {  	[spmem:s2] =	stream.indirect.scatter.add.f32 [tilespmem:s26], [sflag:$0x2], $0x40, s9, s22, $0xb8;
	[tilespmem:$0x1CA20] =	vst v63  }
0xe6: {  	_ =	swait.ge [sflag:s20], $0x1400  }
0xe7: {  	[sflag:s20] =	ssyncset.done $0x0  }
0xe8: {  	s10 =	simm.s32 $0x4D80;
	[sflag:s20] =	ssyncadd.s32 $0xFFFFEC00  }
0xe9: {  	[spmem:s2] =	stream.indirect.scatter.add.f32 [tilespmem:s29], [sflag:$0x2], $0x40, s10, s22, $0xb8;
	[tilespmem:$0x1CA20] =	vst v63  }
0xea: {  	_ =	swait.ge [sflag:s20], $0x1400  }
0xeb: {  	[sflag:s20] =	ssyncset.done $0x0  }
0xec: {  	s19 =	simm.s32 $0x4DD0;
	[sflag:s20] =	ssyncadd.s32 $0xFFFFEC00  }
0xed: {  	[spmem:s2] =	stream.indirect.scatter.add.f32 [tilespmem:s31], [sflag:$0x2], $0x40, s19, s22, $0xb8;
	[tilespmem:$0x1CA20] =	vst v63  }
0xee: {  	_ =	swait.ge [sflag:s21], $0x1400  }
0xef: {  	[sflag:s21] =	ssyncset.done $0x0  }
0xf0: {  	[sflag:s21] =	ssyncadd.s32 $0xFFFFEC00  }
0xf1: {  	_ =	swait.ge [sflag:s21], $0x1400  }
0xf2: {  	[sflag:s21] =	ssyncset.done $0x0  }
0xf3: {  	[sflag:s21] =	ssyncadd.s32 $0xFFFFEC00  }
0xf4: {  	_ =	swait.ge [sflag:s21], $0x1400  }
0xf5: {  	[sflag:s21] =	ssyncset.done $0x0  }
0xf6: {  	[sflag:s21] =	ssyncadd.s32 $0xFFFFEC00  }
0xf7: {  	_ =	swait.ge [sflag:s21], $0x1400  }
0xf8: {  	[sflag:s21] =	ssyncset.done $0x0  }
0xf9: {  	[sflag:s21] =	ssyncadd.s32 $0xFFFFEC00  }
0xfa: {  	s25 =	stileid.u32;
	_ =	swait.ge [sflag:s21], $0x1400  }
0xfb: {  	s1 =	sadd.s32 $0x1, s1;
	s0 =	sshll.u32 s25, $0x6;
	[sflag:s21] =	ssyncset.done $0x0  }
0xfc: {  	p0 =	sne.s32 s1, s17;
	s0 =	sor.u32 $0x1C03, s0;
	[sflag:s21] =	ssyncadd.s32 $0xFFFFEC00  }
.Ltmp1:
0xfd: {  	s28 =	sshrl.u32 s8, $0x3;
	[bflag:$0x0] =	sbarrier.arrive $0xFFFF;
	(pc) =	sbr.rel @p0 .LBB2_1-.Ltmp1, $4  }
0xfe: {  	[hbm:s16], [sflag:s0] =	dma.local [spmem:s28], $0x1400  }
0xff: {  	_ =	swait.ge [sflag:s30], $0x1400  }
0x100: {  	[sflag:s30] =	ssyncset.done $0x0  }
0x101: {  	[sflag:s30] =	ssyncadd.s32 $0xFFFFEC00  }
0x102: {  	_ =	sfence.sel $0x180000  }
0x103: {  	[bflag:$0x0] =	sbarrier.arrive $0xFFFF  }
0x104: {  	_ =	strace $0x90000050  }
0x105: {  	s0 =	stileid.u32;
	[bflag:$0x2] =	sbarrier.arrive $0xFFFF  }
0x106: {  	p0 =	sne.s32 s0, $0x0;
	s0 =	rddreg [dreg:$0x2]  }
0x107: {  	s0 =	sadd.s32 @!p0 $0x100000, s0  }
0x108: {  	[sflag:s0] =	ssyncadd.tile.s32 @!p0 $0x1;
	_ =	shalt  }
.Lfunc_end2:
_tile_overlayer_lowered:
.L_overlay_start_2:
0x109: {  	(tag) =	ssettag $0x2  }
0x10a: {  	s0 =	rddreg [dreg:$0x0];
	s2 =	stileid.u32  }
0x10b: {  	s1 =	rddreg [dreg:$0x1];
	p0 =	sne.s32 s2, $0x0  }
0x10c: {  	s3 =	rddreg [dreg:$0x2];
	[bflag:$0x3] =	sbarrier.arrive $0xFFFF;
	s2 =	simm.s32 @!p0 $0x1C03  }
0x10d: {  	[timem:s3], [sflag:s2] =	dma.local @!p0 [hbm:s0], s1  }
0x10e: {  	s0 =	simm.s32 @!p0 $0x3  }
0x10f: {  	_ =	swait.ge @!p0 [sflag:s0], s1  }
0x110: {  	s1 =	ssub.s32 @!p0 $0x0, s1;
	[sflag:s0] =	ssyncset.done @!p0 $0x0  }
0x111: {  	[sflag:s0] =	ssyncadd.s32 @!p0 s1  }
0x112: {  	[bflag:$0x3] =	sbarrier.arrive $0xFFFF  }
0x113: {  	_ =	shalt  }

</sc_bundles>
